<compile_context>
chip_gen: v7x
topology: tpu7x:2x2x1
jax: 0.10.2.dev20260603
libtpu: 0.0.44.dev20260713+nightly
codegen_flags: <defaults>
</compile_context>

<pallas_src>
import functools

import jax
import jax.numpy as jnp
from jax import lax
from jax.experimental import pallas as pl
from jax.experimental.pallas import tpu as pltpu
from jax.experimental.pallas import tpu_sc as plsc

N = 10000
NP = 10240
D = 128
E = 320000
NW = 32
CH = 128
CL = 80
EP = NW * CH * CL
RB = NP // 16

_f32 = jnp.float32
_bf16 = jnp.bfloat16


def _sc_mesh():
    return plsc.VectorSubcoreMesh(core_axis_name="c", subcore_axis_name="s")


def _sc_degree(dst_idx, ones_row):

    @functools.partial(
        pl.kernel,
        out_type=jax.ShapeDtypeStruct((2, NP), _f32),
        mesh=_sc_mesh(),
        scratch_types=[
            pltpu.VMEM((CH, CL), jnp.int32),
            pltpu.VMEM((CL,), _f32),
            pltpu.VMEM((RB,), _f32),
            pltpu.VMEM_SHARED((NP,), _f32),
            pltpu.SemaphoreType.DMA,
            pltpu.SemaphoreType.DMA,
        ],
    )
    def k(dst_hbm, ones_hbm, out_hbm, idx_d, ones_v, zero_v, acc, s0, s1):
        cid = lax.axis_index("c")
        sid = lax.axis_index("s")
        wid = sid * 2 + cid
        pltpu.sync_copy(dst_hbm.at[wid], idx_d)
        pltpu.sync_copy(ones_hbm, ones_v)

        @pl.loop(0, RB // 16)
        def _(r):
            zero_v[pl.ds(r * 16, 16)] = jnp.zeros((16,), _f32)

        pltpu.sync_copy(zero_v, acc.at[pl.ds(sid * RB, RB)])
        plsc.subcore_barrier()

        @pl.loop(0, CH // 2)
        def _(j):
            d0 = pltpu.async_copy(ones_v, acc.at[idx_d.at[2 * j]], s0, add=True)
            d1 = pltpu.async_copy(ones_v, acc.at[idx_d.at[2 * j + 1]], s1, add=True)
            d0.wait()
            d1.wait()

        plsc.subcore_barrier()
        pltpu.sync_copy(acc.at[pl.ds(sid * RB, RB)],
                        out_hbm.at[cid, pl.ds(sid * RB, RB)])

    return k(dst_idx, ones_row)


def _sc_gather_scatter(table, src_idx, dst_idx):
    HC = CH // 4

    @functools.partial(
        pl.kernel,
        out_type=jax.ShapeDtypeStruct((2, NP, D), _f32),
        mesh=_sc_mesh(),
        scratch_types=[
            pltpu.VMEM((HC, CL), jnp.int32),
            pltpu.VMEM((HC, CL), jnp.int32),
            pltpu.VMEM((CL, D), _f32),
            pltpu.VMEM((CL, D), _f32),
            pltpu.VMEM((CL, D), _f32),
            pltpu.VMEM((CL, D), _f32),
            pltpu.VMEM_SHARED((NP, D), _f32),
            pltpu.SemaphoreType.DMA,
            pltpu.SemaphoreType.DMA,
            pltpu.SemaphoreType.DMA,
            pltpu.SemaphoreType.DMA,
            pltpu.SemaphoreType.DMA,
            pltpu.SemaphoreType.DMA,
            pltpu.SemaphoreType.DMA,
            pltpu.SemaphoreType.DMA,
        ],
    )
    def k(tab_hbm, src_hbm, dst_hbm, out_hbm,
          idx_s, idx_d, fb0, fb1, fb2, fb3, acc,
          sg0, sg1, sg2, sg3, ss0, ss1, ss2, ss3):
        cid = lax.axis_index("c")
        sid = lax.axis_index("s")
        wid = sid * 2 + cid
        bufs = ((fb0, sg0, ss0), (fb1, sg1, ss1),
                (fb2, sg2, ss2), (fb3, sg3, ss3))

        @pl.loop(0, CL)
        def _(r):
            for i in range(D // 16):
                fb0[r, pl.ds(i * 16, 16)] = jnp.zeros((16,), _f32)

        for z in range(RB // CL):
            pltpu.sync_copy(fb0, acc.at[pl.ds(sid * RB + z * CL, CL)])
        plsc.subcore_barrier()

        for h in range(4):
            pltpu.sync_copy(src_hbm.at[wid, pl.ds(h * HC, HC)], idx_s)
            pltpu.sync_copy(dst_hbm.at[wid, pl.ds(h * HC, HC)], idx_d)
            for p, (fb, sg, _) in enumerate(bufs):
                pltpu.async_copy(tab_hbm.at[idx_s.at[p]], fb, sg)

            @pl.loop(0, HC // 4)
            def _(j):
                for p, (fb, sg, ss) in enumerate(bufs):
                    pltpu.make_async_copy(tab_hbm.at[idx_s.at[0]], fb, sg).wait()
                    pltpu.async_copy(fb, acc.at[idx_d.at[4 * j + p]], ss, add=True)
                    pltpu.make_async_copy(fb, acc.at[idx_d.at[0]], ss).wait()

                    @pl.when(j < HC // 4 - 1)
                    def _():
                        pltpu.async_copy(tab_hbm.at[idx_s.at[4 * j + 4 + p]], fb, sg)

        plsc.subcore_barrier()
        pltpu.sync_copy(acc.at[pl.ds(sid * RB, RB)],
                        out_hbm.at[cid, pl.ds(sid * RB, RB)])

    return k(table, src_idx, dst_idx)


def _tc_layer1(x, degs, W1):

    def body(x_ref, d_ref, w_ref, h_ref, dinv_ref):
        din = lax.rsqrt(d_ref[0] + d_ref[1] + 1.0)
        h = jnp.dot(x_ref[...], w_ref[...], preferred_element_type=_f32)
        h_ref[...] = h * din
        dinv_ref[...] = din

    grid = NP // 512
    return pl.pallas_call(
        body,
        grid=(grid,),
        in_specs=[
            pl.BlockSpec((512, D), lambda i: (i, 0)),
            pl.BlockSpec((2, 512, 1), lambda i: (0, i, 0)),
            pl.BlockSpec((D, D), lambda i: (0, 0)),
        ],
        out_specs=[
            pl.BlockSpec((512, D), lambda i: (i, 0)),
            pl.BlockSpec((512, 1), lambda i: (i, 0)),
        ],
        out_shape=[
            jax.ShapeDtypeStruct((NP, D), _f32),
            jax.ShapeDtypeStruct((NP, 1), _f32),
        ],
    )(x, degs, W1)


def _tc_layer2(acc, h1p, dinv, b1, W2):

    def body(a_ref, h_ref, d_ref, b_ref, w_ref, o_ref):
        din = d_ref[...]
        s = (a_ref[0] + a_ref[1] + h_ref[...]) * din + b_ref[...]
        h2 = jnp.maximum(s, 0.0)
        o_ref[...] = jnp.dot(h2, w_ref[...], preferred_element_type=_f32) * din

    grid = NP // 512
    return pl.pallas_call(
        body,
        grid=(grid,),
        in_specs=[
            pl.BlockSpec((2, 512, D), lambda i: (0, i, 0)),
            pl.BlockSpec((512, D), lambda i: (i, 0)),
            pl.BlockSpec((512, 1), lambda i: (i, 0)),
            pl.BlockSpec((1, D), lambda i: (0, 0)),
            pl.BlockSpec((D, D), lambda i: (0, 0)),
        ],
        out_specs=pl.BlockSpec((512, D), lambda i: (i, 0)),
        out_shape=jax.ShapeDtypeStruct((NP, D), _f32),
    )(acc, h1p, dinv, b1, W2)


def _tc_head(acc, h2p, dinv, b2, L1_W, L1_b, L2_W, L2_b):

    def body(a_ref, h_ref, d_ref, b_ref, w1_ref, b1_ref, w2_ref, b2_ref, o_ref):
        s = (a_ref[0] + a_ref[1] + h_ref[...]) * d_ref[...] + b_ref[...]
        h3 = jnp.maximum(s, 0.0)
        t = jnp.dot(h3, w1_ref[...], preferred_element_type=_f32) + b1_ref[...]
        o_ref[...] = jnp.dot(t, w2_ref[...], preferred_element_type=_f32) + b2_ref[...]

    grid = NP // 512
    return pl.pallas_call(
        body,
        grid=(grid,),
        in_specs=[
            pl.BlockSpec((2, 512, D), lambda i: (0, i, 0)),
            pl.BlockSpec((512, D), lambda i: (i, 0)),
            pl.BlockSpec((512, 1), lambda i: (i, 0)),
            pl.BlockSpec((1, D), lambda i: (0, 0)),
            pl.BlockSpec((D, 4), lambda i: (0, 0)),
            pl.BlockSpec((1, 4), lambda i: (0, 0)),
            pl.BlockSpec((4, 16), lambda i: (0, 0)),
            pl.BlockSpec((1, 16), lambda i: (0, 0)),
        ],
        out_specs=pl.BlockSpec((512, 16), lambda i: (i, 0)),
        out_shape=jax.ShapeDtypeStruct((NP, 16), _f32),
    )(acc, h2p, dinv, b2, L1_W, L1_b, L2_W, L2_b)


def kernel(x, edge_index, W1, b1, W2, b2, L1_W, L1_b, L2_W, L2_b):
    x_pad = jnp.pad(x, ((0, NP - N), (0, 0)))
    pad_i = jnp.arange(EP - E, dtype=jnp.int32)
    pad_row = N + (pad_i % (NP - N))
    src = jnp.concatenate([edge_index[0], pad_row]).reshape(NW, CH, CL)
    dst = jnp.concatenate([edge_index[1], pad_row]).reshape(NW, CH, CL)
    ones_row = jnp.ones((CL,), _f32)

    degs = _sc_degree(dst, ones_row)
    degs = degs.reshape(2, NP, 1)

    h1p, dinv = _tc_layer1(x_pad, degs, W1)
    acc1 = _sc_gather_scatter(h1p, src, dst)
    h2p = _tc_layer2(acc1, h1p, dinv, b1.reshape(1, D), W2)
    acc2 = _sc_gather_scatter(h2p, src, dst)
    out = _tc_head(acc2, h2p, dinv, b2.reshape(1, D),
                   L1_W, L1_b.reshape(1, 4), L2_W, L2_b.reshape(1, 16))
    return out[:N]

# --- scband reference (transcript-rebuilt; emitter-appended) ---
"""Pipeline reference for scband-gcn-42314017800398 (READ-ONLY COPY).

The authoritative reference and input builder live on the scoring server;
editing this copy changes nothing except your own understanding.
"""

import jax, jax.numpy as jnp
import numpy as np

N_NODES = 10000
N_EDGES = 320000
D_IN = 128
D_HID = 128
D_OUT = 16


def setup_inputs(seed: int = 0) -> dict:
    key = jax.random.key(seed)
    ks = jax.random.split(key, 12)
    x = jax.random.normal(ks[0], (N_NODES, D_IN), dtype=jnp.float32)
    edge_index = jax.random.randint(ks[1], (2, N_EDGES), 0, N_NODES, dtype=jnp.int64 if jax.config.jax_enable_x64 else jnp.int32).astype(jnp.int32)
    def glorot(k, shape):
        lim = (6.0 / (shape[0] + shape[1])) ** 0.5
        return jax.random.uniform(k, shape, minval=-lim, maxval=lim, dtype=jnp.float32)
    W1 = glorot(ks[2], (D_IN, D_HID))
    b1 = jnp.zeros((D_HID,), dtype=jnp.float32)
    W2 = glorot(ks[3], (D_HID, D_HID))
    b2 = jnp.zeros((D_HID,), dtype=jnp.float32)
    L1_W = glorot(ks[4], (D_HID, 4))
    L1_b = jax.random.uniform(ks[5], (4,), minval=-0.1, maxval=0.1, dtype=jnp.float32)
    L2_W = glorot(ks[6], (4, D_OUT))
    L2_b = jax.random.uniform(ks[7], (D_OUT,), minval=-0.1, maxval=0.1, dtype=jnp.float32)
    return {"x": x, "edge_index": edge_index, "W1": W1, "b1": b1, "W2": W2, "b2": b2, "L1_W": L1_W, "L1_b": L1_b, "L2_W": L2_W, "L2_b": L2_b}


def _gcn_conv(x, edge_index, W, b):
    # PyG GCNConv: add self-loops, symmetric normalization, message = src->dst
    num_nodes = x.shape[0]
    loop = jnp.arange(num_nodes, dtype=edge_index.dtype)
    src = jnp.concatenate([edge_index[0], loop])
    dst = jnp.concatenate([edge_index[1], loop])
    deg = jnp.zeros((num_nodes,), dtype=x.dtype).at[dst].add(1.0)
    deg_inv_sqrt = jnp.where(deg > 0, deg ** -0.5, 0.0)
    norm = deg_inv_sqrt[src] * deg_inv_sqrt[dst]
    h = x @ W
    msg = h[src] * norm[:, None]
    out = jnp.zeros((num_nodes, W.shape[1]), dtype=x.dtype).at[dst].add(msg)
    return out + b


def reference(x, edge_index, W1, b1, W2, b2, L1_W, L1_b, L2_W, L2_b):
    h = _gcn_conv(x, edge_index, W1, b1)
    h = jax.nn.relu(h)
    h = _gcn_conv(h, edge_index, W2, b2)
    h = jax.nn.relu(h)
    h = h @ L1_W + L1_b
    h = h @ L2_W + L2_b
    return h

if __name__ == "__main__":
    import jax
    _d = setup_inputs()
    print(jax.jit(kernel)(*tuple(_d.values())))

</pallas_src>

<mosaic_0001>
#map = affine_map<(d0, d1) -> (0, 0, 0)>
#map1 = affine_map<(d0, d1) -> (0)>
#map2 = affine_map<(d0, d1) -> (0, 0)>
module attributes {stable_mosaic.version = 14 : i64} {
  func.func @k(%arg0: i32, %arg1: i32, %arg2: memref<32x128x80xi32, #tpu.memory_space<hbm>>, %arg3: memref<80xf32, #tpu.memory_space<hbm>>, %arg4: memref<2x10240xf32, #tpu.memory_space<hbm>>, %arg5: memref<128x80xi32, #tpu.memory_space<vmem>>, %arg6: memref<80xf32, #tpu.memory_space<vmem>>, %arg7: memref<640xf32, #tpu.memory_space<vmem>>, %arg8: memref<10240xf32, #tpu.memory_space<vmem_shared>>, %arg9: memref<!tpu.dma_semaphore, #tpu.memory_space<semaphore_mem>>, %arg10: memref<!tpu.dma_semaphore, #tpu.memory_space<semaphore_mem>>) attributes {dimension_semantics = [#tpu.dimension_semantics<core_parallel>, #tpu.dimension_semantics<subcore_parallel>], iteration_bounds = array<i64: 2, 16>, scalar_prefetch = 0 : i64, scratch_operands = 6 : i64, tpu.core_type = #tpu.core_type<sc_vector_subcore>, window_params = [{transform_indices = #map}, {transform_indices = #map1}, {transform_indices = #map2}]} {
    %mul3A = arith.constant 2 : i32
    %mul3A_0 = arith.muli %arg1, %mul3A : i32
    %add3A = arith.addi %mul3A_0, %arg0 : i32
    "tpu.region"() ({
      %run_scoped3A = tpu.sem_alloc : memref<!tpu.dma_semaphore, #tpu.memory_space<semaphore_mem>>
      %dma_start3A = arith.constant 0 : i32
      %dma_start3A_17 = arith.constant 0 : i32
      %dma_start3A_18 = tpu.memref_slice %arg2[%add3A, %dma_start3A, %dma_start3A_17] : memref<32x128x80xi32, #tpu.memory_space<hbm>> -> memref<1x128x80xi32, #tpu.memory_space<hbm>>
      %dma_start3A_19 = tpu.memref_squeeze %dma_start3A_18 : memref<1x128x80xi32, #tpu.memory_space<hbm>> -> memref<128x80xi32, #tpu.memory_space<hbm>>
      %dma_start3A_20 = arith.constant 0 : i32
      %dma_start3A_21 = arith.constant 0 : i32
      %dma_start3A_22 = tpu.memref_slice %arg2[%add3A, %dma_start3A_20, %dma_start3A_21] : memref<32x128x80xi32, #tpu.memory_space<hbm>> -> memref<1x128x80xi32, #tpu.memory_space<hbm>>
      %dma_start3A_23 = tpu.memref_squeeze %dma_start3A_22 : memref<1x128x80xi32, #tpu.memory_space<hbm>> -> memref<128x80xi32, #tpu.memory_space<hbm>>
      tpu.enqueue_dma source(%dma_start3A_23 : memref<128x80xi32, #tpu.memory_space<hbm>>) target(%arg5 : memref<128x80xi32, #tpu.memory_space<vmem>>) target_semaphore(%run_scoped3A : memref<!tpu.dma_semaphore, #tpu.memory_space<semaphore_mem>>)
      %dma_wait3A = arith.constant 0 : i32
      %dma_wait3A_24 = arith.constant 0 : i32
      %dma_wait3A_25 = tpu.memref_slice %arg2[%add3A, %dma_wait3A, %dma_wait3A_24] : memref<32x128x80xi32, #tpu.memory_space<hbm>> -> memref<1x128x80xi32, #tpu.memory_space<hbm>>
      %dma_wait3A_26 = tpu.memref_squeeze %dma_wait3A_25 : memref<1x128x80xi32, #tpu.memory_space<hbm>> -> memref<128x80xi32, #tpu.memory_space<hbm>>
      %dma_wait3A_27 = arith.constant 0 : i32
      %dma_wait3A_28 = arith.constant 0 : i32
      %dma_wait3A_29 = tpu.memref_slice %arg2[%add3A, %dma_wait3A_27, %dma_wait3A_28] : memref<32x128x80xi32, #tpu.memory_space<hbm>> -> memref<1x128x80xi32, #tpu.memory_space<hbm>>
      %dma_wait3A_30 = tpu.memref_squeeze %dma_wait3A_29 : memref<1x128x80xi32, #tpu.memory_space<hbm>> -> memref<128x80xi32, #tpu.memory_space<hbm>>
      tpu.wait_dma2 semaphore(%run_scoped3A : memref<!tpu.dma_semaphore, #tpu.memory_space<semaphore_mem>>) src(%dma_wait3A_30 : memref<128x80xi32, #tpu.memory_space<hbm>>) dst(%arg5 : memref<128x80xi32, #tpu.memory_space<vmem>>)
      tpu.yield
    }) : () -> ()
    "tpu.region"() ({
      %run_scoped3A = tpu.sem_alloc : memref<!tpu.dma_semaphore, #tpu.memory_space<semaphore_mem>>
      tpu.enqueue_dma source(%arg3 : memref<80xf32, #tpu.memory_space<hbm>>) target(%arg6 : memref<80xf32, #tpu.memory_space<vmem>>) target_semaphore(%run_scoped3A : memref<!tpu.dma_semaphore, #tpu.memory_space<semaphore_mem>>)
      tpu.wait_dma2 semaphore(%run_scoped3A : memref<!tpu.dma_semaphore, #tpu.memory_space<semaphore_mem>>) src(%arg3 : memref<80xf32, #tpu.memory_space<hbm>>) dst(%arg6 : memref<80xf32, #tpu.memory_space<vmem>>)
      tpu.yield
    }) : () -> ()
    %scan3A = arith.constant 0 : i32
    %scan3A_1 = arith.constant 40 : i32
    %scan3A_2 = arith.addi %scan3A, %scan3A_1 : i32
    %scan3A_3 = arith.constant 1 : i32
    scf.for %scan3A_17 = %scan3A to %scan3A_2 step %scan3A_3  : i32 {
      %mul3A_18 = arith.constant 1 : i32
      %mul3A_19 = arith.muli %scan3A_17, %mul3A_18 : i32
      %add3A_20 = arith.constant 0 : i32
      %add3A_21 = arith.addi %add3A_20, %mul3A_19 : i32
      %broadcast_in_dim3A = arith.constant 0.000000e+00 : f32
      %broadcast_in_dim3A_22 = vector.broadcast %broadcast_in_dim3A : f32 to vector<16xf32>
      %mul3A_23 = arith.constant 16 : i32
      %mul3A_24 = arith.muli %add3A_21, %mul3A_23 : i32
      %swap3A = arith.index_cast %mul3A_24 : i32 to index
      %swap3A_25 = tpu.vector_load %arg7[%swap3A] {strides = array<i32>} : memref<640xf32, #tpu.memory_space<vmem>>, vector<16xf32>,
      %swap3A_26 = vector.shape_cast %swap3A_25 : vector<16xf32> to vector<16xf32>
      %swap3A_27 = vector.shape_cast %broadcast_in_dim3A_22 : vector<16xf32> to vector<16xf32>
      tpu.vector_store %arg7[%swap3A], %swap3A_27 {strides = array<i32>} : memref<640xf32, #tpu.memory_space<vmem>>, vector<16xf32>,
    }
    %scan3A_4 = arith.constant 40 : i32
    %mul3A_5 = arith.constant 640 : i32
    %mul3A_6 = arith.muli %arg1, %mul3A_5 : i32
    "tpu.region"() ({
      %run_scoped3A = tpu.sem_alloc : memref<!tpu.dma_semaphore, #tpu.memory_space<semaphore_mem>>
      %dma_start3A = tpu.memref_slice %arg8[%mul3A_6] : memref<10240xf32, #tpu.memory_space<vmem_shared>> -> memref<640xf32, #tpu.memory_space<vmem_shared>>
      %dma_start3A_17 = tpu.memref_slice %arg8[%mul3A_6] : memref<10240xf32, #tpu.memory_space<vmem_shared>> -> memref<640xf32, #tpu.memory_space<vmem_shared>>
      tpu.enqueue_dma source(%arg7 : memref<640xf32, #tpu.memory_space<vmem>>) target(%dma_start3A_17 : memref<640xf32, #tpu.memory_space<vmem_shared>>) target_semaphore(%run_scoped3A : memref<!tpu.dma_semaphore, #tpu.memory_space<semaphore_mem>>)
      %dma_wait3A = tpu.memref_slice %arg8[%mul3A_6] : memref<10240xf32, #tpu.memory_space<vmem_shared>> -> memref<640xf32, #tpu.memory_space<vmem_shared>>
      %dma_wait3A_18 = tpu.memref_slice %arg8[%mul3A_6] : memref<10240xf32, #tpu.memory_space<vmem_shared>> -> memref<640xf32, #tpu.memory_space<vmem_shared>>
      tpu.wait_dma2 semaphore(%run_scoped3A : memref<!tpu.dma_semaphore, #tpu.memory_space<semaphore_mem>>) src(%arg7 : memref<640xf32, #tpu.memory_space<vmem>>) dst(%dma_wait3A_18 : memref<640xf32, #tpu.memory_space<vmem_shared>>)
      tpu.yield
    }) : () -> ()
    %barrier3A = arith.constant 0 : index
    tpu.barrier barrier_id(%barrier3A)
    %scan3A_7 = arith.constant 0 : i32
    %scan3A_8 = arith.constant 64 : i32
    %scan3A_9 = arith.addi %scan3A_7, %scan3A_8 : i32
    %scan3A_10 = arith.constant 1 : i32
    scf.for %scan3A_17 = %scan3A_7 to %scan3A_9 step %scan3A_10  : i32 {
      %mul3A_18 = arith.constant 1 : i32
      %mul3A_19 = arith.muli %scan3A_17, %mul3A_18 : i32
      %add3A_20 = arith.constant 0 : i32
      %add3A_21 = arith.addi %add3A_20, %mul3A_19 : i32
      %mul3A_22 = arith.constant 2 : i32
      %mul3A_23 = arith.muli %mul3A_22, %add3A_21 : i32
      %dma_start3A = arith.constant 0 : i32
      %dma_start3A_24 = tpu.memref_slice %arg5[%mul3A_23, %dma_start3A] : memref<128x80xi32, #tpu.memory_space<vmem>> -> memref<1x80xi32, #tpu.memory_space<vmem>>
      %dma_start3A_25 = tpu.memref_squeeze %dma_start3A_24 : memref<1x80xi32, #tpu.memory_space<vmem>> -> memref<80xi32, #tpu.memory_space<vmem>>
      %dma_start3A_26 = arith.constant 0 : i32
      %dma_start3A_27 = tpu.memref_slice %arg8[%dma_start3A_26] : memref<10240xf32, #tpu.memory_space<vmem_shared>> -> memref<10240xf32, #tpu.memory_space<vmem_shared>>
      tpu.enqueue_indirect_dma source(%arg6 : memref<80xf32, #tpu.memory_space<vmem>>) target(%dma_start3A_27 : memref<10240xf32, #tpu.memory_space<vmem_shared>>) offsets(%dma_start3A_25 : memref<80xi32, #tpu.memory_space<vmem>>) semaphore(%arg9 : memref<!tpu.dma_semaphore, #tpu.memory_space<semaphore_mem>>) {add = true}
      %mul3A_28 = arith.constant 2 : i32
      %mul3A_29 = arith.muli %mul3A_28, %add3A_21 : i32
      %add3A_30 = arith.constant 1 : i32
      %add3A_31 = arith.addi %mul3A_29, %add3A_30 : i32
      %dma_start3A_32 = arith.constant 0 : i32
      %dma_start3A_33 = tpu.memref_slice %arg5[%add3A_31, %dma_start3A_32] : memref<128x80xi32, #tpu.memory_space<vmem>> -> memref<1x80xi32, #tpu.memory_space<vmem>>
      %dma_start3A_34 = tpu.memref_squeeze %dma_start3A_33 : memref<1x80xi32, #tpu.memory_space<vmem>> -> memref<80xi32, #tpu.memory_space<vmem>>
      %dma_start3A_35 = arith.constant 0 : i32
      %dma_start3A_36 = tpu.memref_slice %arg8[%dma_start3A_35] : memref<10240xf32, #tpu.memory_space<vmem_shared>> -> memref<10240xf32, #tpu.memory_space<vmem_shared>>
      tpu.enqueue_indirect_dma source(%arg6 : memref<80xf32, #tpu.memory_space<vmem>>) target(%dma_start3A_36 : memref<10240xf32, #tpu.memory_space<vmem_shared>>) offsets(%dma_start3A_34 : memref<80xi32, #tpu.memory_space<vmem>>) semaphore(%arg10 : memref<!tpu.dma_semaphore, #tpu.memory_space<semaphore_mem>>) {add = true}
      %dma_wait3A = arith.constant 0 : i32
      %dma_wait3A_37 = tpu.memref_slice %arg5[%mul3A_23, %dma_wait3A] : memref<128x80xi32, #tpu.memory_space<vmem>> -> memref<1x80xi32, #tpu.memory_space<vmem>>
      %dma_wait3A_38 = tpu.memref_squeeze %dma_wait3A_37 : memref<1x80xi32, #tpu.memory_space<vmem>> -> memref<80xi32, #tpu.memory_space<vmem>>
      %dma_wait3A_39 = arith.constant 0 : i32
      %dma_wait3A_40 = tpu.memref_slice %arg8[%dma_wait3A_39] : memref<10240xf32, #tpu.memory_space<vmem_shared>> -> memref<10240xf32, #tpu.memory_space<vmem_shared>>
      tpu.wait_indirect_dma semaphore(%arg9 : memref<!tpu.dma_semaphore, #tpu.memory_space<semaphore_mem>>) src(%arg6 : memref<80xf32, #tpu.memory_space<vmem>>) dst(%dma_wait3A_40 : memref<10240xf32, #tpu.memory_space<vmem_shared>>)
      %dma_wait3A_41 = arith.constant 0 : i32
      %dma_wait3A_42 = tpu.memref_slice %arg5[%add3A_31, %dma_wait3A_41] : memref<128x80xi32, #tpu.memory_space<vmem>> -> memref<1x80xi32, #tpu.memory_space<vmem>>
      %dma_wait3A_43 = tpu.memref_squeeze %dma_wait3A_42 : memref<1x80xi32, #tpu.memory_space<vmem>> -> memref<80xi32, #tpu.memory_space<vmem>>
      %dma_wait3A_44 = arith.constant 0 : i32
      %dma_wait3A_45 = tpu.memref_slice %arg8[%dma_wait3A_44] : memref<10240xf32, #tpu.memory_space<vmem_shared>> -> memref<10240xf32, #tpu.memory_space<vmem_shared>>
      tpu.wait_indirect_dma semaphore(%arg10 : memref<!tpu.dma_semaphore, #tpu.memory_space<semaphore_mem>>) src(%arg6 : memref<80xf32, #tpu.memory_space<vmem>>) dst(%dma_wait3A_45 : memref<10240xf32, #tpu.memory_space<vmem_shared>>)
    }
    %scan3A_11 = arith.constant 64 : i32
    %barrier3A_12 = arith.constant 0 : index
    tpu.barrier barrier_id(%barrier3A_12)
    %mul3A_13 = arith.constant 640 : i32
    %mul3A_14 = arith.muli %arg1, %mul3A_13 : i32
    %mul3A_15 = arith.constant 640 : i32
    %mul3A_16 = arith.muli %arg1, %mul3A_15 : i32
    "tpu.region"() ({
      %run_scoped3A = tpu.sem_alloc : memref<!tpu.dma_semaphore, #tpu.memory_space<semaphore_mem>>
      %dma_start3A = tpu.memref_slice %arg4[%arg0, %mul3A_16] : memref<2x10240xf32, #tpu.memory_space<hbm>> -> memref<1x640xf32, #tpu.memory_space<hbm>>
      %dma_start3A_17 = tpu.memref_squeeze %dma_start3A : memref<1x640xf32, #tpu.memory_space<hbm>> -> memref<640xf32, #tpu.memory_space<hbm>>
      %dma_start3A_18 = tpu.memref_slice %arg8[%mul3A_14] : memref<10240xf32, #tpu.memory_space<vmem_shared>> -> memref<640xf32, #tpu.memory_space<vmem_shared>>
      tpu.enqueue_dma source(%dma_start3A_18 : memref<640xf32, #tpu.memory_space<vmem_shared>>) target(%dma_start3A_17 : memref<640xf32, #tpu.memory_space<hbm>>) target_semaphore(%run_scoped3A : memref<!tpu.dma_semaphore, #tpu.memory_space<semaphore_mem>>)
      %dma_wait3A = tpu.memref_slice %arg4[%arg0, %mul3A_16] : memref<2x10240xf32, #tpu.memory_space<hbm>> -> memref<1x640xf32, #tpu.memory_space<hbm>>
      %dma_wait3A_19 = tpu.memref_squeeze %dma_wait3A : memref<1x640xf32, #tpu.memory_space<hbm>> -> memref<640xf32, #tpu.memory_space<hbm>>
      %dma_wait3A_20 = tpu.memref_slice %arg8[%mul3A_14] : memref<10240xf32, #tpu.memory_space<vmem_shared>> -> memref<640xf32, #tpu.memory_space<vmem_shared>>
      tpu.wait_dma2 semaphore(%run_scoped3A : memref<!tpu.dma_semaphore, #tpu.memory_space<semaphore_mem>>) src(%dma_wait3A_20 : memref<640xf32, #tpu.memory_space<vmem_shared>>) dst(%dma_wait3A_19 : memref<640xf32, #tpu.memory_space<hbm>>)
      tpu.yield
    }) : () -> ()
    return
  }
}

#map = affine_map<(d0, d1) -> (0, 0)>
#map1 = affine_map<(d0, d1) -> (0, 0, 0)>
module attributes {stable_mosaic.version = 14 : i64} {
  func.func @k(%arg0: i32, %arg1: i32, %arg2: memref<10240x128xf32, #tpu.memory_space<hbm>>, %arg3: memref<32x128x80xi32, #tpu.memory_space<hbm>>, %arg4: memref<32x128x80xi32, #tpu.memory_space<hbm>>, %arg5: memref<2x10240x128xf32, #tpu.memory_space<hbm>>, %arg6: memref<32x80xi32, #tpu.memory_space<vmem>>, %arg7: memref<32x80xi32, #tpu.memory_space<vmem>>, %arg8: memref<80x128xf32, #tpu.memory_space<vmem>>, %arg9: memref<80x128xf32, #tpu.memory_space<vmem>>, %arg10: memref<80x128xf32, #tpu.memory_space<vmem>>, %arg11: memref<80x128xf32, #tpu.memory_space<vmem>>, %arg12: memref<10240x128xf32, #tpu.memory_space<vmem_shared>>, %arg13: memref<!tpu.dma_semaphore, #tpu.memory_space<semaphore_mem>>, %arg14: memref<!tpu.dma_semaphore, #tpu.memory_space<semaphore_mem>>, %arg15: memref<!tpu.dma_semaphore, #tpu.memory_space<semaphore_mem>>, %arg16: memref<!tpu.dma_semaphore, #tpu.memory_space<semaphore_mem>>, %arg17: memref<!tpu.dma_semaphore, #tpu.memory_space<semaphore_mem>>, %arg18: memref<!tpu.dma_semaphore, #tpu.memory_space<semaphore_mem>>, %arg19: memref<!tpu.dma_semaphore, #tpu.memory_space<semaphore_mem>>, %arg20: memref<!tpu.dma_semaphore, #tpu.memory_space<semaphore_mem>>) attributes {dimension_semantics = [#tpu.dimension_semantics<core_parallel>, #tpu.dimension_semantics<subcore_parallel>], iteration_bounds = array<i64: 2, 16>, scalar_prefetch = 0 : i64, scratch_operands = 15 : i64, tpu.core_type = #tpu.core_type<sc_vector_subcore>, window_params = [{transform_indices = #map}, {transform_indices = #map1}, {transform_indices = #map1}, {transform_indices = #map1}]} {
    %mul3A = arith.constant 2 : i32
    %mul3A_0 = arith.muli %arg1, %mul3A : i32
    %add3A = arith.addi %mul3A_0, %arg0 : i32
    %scan3A = arith.constant 0 : i32
    %scan3A_1 = arith.constant 80 : i32
    %scan3A_2 = arith.addi %scan3A, %scan3A_1 : i32
    %scan3A_3 = arith.constant 1 : i32
    scf.for %scan3A_173 = %scan3A to %scan3A_2 step %scan3A_3  : i32 {
      %mul3A_174 = arith.constant 1 : i32
      %mul3A_175 = arith.muli %scan3A_173, %mul3A_174 : i32
      %add3A_176 = arith.constant 0 : i32
      %add3A_177 = arith.addi %add3A_176, %mul3A_175 : i32
      %broadcast_in_dim3A = arith.constant 0.000000e+00 : f32
      %broadcast_in_dim3A_178 = vector.broadcast %broadcast_in_dim3A : f32 to vector<16xf32>
      %swap3A = arith.index_cast %add3A_177 : i32 to index
      %swap3A_179 = arith.constant 0 : index
      %swap3A_180 = tpu.vector_load %arg8[%swap3A, %swap3A_179] {strides = array<i32>} : memref<80x128xf32, #tpu.memory_space<vmem>>, vector<1x16xf32>,
      %swap3A_181 = vector.shape_cast %swap3A_180 : vector<1x16xf32> to vector<16xf32>
      %swap3A_182 = vector.shape_cast %broadcast_in_dim3A_178 : vector<16xf32> to vector<1x16xf32>
      tpu.vector_store %arg8[%swap3A, %swap3A_179], %swap3A_182 {strides = array<i32>} : memref<80x128xf32, #tpu.memory_space<vmem>>, vector<1x16xf32>,
      %broadcast_in_dim3A_183 = arith.constant 0.000000e+00 : f32
      %broadcast_in_dim3A_184 = vector.broadcast %broadcast_in_dim3A_183 : f32 to vector<16xf32>
      %swap3A_185 = arith.index_cast %add3A_177 : i32 to index
      %swap3A_186 = arith.constant 16 : index
      %swap3A_187 = tpu.vector_load %arg8[%swap3A_185, %swap3A_186] {strides = array<i32>} : memref<80x128xf32, #tpu.memory_space<vmem>>, vector<1x16xf32>,
      %swap3A_188 = vector.shape_cast %swap3A_187 : vector<1x16xf32> to vector<16xf32>
      %swap3A_189 = vector.shape_cast %broadcast_in_dim3A_184 : vector<16xf32> to vector<1x16xf32>
      tpu.vector_store %arg8[%swap3A_185, %swap3A_186], %swap3A_189 {strides = array<i32>} : memref<80x128xf32, #tpu.memory_space<vmem>>, vector<1x16xf32>,
      %broadcast_in_dim3A_190 = arith.constant 0.000000e+00 : f32
      %broadcast_in_dim3A_191 = vector.broadcast %broadcast_in_dim3A_190 : f32 to vector<16xf32>
      %swap3A_192 = arith.index_cast %add3A_177 : i32 to index
      %swap3A_193 = arith.constant 32 : index
      %swap3A_194 = tpu.vector_load %arg8[%swap3A_192, %swap3A_193] {strides = array<i32>} : memref<80x128xf32, #tpu.memory_space<vmem>>, vector<1x16xf32>,
      %swap3A_195 = vector.shape_cast %swap3A_194 : vector<1x16xf32> to vector<16xf32>
      %swap3A_196 = vector.shape_cast %broadcast_in_dim3A_191 : vector<16xf32> to vector<1x16xf32>
      tpu.vector_store %arg8[%swap3A_192, %swap3A_193], %swap3A_196 {strides = array<i32>} : memref<80x128xf32, #tpu.memory_space<vmem>>, vector<1x16xf32>,
      %broadcast_in_dim3A_197 = arith.constant 0.000000e+00 : f32
      %broadcast_in_dim3A_198 = vector.broadcast %broadcast_in_dim3A_197 : f32 to vector<16xf32>
      %swap3A_199 = arith.index_cast %add3A_177 : i32 to index
      %swap3A_200 = arith.constant 48 : index
      %swap3A_201 = tpu.vector_load %arg8[%swap3A_199, %swap3A_200] {strides = array<i32>} : memref<80x128xf32, #tpu.memory_space<vmem>>, vector<1x16xf32>,
      %swap3A_202 = vector.shape_cast %swap3A_201 : vector<1x16xf32> to vector<16xf32>
      %swap3A_203 = vector.shape_cast %broadcast_in_dim3A_198 : vector<16xf32> to vector<1x16xf32>
      tpu.vector_store %arg8[%swap3A_199, %swap3A_200], %swap3A_203 {strides = array<i32>} : memref<80x128xf32, #tpu.memory_space<vmem>>, vector<1x16xf32>,
      %broadcast_in_dim3A_204 = arith.constant 0.000000e+00 : f32
      %broadcast_in_dim3A_205 = vector.broadcast %broadcast_in_dim3A_204 : f32 to vector<16xf32>
      %swap3A_206 = arith.index_cast %add3A_177 : i32 to index
      %swap3A_207 = arith.constant 64 : index
      %swap3A_208 = tpu.vector_load %arg8[%swap3A_206, %swap3A_207] {strides = array<i32>} : memref<80x128xf32, #tpu.memory_space<vmem>>, vector<1x16xf32>,
      %swap3A_209 = vector.shape_cast %swap3A_208 : vector<1x16xf32> to vector<16xf32>
      %swap3A_210 = vector.shape_cast %broadcast_in_dim3A_205 : vector<16xf32> to vector<1x16xf32>
      tpu.vector_store %arg8[%swap3A_206, %swap3A_207], %swap3A_210 {strides = array<i32>} : memref<80x128xf32, #tpu.memory_space<vmem>>, vector<1x16xf32>,
      %broadcast_in_dim3A_211 = arith.constant 0.000000e+00 : f32
      %broadcast_in_dim3A_212 = vector.broadcast %broadcast_in_dim3A_211 : f32 to vector<16xf32>
      %swap3A_213 = arith.index_cast %add3A_177 : i32 to index
      %swap3A_214 = arith.constant 80 : index
      %swap3A_215 = tpu.vector_load %arg8[%swap3A_213, %swap3A_214] {strides = array<i32>} : memref<80x128xf32, #tpu.memory_space<vmem>>, vector<1x16xf32>,
      %swap3A_216 = vector.shape_cast %swap3A_215 : vector<1x16xf32> to vector<16xf32>
      %swap3A_217 = vector.shape_cast %broadcast_in_dim3A_212 : vector<16xf32> to vector<1x16xf32>
      tpu.vector_store %arg8[%swap3A_213, %swap3A_214], %swap3A_217 {strides = array<i32>} : memref<80x128xf32, #tpu.memory_space<vmem>>, vector<1x16xf32>,
      %broadcast_in_dim3A_218 = arith.constant 0.000000e+00 : f32
      %broadcast_in_dim3A_219 = vector.broadcast %broadcast_in_dim3A_218 : f32 to vector<16xf32>
      %swap3A_220 = arith.index_cast %add3A_177 : i32 to index
      %swap3A_221 = arith.constant 96 : index
      %swap3A_222 = tpu.vector_load %arg8[%swap3A_220, %swap3A_221] {strides = array<i32>} : memref<80x128xf32, #tpu.memory_space<vmem>>, vector<1x16xf32>,
      %swap3A_223 = vector.shape_cast %swap3A_222 : vector<1x16xf32> to vector<16xf32>
      %swap3A_224 = vector.shape_cast %broadcast_in_dim3A_219 : vector<16xf32> to vector<1x16xf32>
      tpu.vector_store %arg8[%swap3A_220, %swap3A_221], %swap3A_224 {strides = array<i32>} : memref<80x128xf32, #tpu.memory_space<vmem>>, vector<1x16xf32>,
      %broadcast_in_dim3A_225 = arith.constant 0.000000e+00 : f32
      %broadcast_in_dim3A_226 = vector.broadcast %broadcast_in_dim3A_225 : f32 to vector<16xf32>
      %swap3A_227 = arith.index_cast %add3A_177 : i32 to index
      %swap3A_228 = arith.constant 112 : index
      %swap3A_229 = tpu.vector_load %arg8[%swap3A_227, %swap3A_228] {strides = array<i32>} : memref<80x128xf32, #tpu.memory_space<vmem>>, vector<1x16xf32>,
      %swap3A_230 = vector.shape_cast %swap3A_229 : vector<1x16xf32> to vector<16xf32>
      %swap3A_231 = vector.shape_cast %broadcast_in_dim3A_226 : vector<16xf32> to vector<1x16xf32>
      tpu.vector_store %arg8[%swap3A_227, %swap3A_228], %swap3A_231 {strides = array<i32>} : memref<80x128xf32, #tpu.memory_space<vmem>>, vector<1x16xf32>,
    }
    %scan3A_4 = arith.constant 80 : i32
    %mul3A_5 = arith.constant 640 : i32
    %mul3A_6 = arith.muli %arg1, %mul3A_5 : i32
    %add3A_7 = arith.constant 0 : i32
    %add3A_8 = arith.addi %mul3A_6, %add3A_7 : i32
    "tpu.region"() ({
      %run_scoped3A = tpu.sem_alloc : memref<!tpu.dma_semaphore, #tpu.memory_space<semaphore_mem>>
      %dma_start3A_173 = arith.constant 0 : i32
      %dma_start3A_174 = tpu.memref_slice %arg12[%add3A_8, %dma_start3A_173] : memref<10240x128xf32, #tpu.memory_space<vmem_shared>> -> memref<80x128xf32, #tpu.memory_space<vmem_shared>>
      %dma_start3A_175 = arith.constant 0 : i32
      %dma_start3A_176 = tpu.memref_slice %arg12[%add3A_8, %dma_start3A_175] : memref<10240x128xf32, #tpu.memory_space<vmem_shared>> -> memref<80x128xf32, #tpu.memory_space<vmem_shared>>
      tpu.enqueue_dma source(%arg8 : memref<80x128xf32, #tpu.memory_space<vmem>>) target(%dma_start3A_176 : memref<80x128xf32, #tpu.memory_space<vmem_shared>>) target_semaphore(%run_scoped3A : memref<!tpu.dma_semaphore, #tpu.memory_space<semaphore_mem>>)
      %dma_wait3A = arith.constant 0 : i32
      %dma_wait3A_177 = tpu.memref_slice %arg12[%add3A_8, %dma_wait3A] : memref<10240x128xf32, #tpu.memory_space<vmem_shared>> -> memref<80x128xf32, #tpu.memory_space<vmem_shared>>
      %dma_wait3A_178 = arith.constant 0 : i32
      %dma_wait3A_179 = tpu.memref_slice %arg12[%add3A_8, %dma_wait3A_178] : memref<10240x128xf32, #tpu.memory_space<vmem_shared>> -> memref<80x128xf32, #tpu.memory_space<vmem_shared>>
      tpu.wait_dma2 semaphore(%run_scoped3A : memref<!tpu.dma_semaphore, #tpu.memory_space<semaphore_mem>>) src(%arg8 : memref<80x128xf32, #tpu.memory_space<vmem>>) dst(%dma_wait3A_179 : memref<80x128xf32, #tpu.memory_space<vmem_shared>>)
      tpu.yield
    }) : () -> ()
    %mul3A_9 = arith.constant 640 : i32
    %mul3A_10 = arith.muli %arg1, %mul3A_9 : i32
    %add3A_11 = arith.constant 80 : i32
    %add3A_12 = arith.addi %mul3A_10, %add3A_11 : i32
    "tpu.region"() ({
      %run_scoped3A = tpu.sem_alloc : memref<!tpu.dma_semaphore, #tpu.memory_space<semaphore_mem>>
      %dma_start3A_173 = arith.constant 0 : i32
      %dma_start3A_174 = tpu.memref_slice %arg12[%add3A_12, %dma_start3A_173] : memref<10240x128xf32, #tpu.memory_space<vmem_shared>> -> memref<80x128xf32, #tpu.memory_space<vmem_shared>>
      %dma_start3A_175 = arith.constant 0 : i32
      %dma_start3A_176 = tpu.memref_slice %arg12[%add3A_12, %dma_start3A_175] : memref<10240x128xf32, #tpu.memory_space<vmem_shared>> -> memref<80x128xf32, #tpu.memory_space<vmem_shared>>
      tpu.enqueue_dma source(%arg8 : memref<80x128xf32, #tpu.memory_space<vmem>>) target(%dma_start3A_176 : memref<80x128xf32, #tpu.memory_space<vmem_shared>>) target_semaphore(%run_scoped3A : memref<!tpu.dma_semaphore, #tpu.memory_space<semaphore_mem>>)
      %dma_wait3A = arith.constant 0 : i32
      %dma_wait3A_177 = tpu.memref_slice %arg12[%add3A_12, %dma_wait3A] : memref<10240x128xf32, #tpu.memory_space<vmem_shared>> -> memref<80x128xf32, #tpu.memory_space<vmem_shared>>
      %dma_wait3A_178 = arith.constant 0 : i32
      %dma_wait3A_179 = tpu.memref_slice %arg12[%add3A_12, %dma_wait3A_178] : memref<10240x128xf32, #tpu.memory_space<vmem_shared>> -> memref<80x128xf32, #tpu.memory_space<vmem_shared>>
      tpu.wait_dma2 semaphore(%run_scoped3A : memref<!tpu.dma_semaphore, #tpu.memory_space<semaphore_mem>>) src(%arg8 : memref<80x128xf32, #tpu.memory_space<vmem>>) dst(%dma_wait3A_179 : memref<80x128xf32, #tpu.memory_space<vmem_shared>>)
      tpu.yield
    }) : () -> ()
    %mul3A_13 = arith.constant 640 : i32
    %mul3A_14 = arith.muli %arg1, %mul3A_13 : i32
    %add3A_15 = arith.constant 160 : i32
    %add3A_16 = arith.addi %mul3A_14, %add3A_15 : i32
    "tpu.region"() ({
      %run_scoped3A = tpu.sem_alloc : memref<!tpu.dma_semaphore, #tpu.memory_space<semaphore_mem>>
      %dma_start3A_173 = arith.constant 0 : i32
      %dma_start3A_174 = tpu.memref_slice %arg12[%add3A_16, %dma_start3A_173] : memref<10240x128xf32, #tpu.memory_space<vmem_shared>> -> memref<80x128xf32, #tpu.memory_space<vmem_shared>>
      %dma_start3A_175 = arith.constant 0 : i32
      %dma_start3A_176 = tpu.memref_slice %arg12[%add3A_16, %dma_start3A_175] : memref<10240x128xf32, #tpu.memory_space<vmem_shared>> -> memref<80x128xf32, #tpu.memory_space<vmem_shared>>
      tpu.enqueue_dma source(%arg8 : memref<80x128xf32, #tpu.memory_space<vmem>>) target(%dma_start3A_176 : memref<80x128xf32, #tpu.memory_space<vmem_shared>>) target_semaphore(%run_scoped3A : memref<!tpu.dma_semaphore, #tpu.memory_space<semaphore_mem>>)
      %dma_wait3A = arith.constant 0 : i32
      %dma_wait3A_177 = tpu.memref_slice %arg12[%add3A_16, %dma_wait3A] : memref<10240x128xf32, #tpu.memory_space<vmem_shared>> -> memref<80x128xf32, #tpu.memory_space<vmem_shared>>
      %dma_wait3A_178 = arith.constant 0 : i32
      %dma_wait3A_179 = tpu.memref_slice %arg12[%add3A_16, %dma_wait3A_178] : memref<10240x128xf32, #tpu.memory_space<vmem_shared>> -> memref<80x128xf32, #tpu.memory_space<vmem_shared>>
      tpu.wait_dma2 semaphore(%run_scoped3A : memref<!tpu.dma_semaphore, #tpu.memory_space<semaphore_mem>>) src(%arg8 : memref<80x128xf32, #tpu.memory_space<vmem>>) dst(%dma_wait3A_179 : memref<80x128xf32, #tpu.memory_space<vmem_shared>>)
      tpu.yield
    }) : () -> ()
    %mul3A_17 = arith.constant 640 : i32
    %mul3A_18 = arith.muli %arg1, %mul3A_17 : i32
    %add3A_19 = arith.constant 240 : i32
    %add3A_20 = arith.addi %mul3A_18, %add3A_19 : i32
    "tpu.region"() ({
      %run_scoped3A = tpu.sem_alloc : memref<!tpu.dma_semaphore, #tpu.memory_space<semaphore_mem>>
      %dma_start3A_173 = arith.constant 0 : i32
      %dma_start3A_174 = tpu.memref_slice %arg12[%add3A_20, %dma_start3A_173] : memref<10240x128xf32, #tpu.memory_space<vmem_shared>> -> memref<80x128xf32, #tpu.memory_space<vmem_shared>>
      %dma_start3A_175 = arith.constant 0 : i32
      %dma_start3A_176 = tpu.memref_slice %arg12[%add3A_20, %dma_start3A_175] : memref<10240x128xf32, #tpu.memory_space<vmem_shared>> -> memref<80x128xf32, #tpu.memory_space<vmem_shared>>
      tpu.enqueue_dma source(%arg8 : memref<80x128xf32, #tpu.memory_space<vmem>>) target(%dma_start3A_176 : memref<80x128xf32, #tpu.memory_space<vmem_shared>>) target_semaphore(%run_scoped3A : memref<!tpu.dma_semaphore, #tpu.memory_space<semaphore_mem>>)
      %dma_wait3A = arith.constant 0 : i32
      %dma_wait3A_177 = tpu.memref_slice %arg12[%add3A_20, %dma_wait3A] : memref<10240x128xf32, #tpu.memory_space<vmem_shared>> -> memref<80x128xf32, #tpu.memory_space<vmem_shared>>
      %dma_wait3A_178 = arith.constant 0 : i32
      %dma_wait3A_179 = tpu.memref_slice %arg12[%add3A_20, %dma_wait3A_178] : memref<10240x128xf32, #tpu.memory_space<vmem_shared>> -> memref<80x128xf32, #tpu.memory_space<vmem_shared>>
      tpu.wait_dma2 semaphore(%run_scoped3A : memref<!tpu.dma_semaphore, #tpu.memory_space<semaphore_mem>>) src(%arg8 : memref<80x128xf32, #tpu.memory_space<vmem>>) dst(%dma_wait3A_179 : memref<80x128xf32, #tpu.memory_space<vmem_shared>>)
      tpu.yield
    }) : () -> ()
    %mul3A_21 = arith.constant 640 : i32
    %mul3A_22 = arith.muli %arg1, %mul3A_21 : i32
    %add3A_23 = arith.constant 320 : i32
    %add3A_24 = arith.addi %mul3A_22, %add3A_23 : i32
    "tpu.region"() ({
      %run_scoped3A = tpu.sem_alloc : memref<!tpu.dma_semaphore, #tpu.memory_space<semaphore_mem>>
      %dma_start3A_173 = arith.constant 0 : i32
      %dma_start3A_174 = tpu.memref_slice %arg12[%add3A_24, %dma_start3A_173] : memref<10240x128xf32, #tpu.memory_space<vmem_shared>> -> memref<80x128xf32, #tpu.memory_space<vmem_shared>>
      %dma_start3A_175 = arith.constant 0 : i32
      %dma_start3A_176 = tpu.memref_slice %arg12[%add3A_24, %dma_start3A_175] : memref<10240x128xf32, #tpu.memory_space<vmem_shared>> -> memref<80x128xf32, #tpu.memory_space<vmem_shared>>
      tpu.enqueue_dma source(%arg8 : memref<80x128xf32, #tpu.memory_space<vmem>>) target(%dma_start3A_176 : memref<80x128xf32, #tpu.memory_space<vmem_shared>>) target_semaphore(%run_scoped3A : memref<!tpu.dma_semaphore, #tpu.memory_space<semaphore_mem>>)
      %dma_wait3A = arith.constant 0 : i32
      %dma_wait3A_177 = tpu.memref_slice %arg12[%add3A_24, %dma_wait3A] : memref<10240x128xf32, #tpu.memory_space<vmem_shared>> -> memref<80x128xf32, #tpu.memory_space<vmem_shared>>
      %dma_wait3A_178 = arith.constant 0 : i32
      %dma_wait3A_179 = tpu.memref_slice %arg12[%add3A_24, %dma_wait3A_178] : memref<10240x128xf32, #tpu.memory_space<vmem_shared>> -> memref<80x128xf32, #tpu.memory_space<vmem_shared>>
      tpu.wait_dma2 semaphore(%run_scoped3A : memref<!tpu.dma_semaphore, #tpu.memory_space<semaphore_mem>>) src(%arg8 : memref<80x128xf32, #tpu.memory_space<vmem>>) dst(%dma_wait3A_179 : memref<80x128xf32, #tpu.memory_space<vmem_shared>>)
      tpu.yield
    }) : () -> ()
    %mul3A_25 = arith.constant 640 : i32
    %mul3A_26 = arith.muli %arg1, %mul3A_25 : i32
    %add3A_27 = arith.constant 400 : i32
    %add3A_28 = arith.addi %mul3A_26, %add3A_27 : i32
    "tpu.region"() ({
      %run_scoped3A = tpu.sem_alloc : memref<!tpu.dma_semaphore, #tpu.memory_space<semaphore_mem>>
      %dma_start3A_173 = arith.constant 0 : i32
      %dma_start3A_174 = tpu.memref_slice %arg12[%add3A_28, %dma_start3A_173] : memref<10240x128xf32, #tpu.memory_space<vmem_shared>> -> memref<80x128xf32, #tpu.memory_space<vmem_shared>>
      %dma_start3A_175 = arith.constant 0 : i32
      %dma_start3A_176 = tpu.memref_slice %arg12[%add3A_28, %dma_start3A_175] : memref<10240x128xf32, #tpu.memory_space<vmem_shared>> -> memref<80x128xf32, #tpu.memory_space<vmem_shared>>
      tpu.enqueue_dma source(%arg8 : memref<80x128xf32, #tpu.memory_space<vmem>>) target(%dma_start3A_176 : memref<80x128xf32, #tpu.memory_space<vmem_shared>>) target_semaphore(%run_scoped3A : memref<!tpu.dma_semaphore, #tpu.memory_space<semaphore_mem>>)
      %dma_wait3A = arith.constant 0 : i32
      %dma_wait3A_177 = tpu.memref_slice %arg12[%add3A_28, %dma_wait3A] : memref<10240x128xf32, #tpu.memory_space<vmem_shared>> -> memref<80x128xf32, #tpu.memory_space<vmem_shared>>
      %dma_wait3A_178 = arith.constant 0 : i32
      %dma_wait3A_179 = tpu.memref_slice %arg12[%add3A_28, %dma_wait3A_178] : memref<10240x128xf32, #tpu.memory_space<vmem_shared>> -> memref<80x128xf32, #tpu.memory_space<vmem_shared>>
      tpu.wait_dma2 semaphore(%run_scoped3A : memref<!tpu.dma_semaphore, #tpu.memory_space<semaphore_mem>>) src(%arg8 : memref<80x128xf32, #tpu.memory_space<vmem>>) dst(%dma_wait3A_179 : memref<80x128xf32, #tpu.memory_space<vmem_shared>>)
      tpu.yield
    }) : () -> ()
    %mul3A_29 = arith.constant 640 : i32
    %mul3A_30 = arith.muli %arg1, %mul3A_29 : i32
    %add3A_31 = arith.constant 480 : i32
    %add3A_32 = arith.addi %mul3A_30, %add3A_31 : i32
    "tpu.region"() ({
      %run_scoped3A = tpu.sem_alloc : memref<!tpu.dma_semaphore, #tpu.memory_space<semaphore_mem>>
      %dma_start3A_173 = arith.constant 0 : i32
      %dma_start3A_174 = tpu.memref_slice %arg12[%add3A_32, %dma_start3A_173] : memref<10240x128xf32, #tpu.memory_space<vmem_shared>> -> memref<80x128xf32, #tpu.memory_space<vmem_shared>>
      %dma_start3A_175 = arith.constant 0 : i32
      %dma_start3A_176 = tpu.memref_slice %arg12[%add3A_32, %dma_start3A_175] : memref<10240x128xf32, #tpu.memory_space<vmem_shared>> -> memref<80x128xf32, #tpu.memory_space<vmem_shared>>
      tpu.enqueue_dma source(%arg8 : memref<80x128xf32, #tpu.memory_space<vmem>>) target(%dma_start3A_176 : memref<80x128xf32, #tpu.memory_space<vmem_shared>>) target_semaphore(%run_scoped3A : memref<!tpu.dma_semaphore, #tpu.memory_space<semaphore_mem>>)
      %dma_wait3A = arith.constant 0 : i32
      %dma_wait3A_177 = tpu.memref_slice %arg12[%add3A_32, %dma_wait3A] : memref<10240x128xf32, #tpu.memory_space<vmem_shared>> -> memref<80x128xf32, #tpu.memory_space<vmem_shared>>
      %dma_wait3A_178 = arith.constant 0 : i32
      %dma_wait3A_179 = tpu.memref_slice %arg12[%add3A_32, %dma_wait3A_178] : memref<10240x128xf32, #tpu.memory_space<vmem_shared>> -> memref<80x128xf32, #tpu.memory_space<vmem_shared>>
      tpu.wait_dma2 semaphore(%run_scoped3A : memref<!tpu.dma_semaphore, #tpu.memory_space<semaphore_mem>>) src(%arg8 : memref<80x128xf32, #tpu.memory_space<vmem>>) dst(%dma_wait3A_179 : memref<80x128xf32, #tpu.memory_space<vmem_shared>>)
      tpu.yield
    }) : () -> ()
    %mul3A_33 = arith.constant 640 : i32
    %mul3A_34 = arith.muli %arg1, %mul3A_33 : i32
    %add3A_35 = arith.constant 560 : i32
    %add3A_36 = arith.addi %mul3A_34, %add3A_35 : i32
    "tpu.region"() ({
      %run_scoped3A = tpu.sem_alloc : memref<!tpu.dma_semaphore, #tpu.memory_space<semaphore_mem>>
      %dma_start3A_173 = arith.constant 0 : i32
      %dma_start3A_174 = tpu.memref_slice %arg12[%add3A_36, %dma_start3A_173] : memref<10240x128xf32, #tpu.memory_space<vmem_shared>> -> memref<80x128xf32, #tpu.memory_space<vmem_shared>>
      %dma_start3A_175 = arith.constant 0 : i32
      %dma_start3A_176 = tpu.memref_slice %arg12[%add3A_36, %dma_start3A_175] : memref<10240x128xf32, #tpu.memory_space<vmem_shared>> -> memref<80x128xf32, #tpu.memory_space<vmem_shared>>
      tpu.enqueue_dma source(%arg8 : memref<80x128xf32, #tpu.memory_space<vmem>>) target(%dma_start3A_176 : memref<80x128xf32, #tpu.memory_space<vmem_shared>>) target_semaphore(%run_scoped3A : memref<!tpu.dma_semaphore, #tpu.memory_space<semaphore_mem>>)
      %dma_wait3A = arith.constant 0 : i32
      %dma_wait3A_177 = tpu.memref_slice %arg12[%add3A_36, %dma_wait3A] : memref<10240x128xf32, #tpu.memory_space<vmem_shared>> -> memref<80x128xf32, #tpu.memory_space<vmem_shared>>
      %dma_wait3A_178 = arith.constant 0 : i32
      %dma_wait3A_179 = tpu.memref_slice %arg12[%add3A_36, %dma_wait3A_178] : memref<10240x128xf32, #tpu.memory_space<vmem_shared>> -> memref<80x128xf32, #tpu.memory_space<vmem_shared>>
      tpu.wait_dma2 semaphore(%run_scoped3A : memref<!tpu.dma_semaphore, #tpu.memory_space<semaphore_mem>>) src(%arg8 : memref<80x128xf32, #tpu.memory_space<vmem>>) dst(%dma_wait3A_179 : memref<80x128xf32, #tpu.memory_space<vmem_shared>>)
      tpu.yield
    }) : () -> ()
    %barrier3A = arith.constant 0 : index
    tpu.barrier barrier_id(%barrier3A)
    "tpu.region"() ({
      %run_scoped3A = tpu.sem_alloc : memref<!tpu.dma_semaphore, #tpu.memory_space<semaphore_mem>>
      %dma_start3A_173 = arith.constant 0 : i32
      %dma_start3A_174 = arith.constant 0 : i32
      %dma_start3A_175 = tpu.memref_slice %arg3[%add3A, %dma_start3A_173, %dma_start3A_174] : memref<32x128x80xi32, #tpu.memory_space<hbm>> -> memref<1x32x80xi32, #tpu.memory_space<hbm>>
      %dma_start3A_176 = tpu.memref_squeeze %dma_start3A_175 : memref<1x32x80xi32, #tpu.memory_space<hbm>> -> memref<32x80xi32, #tpu.memory_space<hbm>>
      %dma_start3A_177 = arith.constant 0 : i32
      %dma_start3A_178 = arith.constant 0 : i32
      %dma_start3A_179 = tpu.memref_slice %arg3[%add3A, %dma_start3A_177, %dma_start3A_178] : memref<32x128x80xi32, #tpu.memory_space<hbm>> -> memref<1x32x80xi32, #tpu.memory_space<hbm>>
      %dma_start3A_180 = tpu.memref_squeeze %dma_start3A_179 : memref<1x32x80xi32, #tpu.memory_space<hbm>> -> memref<32x80xi32, #tpu.memory_space<hbm>>
      tpu.enqueue_dma source(%dma_start3A_180 : memref<32x80xi32, #tpu.memory_space<hbm>>) target(%arg6 : memref<32x80xi32, #tpu.memory_space<vmem>>) target_semaphore(%run_scoped3A : memref<!tpu.dma_semaphore, #tpu.memory_space<semaphore_mem>>)
      %dma_wait3A = arith.constant 0 : i32
      %dma_wait3A_181 = arith.constant 0 : i32
      %dma_wait3A_182 = tpu.memref_slice %arg3[%add3A, %dma_wait3A, %dma_wait3A_181] : memref<32x128x80xi32, #tpu.memory_space<hbm>> -> memref<1x32x80xi32, #tpu.memory_space<hbm>>
      %dma_wait3A_183 = tpu.memref_squeeze %dma_wait3A_182 : memref<1x32x80xi32, #tpu.memory_space<hbm>> -> memref<32x80xi32, #tpu.memory_space<hbm>>
      %dma_wait3A_184 = arith.constant 0 : i32
      %dma_wait3A_185 = arith.constant 0 : i32
      %dma_wait3A_186 = tpu.memref_slice %arg3[%add3A, %dma_wait3A_184, %dma_wait3A_185] : memref<32x128x80xi32, #tpu.memory_space<hbm>> -> memref<1x32x80xi32, #tpu.memory_space<hbm>>
      %dma_wait3A_187 = tpu.memref_squeeze %dma_wait3A_186 : memref<1x32x80xi32, #tpu.memory_space<hbm>> -> memref<32x80xi32, #tpu.memory_space<hbm>>
      tpu.wait_dma2 semaphore(%run_scoped3A : memref<!tpu.dma_semaphore, #tpu.memory_space<semaphore_mem>>) src(%dma_wait3A_187 : memref<32x80xi32, #tpu.memory_space<hbm>>) dst(%arg6 : memref<32x80xi32, #tpu.memory_space<vmem>>)
      tpu.yield
    }) : () -> ()
    "tpu.region"() ({
      %run_scoped3A = tpu.sem_alloc : memref<!tpu.dma_semaphore, #tpu.memory_space<semaphore_mem>>
      %dma_start3A_173 = arith.constant 0 : i32
      %dma_start3A_174 = arith.constant 0 : i32
      %dma_start3A_175 = tpu.memref_slice %arg4[%add3A, %dma_start3A_173, %dma_start3A_174] : memref<32x128x80xi32, #tpu.memory_space<hbm>> -> memref<1x32x80xi32, #tpu.memory_space<hbm>>
      %dma_start3A_176 = tpu.memref_squeeze %dma_start3A_175 : memref<1x32x80xi32, #tpu.memory_space<hbm>> -> memref<32x80xi32, #tpu.memory_space<hbm>>
      %dma_start3A_177 = arith.constant 0 : i32
      %dma_start3A_178 = arith.constant 0 : i32
      %dma_start3A_179 = tpu.memref_slice %arg4[%add3A, %dma_start3A_177, %dma_start3A_178] : memref<32x128x80xi32, #tpu.memory_space<hbm>> -> memref<1x32x80xi32, #tpu.memory_space<hbm>>
      %dma_start3A_180 = tpu.memref_squeeze %dma_start3A_179 : memref<1x32x80xi32, #tpu.memory_space<hbm>> -> memref<32x80xi32, #tpu.memory_space<hbm>>
      tpu.enqueue_dma source(%dma_start3A_180 : memref<32x80xi32, #tpu.memory_space<hbm>>) target(%arg7 : memref<32x80xi32, #tpu.memory_space<vmem>>) target_semaphore(%run_scoped3A : memref<!tpu.dma_semaphore, #tpu.memory_space<semaphore_mem>>)
      %dma_wait3A = arith.constant 0 : i32
      %dma_wait3A_181 = arith.constant 0 : i32
      %dma_wait3A_182 = tpu.memref_slice %arg4[%add3A, %dma_wait3A, %dma_wait3A_181] : memref<32x128x80xi32, #tpu.memory_space<hbm>> -> memref<1x32x80xi32, #tpu.memory_space<hbm>>
      %dma_wait3A_183 = tpu.memref_squeeze %dma_wait3A_182 : memref<1x32x80xi32, #tpu.memory_space<hbm>> -> memref<32x80xi32, #tpu.memory_space<hbm>>
      %dma_wait3A_184 = arith.constant 0 : i32
      %dma_wait3A_185 = arith.constant 0 : i32
      %dma_wait3A_186 = tpu.memref_slice %arg4[%add3A, %dma_wait3A_184, %dma_wait3A_185] : memref<32x128x80xi32, #tpu.memory_space<hbm>> -> memref<1x32x80xi32, #tpu.memory_space<hbm>>
      %dma_wait3A_187 = tpu.memref_squeeze %dma_wait3A_186 : memref<1x32x80xi32, #tpu.memory_space<hbm>> -> memref<32x80xi32, #tpu.memory_space<hbm>>
      tpu.wait_dma2 semaphore(%run_scoped3A : memref<!tpu.dma_semaphore, #tpu.memory_space<semaphore_mem>>) src(%dma_wait3A_187 : memref<32x80xi32, #tpu.memory_space<hbm>>) dst(%arg7 : memref<32x80xi32, #tpu.memory_space<vmem>>)
      tpu.yield
    }) : () -> ()
    %dma_start3A = arith.constant 0 : i32
    %dma_start3A_37 = arith.constant 0 : i32
    %dma_start3A_38 = tpu.memref_slice %arg6[%dma_start3A, %dma_start3A_37] : memref<32x80xi32, #tpu.memory_space<vmem>> -> memref<1x80xi32, #tpu.memory_space<vmem>>
    %dma_start3A_39 = tpu.memref_squeeze %dma_start3A_38 : memref<1x80xi32, #tpu.memory_space<vmem>> -> memref<80xi32, #tpu.memory_space<vmem>>
    %dma_start3A_40 = arith.constant 0 : i32
    %dma_start3A_41 = arith.constant 0 : i32
    %dma_start3A_42 = tpu.memref_slice %arg2[%dma_start3A_40, %dma_start3A_41] : memref<10240x128xf32, #tpu.memory_space<hbm>> -> memref<10240x128xf32, #tpu.memory_space<hbm>>
    tpu.enqueue_indirect_dma source(%dma_start3A_42 : memref<10240x128xf32, #tpu.memory_space<hbm>>) target(%arg8 : memref<80x128xf32, #tpu.memory_space<vmem>>) offsets(%dma_start3A_39 : memref<80xi32, #tpu.memory_space<vmem>>) semaphore(%arg13 : memref<!tpu.dma_semaphore, #tpu.memory_space<semaphore_mem>>)
    %dma_start3A_43 = arith.constant 1 : i32
    %dma_start3A_44 = arith.constant 0 : i32
    %dma_start3A_45 = tpu.memref_slice %arg6[%dma_start3A_43, %dma_start3A_44] : memref<32x80xi32, #tpu.memory_space<vmem>> -> memref<1x80xi32, #tpu.memory_space<vmem>>
    %dma_start3A_46 = tpu.memref_squeeze %dma_start3A_45 : memref<1x80xi32, #tpu.memory_space<vmem>> -> memref<80xi32, #tpu.memory_space<vmem>>
    %dma_start3A_47 = arith.constant 0 : i32
    %dma_start3A_48 = arith.constant 0 : i32
    %dma_start3A_49 = tpu.memref_slice %arg2[%dma_start3A_47, %dma_start3A_48] : memref<10240x128xf32, #tpu.memory_space<hbm>> -> memref<10240x128xf32, #tpu.memory_space<hbm>>
    tpu.enqueue_indirect_dma source(%dma_start3A_49 : memref<10240x128xf32, #tpu.memory_space<hbm>>) target(%arg9 : memref<80x128xf32, #tpu.memory_space<vmem>>) offsets(%dma_start3A_46 : memref<80xi32, #tpu.memory_space<vmem>>) semaphore(%arg14 : memref<!tpu.dma_semaphore, #tpu.memory_space<semaphore_mem>>)
    %dma_start3A_50 = arith.constant 2 : i32
    %dma_start3A_51 = arith.constant 0 : i32
    %dma_start3A_52 = tpu.memref_slice %arg6[%dma_start3A_50, %dma_start3A_51] : memref<32x80xi32, #tpu.memory_space<vmem>> -> memref<1x80xi32, #tpu.memory_space<vmem>>
    %dma_start3A_53 = tpu.memref_squeeze %dma_start3A_52 : memref<1x80xi32, #tpu.memory_space<vmem>> -> memref<80xi32, #tpu.memory_space<vmem>>
    %dma_start3A_54 = arith.constant 0 : i32
    %dma_start3A_55 = arith.constant 0 : i32
    %dma_start3A_56 = tpu.memref_slice %arg2[%dma_start3A_54, %dma_start3A_55] : memref<10240x128xf32, #tpu.memory_space<hbm>> -> memref<10240x128xf32, #tpu.memory_space<hbm>>
    tpu.enqueue_indirect_dma source(%dma_start3A_56 : memref<10240x128xf32, #tpu.memory_space<hbm>>) target(%arg10 : memref<80x128xf32, #tpu.memory_space<vmem>>) offsets(%dma_start3A_53 : memref<80xi32, #tpu.memory_space<vmem>>) semaphore(%arg15 : memref<!tpu.dma_semaphore, #tpu.memory_space<semaphore_mem>>)
    %dma_start3A_57 = arith.constant 3 : i32
    %dma_start3A_58 = arith.constant 0 : i32
    %dma_start3A_59 = tpu.memref_slice %arg6[%dma_start3A_57, %dma_start3A_58] : memref<32x80xi32, #tpu.memory_space<vmem>> -> memref<1x80xi32, #tpu.memory_space<vmem>>
    %dma_start3A_60 = tpu.memref_squeeze %dma_start3A_59 : memref<1x80xi32, #tpu.memory_space<vmem>> -> memref<80xi32, #tpu.memory_space<vmem>>
    %dma_start3A_61 = arith.constant 0 : i32
    %dma_start3A_62 = arith.constant 0 : i32
    %dma_start3A_63 = tpu.memref_slice %arg2[%dma_start3A_61, %dma_start3A_62] : memref<10240x128xf32, #tpu.memory_space<hbm>> -> memref<10240x128xf32, #tpu.memory_space<hbm>>
    tpu.enqueue_indirect_dma source(%dma_start3A_63 : memref<10240x128xf32, #tpu.memory_space<hbm>>) target(%arg11 : memref<80x128xf32, #tpu.memory_space<vmem>>) offsets(%dma_start3A_60 : memref<80xi32, #tpu.memory_space<vmem>>) semaphore(%arg16 : memref<!tpu.dma_semaphore, #tpu.memory_space<semaphore_mem>>)
    %scan3A_64 = arith.constant 0 : i32
    %scan3A_65 = arith.constant 8 : i32
    %scan3A_66 = arith.addi %scan3A_64, %scan3A_65 : i32
    %scan3A_67 = arith.constant 1 : i32
    scf.for %scan3A_173 = %scan3A_64 to %scan3A_66 step %scan3A_67  : i32 {
      %mul3A_174 = arith.constant 1 : i32
      %mul3A_175 = arith.muli %scan3A_173, %mul3A_174 : i32
      %add3A_176 = arith.constant 0 : i32
      %add3A_177 = arith.addi %add3A_176, %mul3A_175 : i32
      %dma_wait3A = arith.constant 0 : i32
      %dma_wait3A_178 = arith.constant 0 : i32
      %dma_wait3A_179 = tpu.memref_slice %arg6[%dma_wait3A, %dma_wait3A_178] : memref<32x80xi32, #tpu.memory_space<vmem>> -> memref<1x80xi32, #tpu.memory_space<vmem>>
      %dma_wait3A_180 = tpu.memref_squeeze %dma_wait3A_179 : memref<1x80xi32, #tpu.memory_space<vmem>> -> memref<80xi32, #tpu.memory_space<vmem>>
      %dma_wait3A_181 = arith.constant 0 : i32
      %dma_wait3A_182 = arith.constant 0 : i32
      %dma_wait3A_183 = tpu.memref_slice %arg2[%dma_wait3A_181, %dma_wait3A_182] : memref<10240x128xf32, #tpu.memory_space<hbm>> -> memref<10240x128xf32, #tpu.memory_space<hbm>>
      tpu.wait_indirect_dma semaphore(%arg13 : memref<!tpu.dma_semaphore, #tpu.memory_space<semaphore_mem>>) src(%dma_wait3A_183 : memref<10240x128xf32, #tpu.memory_space<hbm>>) dst(%arg8 : memref<80x128xf32, #tpu.memory_space<vmem>>)
      %mul3A_184 = arith.constant 4 : i32
      %mul3A_185 = arith.muli %mul3A_184, %add3A_177 : i32
      %add3A_186 = arith.constant 0 : i32
      %add3A_187 = arith.addi %mul3A_185, %add3A_186 : i32
      %dma_start3A_188 = arith.constant 0 : i32
      %dma_start3A_189 = tpu.memref_slice %arg7[%add3A_187, %dma_start3A_188] : memref<32x80xi32, #tpu.memory_space<vmem>> -> memref<1x80xi32, #tpu.memory_space<vmem>>
      %dma_start3A_190 = tpu.memref_squeeze %dma_start3A_189 : memref<1x80xi32, #tpu.memory_space<vmem>> -> memref<80xi32, #tpu.memory_space<vmem>>
      %dma_start3A_191 = arith.constant 0 : i32
      %dma_start3A_192 = arith.constant 0 : i32
      %dma_start3A_193 = tpu.memref_slice %arg12[%dma_start3A_191, %dma_start3A_192] : memref<10240x128xf32, #tpu.memory_space<vmem_shared>> -> memref<10240x128xf32, #tpu.memory_space<vmem_shared>>
      tpu.enqueue_indirect_dma source(%arg8 : memref<80x128xf32, #tpu.memory_space<vmem>>) target(%dma_start3A_193 : memref<10240x128xf32, #tpu.memory_space<vmem_shared>>) offsets(%dma_start3A_190 : memref<80xi32, #tpu.memory_space<vmem>>) semaphore(%arg17 : memref<!tpu.dma_semaphore, #tpu.memory_space<semaphore_mem>>) {add = true}
      %dma_wait3A_194 = arith.constant 0 : i32
      %dma_wait3A_195 = arith.constant 0 : i32
      %dma_wait3A_196 = tpu.memref_slice %arg7[%dma_wait3A_194, %dma_wait3A_195] : memref<32x80xi32, #tpu.memory_space<vmem>> -> memref<1x80xi32, #tpu.memory_space<vmem>>
      %dma_wait3A_197 = tpu.memref_squeeze %dma_wait3A_196 : memref<1x80xi32, #tpu.memory_space<vmem>> -> memref<80xi32, #tpu.memory_space<vmem>>
      %dma_wait3A_198 = arith.constant 0 : i32
      %dma_wait3A_199 = arith.constant 0 : i32
      %dma_wait3A_200 = tpu.memref_slice %arg12[%dma_wait3A_198, %dma_wait3A_199] : memref<10240x128xf32, #tpu.memory_space<vmem_shared>> -> memref<10240x128xf32, #tpu.memory_space<vmem_shared>>
      tpu.wait_indirect_dma semaphore(%arg17 : memref<!tpu.dma_semaphore, #tpu.memory_space<semaphore_mem>>) src(%arg8 : memref<80x128xf32, #tpu.memory_space<vmem>>) dst(%dma_wait3A_200 : memref<10240x128xf32, #tpu.memory_space<vmem_shared>>)
      %lt3A = arith.constant 7 : i32
      %lt3A_201 = arith.cmpi slt, %add3A_177, %lt3A : i32
      %convert_element_type3A = arith.extui %lt3A_201 : i1 to i32
      %cond3A = arith.constant 0 : i32
      %cond3A_202 = arith.cmpi ne, %convert_element_type3A, %cond3A : i32
      scf.if %cond3A_202 {
        %mul3A_290 = arith.constant 4 : i32
        %mul3A_291 = arith.muli %mul3A_290, %add3A_177 : i32
        %add3A_292 = arith.constant 4 : i32
        %add3A_293 = arith.addi %mul3A_291, %add3A_292 : i32
        %add3A_294 = arith.constant 0 : i32
        %add3A_295 = arith.addi %add3A_293, %add3A_294 : i32
        %dma_start3A_296 = arith.constant 0 : i32
        %dma_start3A_297 = tpu.memref_slice %arg6[%add3A_295, %dma_start3A_296] : memref<32x80xi32, #tpu.memory_space<vmem>> -> memref<1x80xi32, #tpu.memory_space<vmem>>
        %dma_start3A_298 = tpu.memref_squeeze %dma_start3A_297 : memref<1x80xi32, #tpu.memory_space<vmem>> -> memref<80xi32, #tpu.memory_space<vmem>>
        %dma_start3A_299 = arith.constant 0 : i32
        %dma_start3A_300 = arith.constant 0 : i32
        %dma_start3A_301 = tpu.memref_slice %arg2[%dma_start3A_299, %dma_start3A_300] : memref<10240x128xf32, #tpu.memory_space<hbm>> -> memref<10240x128xf32, #tpu.memory_space<hbm>>
        tpu.enqueue_indirect_dma source(%dma_start3A_301 : memref<10240x128xf32, #tpu.memory_space<hbm>>) target(%arg8 : memref<80x128xf32, #tpu.memory_space<vmem>>) offsets(%dma_start3A_298 : memref<80xi32, #tpu.memory_space<vmem>>) semaphore(%arg13 : memref<!tpu.dma_semaphore, #tpu.memory_space<semaphore_mem>>)
      } else {
      }
      %dma_wait3A_203 = arith.constant 0 : i32
      %dma_wait3A_204 = arith.constant 0 : i32
      %dma_wait3A_205 = tpu.memref_slice %arg6[%dma_wait3A_203, %dma_wait3A_204] : memref<32x80xi32, #tpu.memory_space<vmem>> -> memref<1x80xi32, #tpu.memory_space<vmem>>
      %dma_wait3A_206 = tpu.memref_squeeze %dma_wait3A_205 : memref<1x80xi32, #tpu.memory_space<vmem>> -> memref<80xi32, #tpu.memory_space<vmem>>
      %dma_wait3A_207 = arith.constant 0 : i32
      %dma_wait3A_208 = arith.constant 0 : i32
      %dma_wait3A_209 = tpu.memref_slice %arg2[%dma_wait3A_207, %dma_wait3A_208] : memref<10240x128xf32, #tpu.memory_space<hbm>> -> memref<10240x128xf32, #tpu.memory_space<hbm>>
      tpu.wait_indirect_dma semaphore(%arg14 : memref<!tpu.dma_semaphore, #tpu.memory_space<semaphore_mem>>) src(%dma_wait3A_209 : memref<10240x128xf32, #tpu.memory_space<hbm>>) dst(%arg9 : memref<80x128xf32, #tpu.memory_space<vmem>>)
      %mul3A_210 = arith.constant 4 : i32
      %mul3A_211 = arith.muli %mul3A_210, %add3A_177 : i32
      %add3A_212 = arith.constant 1 : i32
      %add3A_213 = arith.addi %mul3A_211, %add3A_212 : i32
      %dma_start3A_214 = arith.constant 0 : i32
      %dma_start3A_215 = tpu.memref_slice %arg7[%add3A_213, %dma_start3A_214] : memref<32x80xi32, #tpu.memory_space<vmem>> -> memref<1x80xi32, #tpu.memory_space<vmem>>
      %dma_start3A_216 = tpu.memref_squeeze %dma_start3A_215 : memref<1x80xi32, #tpu.memory_space<vmem>> -> memref<80xi32, #tpu.memory_space<vmem>>
      %dma_start3A_217 = arith.constant 0 : i32
      %dma_start3A_218 = arith.constant 0 : i32
      %dma_start3A_219 = tpu.memref_slice %arg12[%dma_start3A_217, %dma_start3A_218] : memref<10240x128xf32, #tpu.memory_space<vmem_shared>> -> memref<10240x128xf32, #tpu.memory_space<vmem_shared>>
      tpu.enqueue_indirect_dma source(%arg9 : memref<80x128xf32, #tpu.memory_space<vmem>>) target(%dma_start3A_219 : memref<10240x128xf32, #tpu.memory_space<vmem_shared>>) offsets(%dma_start3A_216 : memref<80xi32, #tpu.memory_space<vmem>>) semaphore(%arg18 : memref<!tpu.dma_semaphore, #tpu.memory_space<semaphore_mem>>) {add = true}
      %dma_wait3A_220 = arith.constant 0 : i32
      %dma_wait3A_221 = arith.constant 0 : i32
      %dma_wait3A_222 = tpu.memref_slice %arg7[%dma_wait3A_220, %dma_wait3A_221] : memref<32x80xi32, #tpu.memory_space<vmem>> -> memref<1x80xi32, #tpu.memory_space<vmem>>
      %dma_wait3A_223 = tpu.memref_squeeze %dma_wait3A_222 : memref<1x80xi32, #tpu.memory_space<vmem>> -> memref<80xi32, #tpu.memory_space<vmem>>
      %dma_wait3A_224 = arith.constant 0 : i32
      %dma_wait3A_225 = arith.constant 0 : i32
      %dma_wait3A_226 = tpu.memref_slice %arg12[%dma_wait3A_224, %dma_wait3A_225] : memref<10240x128xf32, #tpu.memory_space<vmem_shared>> -> memref<10240x128xf32, #tpu.memory_space<vmem_shared>>
      tpu.wait_indirect_dma semaphore(%arg18 : memref<!tpu.dma_semaphore, #tpu.memory_space<semaphore_mem>>) src(%arg9 : memref<80x128xf32, #tpu.memory_space<vmem>>) dst(%dma_wait3A_226 : memref<10240x128xf32, #tpu.memory_space<vmem_shared>>)
      %lt3A_227 = arith.constant 7 : i32
      %lt3A_228 = arith.cmpi slt, %add3A_177, %lt3A_227 : i32
      %convert_element_type3A_229 = arith.extui %lt3A_228 : i1 to i32
      %cond3A_230 = arith.constant 0 : i32
      %cond3A_231 = arith.cmpi ne, %convert_element_type3A_229, %cond3A_230 : i32
      scf.if %cond3A_231 {
        %mul3A_290 = arith.constant 4 : i32
        %mul3A_291 = arith.muli %mul3A_290, %add3A_177 : i32
        %add3A_292 = arith.constant 4 : i32
        %add3A_293 = arith.addi %mul3A_291, %add3A_292 : i32
        %add3A_294 = arith.constant 1 : i32
        %add3A_295 = arith.addi %add3A_293, %add3A_294 : i32
        %dma_start3A_296 = arith.constant 0 : i32
        %dma_start3A_297 = tpu.memref_slice %arg6[%add3A_295, %dma_start3A_296] : memref<32x80xi32, #tpu.memory_space<vmem>> -> memref<1x80xi32, #tpu.memory_space<vmem>>
        %dma_start3A_298 = tpu.memref_squeeze %dma_start3A_297 : memref<1x80xi32, #tpu.memory_space<vmem>> -> memref<80xi32, #tpu.memory_space<vmem>>
        %dma_start3A_299 = arith.constant 0 : i32
        %dma_start3A_300 = arith.constant 0 : i32
        %dma_start3A_301 = tpu.memref_slice %arg2[%dma_start3A_299, %dma_start3A_300] : memref<10240x128xf32, #tpu.memory_space<hbm>> -> memref<10240x128xf32, #tpu.memory_space<hbm>>
        tpu.enqueue_indirect_dma source(%dma_start3A_301 : memref<10240x128xf32, #tpu.memory_space<hbm>>) target(%arg9 : memref<80x128xf32, #tpu.memory_space<vmem>>) offsets(%dma_start3A_298 : memref<80xi32, #tpu.memory_space<vmem>>) semaphore(%arg14 : memref<!tpu.dma_semaphore, #tpu.memory_space<semaphore_mem>>)
      } else {
      }
      %dma_wait3A_232 = arith.constant 0 : i32
      %dma_wait3A_233 = arith.constant 0 : i32
      %dma_wait3A_234 = tpu.memref_slice %arg6[%dma_wait3A_232, %dma_wait3A_233] : memref<32x80xi32, #tpu.memory_space<vmem>> -> memref<1x80xi32, #tpu.memory_space<vmem>>
      %dma_wait3A_235 = tpu.memref_squeeze %dma_wait3A_234 : memref<1x80xi32, #tpu.memory_space<vmem>> -> memref<80xi32, #tpu.memory_space<vmem>>
      %dma_wait3A_236 = arith.constant 0 : i32
      %dma_wait3A_237 = arith.constant 0 : i32
      %dma_wait3A_238 = tpu.memref_slice %arg2[%dma_wait3A_236, %dma_wait3A_237] : memref<10240x128xf32, #tpu.memory_space<hbm>> -> memref<10240x128xf32, #tpu.memory_space<hbm>>
      tpu.wait_indirect_dma semaphore(%arg15 : memref<!tpu.dma_semaphore, #tpu.memory_space<semaphore_mem>>) src(%dma_wait3A_238 : memref<10240x128xf32, #tpu.memory_space<hbm>>) dst(%arg10 : memref<80x128xf32, #tpu.memory_space<vmem>>)
      %mul3A_239 = arith.constant 4 : i32
      %mul3A_240 = arith.muli %mul3A_239, %add3A_177 : i32
      %add3A_241 = arith.constant 2 : i32
      %add3A_242 = arith.addi %mul3A_240, %add3A_241 : i32
      %dma_start3A_243 = arith.constant 0 : i32
      %dma_start3A_244 = tpu.memref_slice %arg7[%add3A_242, %dma_start3A_243] : memref<32x80xi32, #tpu.memory_space<vmem>> -> memref<1x80xi32, #tpu.memory_space<vmem>>
      %dma_start3A_245 = tpu.memref_squeeze %dma_start3A_244 : memref<1x80xi32, #tpu.memory_space<vmem>> -> memref<80xi32, #tpu.memory_space<vmem>>
      %dma_start3A_246 = arith.constant 0 : i32
      %dma_start3A_247 = arith.constant 0 : i32
      %dma_start3A_248 = tpu.memref_slice %arg12[%dma_start3A_246, %dma_start3A_247] : memref<10240x128xf32, #tpu.memory_space<vmem_shared>> -> memref<10240x128xf32, #tpu.memory_space<vmem_shared>>
      tpu.enqueue_indirect_dma source(%arg10 : memref<80x128xf32, #tpu.memory_space<vmem>>) target(%dma_start3A_248 : memref<10240x128xf32, #tpu.memory_space<vmem_shared>>) offsets(%dma_start3A_245 : memref<80xi32, #tpu.memory_space<vmem>>) semaphore(%arg19 : memref<!tpu.dma_semaphore, #tpu.memory_space<semaphore_mem>>) {add = true}
      %dma_wait3A_249 = arith.constant 0 : i32
      %dma_wait3A_250 = arith.constant 0 : i32
      %dma_wait3A_251 = tpu.memref_slice %arg7[%dma_wait3A_249, %dma_wait3A_250] : memref<32x80xi32, #tpu.memory_space<vmem>> -> memref<1x80xi32, #tpu.memory_space<vmem>>
      %dma_wait3A_252 = tpu.memref_squeeze %dma_wait3A_251 : memref<1x80xi32, #tpu.memory_space<vmem>> -> memref<80xi32, #tpu.memory_space<vmem>>
      %dma_wait3A_253 = arith.constant 0 : i32
      %dma_wait3A_254 = arith.constant 0 : i32
      %dma_wait3A_255 = tpu.memref_slice %arg12[%dma_wait3A_253, %dma_wait3A_254] : memref<10240x128xf32, #tpu.memory_space<vmem_shared>> -> memref<10240x128xf32, #tpu.memory_space<vmem_shared>>
      tpu.wait_indirect_dma semaphore(%arg19 : memref<!tpu.dma_semaphore, #tpu.memory_space<semaphore_mem>>) src(%arg10 : memref<80x128xf32, #tpu.memory_space<vmem>>) dst(%dma_wait3A_255 : memref<10240x128xf32, #tpu.memory_space<vmem_shared>>)
      %lt3A_256 = arith.constant 7 : i32
      %lt3A_257 = arith.cmpi slt, %add3A_177, %lt3A_256 : i32
      %convert_element_type3A_258 = arith.extui %lt3A_257 : i1 to i32
      %cond3A_259 = arith.constant 0 : i32
      %cond3A_260 = arith.cmpi ne, %convert_element_type3A_258, %cond3A_259 : i32
      scf.if %cond3A_260 {
        %mul3A_290 = arith.constant 4 : i32
        %mul3A_291 = arith.muli %mul3A_290, %add3A_177 : i32
        %add3A_292 = arith.constant 4 : i32
        %add3A_293 = arith.addi %mul3A_291, %add3A_292 : i32
        %add3A_294 = arith.constant 2 : i32
        %add3A_295 = arith.addi %add3A_293, %add3A_294 : i32
        %dma_start3A_296 = arith.constant 0 : i32
        %dma_start3A_297 = tpu.memref_slice %arg6[%add3A_295, %dma_start3A_296] : memref<32x80xi32, #tpu.memory_space<vmem>> -> memref<1x80xi32, #tpu.memory_space<vmem>>
        %dma_start3A_298 = tpu.memref_squeeze %dma_start3A_297 : memref<1x80xi32, #tpu.memory_space<vmem>> -> memref<80xi32, #tpu.memory_space<vmem>>
        %dma_start3A_299 = arith.constant 0 : i32
        %dma_start3A_300 = arith.constant 0 : i32
        %dma_start3A_301 = tpu.memref_slice %arg2[%dma_start3A_299, %dma_start3A_300] : memref<10240x128xf32, #tpu.memory_space<hbm>> -> memref<10240x128xf32, #tpu.memory_space<hbm>>
        tpu.enqueue_indirect_dma source(%dma_start3A_301 : memref<10240x128xf32, #tpu.memory_space<hbm>>) target(%arg10 : memref<80x128xf32, #tpu.memory_space<vmem>>) offsets(%dma_start3A_298 : memref<80xi32, #tpu.memory_space<vmem>>) semaphore(%arg15 : memref<!tpu.dma_semaphore, #tpu.memory_space<semaphore_mem>>)
      } else {
      }
      %dma_wait3A_261 = arith.constant 0 : i32
      %dma_wait3A_262 = arith.constant 0 : i32
      %dma_wait3A_263 = tpu.memref_slice %arg6[%dma_wait3A_261, %dma_wait3A_262] : memref<32x80xi32, #tpu.memory_space<vmem>> -> memref<1x80xi32, #tpu.memory_space<vmem>>
      %dma_wait3A_264 = tpu.memref_squeeze %dma_wait3A_263 : memref<1x80xi32, #tpu.memory_space<vmem>> -> memref<80xi32, #tpu.memory_space<vmem>>
      %dma_wait3A_265 = arith.constant 0 : i32
      %dma_wait3A_266 = arith.constant 0 : i32
      %dma_wait3A_267 = tpu.memref_slice %arg2[%dma_wait3A_265, %dma_wait3A_266] : memref<10240x128xf32, #tpu.memory_space<hbm>> -> memref<10240x128xf32, #tpu.memory_space<hbm>>
      tpu.wait_indirect_dma semaphore(%arg16 : memref<!tpu.dma_semaphore, #tpu.memory_space<semaphore_mem>>) src(%dma_wait3A_267 : memref<10240x128xf32, #tpu.memory_space<hbm>>) dst(%arg11 : memref<80x128xf32, #tpu.memory_space<vmem>>)
      %mul3A_268 = arith.constant 4 : i32
      %mul3A_269 = arith.muli %mul3A_268, %add3A_177 : i32
      %add3A_270 = arith.constant 3 : i32
      %add3A_271 = arith.addi %mul3A_269, %add3A_270 : i32
      %dma_start3A_272 = arith.constant 0 : i32
      %dma_start3A_273 = tpu.memref_slice %arg7[%add3A_271, %dma_start3A_272] : memref<32x80xi32, #tpu.memory_space<vmem>> -> memref<1x80xi32, #tpu.memory_space<vmem>>
      %dma_start3A_274 = tpu.memref_squeeze %dma_start3A_273 : memref<1x80xi32, #tpu.memory_space<vmem>> -> memref<80xi32, #tpu.memory_space<vmem>>
      %dma_start3A_275 = arith.constant 0 : i32
      %dma_start3A_276 = arith.constant 0 : i32
      %dma_start3A_277 = tpu.memref_slice %arg12[%dma_start3A_275, %dma_start3A_276] : memref<10240x128xf32, #tpu.memory_space<vmem_shared>> -> memref<10240x128xf32, #tpu.memory_space<vmem_shared>>
      tpu.enqueue_indirect_dma source(%arg11 : memref<80x128xf32, #tpu.memory_space<vmem>>) target(%dma_start3A_277 : memref<10240x128xf32, #tpu.memory_space<vmem_shared>>) offsets(%dma_start3A_274 : memref<80xi32, #tpu.memory_space<vmem>>) semaphore(%arg20 : memref<!tpu.dma_semaphore, #tpu.memory_space<semaphore_mem>>) {add = true}
      %dma_wait3A_278 = arith.constant 0 : i32
      %dma_wait3A_279 = arith.constant 0 : i32
      %dma_wait3A_280 = tpu.memref_slice %arg7[%dma_wait3A_278, %dma_wait3A_279] : memref<32x80xi32, #tpu.memory_space<vmem>> -> memref<1x80xi32, #tpu.memory_space<vmem>>
      %dma_wait3A_281 = tpu.memref_squeeze %dma_wait3A_280 : memref<1x80xi32, #tpu.memory_space<vmem>> -> memref<80xi32, #tpu.memory_space<vmem>>
      %dma_wait3A_282 = arith.constant 0 : i32
      %dma_wait3A_283 = arith.constant 0 : i32
      %dma_wait3A_284 = tpu.memref_slice %arg12[%dma_wait3A_282, %dma_wait3A_283] : memref<10240x128xf32, #tpu.memory_space<vmem_shared>> -> memref<10240x128xf32, #tpu.memory_space<vmem_shared>>
      tpu.wait_indirect_dma semaphore(%arg20 : memref<!tpu.dma_semaphore, #tpu.memory_space<semaphore_mem>>) src(%arg11 : memref<80x128xf32, #tpu.memory_space<vmem>>) dst(%dma_wait3A_284 : memref<10240x128xf32, #tpu.memory_space<vmem_shared>>)
      %lt3A_285 = arith.constant 7 : i32
      %lt3A_286 = arith.cmpi slt, %add3A_177, %lt3A_285 : i32
      %convert_element_type3A_287 = arith.extui %lt3A_286 : i1 to i32
      %cond3A_288 = arith.constant 0 : i32
      %cond3A_289 = arith.cmpi ne, %convert_element_type3A_287, %cond3A_288 : i32
      scf.if %cond3A_289 {
        %mul3A_290 = arith.constant 4 : i32
        %mul3A_291 = arith.muli %mul3A_290, %add3A_177 : i32
        %add3A_292 = arith.constant 4 : i32
        %add3A_293 = arith.addi %mul3A_291, %add3A_292 : i32
        %add3A_294 = arith.constant 3 : i32
        %add3A_295 = arith.addi %add3A_293, %add3A_294 : i32
        %dma_start3A_296 = arith.constant 0 : i32
        %dma_start3A_297 = tpu.memref_slice %arg6[%add3A_295, %dma_start3A_296] : memref<32x80xi32, #tpu.memory_space<vmem>> -> memref<1x80xi32, #tpu.memory_space<vmem>>
        %dma_start3A_298 = tpu.memref_squeeze %dma_start3A_297 : memref<1x80xi32, #tpu.memory_space<vmem>> -> memref<80xi32, #tpu.memory_space<vmem>>
        %dma_start3A_299 = arith.constant 0 : i32
        %dma_start3A_300 = arith.constant 0 : i32
        %dma_start3A_301 = tpu.memref_slice %arg2[%dma_start3A_299, %dma_start3A_300] : memref<10240x128xf32, #tpu.memory_space<hbm>> -> memref<10240x128xf32, #tpu.memory_space<hbm>>
        tpu.enqueue_indirect_dma source(%dma_start3A_301 : memref<10240x128xf32, #tpu.memory_space<hbm>>) target(%arg11 : memref<80x128xf32, #tpu.memory_space<vmem>>) offsets(%dma_start3A_298 : memref<80xi32, #tpu.memory_space<vmem>>) semaphore(%arg16 : memref<!tpu.dma_semaphore, #tpu.memory_space<semaphore_mem>>)
      } else {
      }
    }
    %scan3A_68 = arith.constant 8 : i32
    "tpu.region"() ({
      %run_scoped3A = tpu.sem_alloc : memref<!tpu.dma_semaphore, #tpu.memory_space<semaphore_mem>>
      %dma_start3A_173 = arith.constant 32 : i32
      %dma_start3A_174 = arith.constant 0 : i32
      %dma_start3A_175 = tpu.memref_slice %arg3[%add3A, %dma_start3A_173, %dma_start3A_174] : memref<32x128x80xi32, #tpu.memory_space<hbm>> -> memref<1x32x80xi32, #tpu.memory_space<hbm>>
      %dma_start3A_176 = tpu.memref_squeeze %dma_start3A_175 : memref<1x32x80xi32, #tpu.memory_space<hbm>> -> memref<32x80xi32, #tpu.memory_space<hbm>>
      %dma_start3A_177 = arith.constant 32 : i32
      %dma_start3A_178 = arith.constant 0 : i32
      %dma_start3A_179 = tpu.memref_slice %arg3[%add3A, %dma_start3A_177, %dma_start3A_178] : memref<32x128x80xi32, #tpu.memory_space<hbm>> -> memref<1x32x80xi32, #tpu.memory_space<hbm>>
      %dma_start3A_180 = tpu.memref_squeeze %dma_start3A_179 : memref<1x32x80xi32, #tpu.memory_space<hbm>> -> memref<32x80xi32, #tpu.memory_space<hbm>>
      tpu.enqueue_dma source(%dma_start3A_180 : memref<32x80xi32, #tpu.memory_space<hbm>>) target(%arg6 : memref<32x80xi32, #tpu.memory_space<vmem>>) target_semaphore(%run_scoped3A : memref<!tpu.dma_semaphore, #tpu.memory_space<semaphore_mem>>)
      %dma_wait3A = arith.constant 32 : i32
      %dma_wait3A_181 = arith.constant 0 : i32
      %dma_wait3A_182 = tpu.memref_slice %arg3[%add3A, %dma_wait3A, %dma_wait3A_181] : memref<32x128x80xi32, #tpu.memory_space<hbm>> -> memref<1x32x80xi32, #tpu.memory_space<hbm>>
      %dma_wait3A_183 = tpu.memref_squeeze %dma_wait3A_182 : memref<1x32x80xi32, #tpu.memory_space<hbm>> -> memref<32x80xi32, #tpu.memory_space<hbm>>
      %dma_wait3A_184 = arith.constant 32 : i32
      %dma_wait3A_185 = arith.constant 0 : i32
      %dma_wait3A_186 = tpu.memref_slice %arg3[%add3A, %dma_wait3A_184, %dma_wait3A_185] : memref<32x128x80xi32, #tpu.memory_space<hbm>> -> memref<1x32x80xi32, #tpu.memory_space<hbm>>
      %dma_wait3A_187 = tpu.memref_squeeze %dma_wait3A_186 : memref<1x32x80xi32, #tpu.memory_space<hbm>> -> memref<32x80xi32, #tpu.memory_space<hbm>>
      tpu.wait_dma2 semaphore(%run_scoped3A : memref<!tpu.dma_semaphore, #tpu.memory_space<semaphore_mem>>) src(%dma_wait3A_187 : memref<32x80xi32, #tpu.memory_space<hbm>>) dst(%arg6 : memref<32x80xi32, #tpu.memory_space<vmem>>)
      tpu.yield
    }) : () -> ()
    "tpu.region"() ({
      %run_scoped3A = tpu.sem_alloc : memref<!tpu.dma_semaphore, #tpu.memory_space<semaphore_mem>>
      %dma_start3A_173 = arith.constant 32 : i32
      %dma_start3A_174 = arith.constant 0 : i32
      %dma_start3A_175 = tpu.memref_slice %arg4[%add3A, %dma_start3A_173, %dma_start3A_174] : memref<32x128x80xi32, #tpu.memory_space<hbm>> -> memref<1x32x80xi32, #tpu.memory_space<hbm>>
      %dma_start3A_176 = tpu.memref_squeeze %dma_start3A_175 : memref<1x32x80xi32, #tpu.memory_space<hbm>> -> memref<32x80xi32, #tpu.memory_space<hbm>>
      %dma_start3A_177 = arith.constant 32 : i32
      %dma_start3A_178 = arith.constant 0 : i32
      %dma_start3A_179 = tpu.memref_slice %arg4[%add3A, %dma_start3A_177, %dma_start3A_178] : memref<32x128x80xi32, #tpu.memory_space<hbm>> -> memref<1x32x80xi32, #tpu.memory_space<hbm>>
      %dma_start3A_180 = tpu.memref_squeeze %dma_start3A_179 : memref<1x32x80xi32, #tpu.memory_space<hbm>> -> memref<32x80xi32, #tpu.memory_space<hbm>>
      tpu.enqueue_dma source(%dma_start3A_180 : memref<32x80xi32, #tpu.memory_space<hbm>>) target(%arg7 : memref<32x80xi32, #tpu.memory_space<vmem>>) target_semaphore(%run_scoped3A : memref<!tpu.dma_semaphore, #tpu.memory_space<semaphore_mem>>)
      %dma_wait3A = arith.constant 32 : i32
      %dma_wait3A_181 = arith.constant 0 : i32
      %dma_wait3A_182 = tpu.memref_slice %arg4[%add3A, %dma_wait3A, %dma_wait3A_181] : memref<32x128x80xi32, #tpu.memory_space<hbm>> -> memref<1x32x80xi32, #tpu.memory_space<hbm>>
      %dma_wait3A_183 = tpu.memref_squeeze %dma_wait3A_182 : memref<1x32x80xi32, #tpu.memory_space<hbm>> -> memref<32x80xi32, #tpu.memory_space<hbm>>
      %dma_wait3A_184 = arith.constant 32 : i32
      %dma_wait3A_185 = arith.constant 0 : i32
      %dma_wait3A_186 = tpu.memref_slice %arg4[%add3A, %dma_wait3A_184, %dma_wait3A_185] : memref<32x128x80xi32, #tpu.memory_space<hbm>> -> memref<1x32x80xi32, #tpu.memory_space<hbm>>
      %dma_wait3A_187 = tpu.memref_squeeze %dma_wait3A_186 : memref<1x32x80xi32, #tpu.memory_space<hbm>> -> memref<32x80xi32, #tpu.memory_space<hbm>>
      tpu.wait_dma2 semaphore(%run_scoped3A : memref<!tpu.dma_semaphore, #tpu.memory_space<semaphore_mem>>) src(%dma_wait3A_187 : memref<32x80xi32, #tpu.memory_space<hbm>>) dst(%arg7 : memref<32x80xi32, #tpu.memory_space<vmem>>)
      tpu.yield
    }) : () -> ()
    %dma_start3A_69 = arith.constant 0 : i32
    %dma_start3A_70 = arith.constant 0 : i32
    %dma_start3A_71 = tpu.memref_slice %arg6[%dma_start3A_69, %dma_start3A_70] : memref<32x80xi32, #tpu.memory_space<vmem>> -> memref<1x80xi32, #tpu.memory_space<vmem>>
    %dma_start3A_72 = tpu.memref_squeeze %dma_start3A_71 : memref<1x80xi32, #tpu.memory_space<vmem>> -> memref<80xi32, #tpu.memory_space<vmem>>
    %dma_start3A_73 = arith.constant 0 : i32
    %dma_start3A_74 = arith.constant 0 : i32
    %dma_start3A_75 = tpu.memref_slice %arg2[%dma_start3A_73, %dma_start3A_74] : memref<10240x128xf32, #tpu.memory_space<hbm>> -> memref<10240x128xf32, #tpu.memory_space<hbm>>
    tpu.enqueue_indirect_dma source(%dma_start3A_75 : memref<10240x128xf32, #tpu.memory_space<hbm>>) target(%arg8 : memref<80x128xf32, #tpu.memory_space<vmem>>) offsets(%dma_start3A_72 : memref<80xi32, #tpu.memory_space<vmem>>) semaphore(%arg13 : memref<!tpu.dma_semaphore, #tpu.memory_space<semaphore_mem>>)
    %dma_start3A_76 = arith.constant 1 : i32
    %dma_start3A_77 = arith.constant 0 : i32
    %dma_start3A_78 = tpu.memref_slice %arg6[%dma_start3A_76, %dma_start3A_77] : memref<32x80xi32, #tpu.memory_space<vmem>> -> memref<1x80xi32, #tpu.memory_space<vmem>>
    %dma_start3A_79 = tpu.memref_squeeze %dma_start3A_78 : memref<1x80xi32, #tpu.memory_space<vmem>> -> memref<80xi32, #tpu.memory_space<vmem>>
    %dma_start3A_80 = arith.constant 0 : i32
    %dma_start3A_81 = arith.constant 0 : i32
    %dma_start3A_82 = tpu.memref_slice %arg2[%dma_start3A_80, %dma_start3A_81] : memref<10240x128xf32, #tpu.memory_space<hbm>> -> memref<10240x128xf32, #tpu.memory_space<hbm>>
    tpu.enqueue_indirect_dma source(%dma_start3A_82 : memref<10240x128xf32, #tpu.memory_space<hbm>>) target(%arg9 : memref<80x128xf32, #tpu.memory_space<vmem>>) offsets(%dma_start3A_79 : memref<80xi32, #tpu.memory_space<vmem>>) semaphore(%arg14 : memref<!tpu.dma_semaphore, #tpu.memory_space<semaphore_mem>>)
    %dma_start3A_83 = arith.constant 2 : i32
    %dma_start3A_84 = arith.constant 0 : i32
    %dma_start3A_85 = tpu.memref_slice %arg6[%dma_start3A_83, %dma_start3A_84] : memref<32x80xi32, #tpu.memory_space<vmem>> -> memref<1x80xi32, #tpu.memory_space<vmem>>
    %dma_start3A_86 = tpu.memref_squeeze %dma_start3A_85 : memref<1x80xi32, #tpu.memory_space<vmem>> -> memref<80xi32, #tpu.memory_space<vmem>>
    %dma_start3A_87 = arith.constant 0 : i32
    %dma_start3A_88 = arith.constant 0 : i32
    %dma_start3A_89 = tpu.memref_slice %arg2[%dma_start3A_87, %dma_start3A_88] : memref<10240x128xf32, #tpu.memory_space<hbm>> -> memref<10240x128xf32, #tpu.memory_space<hbm>>
    tpu.enqueue_indirect_dma source(%dma_start3A_89 : memref<10240x128xf32, #tpu.memory_space<hbm>>) target(%arg10 : memref<80x128xf32, #tpu.memory_space<vmem>>) offsets(%dma_start3A_86 : memref<80xi32, #tpu.memory_space<vmem>>) semaphore(%arg15 : memref<!tpu.dma_semaphore, #tpu.memory_space<semaphore_mem>>)
    %dma_start3A_90 = arith.constant 3 : i32
    %dma_start3A_91 = arith.constant 0 : i32
    %dma_start3A_92 = tpu.memref_slice %arg6[%dma_start3A_90, %dma_start3A_91] : memref<32x80xi32, #tpu.memory_space<vmem>> -> memref<1x80xi32, #tpu.memory_space<vmem>>
    %dma_start3A_93 = tpu.memref_squeeze %dma_start3A_92 : memref<1x80xi32, #tpu.memory_space<vmem>> -> memref<80xi32, #tpu.memory_space<vmem>>
    %dma_start3A_94 = arith.constant 0 : i32
    %dma_start3A_95 = arith.constant 0 : i32
    %dma_start3A_96 = tpu.memref_slice %arg2[%dma_start3A_94, %dma_start3A_95] : memref<10240x128xf32, #tpu.memory_space<hbm>> -> memref<10240x128xf32, #tpu.memory_space<hbm>>
    tpu.enqueue_indirect_dma source(%dma_start3A_96 : memref<10240x128xf32, #tpu.memory_space<hbm>>) target(%arg11 : memref<80x128xf32, #tpu.memory_space<vmem>>) offsets(%dma_start3A_93 : memref<80xi32, #tpu.memory_space<vmem>>) semaphore(%arg16 : memref<!tpu.dma_semaphore, #tpu.memory_space<semaphore_mem>>)
    %scan3A_97 = arith.constant 0 : i32
    %scan3A_98 = arith.constant 8 : i32
    %scan3A_99 = arith.addi %scan3A_97, %scan3A_98 : i32
    %scan3A_100 = arith.constant 1 : i32
    scf.for %scan3A_173 = %scan3A_97 to %scan3A_99 step %scan3A_100  : i32 {
      %mul3A_174 = arith.constant 1 : i32
      %mul3A_175 = arith.muli %scan3A_173, %mul3A_174 : i32
      %add3A_176 = arith.constant 0 : i32
      %add3A_177 = arith.addi %add3A_176, %mul3A_175 : i32
      %dma_wait3A = arith.constant 0 : i32
      %dma_wait3A_178 = arith.constant 0 : i32
      %dma_wait3A_179 = tpu.memref_slice %arg6[%dma_wait3A, %dma_wait3A_178] : memref<32x80xi32, #tpu.memory_space<vmem>> -> memref<1x80xi32, #tpu.memory_space<vmem>>
      %dma_wait3A_180 = tpu.memref_squeeze %dma_wait3A_179 : memref<1x80xi32, #tpu.memory_space<vmem>> -> memref<80xi32, #tpu.memory_space<vmem>>
      %dma_wait3A_181 = arith.constant 0 : i32
      %dma_wait3A_182 = arith.constant 0 : i32
      %dma_wait3A_183 = tpu.memref_slice %arg2[%dma_wait3A_181, %dma_wait3A_182] : memref<10240x128xf32, #tpu.memory_space<hbm>> -> memref<10240x128xf32, #tpu.memory_space<hbm>>
      tpu.wait_indirect_dma semaphore(%arg13 : memref<!tpu.dma_semaphore, #tpu.memory_space<semaphore_mem>>) src(%dma_wait3A_183 : memref<10240x128xf32, #tpu.memory_space<hbm>>) dst(%arg8 : memref<80x128xf32, #tpu.memory_space<vmem>>)
      %mul3A_184 = arith.constant 4 : i32
      %mul3A_185 = arith.muli %mul3A_184, %add3A_177 : i32
      %add3A_186 = arith.constant 0 : i32
      %add3A_187 = arith.addi %mul3A_185, %add3A_186 : i32
      %dma_start3A_188 = arith.constant 0 : i32
      %dma_start3A_189 = tpu.memref_slice %arg7[%add3A_187, %dma_start3A_188] : memref<32x80xi32, #tpu.memory_space<vmem>> -> memref<1x80xi32, #tpu.memory_space<vmem>>
      %dma_start3A_190 = tpu.memref_squeeze %dma_start3A_189 : memref<1x80xi32, #tpu.memory_space<vmem>> -> memref<80xi32, #tpu.memory_space<vmem>>
      %dma_start3A_191 = arith.constant 0 : i32
      %dma_start3A_192 = arith.constant 0 : i32
      %dma_start3A_193 = tpu.memref_slice %arg12[%dma_start3A_191, %dma_start3A_192] : memref<10240x128xf32, #tpu.memory_space<vmem_shared>> -> memref<10240x128xf32, #tpu.memory_space<vmem_shared>>
      tpu.enqueue_indirect_dma source(%arg8 : memref<80x128xf32, #tpu.memory_space<vmem>>) target(%dma_start3A_193 : memref<10240x128xf32, #tpu.memory_space<vmem_shared>>) offsets(%dma_start3A_190 : memref<80xi32, #tpu.memory_space<vmem>>) semaphore(%arg17 : memref<!tpu.dma_semaphore, #tpu.memory_space<semaphore_mem>>) {add = true}
      %dma_wait3A_194 = arith.constant 0 : i32
      %dma_wait3A_195 = arith.constant 0 : i32
      %dma_wait3A_196 = tpu.memref_slice %arg7[%dma_wait3A_194, %dma_wait3A_195] : memref<32x80xi32, #tpu.memory_space<vmem>> -> memref<1x80xi32, #tpu.memory_space<vmem>>
      %dma_wait3A_197 = tpu.memref_squeeze %dma_wait3A_196 : memref<1x80xi32, #tpu.memory_space<vmem>> -> memref<80xi32, #tpu.memory_space<vmem>>
      %dma_wait3A_198 = arith.constant 0 : i32
      %dma_wait3A_199 = arith.constant 0 : i32
      %dma_wait3A_200 = tpu.memref_slice %arg12[%dma_wait3A_198, %dma_wait3A_199] : memref<10240x128xf32, #tpu.memory_space<vmem_shared>> -> memref<10240x128xf32, #tpu.memory_space<vmem_shared>>
      tpu.wait_indirect_dma semaphore(%arg17 : memref<!tpu.dma_semaphore, #tpu.memory_space<semaphore_mem>>) src(%arg8 : memref<80x128xf32, #tpu.memory_space<vmem>>) dst(%dma_wait3A_200 : memref<10240x128xf32, #tpu.memory_space<vmem_shared>>)
      %lt3A = arith.constant 7 : i32
      %lt3A_201 = arith.cmpi slt, %add3A_177, %lt3A : i32
      %convert_element_type3A = arith.extui %lt3A_201 : i1 to i32
      %cond3A = arith.constant 0 : i32
      %cond3A_202 = arith.cmpi ne, %convert_element_type3A, %cond3A : i32
      scf.if %cond3A_202 {
        %mul3A_290 = arith.constant 4 : i32
        %mul3A_291 = arith.muli %mul3A_290, %add3A_177 : i32
        %add3A_292 = arith.constant 4 : i32
        %add3A_293 = arith.addi %mul3A_291, %add3A_292 : i32
        %add3A_294 = arith.constant 0 : i32
        %add3A_295 = arith.addi %add3A_293, %add3A_294 : i32
        %dma_start3A_296 = arith.constant 0 : i32
        %dma_start3A_297 = tpu.memref_slice %arg6[%add3A_295, %dma_start3A_296] : memref<32x80xi32, #tpu.memory_space<vmem>> -> memref<1x80xi32, #tpu.memory_space<vmem>>
        %dma_start3A_298 = tpu.memref_squeeze %dma_start3A_297 : memref<1x80xi32, #tpu.memory_space<vmem>> -> memref<80xi32, #tpu.memory_space<vmem>>
        %dma_start3A_299 = arith.constant 0 : i32
        %dma_start3A_300 = arith.constant 0 : i32
        %dma_start3A_301 = tpu.memref_slice %arg2[%dma_start3A_299, %dma_start3A_300] : memref<10240x128xf32, #tpu.memory_space<hbm>> -> memref<10240x128xf32, #tpu.memory_space<hbm>>
        tpu.enqueue_indirect_dma source(%dma_start3A_301 : memref<10240x128xf32, #tpu.memory_space<hbm>>) target(%arg8 : memref<80x128xf32, #tpu.memory_space<vmem>>) offsets(%dma_start3A_298 : memref<80xi32, #tpu.memory_space<vmem>>) semaphore(%arg13 : memref<!tpu.dma_semaphore, #tpu.memory_space<semaphore_mem>>)
      } else {
      }
      %dma_wait3A_203 = arith.constant 0 : i32
      %dma_wait3A_204 = arith.constant 0 : i32
      %dma_wait3A_205 = tpu.memref_slice %arg6[%dma_wait3A_203, %dma_wait3A_204] : memref<32x80xi32, #tpu.memory_space<vmem>> -> memref<1x80xi32, #tpu.memory_space<vmem>>
      %dma_wait3A_206 = tpu.memref_squeeze %dma_wait3A_205 : memref<1x80xi32, #tpu.memory_space<vmem>> -> memref<80xi32, #tpu.memory_space<vmem>>
      %dma_wait3A_207 = arith.constant 0 : i32
      %dma_wait3A_208 = arith.constant 0 : i32
      %dma_wait3A_209 = tpu.memref_slice %arg2[%dma_wait3A_207, %dma_wait3A_208] : memref<10240x128xf32, #tpu.memory_space<hbm>> -> memref<10240x128xf32, #tpu.memory_space<hbm>>
      tpu.wait_indirect_dma semaphore(%arg14 : memref<!tpu.dma_semaphore, #tpu.memory_space<semaphore_mem>>) src(%dma_wait3A_209 : memref<10240x128xf32, #tpu.memory_space<hbm>>) dst(%arg9 : memref<80x128xf32, #tpu.memory_space<vmem>>)
      %mul3A_210 = arith.constant 4 : i32
      %mul3A_211 = arith.muli %mul3A_210, %add3A_177 : i32
      %add3A_212 = arith.constant 1 : i32
      %add3A_213 = arith.addi %mul3A_211, %add3A_212 : i32
      %dma_start3A_214 = arith.constant 0 : i32
      %dma_start3A_215 = tpu.memref_slice %arg7[%add3A_213, %dma_start3A_214] : memref<32x80xi32, #tpu.memory_space<vmem>> -> memref<1x80xi32, #tpu.memory_space<vmem>>
      %dma_start3A_216 = tpu.memref_squeeze %dma_start3A_215 : memref<1x80xi32, #tpu.memory_space<vmem>> -> memref<80xi32, #tpu.memory_space<vmem>>
      %dma_start3A_217 = arith.constant 0 : i32
      %dma_start3A_218 = arith.constant 0 : i32
      %dma_start3A_219 = tpu.memref_slice %arg12[%dma_start3A_217, %dma_start3A_218] : memref<10240x128xf32, #tpu.memory_space<vmem_shared>> -> memref<10240x128xf32, #tpu.memory_space<vmem_shared>>
      tpu.enqueue_indirect_dma source(%arg9 : memref<80x128xf32, #tpu.memory_space<vmem>>) target(%dma_start3A_219 : memref<10240x128xf32, #tpu.memory_space<vmem_shared>>) offsets(%dma_start3A_216 : memref<80xi32, #tpu.memory_space<vmem>>) semaphore(%arg18 : memref<!tpu.dma_semaphore, #tpu.memory_space<semaphore_mem>>) {add = true}
      %dma_wait3A_220 = arith.constant 0 : i32
      %dma_wait3A_221 = arith.constant 0 : i32
      %dma_wait3A_222 = tpu.memref_slice %arg7[%dma_wait3A_220, %dma_wait3A_221] : memref<32x80xi32, #tpu.memory_space<vmem>> -> memref<1x80xi32, #tpu.memory_space<vmem>>
      %dma_wait3A_223 = tpu.memref_squeeze %dma_wait3A_222 : memref<1x80xi32, #tpu.memory_space<vmem>> -> memref<80xi32, #tpu.memory_space<vmem>>
      %dma_wait3A_224 = arith.constant 0 : i32
      %dma_wait3A_225 = arith.constant 0 : i32
      %dma_wait3A_226 = tpu.memref_slice %arg12[%dma_wait3A_224, %dma_wait3A_225] : memref<10240x128xf32, #tpu.memory_space<vmem_shared>> -> memref<10240x128xf32, #tpu.memory_space<vmem_shared>>
      tpu.wait_indirect_dma semaphore(%arg18 : memref<!tpu.dma_semaphore, #tpu.memory_space<semaphore_mem>>) src(%arg9 : memref<80x128xf32, #tpu.memory_space<vmem>>) dst(%dma_wait3A_226 : memref<10240x128xf32, #tpu.memory_space<vmem_shared>>)
      %lt3A_227 = arith.constant 7 : i32
      %lt3A_228 = arith.cmpi slt, %add3A_177, %lt3A_227 : i32
      %convert_element_type3A_229 = arith.extui %lt3A_228 : i1 to i32
      %cond3A_230 = arith.constant 0 : i32
      %cond3A_231 = arith.cmpi ne, %convert_element_type3A_229, %cond3A_230 : i32
      scf.if %cond3A_231 {
        %mul3A_290 = arith.constant 4 : i32
        %mul3A_291 = arith.muli %mul3A_290, %add3A_177 : i32
        %add3A_292 = arith.constant 4 : i32
        %add3A_293 = arith.addi %mul3A_291, %add3A_292 : i32
        %add3A_294 = arith.constant 1 : i32
        %add3A_295 = arith.addi %add3A_293, %add3A_294 : i32
        %dma_start3A_296 = arith.constant 0 : i32
        %dma_start3A_297 = tpu.memref_slice %arg6[%add3A_295, %dma_start3A_296] : memref<32x80xi32, #tpu.memory_space<vmem>> -> memref<1x80xi32, #tpu.memory_space<vmem>>
        %dma_start3A_298 = tpu.memref_squeeze %dma_start3A_297 : memref<1x80xi32, #tpu.memory_space<vmem>> -> memref<80xi32, #tpu.memory_space<vmem>>
        %dma_start3A_299 = arith.constant 0 : i32
        %dma_start3A_300 = arith.constant 0 : i32
        %dma_start3A_301 = tpu.memref_slice %arg2[%dma_start3A_299, %dma_start3A_300] : memref<10240x128xf32, #tpu.memory_space<hbm>> -> memref<10240x128xf32, #tpu.memory_space<hbm>>
        tpu.enqueue_indirect_dma source(%dma_start3A_301 : memref<10240x128xf32, #tpu.memory_space<hbm>>) target(%arg9 : memref<80x128xf32, #tpu.memory_space<vmem>>) offsets(%dma_start3A_298 : memref<80xi32, #tpu.memory_space<vmem>>) semaphore(%arg14 : memref<!tpu.dma_semaphore, #tpu.memory_space<semaphore_mem>>)
      } else {
      }
      %dma_wait3A_232 = arith.constant 0 : i32
      %dma_wait3A_233 = arith.constant 0 : i32
      %dma_wait3A_234 = tpu.memref_slice %arg6[%dma_wait3A_232, %dma_wait3A_233] : memref<32x80xi32, #tpu.memory_space<vmem>> -> memref<1x80xi32, #tpu.memory_space<vmem>>
      %dma_wait3A_235 = tpu.memref_squeeze %dma_wait3A_234 : memref<1x80xi32, #tpu.memory_space<vmem>> -> memref<80xi32, #tpu.memory_space<vmem>>
      %dma_wait3A_236 = arith.constant 0 : i32
      %dma_wait3A_237 = arith.constant 0 : i32
      %dma_wait3A_238 = tpu.memref_slice %arg2[%dma_wait3A_236, %dma_wait3A_237] : memref<10240x128xf32, #tpu.memory_space<hbm>> -> memref<10240x128xf32, #tpu.memory_space<hbm>>
      tpu.wait_indirect_dma semaphore(%arg15 : memref<!tpu.dma_semaphore, #tpu.memory_space<semaphore_mem>>) src(%dma_wait3A_238 : memref<10240x128xf32, #tpu.memory_space<hbm>>) dst(%arg10 : memref<80x128xf32, #tpu.memory_space<vmem>>)
      %mul3A_239 = arith.constant 4 : i32
      %mul3A_240 = arith.muli %mul3A_239, %add3A_177 : i32
      %add3A_241 = arith.constant 2 : i32
      %add3A_242 = arith.addi %mul3A_240, %add3A_241 : i32
      %dma_start3A_243 = arith.constant 0 : i32
      %dma_start3A_244 = tpu.memref_slice %arg7[%add3A_242, %dma_start3A_243] : memref<32x80xi32, #tpu.memory_space<vmem>> -> memref<1x80xi32, #tpu.memory_space<vmem>>
      %dma_start3A_245 = tpu.memref_squeeze %dma_start3A_244 : memref<1x80xi32, #tpu.memory_space<vmem>> -> memref<80xi32, #tpu.memory_space<vmem>>
      %dma_start3A_246 = arith.constant 0 : i32
      %dma_start3A_247 = arith.constant 0 : i32
      %dma_start3A_248 = tpu.memref_slice %arg12[%dma_start3A_246, %dma_start3A_247] : memref<10240x128xf32, #tpu.memory_space<vmem_shared>> -> memref<10240x128xf32, #tpu.memory_space<vmem_shared>>
      tpu.enqueue_indirect_dma source(%arg10 : memref<80x128xf32, #tpu.memory_space<vmem>>) target(%dma_start3A_248 : memref<10240x128xf32, #tpu.memory_space<vmem_shared>>) offsets(%dma_start3A_245 : memref<80xi32, #tpu.memory_space<vmem>>) semaphore(%arg19 : memref<!tpu.dma_semaphore, #tpu.memory_space<semaphore_mem>>) {add = true}
      %dma_wait3A_249 = arith.constant 0 : i32
      %dma_wait3A_250 = arith.constant 0 : i32
      %dma_wait3A_251 = tpu.memref_slice %arg7[%dma_wait3A_249, %dma_wait3A_250] : memref<32x80xi32, #tpu.memory_space<vmem>> -> memref<1x80xi32, #tpu.memory_space<vmem>>
      %dma_wait3A_252 = tpu.memref_squeeze %dma_wait3A_251 : memref<1x80xi32, #tpu.memory_space<vmem>> -> memref<80xi32, #tpu.memory_space<vmem>>
      %dma_wait3A_253 = arith.constant 0 : i32
      %dma_wait3A_254 = arith.constant 0 : i32
      %dma_wait3A_255 = tpu.memref_slice %arg12[%dma_wait3A_253, %dma_wait3A_254] : memref<10240x128xf32, #tpu.memory_space<vmem_shared>> -> memref<10240x128xf32, #tpu.memory_space<vmem_shared>>
      tpu.wait_indirect_dma semaphore(%arg19 : memref<!tpu.dma_semaphore, #tpu.memory_space<semaphore_mem>>) src(%arg10 : memref<80x128xf32, #tpu.memory_space<vmem>>) dst(%dma_wait3A_255 : memref<10240x128xf32, #tpu.memory_space<vmem_shared>>)
      %lt3A_256 = arith.constant 7 : i32
      %lt3A_257 = arith.cmpi slt, %add3A_177, %lt3A_256 : i32
      %convert_element_type3A_258 = arith.extui %lt3A_257 : i1 to i32
      %cond3A_259 = arith.constant 0 : i32
      %cond3A_260 = arith.cmpi ne, %convert_element_type3A_258, %cond3A_259 : i32
      scf.if %cond3A_260 {
        %mul3A_290 = arith.constant 4 : i32
        %mul3A_291 = arith.muli %mul3A_290, %add3A_177 : i32
        %add3A_292 = arith.constant 4 : i32
        %add3A_293 = arith.addi %mul3A_291, %add3A_292 : i32
        %add3A_294 = arith.constant 2 : i32
        %add3A_295 = arith.addi %add3A_293, %add3A_294 : i32
        %dma_start3A_296 = arith.constant 0 : i32
        %dma_start3A_297 = tpu.memref_slice %arg6[%add3A_295, %dma_start3A_296] : memref<32x80xi32, #tpu.memory_space<vmem>> -> memref<1x80xi32, #tpu.memory_space<vmem>>
        %dma_start3A_298 = tpu.memref_squeeze %dma_start3A_297 : memref<1x80xi32, #tpu.memory_space<vmem>> -> memref<80xi32, #tpu.memory_space<vmem>>
        %dma_start3A_299 = arith.constant 0 : i32
        %dma_start3A_300 = arith.constant 0 : i32
        %dma_start3A_301 = tpu.memref_slice %arg2[%dma_start3A_299, %dma_start3A_300] : memref<10240x128xf32, #tpu.memory_space<hbm>> -> memref<10240x128xf32, #tpu.memory_space<hbm>>
        tpu.enqueue_indirect_dma source(%dma_start3A_301 : memref<10240x128xf32, #tpu.memory_space<hbm>>) target(%arg10 : memref<80x128xf32, #tpu.memory_space<vmem>>) offsets(%dma_start3A_298 : memref<80xi32, #tpu.memory_space<vmem>>) semaphore(%arg15 : memref<!tpu.dma_semaphore, #tpu.memory_space<semaphore_mem>>)
      } else {
      }
      %dma_wait3A_261 = arith.constant 0 : i32
      %dma_wait3A_262 = arith.constant 0 : i32
      %dma_wait3A_263 = tpu.memref_slice %arg6[%dma_wait3A_261, %dma_wait3A_262] : memref<32x80xi32, #tpu.memory_space<vmem>> -> memref<1x80xi32, #tpu.memory_space<vmem>>
      %dma_wait3A_264 = tpu.memref_squeeze %dma_wait3A_263 : memref<1x80xi32, #tpu.memory_space<vmem>> -> memref<80xi32, #tpu.memory_space<vmem>>
      %dma_wait3A_265 = arith.constant 0 : i32
      %dma_wait3A_266 = arith.constant 0 : i32
      %dma_wait3A_267 = tpu.memref_slice %arg2[%dma_wait3A_265, %dma_wait3A_266] : memref<10240x128xf32, #tpu.memory_space<hbm>> -> memref<10240x128xf32, #tpu.memory_space<hbm>>
      tpu.wait_indirect_dma semaphore(%arg16 : memref<!tpu.dma_semaphore, #tpu.memory_space<semaphore_mem>>) src(%dma_wait3A_267 : memref<10240x128xf32, #tpu.memory_space<hbm>>) dst(%arg11 : memref<80x128xf32, #tpu.memory_space<vmem>>)
      %mul3A_268 = arith.constant 4 : i32
      %mul3A_269 = arith.muli %mul3A_268, %add3A_177 : i32
      %add3A_270 = arith.constant 3 : i32
      %add3A_271 = arith.addi %mul3A_269, %add3A_270 : i32
      %dma_start3A_272 = arith.constant 0 : i32
      %dma_start3A_273 = tpu.memref_slice %arg7[%add3A_271, %dma_start3A_272] : memref<32x80xi32, #tpu.memory_space<vmem>> -> memref<1x80xi32, #tpu.memory_space<vmem>>
      %dma_start3A_274 = tpu.memref_squeeze %dma_start3A_273 : memref<1x80xi32, #tpu.memory_space<vmem>> -> memref<80xi32, #tpu.memory_space<vmem>>
      %dma_start3A_275 = arith.constant 0 : i32
      %dma_start3A_276 = arith.constant 0 : i32
      %dma_start3A_277 = tpu.memref_slice %arg12[%dma_start3A_275, %dma_start3A_276] : memref<10240x128xf32, #tpu.memory_space<vmem_shared>> -> memref<10240x128xf32, #tpu.memory_space<vmem_shared>>
      tpu.enqueue_indirect_dma source(%arg11 : memref<80x128xf32, #tpu.memory_space<vmem>>) target(%dma_start3A_277 : memref<10240x128xf32, #tpu.memory_space<vmem_shared>>) offsets(%dma_start3A_274 : memref<80xi32, #tpu.memory_space<vmem>>) semaphore(%arg20 : memref<!tpu.dma_semaphore, #tpu.memory_space<semaphore_mem>>) {add = true}
      %dma_wait3A_278 = arith.constant 0 : i32
      %dma_wait3A_279 = arith.constant 0 : i32
      %dma_wait3A_280 = tpu.memref_slice %arg7[%dma_wait3A_278, %dma_wait3A_279] : memref<32x80xi32, #tpu.memory_space<vmem>> -> memref<1x80xi32, #tpu.memory_space<vmem>>
      %dma_wait3A_281 = tpu.memref_squeeze %dma_wait3A_280 : memref<1x80xi32, #tpu.memory_space<vmem>> -> memref<80xi32, #tpu.memory_space<vmem>>
      %dma_wait3A_282 = arith.constant 0 : i32
      %dma_wait3A_283 = arith.constant 0 : i32
      %dma_wait3A_284 = tpu.memref_slice %arg12[%dma_wait3A_282, %dma_wait3A_283] : memref<10240x128xf32, #tpu.memory_space<vmem_shared>> -> memref<10240x128xf32, #tpu.memory_space<vmem_shared>>
      tpu.wait_indirect_dma semaphore(%arg20 : memref<!tpu.dma_semaphore, #tpu.memory_space<semaphore_mem>>) src(%arg11 : memref<80x128xf32, #tpu.memory_space<vmem>>) dst(%dma_wait3A_284 : memref<10240x128xf32, #tpu.memory_space<vmem_shared>>)
      %lt3A_285 = arith.constant 7 : i32
      %lt3A_286 = arith.cmpi slt, %add3A_177, %lt3A_285 : i32
      %convert_element_type3A_287 = arith.extui %lt3A_286 : i1 to i32
      %cond3A_288 = arith.constant 0 : i32
      %cond3A_289 = arith.cmpi ne, %convert_element_type3A_287, %cond3A_288 : i32
      scf.if %cond3A_289 {
        %mul3A_290 = arith.constant 4 : i32
        %mul3A_291 = arith.muli %mul3A_290, %add3A_177 : i32
        %add3A_292 = arith.constant 4 : i32
        %add3A_293 = arith.addi %mul3A_291, %add3A_292 : i32
        %add3A_294 = arith.constant 3 : i32
        %add3A_295 = arith.addi %add3A_293, %add3A_294 : i32
        %dma_start3A_296 = arith.constant 0 : i32
        %dma_start3A_297 = tpu.memref_slice %arg6[%add3A_295, %dma_start3A_296] : memref<32x80xi32, #tpu.memory_space<vmem>> -> memref<1x80xi32, #tpu.memory_space<vmem>>
        %dma_start3A_298 = tpu.memref_squeeze %dma_start3A_297 : memref<1x80xi32, #tpu.memory_space<vmem>> -> memref<80xi32, #tpu.memory_space<vmem>>
        %dma_start3A_299 = arith.constant 0 : i32
        %dma_start3A_300 = arith.constant 0 : i32
        %dma_start3A_301 = tpu.memref_slice %arg2[%dma_start3A_299, %dma_start3A_300] : memref<10240x128xf32, #tpu.memory_space<hbm>> -> memref<10240x128xf32, #tpu.memory_space<hbm>>
        tpu.enqueue_indirect_dma source(%dma_start3A_301 : memref<10240x128xf32, #tpu.memory_space<hbm>>) target(%arg11 : memref<80x128xf32, #tpu.memory_space<vmem>>) offsets(%dma_start3A_298 : memref<80xi32, #tpu.memory_space<vmem>>) semaphore(%arg16 : memref<!tpu.dma_semaphore, #tpu.memory_space<semaphore_mem>>)
      } else {
      }
    }
    %scan3A_101 = arith.constant 8 : i32
    "tpu.region"() ({
      %run_scoped3A = tpu.sem_alloc : memref<!tpu.dma_semaphore, #tpu.memory_space<semaphore_mem>>
      %dma_start3A_173 = arith.constant 64 : i32
      %dma_start3A_174 = arith.constant 0 : i32
      %dma_start3A_175 = tpu.memref_slice %arg3[%add3A, %dma_start3A_173, %dma_start3A_174] : memref<32x128x80xi32, #tpu.memory_space<hbm>> -> memref<1x32x80xi32, #tpu.memory_space<hbm>>
      %dma_start3A_176 = tpu.memref_squeeze %dma_start3A_175 : memref<1x32x80xi32, #tpu.memory_space<hbm>> -> memref<32x80xi32, #tpu.memory_space<hbm>>
      %dma_start3A_177 = arith.constant 64 : i32
      %dma_start3A_178 = arith.constant 0 : i32
      %dma_start3A_179 = tpu.memref_slice %arg3[%add3A, %dma_start3A_177, %dma_start3A_178] : memref<32x128x80xi32, #tpu.memory_space<hbm>> -> memref<1x32x80xi32, #tpu.memory_space<hbm>>
      %dma_start3A_180 = tpu.memref_squeeze %dma_start3A_179 : memref<1x32x80xi32, #tpu.memory_space<hbm>> -> memref<32x80xi32, #tpu.memory_space<hbm>>
      tpu.enqueue_dma source(%dma_start3A_180 : memref<32x80xi32, #tpu.memory_space<hbm>>) target(%arg6 : memref<32x80xi32, #tpu.memory_space<vmem>>) target_semaphore(%run_scoped3A : memref<!tpu.dma_semaphore, #tpu.memory_space<semaphore_mem>>)
      %dma_wait3A = arith.constant 64 : i32
      %dma_wait3A_181 = arith.constant 0 : i32
      %dma_wait3A_182 = tpu.memref_slice %arg3[%add3A, %dma_wait3A, %dma_wait3A_181] : memref<32x128x80xi32, #tpu.memory_space<hbm>> -> memref<1x32x80xi32, #tpu.memory_space<hbm>>
      %dma_wait3A_183 = tpu.memref_squeeze %dma_wait3A_182 : memref<1x32x80xi32, #tpu.memory_space<hbm>> -> memref<32x80xi32, #tpu.memory_space<hbm>>
      %dma_wait3A_184 = arith.constant 64 : i32
      %dma_wait3A_185 = arith.constant 0 : i32
      %dma_wait3A_186 = tpu.memref_slice %arg3[%add3A, %dma_wait3A_184, %dma_wait3A_185] : memref<32x128x80xi32, #tpu.memory_space<hbm>> -> memref<1x32x80xi32, #tpu.memory_space<hbm>>
      %dma_wait3A_187 = tpu.memref_squeeze %dma_wait3A_186 : memref<1x32x80xi32, #tpu.memory_space<hbm>> -> memref<32x80xi32, #tpu.memory_space<hbm>>
      tpu.wait_dma2 semaphore(%run_scoped3A : memref<!tpu.dma_semaphore, #tpu.memory_space<semaphore_mem>>) src(%dma_wait3A_187 : memref<32x80xi32, #tpu.memory_space<hbm>>) dst(%arg6 : memref<32x80xi32, #tpu.memory_space<vmem>>)
      tpu.yield
    }) : () -> ()
    "tpu.region"() ({
      %run_scoped3A = tpu.sem_alloc : memref<!tpu.dma_semaphore, #tpu.memory_space<semaphore_mem>>
      %dma_start3A_173 = arith.constant 64 : i32
      %dma_start3A_174 = arith.constant 0 : i32
      %dma_start3A_175 = tpu.memref_slice %arg4[%add3A, %dma_start3A_173, %dma_start3A_174] : memref<32x128x80xi32, #tpu.memory_space<hbm>> -> memref<1x32x80xi32, #tpu.memory_space<hbm>>
      %dma_start3A_176 = tpu.memref_squeeze %dma_start3A_175 : memref<1x32x80xi32, #tpu.memory_space<hbm>> -> memref<32x80xi32, #tpu.memory_space<hbm>>
      %dma_start3A_177 = arith.constant 64 : i32
      %dma_start3A_178 = arith.constant 0 : i32
      %dma_start3A_179 = tpu.memref_slice %arg4[%add3A, %dma_start3A_177, %dma_start3A_178] : memref<32x128x80xi32, #tpu.memory_space<hbm>> -> memref<1x32x80xi32, #tpu.memory_space<hbm>>
      %dma_start3A_180 = tpu.memref_squeeze %dma_start3A_179 : memref<1x32x80xi32, #tpu.memory_space<hbm>> -> memref<32x80xi32, #tpu.memory_space<hbm>>
      tpu.enqueue_dma source(%dma_start3A_180 : memref<32x80xi32, #tpu.memory_space<hbm>>) target(%arg7 : memref<32x80xi32, #tpu.memory_space<vmem>>) target_semaphore(%run_scoped3A : memref<!tpu.dma_semaphore, #tpu.memory_space<semaphore_mem>>)
      %dma_wait3A = arith.constant 64 : i32
      %dma_wait3A_181 = arith.constant 0 : i32
      %dma_wait3A_182 = tpu.memref_slice %arg4[%add3A, %dma_wait3A, %dma_wait3A_181] : memref<32x128x80xi32, #tpu.memory_space<hbm>> -> memref<1x32x80xi32, #tpu.memory_space<hbm>>
      %dma_wait3A_183 = tpu.memref_squeeze %dma_wait3A_182 : memref<1x32x80xi32, #tpu.memory_space<hbm>> -> memref<32x80xi32, #tpu.memory_space<hbm>>
      %dma_wait3A_184 = arith.constant 64 : i32
      %dma_wait3A_185 = arith.constant 0 : i32
      %dma_wait3A_186 = tpu.memref_slice %arg4[%add3A, %dma_wait3A_184, %dma_wait3A_185] : memref<32x128x80xi32, #tpu.memory_space<hbm>> -> memref<1x32x80xi32, #tpu.memory_space<hbm>>
      %dma_wait3A_187 = tpu.memref_squeeze %dma_wait3A_186 : memref<1x32x80xi32, #tpu.memory_space<hbm>> -> memref<32x80xi32, #tpu.memory_space<hbm>>
      tpu.wait_dma2 semaphore(%run_scoped3A : memref<!tpu.dma_semaphore, #tpu.memory_space<semaphore_mem>>) src(%dma_wait3A_187 : memref<32x80xi32, #tpu.memory_space<hbm>>) dst(%arg7 : memref<32x80xi32, #tpu.memory_space<vmem>>)
      tpu.yield
    }) : () -> ()
    %dma_start3A_102 = arith.constant 0 : i32
    %dma_start3A_103 = arith.constant 0 : i32
    %dma_start3A_104 = tpu.memref_slice %arg6[%dma_start3A_102, %dma_start3A_103] : memref<32x80xi32, #tpu.memory_space<vmem>> -> memref<1x80xi32, #tpu.memory_space<vmem>>
    %dma_start3A_105 = tpu.memref_squeeze %dma_start3A_104 : memref<1x80xi32, #tpu.memory_space<vmem>> -> memref<80xi32, #tpu.memory_space<vmem>>
    %dma_start3A_106 = arith.constant 0 : i32
    %dma_start3A_107 = arith.constant 0 : i32
    %dma_start3A_108 = tpu.memref_slice %arg2[%dma_start3A_106, %dma_start3A_107] : memref<10240x128xf32, #tpu.memory_space<hbm>> -> memref<10240x128xf32, #tpu.memory_space<hbm>>
    tpu.enqueue_indirect_dma source(%dma_start3A_108 : memref<10240x128xf32, #tpu.memory_space<hbm>>) target(%arg8 : memref<80x128xf32, #tpu.memory_space<vmem>>) offsets(%dma_start3A_105 : memref<80xi32, #tpu.memory_space<vmem>>) semaphore(%arg13 : memref<!tpu.dma_semaphore, #tpu.memory_space<semaphore_mem>>)
    %dma_start3A_109 = arith.constant 1 : i32
    %dma_start3A_110 = arith.constant 0 : i32
    %dma_start3A_111 = tpu.memref_slice %arg6[%dma_start3A_109, %dma_start3A_110] : memref<32x80xi32, #tpu.memory_space<vmem>> -> memref<1x80xi32, #tpu.memory_space<vmem>>
    %dma_start3A_112 = tpu.memref_squeeze %dma_start3A_111 : memref<1x80xi32, #tpu.memory_space<vmem>> -> memref<80xi32, #tpu.memory_space<vmem>>
    %dma_start3A_113 = arith.constant 0 : i32
    %dma_start3A_114 = arith.constant 0 : i32
    %dma_start3A_115 = tpu.memref_slice %arg2[%dma_start3A_113, %dma_start3A_114] : memref<10240x128xf32, #tpu.memory_space<hbm>> -> memref<10240x128xf32, #tpu.memory_space<hbm>>
    tpu.enqueue_indirect_dma source(%dma_start3A_115 : memref<10240x128xf32, #tpu.memory_space<hbm>>) target(%arg9 : memref<80x128xf32, #tpu.memory_space<vmem>>) offsets(%dma_start3A_112 : memref<80xi32, #tpu.memory_space<vmem>>) semaphore(%arg14 : memref<!tpu.dma_semaphore, #tpu.memory_space<semaphore_mem>>)
    %dma_start3A_116 = arith.constant 2 : i32
    %dma_start3A_117 = arith.constant 0 : i32
    %dma_start3A_118 = tpu.memref_slice %arg6[%dma_start3A_116, %dma_start3A_117] : memref<32x80xi32, #tpu.memory_space<vmem>> -> memref<1x80xi32, #tpu.memory_space<vmem>>
    %dma_start3A_119 = tpu.memref_squeeze %dma_start3A_118 : memref<1x80xi32, #tpu.memory_space<vmem>> -> memref<80xi32, #tpu.memory_space<vmem>>
    %dma_start3A_120 = arith.constant 0 : i32
    %dma_start3A_121 = arith.constant 0 : i32
    %dma_start3A_122 = tpu.memref_slice %arg2[%dma_start3A_120, %dma_start3A_121] : memref<10240x128xf32, #tpu.memory_space<hbm>> -> memref<10240x128xf32, #tpu.memory_space<hbm>>
    tpu.enqueue_indirect_dma source(%dma_start3A_122 : memref<10240x128xf32, #tpu.memory_space<hbm>>) target(%arg10 : memref<80x128xf32, #tpu.memory_space<vmem>>) offsets(%dma_start3A_119 : memref<80xi32, #tpu.memory_space<vmem>>) semaphore(%arg15 : memref<!tpu.dma_semaphore, #tpu.memory_space<semaphore_mem>>)
    %dma_start3A_123 = arith.constant 3 : i32
    %dma_start3A_124 = arith.constant 0 : i32
    %dma_start3A_125 = tpu.memref_slice %arg6[%dma_start3A_123, %dma_start3A_124] : memref<32x80xi32, #tpu.memory_space<vmem>> -> memref<1x80xi32, #tpu.memory_space<vmem>>
    %dma_start3A_126 = tpu.memref_squeeze %dma_start3A_125 : memref<1x80xi32, #tpu.memory_space<vmem>> -> memref<80xi32, #tpu.memory_space<vmem>>
    %dma_start3A_127 = arith.constant 0 : i32
    %dma_start3A_128 = arith.constant 0 : i32
    %dma_start3A_129 = tpu.memref_slice %arg2[%dma_start3A_127, %dma_start3A_128] : memref<10240x128xf32, #tpu.memory_space<hbm>> -> memref<10240x128xf32, #tpu.memory_space<hbm>>
    tpu.enqueue_indirect_dma source(%dma_start3A_129 : memref<10240x128xf32, #tpu.memory_space<hbm>>) target(%arg11 : memref<80x128xf32, #tpu.memory_space<vmem>>) offsets(%dma_start3A_126 : memref<80xi32, #tpu.memory_space<vmem>>) semaphore(%arg16 : memref<!tpu.dma_semaphore, #tpu.memory_space<semaphore_mem>>)
    %scan3A_130 = arith.constant 0 : i32
    %scan3A_131 = arith.constant 8 : i32
    %scan3A_132 = arith.addi %scan3A_130, %scan3A_131 : i32
    %scan3A_133 = arith.constant 1 : i32
    scf.for %scan3A_173 = %scan3A_130 to %scan3A_132 step %scan3A_133  : i32 {
      %mul3A_174 = arith.constant 1 : i32
      %mul3A_175 = arith.muli %scan3A_173, %mul3A_174 : i32
      %add3A_176 = arith.constant 0 : i32
      %add3A_177 = arith.addi %add3A_176, %mul3A_175 : i32
      %dma_wait3A = arith.constant 0 : i32
      %dma_wait3A_178 = arith.constant 0 : i32
      %dma_wait3A_179 = tpu.memref_slice %arg6[%dma_wait3A, %dma_wait3A_178] : memref<32x80xi32, #tpu.memory_space<vmem>> -> memref<1x80xi32, #tpu.memory_space<vmem>>
      %dma_wait3A_180 = tpu.memref_squeeze %dma_wait3A_179 : memref<1x80xi32, #tpu.memory_space<vmem>> -> memref<80xi32, #tpu.memory_space<vmem>>
      %dma_wait3A_181 = arith.constant 0 : i32
      %dma_wait3A_182 = arith.constant 0 : i32
      %dma_wait3A_183 = tpu.memref_slice %arg2[%dma_wait3A_181, %dma_wait3A_182] : memref<10240x128xf32, #tpu.memory_space<hbm>> -> memref<10240x128xf32, #tpu.memory_space<hbm>>
      tpu.wait_indirect_dma semaphore(%arg13 : memref<!tpu.dma_semaphore, #tpu.memory_space<semaphore_mem>>) src(%dma_wait3A_183 : memref<10240x128xf32, #tpu.memory_space<hbm>>) dst(%arg8 : memref<80x128xf32, #tpu.memory_space<vmem>>)
      %mul3A_184 = arith.constant 4 : i32
      %mul3A_185 = arith.muli %mul3A_184, %add3A_177 : i32
      %add3A_186 = arith.constant 0 : i32
      %add3A_187 = arith.addi %mul3A_185, %add3A_186 : i32
      %dma_start3A_188 = arith.constant 0 : i32
      %dma_start3A_189 = tpu.memref_slice %arg7[%add3A_187, %dma_start3A_188] : memref<32x80xi32, #tpu.memory_space<vmem>> -> memref<1x80xi32, #tpu.memory_space<vmem>>
      %dma_start3A_190 = tpu.memref_squeeze %dma_start3A_189 : memref<1x80xi32, #tpu.memory_space<vmem>> -> memref<80xi32, #tpu.memory_space<vmem>>
      %dma_start3A_191 = arith.constant 0 : i32
      %dma_start3A_192 = arith.constant 0 : i32
      %dma_start3A_193 = tpu.memref_slice %arg12[%dma_start3A_191, %dma_start3A_192] : memref<10240x128xf32, #tpu.memory_space<vmem_shared>> -> memref<10240x128xf32, #tpu.memory_space<vmem_shared>>
      tpu.enqueue_indirect_dma source(%arg8 : memref<80x128xf32, #tpu.memory_space<vmem>>) target(%dma_start3A_193 : memref<10240x128xf32, #tpu.memory_space<vmem_shared>>) offsets(%dma_start3A_190 : memref<80xi32, #tpu.memory_space<vmem>>) semaphore(%arg17 : memref<!tpu.dma_semaphore, #tpu.memory_space<semaphore_mem>>) {add = true}
      %dma_wait3A_194 = arith.constant 0 : i32
      %dma_wait3A_195 = arith.constant 0 : i32
      %dma_wait3A_196 = tpu.memref_slice %arg7[%dma_wait3A_194, %dma_wait3A_195] : memref<32x80xi32, #tpu.memory_space<vmem>> -> memref<1x80xi32, #tpu.memory_space<vmem>>
      %dma_wait3A_197 = tpu.memref_squeeze %dma_wait3A_196 : memref<1x80xi32, #tpu.memory_space<vmem>> -> memref<80xi32, #tpu.memory_space<vmem>>
      %dma_wait3A_198 = arith.constant 0 : i32
      %dma_wait3A_199 = arith.constant 0 : i32
      %dma_wait3A_200 = tpu.memref_slice %arg12[%dma_wait3A_198, %dma_wait3A_199] : memref<10240x128xf32, #tpu.memory_space<vmem_shared>> -> memref<10240x128xf32, #tpu.memory_space<vmem_shared>>
      tpu.wait_indirect_dma semaphore(%arg17 : memref<!tpu.dma_semaphore, #tpu.memory_space<semaphore_mem>>) src(%arg8 : memref<80x128xf32, #tpu.memory_space<vmem>>) dst(%dma_wait3A_200 : memref<10240x128xf32, #tpu.memory_space<vmem_shared>>)
      %lt3A = arith.constant 7 : i32
      %lt3A_201 = arith.cmpi slt, %add3A_177, %lt3A : i32
      %convert_element_type3A = arith.extui %lt3A_201 : i1 to i32
      %cond3A = arith.constant 0 : i32
      %cond3A_202 = arith.cmpi ne, %convert_element_type3A, %cond3A : i32
      scf.if %cond3A_202 {
        %mul3A_290 = arith.constant 4 : i32
        %mul3A_291 = arith.muli %mul3A_290, %add3A_177 : i32
        %add3A_292 = arith.constant 4 : i32
        %add3A_293 = arith.addi %mul3A_291, %add3A_292 : i32
        %add3A_294 = arith.constant 0 : i32
        %add3A_295 = arith.addi %add3A_293, %add3A_294 : i32
        %dma_start3A_296 = arith.constant 0 : i32
        %dma_start3A_297 = tpu.memref_slice %arg6[%add3A_295, %dma_start3A_296] : memref<32x80xi32, #tpu.memory_space<vmem>> -> memref<1x80xi32, #tpu.memory_space<vmem>>
        %dma_start3A_298 = tpu.memref_squeeze %dma_start3A_297 : memref<1x80xi32, #tpu.memory_space<vmem>> -> memref<80xi32, #tpu.memory_space<vmem>>
        %dma_start3A_299 = arith.constant 0 : i32
        %dma_start3A_300 = arith.constant 0 : i32
        %dma_start3A_301 = tpu.memref_slice %arg2[%dma_start3A_299, %dma_start3A_300] : memref<10240x128xf32, #tpu.memory_space<hbm>> -> memref<10240x128xf32, #tpu.memory_space<hbm>>
        tpu.enqueue_indirect_dma source(%dma_start3A_301 : memref<10240x128xf32, #tpu.memory_space<hbm>>) target(%arg8 : memref<80x128xf32, #tpu.memory_space<vmem>>) offsets(%dma_start3A_298 : memref<80xi32, #tpu.memory_space<vmem>>) semaphore(%arg13 : memref<!tpu.dma_semaphore, #tpu.memory_space<semaphore_mem>>)
      } else {
      }
      %dma_wait3A_203 = arith.constant 0 : i32
      %dma_wait3A_204 = arith.constant 0 : i32
      %dma_wait3A_205 = tpu.memref_slice %arg6[%dma_wait3A_203, %dma_wait3A_204] : memref<32x80xi32, #tpu.memory_space<vmem>> -> memref<1x80xi32, #tpu.memory_space<vmem>>
      %dma_wait3A_206 = tpu.memref_squeeze %dma_wait3A_205 : memref<1x80xi32, #tpu.memory_space<vmem>> -> memref<80xi32, #tpu.memory_space<vmem>>
      %dma_wait3A_207 = arith.constant 0 : i32
      %dma_wait3A_208 = arith.constant 0 : i32
      %dma_wait3A_209 = tpu.memref_slice %arg2[%dma_wait3A_207, %dma_wait3A_208] : memref<10240x128xf32, #tpu.memory_space<hbm>> -> memref<10240x128xf32, #tpu.memory_space<hbm>>
      tpu.wait_indirect_dma semaphore(%arg14 : memref<!tpu.dma_semaphore, #tpu.memory_space<semaphore_mem>>) src(%dma_wait3A_209 : memref<10240x128xf32, #tpu.memory_space<hbm>>) dst(%arg9 : memref<80x128xf32, #tpu.memory_space<vmem>>)
      %mul3A_210 = arith.constant 4 : i32
      %mul3A_211 = arith.muli %mul3A_210, %add3A_177 : i32
      %add3A_212 = arith.constant 1 : i32
      %add3A_213 = arith.addi %mul3A_211, %add3A_212 : i32
      %dma_start3A_214 = arith.constant 0 : i32
      %dma_start3A_215 = tpu.memref_slice %arg7[%add3A_213, %dma_start3A_214] : memref<32x80xi32, #tpu.memory_space<vmem>> -> memref<1x80xi32, #tpu.memory_space<vmem>>
      %dma_start3A_216 = tpu.memref_squeeze %dma_start3A_215 : memref<1x80xi32, #tpu.memory_space<vmem>> -> memref<80xi32, #tpu.memory_space<vmem>>
      %dma_start3A_217 = arith.constant 0 : i32
      %dma_start3A_218 = arith.constant 0 : i32
      %dma_start3A_219 = tpu.memref_slice %arg12[%dma_start3A_217, %dma_start3A_218] : memref<10240x128xf32, #tpu.memory_space<vmem_shared>> -> memref<10240x128xf32, #tpu.memory_space<vmem_shared>>
      tpu.enqueue_indirect_dma source(%arg9 : memref<80x128xf32, #tpu.memory_space<vmem>>) target(%dma_start3A_219 : memref<10240x128xf32, #tpu.memory_space<vmem_shared>>) offsets(%dma_start3A_216 : memref<80xi32, #tpu.memory_space<vmem>>) semaphore(%arg18 : memref<!tpu.dma_semaphore, #tpu.memory_space<semaphore_mem>>) {add = true}
      %dma_wait3A_220 = arith.constant 0 : i32
      %dma_wait3A_221 = arith.constant 0 : i32
      %dma_wait3A_222 = tpu.memref_slice %arg7[%dma_wait3A_220, %dma_wait3A_221] : memref<32x80xi32, #tpu.memory_space<vmem>> -> memref<1x80xi32, #tpu.memory_space<vmem>>
      %dma_wait3A_223 = tpu.memref_squeeze %dma_wait3A_222 : memref<1x80xi32, #tpu.memory_space<vmem>> -> memref<80xi32, #tpu.memory_space<vmem>>
      %dma_wait3A_224 = arith.constant 0 : i32
      %dma_wait3A_225 = arith.constant 0 : i32
      %dma_wait3A_226 = tpu.memref_slice %arg12[%dma_wait3A_224, %dma_wait3A_225] : memref<10240x128xf32, #tpu.memory_space<vmem_shared>> -> memref<10240x128xf32, #tpu.memory_space<vmem_shared>>
      tpu.wait_indirect_dma semaphore(%arg18 : memref<!tpu.dma_semaphore, #tpu.memory_space<semaphore_mem>>) src(%arg9 : memref<80x128xf32, #tpu.memory_space<vmem>>) dst(%dma_wait3A_226 : memref<10240x128xf32, #tpu.memory_space<vmem_shared>>)
      %lt3A_227 = arith.constant 7 : i32
      %lt3A_228 = arith.cmpi slt, %add3A_177, %lt3A_227 : i32
      %convert_element_type3A_229 = arith.extui %lt3A_228 : i1 to i32
      %cond3A_230 = arith.constant 0 : i32
      %cond3A_231 = arith.cmpi ne, %convert_element_type3A_229, %cond3A_230 : i32
      scf.if %cond3A_231 {
        %mul3A_290 = arith.constant 4 : i32
        %mul3A_291 = arith.muli %mul3A_290, %add3A_177 : i32
        %add3A_292 = arith.constant 4 : i32
        %add3A_293 = arith.addi %mul3A_291, %add3A_292 : i32
        %add3A_294 = arith.constant 1 : i32
        %add3A_295 = arith.addi %add3A_293, %add3A_294 : i32
        %dma_start3A_296 = arith.constant 0 : i32
        %dma_start3A_297 = tpu.memref_slice %arg6[%add3A_295, %dma_start3A_296] : memref<32x80xi32, #tpu.memory_space<vmem>> -> memref<1x80xi32, #tpu.memory_space<vmem>>
        %dma_start3A_298 = tpu.memref_squeeze %dma_start3A_297 : memref<1x80xi32, #tpu.memory_space<vmem>> -> memref<80xi32, #tpu.memory_space<vmem>>
        %dma_start3A_299 = arith.constant 0 : i32
        %dma_start3A_300 = arith.constant 0 : i32
        %dma_start3A_301 = tpu.memref_slice %arg2[%dma_start3A_299, %dma_start3A_300] : memref<10240x128xf32, #tpu.memory_space<hbm>> -> memref<10240x128xf32, #tpu.memory_space<hbm>>
        tpu.enqueue_indirect_dma source(%dma_start3A_301 : memref<10240x128xf32, #tpu.memory_space<hbm>>) target(%arg9 : memref<80x128xf32, #tpu.memory_space<vmem>>) offsets(%dma_start3A_298 : memref<80xi32, #tpu.memory_space<vmem>>) semaphore(%arg14 : memref<!tpu.dma_semaphore, #tpu.memory_space<semaphore_mem>>)
      } else {
      }
      %dma_wait3A_232 = arith.constant 0 : i32
      %dma_wait3A_233 = arith.constant 0 : i32
      %dma_wait3A_234 = tpu.memref_slice %arg6[%dma_wait3A_232, %dma_wait3A_233] : memref<32x80xi32, #tpu.memory_space<vmem>> -> memref<1x80xi32, #tpu.memory_space<vmem>>
      %dma_wait3A_235 = tpu.memref_squeeze %dma_wait3A_234 : memref<1x80xi32, #tpu.memory_space<vmem>> -> memref<80xi32, #tpu.memory_space<vmem>>
      %dma_wait3A_236 = arith.constant 0 : i32
      %dma_wait3A_237 = arith.constant 0 : i32
      %dma_wait3A_238 = tpu.memref_slice %arg2[%dma_wait3A_236, %dma_wait3A_237] : memref<10240x128xf32, #tpu.memory_space<hbm>> -> memref<10240x128xf32, #tpu.memory_space<hbm>>
      tpu.wait_indirect_dma semaphore(%arg15 : memref<!tpu.dma_semaphore, #tpu.memory_space<semaphore_mem>>) src(%dma_wait3A_238 : memref<10240x128xf32, #tpu.memory_space<hbm>>) dst(%arg10 : memref<80x128xf32, #tpu.memory_space<vmem>>)
      %mul3A_239 = arith.constant 4 : i32
      %mul3A_240 = arith.muli %mul3A_239, %add3A_177 : i32
      %add3A_241 = arith.constant 2 : i32
      %add3A_242 = arith.addi %mul3A_240, %add3A_241 : i32
      %dma_start3A_243 = arith.constant 0 : i32
      %dma_start3A_244 = tpu.memref_slice %arg7[%add3A_242, %dma_start3A_243] : memref<32x80xi32, #tpu.memory_space<vmem>> -> memref<1x80xi32, #tpu.memory_space<vmem>>
      %dma_start3A_245 = tpu.memref_squeeze %dma_start3A_244 : memref<1x80xi32, #tpu.memory_space<vmem>> -> memref<80xi32, #tpu.memory_space<vmem>>
      %dma_start3A_246 = arith.constant 0 : i32
      %dma_start3A_247 = arith.constant 0 : i32
      %dma_start3A_248 = tpu.memref_slice %arg12[%dma_start3A_246, %dma_start3A_247] : memref<10240x128xf32, #tpu.memory_space<vmem_shared>> -> memref<10240x128xf32, #tpu.memory_space<vmem_shared>>
      tpu.enqueue_indirect_dma source(%arg10 : memref<80x128xf32, #tpu.memory_space<vmem>>) target(%dma_start3A_248 : memref<10240x128xf32, #tpu.memory_space<vmem_shared>>) offsets(%dma_start3A_245 : memref<80xi32, #tpu.memory_space<vmem>>) semaphore(%arg19 : memref<!tpu.dma_semaphore, #tpu.memory_space<semaphore_mem>>) {add = true}
      %dma_wait3A_249 = arith.constant 0 : i32
      %dma_wait3A_250 = arith.constant 0 : i32
      %dma_wait3A_251 = tpu.memref_slice %arg7[%dma_wait3A_249, %dma_wait3A_250] : memref<32x80xi32, #tpu.memory_space<vmem>> -> memref<1x80xi32, #tpu.memory_space<vmem>>
      %dma_wait3A_252 = tpu.memref_squeeze %dma_wait3A_251 : memref<1x80xi32, #tpu.memory_space<vmem>> -> memref<80xi32, #tpu.memory_space<vmem>>
      %dma_wait3A_253 = arith.constant 0 : i32
      %dma_wait3A_254 = arith.constant 0 : i32
      %dma_wait3A_255 = tpu.memref_slice %arg12[%dma_wait3A_253, %dma_wait3A_254] : memref<10240x128xf32, #tpu.memory_space<vmem_shared>> -> memref<10240x128xf32, #tpu.memory_space<vmem_shared>>
      tpu.wait_indirect_dma semaphore(%arg19 : memref<!tpu.dma_semaphore, #tpu.memory_space<semaphore_mem>>) src(%arg10 : memref<80x128xf32, #tpu.memory_space<vmem>>) dst(%dma_wait3A_255 : memref<10240x128xf32, #tpu.memory_space<vmem_shared>>)
      %lt3A_256 = arith.constant 7 : i32
      %lt3A_257 = arith.cmpi slt, %add3A_177, %lt3A_256 : i32
      %convert_element_type3A_258 = arith.extui %lt3A_257 : i1 to i32
      %cond3A_259 = arith.constant 0 : i32
      %cond3A_260 = arith.cmpi ne, %convert_element_type3A_258, %cond3A_259 : i32
      scf.if %cond3A_260 {
        %mul3A_290 = arith.constant 4 : i32
        %mul3A_291 = arith.muli %mul3A_290, %add3A_177 : i32
        %add3A_292 = arith.constant 4 : i32
        %add3A_293 = arith.addi %mul3A_291, %add3A_292 : i32
        %add3A_294 = arith.constant 2 : i32
        %add3A_295 = arith.addi %add3A_293, %add3A_294 : i32
        %dma_start3A_296 = arith.constant 0 : i32
        %dma_start3A_297 = tpu.memref_slice %arg6[%add3A_295, %dma_start3A_296] : memref<32x80xi32, #tpu.memory_space<vmem>> -> memref<1x80xi32, #tpu.memory_space<vmem>>
        %dma_start3A_298 = tpu.memref_squeeze %dma_start3A_297 : memref<1x80xi32, #tpu.memory_space<vmem>> -> memref<80xi32, #tpu.memory_space<vmem>>
        %dma_start3A_299 = arith.constant 0 : i32
        %dma_start3A_300 = arith.constant 0 : i32
        %dma_start3A_301 = tpu.memref_slice %arg2[%dma_start3A_299, %dma_start3A_300] : memref<10240x128xf32, #tpu.memory_space<hbm>> -> memref<10240x128xf32, #tpu.memory_space<hbm>>
        tpu.enqueue_indirect_dma source(%dma_start3A_301 : memref<10240x128xf32, #tpu.memory_space<hbm>>) target(%arg10 : memref<80x128xf32, #tpu.memory_space<vmem>>) offsets(%dma_start3A_298 : memref<80xi32, #tpu.memory_space<vmem>>) semaphore(%arg15 : memref<!tpu.dma_semaphore, #tpu.memory_space<semaphore_mem>>)
      } else {
      }
      %dma_wait3A_261 = arith.constant 0 : i32
      %dma_wait3A_262 = arith.constant 0 : i32
      %dma_wait3A_263 = tpu.memref_slice %arg6[%dma_wait3A_261, %dma_wait3A_262] : memref<32x80xi32, #tpu.memory_space<vmem>> -> memref<1x80xi32, #tpu.memory_space<vmem>>
      %dma_wait3A_264 = tpu.memref_squeeze %dma_wait3A_263 : memref<1x80xi32, #tpu.memory_space<vmem>> -> memref<80xi32, #tpu.memory_space<vmem>>
      %dma_wait3A_265 = arith.constant 0 : i32
      %dma_wait3A_266 = arith.constant 0 : i32
      %dma_wait3A_267 = tpu.memref_slice %arg2[%dma_wait3A_265, %dma_wait3A_266] : memref<10240x128xf32, #tpu.memory_space<hbm>> -> memref<10240x128xf32, #tpu.memory_space<hbm>>
      tpu.wait_indirect_dma semaphore(%arg16 : memref<!tpu.dma_semaphore, #tpu.memory_space<semaphore_mem>>) src(%dma_wait3A_267 : memref<10240x128xf32, #tpu.memory_space<hbm>>) dst(%arg11 : memref<80x128xf32, #tpu.memory_space<vmem>>)
      %mul3A_268 = arith.constant 4 : i32
      %mul3A_269 = arith.muli %mul3A_268, %add3A_177 : i32
      %add3A_270 = arith.constant 3 : i32
      %add3A_271 = arith.addi %mul3A_269, %add3A_270 : i32
      %dma_start3A_272 = arith.constant 0 : i32
      %dma_start3A_273 = tpu.memref_slice %arg7[%add3A_271, %dma_start3A_272] : memref<32x80xi32, #tpu.memory_space<vmem>> -> memref<1x80xi32, #tpu.memory_space<vmem>>
      %dma_start3A_274 = tpu.memref_squeeze %dma_start3A_273 : memref<1x80xi32, #tpu.memory_space<vmem>> -> memref<80xi32, #tpu.memory_space<vmem>>
      %dma_start3A_275 = arith.constant 0 : i32
      %dma_start3A_276 = arith.constant 0 : i32
      %dma_start3A_277 = tpu.memref_slice %arg12[%dma_start3A_275, %dma_start3A_276] : memref<10240x128xf32, #tpu.memory_space<vmem_shared>> -> memref<10240x128xf32, #tpu.memory_space<vmem_shared>>
      tpu.enqueue_indirect_dma source(%arg11 : memref<80x128xf32, #tpu.memory_space<vmem>>) target(%dma_start3A_277 : memref<10240x128xf32, #tpu.memory_space<vmem_shared>>) offsets(%dma_start3A_274 : memref<80xi32, #tpu.memory_space<vmem>>) semaphore(%arg20 : memref<!tpu.dma_semaphore, #tpu.memory_space<semaphore_mem>>) {add = true}
      %dma_wait3A_278 = arith.constant 0 : i32
      %dma_wait3A_279 = arith.constant 0 : i32
      %dma_wait3A_280 = tpu.memref_slice %arg7[%dma_wait3A_278, %dma_wait3A_279] : memref<32x80xi32, #tpu.memory_space<vmem>> -> memref<1x80xi32, #tpu.memory_space<vmem>>
      %dma_wait3A_281 = tpu.memref_squeeze %dma_wait3A_280 : memref<1x80xi32, #tpu.memory_space<vmem>> -> memref<80xi32, #tpu.memory_space<vmem>>
      %dma_wait3A_282 = arith.constant 0 : i32
      %dma_wait3A_283 = arith.constant 0 : i32
      %dma_wait3A_284 = tpu.memref_slice %arg12[%dma_wait3A_282, %dma_wait3A_283] : memref<10240x128xf32, #tpu.memory_space<vmem_shared>> -> memref<10240x128xf32, #tpu.memory_space<vmem_shared>>
      tpu.wait_indirect_dma semaphore(%arg20 : memref<!tpu.dma_semaphore, #tpu.memory_space<semaphore_mem>>) src(%arg11 : memref<80x128xf32, #tpu.memory_space<vmem>>) dst(%dma_wait3A_284 : memref<10240x128xf32, #tpu.memory_space<vmem_shared>>)
      %lt3A_285 = arith.constant 7 : i32
      %lt3A_286 = arith.cmpi slt, %add3A_177, %lt3A_285 : i32
      %convert_element_type3A_287 = arith.extui %lt3A_286 : i1 to i32
      %cond3A_288 = arith.constant 0 : i32
      %cond3A_289 = arith.cmpi ne, %convert_element_type3A_287, %cond3A_288 : i32
      scf.if %cond3A_289 {
        %mul3A_290 = arith.constant 4 : i32
        %mul3A_291 = arith.muli %mul3A_290, %add3A_177 : i32
        %add3A_292 = arith.constant 4 : i32
        %add3A_293 = arith.addi %mul3A_291, %add3A_292 : i32
        %add3A_294 = arith.constant 3 : i32
        %add3A_295 = arith.addi %add3A_293, %add3A_294 : i32
        %dma_start3A_296 = arith.constant 0 : i32
        %dma_start3A_297 = tpu.memref_slice %arg6[%add3A_295, %dma_start3A_296] : memref<32x80xi32, #tpu.memory_space<vmem>> -> memref<1x80xi32, #tpu.memory_space<vmem>>
        %dma_start3A_298 = tpu.memref_squeeze %dma_start3A_297 : memref<1x80xi32, #tpu.memory_space<vmem>> -> memref<80xi32, #tpu.memory_space<vmem>>
        %dma_start3A_299 = arith.constant 0 : i32
        %dma_start3A_300 = arith.constant 0 : i32
        %dma_start3A_301 = tpu.memref_slice %arg2[%dma_start3A_299, %dma_start3A_300] : memref<10240x128xf32, #tpu.memory_space<hbm>> -> memref<10240x128xf32, #tpu.memory_space<hbm>>
        tpu.enqueue_indirect_dma source(%dma_start3A_301 : memref<10240x128xf32, #tpu.memory_space<hbm>>) target(%arg11 : memref<80x128xf32, #tpu.memory_space<vmem>>) offsets(%dma_start3A_298 : memref<80xi32, #tpu.memory_space<vmem>>) semaphore(%arg16 : memref<!tpu.dma_semaphore, #tpu.memory_space<semaphore_mem>>)
      } else {
      }
    }
    %scan3A_134 = arith.constant 8 : i32
    "tpu.region"() ({
      %run_scoped3A = tpu.sem_alloc : memref<!tpu.dma_semaphore, #tpu.memory_space<semaphore_mem>>
      %dma_start3A_173 = arith.constant 96 : i32
      %dma_start3A_174 = arith.constant 0 : i32
      %dma_start3A_175 = tpu.memref_slice %arg3[%add3A, %dma_start3A_173, %dma_start3A_174] : memref<32x128x80xi32, #tpu.memory_space<hbm>> -> memref<1x32x80xi32, #tpu.memory_space<hbm>>
      %dma_start3A_176 = tpu.memref_squeeze %dma_start3A_175 : memref<1x32x80xi32, #tpu.memory_space<hbm>> -> memref<32x80xi32, #tpu.memory_space<hbm>>
      %dma_start3A_177 = arith.constant 96 : i32
      %dma_start3A_178 = arith.constant 0 : i32
      %dma_start3A_179 = tpu.memref_slice %arg3[%add3A, %dma_start3A_177, %dma_start3A_178] : memref<32x128x80xi32, #tpu.memory_space<hbm>> -> memref<1x32x80xi32, #tpu.memory_space<hbm>>
      %dma_start3A_180 = tpu.memref_squeeze %dma_start3A_179 : memref<1x32x80xi32, #tpu.memory_space<hbm>> -> memref<32x80xi32, #tpu.memory_space<hbm>>
      tpu.enqueue_dma source(%dma_start3A_180 : memref<32x80xi32, #tpu.memory_space<hbm>>) target(%arg6 : memref<32x80xi32, #tpu.memory_space<vmem>>) target_semaphore(%run_scoped3A : memref<!tpu.dma_semaphore, #tpu.memory_space<semaphore_mem>>)
      %dma_wait3A = arith.constant 96 : i32
      %dma_wait3A_181 = arith.constant 0 : i32
      %dma_wait3A_182 = tpu.memref_slice %arg3[%add3A, %dma_wait3A, %dma_wait3A_181] : memref<32x128x80xi32, #tpu.memory_space<hbm>> -> memref<1x32x80xi32, #tpu.memory_space<hbm>>
      %dma_wait3A_183 = tpu.memref_squeeze %dma_wait3A_182 : memref<1x32x80xi32, #tpu.memory_space<hbm>> -> memref<32x80xi32, #tpu.memory_space<hbm>>
      %dma_wait3A_184 = arith.constant 96 : i32
      %dma_wait3A_185 = arith.constant 0 : i32
      %dma_wait3A_186 = tpu.memref_slice %arg3[%add3A, %dma_wait3A_184, %dma_wait3A_185] : memref<32x128x80xi32, #tpu.memory_space<hbm>> -> memref<1x32x80xi32, #tpu.memory_space<hbm>>
      %dma_wait3A_187 = tpu.memref_squeeze %dma_wait3A_186 : memref<1x32x80xi32, #tpu.memory_space<hbm>> -> memref<32x80xi32, #tpu.memory_space<hbm>>
      tpu.wait_dma2 semaphore(%run_scoped3A : memref<!tpu.dma_semaphore, #tpu.memory_space<semaphore_mem>>) src(%dma_wait3A_187 : memref<32x80xi32, #tpu.memory_space<hbm>>) dst(%arg6 : memref<32x80xi32, #tpu.memory_space<vmem>>)
      tpu.yield
    }) : () -> ()
    "tpu.region"() ({
      %run_scoped3A = tpu.sem_alloc : memref<!tpu.dma_semaphore, #tpu.memory_space<semaphore_mem>>
      %dma_start3A_173 = arith.constant 96 : i32
      %dma_start3A_174 = arith.constant 0 : i32
      %dma_start3A_175 = tpu.memref_slice %arg4[%add3A, %dma_start3A_173, %dma_start3A_174] : memref<32x128x80xi32, #tpu.memory_space<hbm>> -> memref<1x32x80xi32, #tpu.memory_space<hbm>>
      %dma_start3A_176 = tpu.memref_squeeze %dma_start3A_175 : memref<1x32x80xi32, #tpu.memory_space<hbm>> -> memref<32x80xi32, #tpu.memory_space<hbm>>
      %dma_start3A_177 = arith.constant 96 : i32
      %dma_start3A_178 = arith.constant 0 : i32
      %dma_start3A_179 = tpu.memref_slice %arg4[%add3A, %dma_start3A_177, %dma_start3A_178] : memref<32x128x80xi32, #tpu.memory_space<hbm>> -> memref<1x32x80xi32, #tpu.memory_space<hbm>>
      %dma_start3A_180 = tpu.memref_squeeze %dma_start3A_179 : memref<1x32x80xi32, #tpu.memory_space<hbm>> -> memref<32x80xi32, #tpu.memory_space<hbm>>
      tpu.enqueue_dma source(%dma_start3A_180 : memref<32x80xi32, #tpu.memory_space<hbm>>) target(%arg7 : memref<32x80xi32, #tpu.memory_space<vmem>>) target_semaphore(%run_scoped3A : memref<!tpu.dma_semaphore, #tpu.memory_space<semaphore_mem>>)
      %dma_wait3A = arith.constant 96 : i32
      %dma_wait3A_181 = arith.constant 0 : i32
      %dma_wait3A_182 = tpu.memref_slice %arg4[%add3A, %dma_wait3A, %dma_wait3A_181] : memref<32x128x80xi32, #tpu.memory_space<hbm>> -> memref<1x32x80xi32, #tpu.memory_space<hbm>>
      %dma_wait3A_183 = tpu.memref_squeeze %dma_wait3A_182 : memref<1x32x80xi32, #tpu.memory_space<hbm>> -> memref<32x80xi32, #tpu.memory_space<hbm>>
      %dma_wait3A_184 = arith.constant 96 : i32
      %dma_wait3A_185 = arith.constant 0 : i32
      %dma_wait3A_186 = tpu.memref_slice %arg4[%add3A, %dma_wait3A_184, %dma_wait3A_185] : memref<32x128x80xi32, #tpu.memory_space<hbm>> -> memref<1x32x80xi32, #tpu.memory_space<hbm>>
      %dma_wait3A_187 = tpu.memref_squeeze %dma_wait3A_186 : memref<1x32x80xi32, #tpu.memory_space<hbm>> -> memref<32x80xi32, #tpu.memory_space<hbm>>
      tpu.wait_dma2 semaphore(%run_scoped3A : memref<!tpu.dma_semaphore, #tpu.memory_space<semaphore_mem>>) src(%dma_wait3A_187 : memref<32x80xi32, #tpu.memory_space<hbm>>) dst(%arg7 : memref<32x80xi32, #tpu.memory_space<vmem>>)
      tpu.yield
    }) : () -> ()
    %dma_start3A_135 = arith.constant 0 : i32
    %dma_start3A_136 = arith.constant 0 : i32
    %dma_start3A_137 = tpu.memref_slice %arg6[%dma_start3A_135, %dma_start3A_136] : memref<32x80xi32, #tpu.memory_space<vmem>> -> memref<1x80xi32, #tpu.memory_space<vmem>>
    %dma_start3A_138 = tpu.memref_squeeze %dma_start3A_137 : memref<1x80xi32, #tpu.memory_space<vmem>> -> memref<80xi32, #tpu.memory_space<vmem>>
    %dma_start3A_139 = arith.constant 0 : i32
    %dma_start3A_140 = arith.constant 0 : i32
    %dma_start3A_141 = tpu.memref_slice %arg2[%dma_start3A_139, %dma_start3A_140] : memref<10240x128xf32, #tpu.memory_space<hbm>> -> memref<10240x128xf32, #tpu.memory_space<hbm>>
    tpu.enqueue_indirect_dma source(%dma_start3A_141 : memref<10240x128xf32, #tpu.memory_space<hbm>>) target(%arg8 : memref<80x128xf32, #tpu.memory_space<vmem>>) offsets(%dma_start3A_138 : memref<80xi32, #tpu.memory_space<vmem>>) semaphore(%arg13 : memref<!tpu.dma_semaphore, #tpu.memory_space<semaphore_mem>>)
    %dma_start3A_142 = arith.constant 1 : i32
    %dma_start3A_143 = arith.constant 0 : i32
    %dma_start3A_144 = tpu.memref_slice %arg6[%dma_start3A_142, %dma_start3A_143] : memref<32x80xi32, #tpu.memory_space<vmem>> -> memref<1x80xi32, #tpu.memory_space<vmem>>
    %dma_start3A_145 = tpu.memref_squeeze %dma_start3A_144 : memref<1x80xi32, #tpu.memory_space<vmem>> -> memref<80xi32, #tpu.memory_space<vmem>>
    %dma_start3A_146 = arith.constant 0 : i32
    %dma_start3A_147 = arith.constant 0 : i32
    %dma_start3A_148 = tpu.memref_slice %arg2[%dma_start3A_146, %dma_start3A_147] : memref<10240x128xf32, #tpu.memory_space<hbm>> -> memref<10240x128xf32, #tpu.memory_space<hbm>>
    tpu.enqueue_indirect_dma source(%dma_start3A_148 : memref<10240x128xf32, #tpu.memory_space<hbm>>) target(%arg9 : memref<80x128xf32, #tpu.memory_space<vmem>>) offsets(%dma_start3A_145 : memref<80xi32, #tpu.memory_space<vmem>>) semaphore(%arg14 : memref<!tpu.dma_semaphore, #tpu.memory_space<semaphore_mem>>)
    %dma_start3A_149 = arith.constant 2 : i32
    %dma_start3A_150 = arith.constant 0 : i32
    %dma_start3A_151 = tpu.memref_slice %arg6[%dma_start3A_149, %dma_start3A_150] : memref<32x80xi32, #tpu.memory_space<vmem>> -> memref<1x80xi32, #tpu.memory_space<vmem>>
    %dma_start3A_152 = tpu.memref_squeeze %dma_start3A_151 : memref<1x80xi32, #tpu.memory_space<vmem>> -> memref<80xi32, #tpu.memory_space<vmem>>
    %dma_start3A_153 = arith.constant 0 : i32
    %dma_start3A_154 = arith.constant 0 : i32
    %dma_start3A_155 = tpu.memref_slice %arg2[%dma_start3A_153, %dma_start3A_154] : memref<10240x128xf32, #tpu.memory_space<hbm>> -> memref<10240x128xf32, #tpu.memory_space<hbm>>
    tpu.enqueue_indirect_dma source(%dma_start3A_155 : memref<10240x128xf32, #tpu.memory_space<hbm>>) target(%arg10 : memref<80x128xf32, #tpu.memory_space<vmem>>) offsets(%dma_start3A_152 : memref<80xi32, #tpu.memory_space<vmem>>) semaphore(%arg15 : memref<!tpu.dma_semaphore, #tpu.memory_space<semaphore_mem>>)
    %dma_start3A_156 = arith.constant 3 : i32
    %dma_start3A_157 = arith.constant 0 : i32
    %dma_start3A_158 = tpu.memref_slice %arg6[%dma_start3A_156, %dma_start3A_157] : memref<32x80xi32, #tpu.memory_space<vmem>> -> memref<1x80xi32, #tpu.memory_space<vmem>>
    %dma_start3A_159 = tpu.memref_squeeze %dma_start3A_158 : memref<1x80xi32, #tpu.memory_space<vmem>> -> memref<80xi32, #tpu.memory_space<vmem>>
    %dma_start3A_160 = arith.constant 0 : i32
    %dma_start3A_161 = arith.constant 0 : i32
    %dma_start3A_162 = tpu.memref_slice %arg2[%dma_start3A_160, %dma_start3A_161] : memref<10240x128xf32, #tpu.memory_space<hbm>> -> memref<10240x128xf32, #tpu.memory_space<hbm>>
    tpu.enqueue_indirect_dma source(%dma_start3A_162 : memref<10240x128xf32, #tpu.memory_space<hbm>>) target(%arg11 : memref<80x128xf32, #tpu.memory_space<vmem>>) offsets(%dma_start3A_159 : memref<80xi32, #tpu.memory_space<vmem>>) semaphore(%arg16 : memref<!tpu.dma_semaphore, #tpu.memory_space<semaphore_mem>>)
    %scan3A_163 = arith.constant 0 : i32
    %scan3A_164 = arith.constant 8 : i32
    %scan3A_165 = arith.addi %scan3A_163, %scan3A_164 : i32
    %scan3A_166 = arith.constant 1 : i32
    scf.for %scan3A_173 = %scan3A_163 to %scan3A_165 step %scan3A_166  : i32 {
      %mul3A_174 = arith.constant 1 : i32
      %mul3A_175 = arith.muli %scan3A_173, %mul3A_174 : i32
      %add3A_176 = arith.constant 0 : i32
      %add3A_177 = arith.addi %add3A_176, %mul3A_175 : i32
      %dma_wait3A = arith.constant 0 : i32
      %dma_wait3A_178 = arith.constant 0 : i32
      %dma_wait3A_179 = tpu.memref_slice %arg6[%dma_wait3A, %dma_wait3A_178] : memref<32x80xi32, #tpu.memory_space<vmem>> -> memref<1x80xi32, #tpu.memory_space<vmem>>
      %dma_wait3A_180 = tpu.memref_squeeze %dma_wait3A_179 : memref<1x80xi32, #tpu.memory_space<vmem>> -> memref<80xi32, #tpu.memory_space<vmem>>
      %dma_wait3A_181 = arith.constant 0 : i32
      %dma_wait3A_182 = arith.constant 0 : i32
      %dma_wait3A_183 = tpu.memref_slice %arg2[%dma_wait3A_181, %dma_wait3A_182] : memref<10240x128xf32, #tpu.memory_space<hbm>> -> memref<10240x128xf32, #tpu.memory_space<hbm>>
      tpu.wait_indirect_dma semaphore(%arg13 : memref<!tpu.dma_semaphore, #tpu.memory_space<semaphore_mem>>) src(%dma_wait3A_183 : memref<10240x128xf32, #tpu.memory_space<hbm>>) dst(%arg8 : memref<80x128xf32, #tpu.memory_space<vmem>>)
      %mul3A_184 = arith.constant 4 : i32
      %mul3A_185 = arith.muli %mul3A_184, %add3A_177 : i32
      %add3A_186 = arith.constant 0 : i32
      %add3A_187 = arith.addi %mul3A_185, %add3A_186 : i32
      %dma_start3A_188 = arith.constant 0 : i32
      %dma_start3A_189 = tpu.memref_slice %arg7[%add3A_187, %dma_start3A_188] : memref<32x80xi32, #tpu.memory_space<vmem>> -> memref<1x80xi32, #tpu.memory_space<vmem>>
      %dma_start3A_190 = tpu.memref_squeeze %dma_start3A_189 : memref<1x80xi32, #tpu.memory_space<vmem>> -> memref<80xi32, #tpu.memory_space<vmem>>
      %dma_start3A_191 = arith.constant 0 : i32
      %dma_start3A_192 = arith.constant 0 : i32
      %dma_start3A_193 = tpu.memref_slice %arg12[%dma_start3A_191, %dma_start3A_192] : memref<10240x128xf32, #tpu.memory_space<vmem_shared>> -> memref<10240x128xf32, #tpu.memory_space<vmem_shared>>
      tpu.enqueue_indirect_dma source(%arg8 : memref<80x128xf32, #tpu.memory_space<vmem>>) target(%dma_start3A_193 : memref<10240x128xf32, #tpu.memory_space<vmem_shared>>) offsets(%dma_start3A_190 : memref<80xi32, #tpu.memory_space<vmem>>) semaphore(%arg17 : memref<!tpu.dma_semaphore, #tpu.memory_space<semaphore_mem>>) {add = true}
      %dma_wait3A_194 = arith.constant 0 : i32
      %dma_wait3A_195 = arith.constant 0 : i32
      %dma_wait3A_196 = tpu.memref_slice %arg7[%dma_wait3A_194, %dma_wait3A_195] : memref<32x80xi32, #tpu.memory_space<vmem>> -> memref<1x80xi32, #tpu.memory_space<vmem>>
      %dma_wait3A_197 = tpu.memref_squeeze %dma_wait3A_196 : memref<1x80xi32, #tpu.memory_space<vmem>> -> memref<80xi32, #tpu.memory_space<vmem>>
      %dma_wait3A_198 = arith.constant 0 : i32
      %dma_wait3A_199 = arith.constant 0 : i32
      %dma_wait3A_200 = tpu.memref_slice %arg12[%dma_wait3A_198, %dma_wait3A_199] : memref<10240x128xf32, #tpu.memory_space<vmem_shared>> -> memref<10240x128xf32, #tpu.memory_space<vmem_shared>>
      tpu.wait_indirect_dma semaphore(%arg17 : memref<!tpu.dma_semaphore, #tpu.memory_space<semaphore_mem>>) src(%arg8 : memref<80x128xf32, #tpu.memory_space<vmem>>) dst(%dma_wait3A_200 : memref<10240x128xf32, #tpu.memory_space<vmem_shared>>)
      %lt3A = arith.constant 7 : i32
      %lt3A_201 = arith.cmpi slt, %add3A_177, %lt3A : i32
      %convert_element_type3A = arith.extui %lt3A_201 : i1 to i32
      %cond3A = arith.constant 0 : i32
      %cond3A_202 = arith.cmpi ne, %convert_element_type3A, %cond3A : i32
      scf.if %cond3A_202 {
        %mul3A_290 = arith.constant 4 : i32
        %mul3A_291 = arith.muli %mul3A_290, %add3A_177 : i32
        %add3A_292 = arith.constant 4 : i32
        %add3A_293 = arith.addi %mul3A_291, %add3A_292 : i32
        %add3A_294 = arith.constant 0 : i32
        %add3A_295 = arith.addi %add3A_293, %add3A_294 : i32
        %dma_start3A_296 = arith.constant 0 : i32
        %dma_start3A_297 = tpu.memref_slice %arg6[%add3A_295, %dma_start3A_296] : memref<32x80xi32, #tpu.memory_space<vmem>> -> memref<1x80xi32, #tpu.memory_space<vmem>>
        %dma_start3A_298 = tpu.memref_squeeze %dma_start3A_297 : memref<1x80xi32, #tpu.memory_space<vmem>> -> memref<80xi32, #tpu.memory_space<vmem>>
        %dma_start3A_299 = arith.constant 0 : i32
        %dma_start3A_300 = arith.constant 0 : i32
        %dma_start3A_301 = tpu.memref_slice %arg2[%dma_start3A_299, %dma_start3A_300] : memref<10240x128xf32, #tpu.memory_space<hbm>> -> memref<10240x128xf32, #tpu.memory_space<hbm>>
        tpu.enqueue_indirect_dma source(%dma_start3A_301 : memref<10240x128xf32, #tpu.memory_space<hbm>>) target(%arg8 : memref<80x128xf32, #tpu.memory_space<vmem>>) offsets(%dma_start3A_298 : memref<80xi32, #tpu.memory_space<vmem>>) semaphore(%arg13 : memref<!tpu.dma_semaphore, #tpu.memory_space<semaphore_mem>>)
      } else {
      }
      %dma_wait3A_203 = arith.constant 0 : i32
      %dma_wait3A_204 = arith.constant 0 : i32
      %dma_wait3A_205 = tpu.memref_slice %arg6[%dma_wait3A_203, %dma_wait3A_204] : memref<32x80xi32, #tpu.memory_space<vmem>> -> memref<1x80xi32, #tpu.memory_space<vmem>>
      %dma_wait3A_206 = tpu.memref_squeeze %dma_wait3A_205 : memref<1x80xi32, #tpu.memory_space<vmem>> -> memref<80xi32, #tpu.memory_space<vmem>>
      %dma_wait3A_207 = arith.constant 0 : i32
      %dma_wait3A_208 = arith.constant 0 : i32
      %dma_wait3A_209 = tpu.memref_slice %arg2[%dma_wait3A_207, %dma_wait3A_208] : memref<10240x128xf32, #tpu.memory_space<hbm>> -> memref<10240x128xf32, #tpu.memory_space<hbm>>
      tpu.wait_indirect_dma semaphore(%arg14 : memref<!tpu.dma_semaphore, #tpu.memory_space<semaphore_mem>>) src(%dma_wait3A_209 : memref<10240x128xf32, #tpu.memory_space<hbm>>) dst(%arg9 : memref<80x128xf32, #tpu.memory_space<vmem>>)
      %mul3A_210 = arith.constant 4 : i32
      %mul3A_211 = arith.muli %mul3A_210, %add3A_177 : i32
      %add3A_212 = arith.constant 1 : i32
      %add3A_213 = arith.addi %mul3A_211, %add3A_212 : i32
      %dma_start3A_214 = arith.constant 0 : i32
      %dma_start3A_215 = tpu.memref_slice %arg7[%add3A_213, %dma_start3A_214] : memref<32x80xi32, #tpu.memory_space<vmem>> -> memref<1x80xi32, #tpu.memory_space<vmem>>
      %dma_start3A_216 = tpu.memref_squeeze %dma_start3A_215 : memref<1x80xi32, #tpu.memory_space<vmem>> -> memref<80xi32, #tpu.memory_space<vmem>>
      %dma_start3A_217 = arith.constant 0 : i32
      %dma_start3A_218 = arith.constant 0 : i32
      %dma_start3A_219 = tpu.memref_slice %arg12[%dma_start3A_217, %dma_start3A_218] : memref<10240x128xf32, #tpu.memory_space<vmem_shared>> -> memref<10240x128xf32, #tpu.memory_space<vmem_shared>>
      tpu.enqueue_indirect_dma source(%arg9 : memref<80x128xf32, #tpu.memory_space<vmem>>) target(%dma_start3A_219 : memref<10240x128xf32, #tpu.memory_space<vmem_shared>>) offsets(%dma_start3A_216 : memref<80xi32, #tpu.memory_space<vmem>>) semaphore(%arg18 : memref<!tpu.dma_semaphore, #tpu.memory_space<semaphore_mem>>) {add = true}
      %dma_wait3A_220 = arith.constant 0 : i32
      %dma_wait3A_221 = arith.constant 0 : i32
      %dma_wait3A_222 = tpu.memref_slice %arg7[%dma_wait3A_220, %dma_wait3A_221] : memref<32x80xi32, #tpu.memory_space<vmem>> -> memref<1x80xi32, #tpu.memory_space<vmem>>
      %dma_wait3A_223 = tpu.memref_squeeze %dma_wait3A_222 : memref<1x80xi32, #tpu.memory_space<vmem>> -> memref<80xi32, #tpu.memory_space<vmem>>
      %dma_wait3A_224 = arith.constant 0 : i32
      %dma_wait3A_225 = arith.constant 0 : i32
      %dma_wait3A_226 = tpu.memref_slice %arg12[%dma_wait3A_224, %dma_wait3A_225] : memref<10240x128xf32, #tpu.memory_space<vmem_shared>> -> memref<10240x128xf32, #tpu.memory_space<vmem_shared>>
      tpu.wait_indirect_dma semaphore(%arg18 : memref<!tpu.dma_semaphore, #tpu.memory_space<semaphore_mem>>) src(%arg9 : memref<80x128xf32, #tpu.memory_space<vmem>>) dst(%dma_wait3A_226 : memref<10240x128xf32, #tpu.memory_space<vmem_shared>>)
      %lt3A_227 = arith.constant 7 : i32
      %lt3A_228 = arith.cmpi slt, %add3A_177, %lt3A_227 : i32
      %convert_element_type3A_229 = arith.extui %lt3A_228 : i1 to i32
      %cond3A_230 = arith.constant 0 : i32
      %cond3A_231 = arith.cmpi ne, %convert_element_type3A_229, %cond3A_230 : i32
      scf.if %cond3A_231 {
        %mul3A_290 = arith.constant 4 : i32
        %mul3A_291 = arith.muli %mul3A_290, %add3A_177 : i32
        %add3A_292 = arith.constant 4 : i32
        %add3A_293 = arith.addi %mul3A_291, %add3A_292 : i32
        %add3A_294 = arith.constant 1 : i32
        %add3A_295 = arith.addi %add3A_293, %add3A_294 : i32
        %dma_start3A_296 = arith.constant 0 : i32
        %dma_start3A_297 = tpu.memref_slice %arg6[%add3A_295, %dma_start3A_296] : memref<32x80xi32, #tpu.memory_space<vmem>> -> memref<1x80xi32, #tpu.memory_space<vmem>>
        %dma_start3A_298 = tpu.memref_squeeze %dma_start3A_297 : memref<1x80xi32, #tpu.memory_space<vmem>> -> memref<80xi32, #tpu.memory_space<vmem>>
        %dma_start3A_299 = arith.constant 0 : i32
        %dma_start3A_300 = arith.constant 0 : i32
        %dma_start3A_301 = tpu.memref_slice %arg2[%dma_start3A_299, %dma_start3A_300] : memref<10240x128xf32, #tpu.memory_space<hbm>> -> memref<10240x128xf32, #tpu.memory_space<hbm>>
        tpu.enqueue_indirect_dma source(%dma_start3A_301 : memref<10240x128xf32, #tpu.memory_space<hbm>>) target(%arg9 : memref<80x128xf32, #tpu.memory_space<vmem>>) offsets(%dma_start3A_298 : memref<80xi32, #tpu.memory_space<vmem>>) semaphore(%arg14 : memref<!tpu.dma_semaphore, #tpu.memory_space<semaphore_mem>>)
      } else {
      }
      %dma_wait3A_232 = arith.constant 0 : i32
      %dma_wait3A_233 = arith.constant 0 : i32
      %dma_wait3A_234 = tpu.memref_slice %arg6[%dma_wait3A_232, %dma_wait3A_233] : memref<32x80xi32, #tpu.memory_space<vmem>> -> memref<1x80xi32, #tpu.memory_space<vmem>>
      %dma_wait3A_235 = tpu.memref_squeeze %dma_wait3A_234 : memref<1x80xi32, #tpu.memory_space<vmem>> -> memref<80xi32, #tpu.memory_space<vmem>>
      %dma_wait3A_236 = arith.constant 0 : i32
      %dma_wait3A_237 = arith.constant 0 : i32
      %dma_wait3A_238 = tpu.memref_slice %arg2[%dma_wait3A_236, %dma_wait3A_237] : memref<10240x128xf32, #tpu.memory_space<hbm>> -> memref<10240x128xf32, #tpu.memory_space<hbm>>
      tpu.wait_indirect_dma semaphore(%arg15 : memref<!tpu.dma_semaphore, #tpu.memory_space<semaphore_mem>>) src(%dma_wait3A_238 : memref<10240x128xf32, #tpu.memory_space<hbm>>) dst(%arg10 : memref<80x128xf32, #tpu.memory_space<vmem>>)
      %mul3A_239 = arith.constant 4 : i32
      %mul3A_240 = arith.muli %mul3A_239, %add3A_177 : i32
      %add3A_241 = arith.constant 2 : i32
      %add3A_242 = arith.addi %mul3A_240, %add3A_241 : i32
      %dma_start3A_243 = arith.constant 0 : i32
      %dma_start3A_244 = tpu.memref_slice %arg7[%add3A_242, %dma_start3A_243] : memref<32x80xi32, #tpu.memory_space<vmem>> -> memref<1x80xi32, #tpu.memory_space<vmem>>
      %dma_start3A_245 = tpu.memref_squeeze %dma_start3A_244 : memref<1x80xi32, #tpu.memory_space<vmem>> -> memref<80xi32, #tpu.memory_space<vmem>>
      %dma_start3A_246 = arith.constant 0 : i32
      %dma_start3A_247 = arith.constant 0 : i32
      %dma_start3A_248 = tpu.memref_slice %arg12[%dma_start3A_246, %dma_start3A_247] : memref<10240x128xf32, #tpu.memory_space<vmem_shared>> -> memref<10240x128xf32, #tpu.memory_space<vmem_shared>>
      tpu.enqueue_indirect_dma source(%arg10 : memref<80x128xf32, #tpu.memory_space<vmem>>) target(%dma_start3A_248 : memref<10240x128xf32, #tpu.memory_space<vmem_shared>>) offsets(%dma_start3A_245 : memref<80xi32, #tpu.memory_space<vmem>>) semaphore(%arg19 : memref<!tpu.dma_semaphore, #tpu.memory_space<semaphore_mem>>) {add = true}
      %dma_wait3A_249 = arith.constant 0 : i32
      %dma_wait3A_250 = arith.constant 0 : i32
      %dma_wait3A_251 = tpu.memref_slice %arg7[%dma_wait3A_249, %dma_wait3A_250] : memref<32x80xi32, #tpu.memory_space<vmem>> -> memref<1x80xi32, #tpu.memory_space<vmem>>
      %dma_wait3A_252 = tpu.memref_squeeze %dma_wait3A_251 : memref<1x80xi32, #tpu.memory_space<vmem>> -> memref<80xi32, #tpu.memory_space<vmem>>
      %dma_wait3A_253 = arith.constant 0 : i32
      %dma_wait3A_254 = arith.constant 0 : i32
      %dma_wait3A_255 = tpu.memref_slice %arg12[%dma_wait3A_253, %dma_wait3A_254] : memref<10240x128xf32, #tpu.memory_space<vmem_shared>> -> memref<10240x128xf32, #tpu.memory_space<vmem_shared>>
      tpu.wait_indirect_dma semaphore(%arg19 : memref<!tpu.dma_semaphore, #tpu.memory_space<semaphore_mem>>) src(%arg10 : memref<80x128xf32, #tpu.memory_space<vmem>>) dst(%dma_wait3A_255 : memref<10240x128xf32, #tpu.memory_space<vmem_shared>>)
      %lt3A_256 = arith.constant 7 : i32
      %lt3A_257 = arith.cmpi slt, %add3A_177, %lt3A_256 : i32
      %convert_element_type3A_258 = arith.extui %lt3A_257 : i1 to i32
      %cond3A_259 = arith.constant 0 : i32
      %cond3A_260 = arith.cmpi ne, %convert_element_type3A_258, %cond3A_259 : i32
      scf.if %cond3A_260 {
        %mul3A_290 = arith.constant 4 : i32
        %mul3A_291 = arith.muli %mul3A_290, %add3A_177 : i32
        %add3A_292 = arith.constant 4 : i32
        %add3A_293 = arith.addi %mul3A_291, %add3A_292 : i32
        %add3A_294 = arith.constant 2 : i32
        %add3A_295 = arith.addi %add3A_293, %add3A_294 : i32
        %dma_start3A_296 = arith.constant 0 : i32
        %dma_start3A_297 = tpu.memref_slice %arg6[%add3A_295, %dma_start3A_296] : memref<32x80xi32, #tpu.memory_space<vmem>> -> memref<1x80xi32, #tpu.memory_space<vmem>>
        %dma_start3A_298 = tpu.memref_squeeze %dma_start3A_297 : memref<1x80xi32, #tpu.memory_space<vmem>> -> memref<80xi32, #tpu.memory_space<vmem>>
        %dma_start3A_299 = arith.constant 0 : i32
        %dma_start3A_300 = arith.constant 0 : i32
        %dma_start3A_301 = tpu.memref_slice %arg2[%dma_start3A_299, %dma_start3A_300] : memref<10240x128xf32, #tpu.memory_space<hbm>> -> memref<10240x128xf32, #tpu.memory_space<hbm>>
        tpu.enqueue_indirect_dma source(%dma_start3A_301 : memref<10240x128xf32, #tpu.memory_space<hbm>>) target(%arg10 : memref<80x128xf32, #tpu.memory_space<vmem>>) offsets(%dma_start3A_298 : memref<80xi32, #tpu.memory_space<vmem>>) semaphore(%arg15 : memref<!tpu.dma_semaphore, #tpu.memory_space<semaphore_mem>>)
      } else {
      }
      %dma_wait3A_261 = arith.constant 0 : i32
      %dma_wait3A_262 = arith.constant 0 : i32
      %dma_wait3A_263 = tpu.memref_slice %arg6[%dma_wait3A_261, %dma_wait3A_262] : memref<32x80xi32, #tpu.memory_space<vmem>> -> memref<1x80xi32, #tpu.memory_space<vmem>>
      %dma_wait3A_264 = tpu.memref_squeeze %dma_wait3A_263 : memref<1x80xi32, #tpu.memory_space<vmem>> -> memref<80xi32, #tpu.memory_space<vmem>>
      %dma_wait3A_265 = arith.constant 0 : i32
      %dma_wait3A_266 = arith.constant 0 : i32
      %dma_wait3A_267 = tpu.memref_slice %arg2[%dma_wait3A_265, %dma_wait3A_266] : memref<10240x128xf32, #tpu.memory_space<hbm>> -> memref<10240x128xf32, #tpu.memory_space<hbm>>
      tpu.wait_indirect_dma semaphore(%arg16 : memref<!tpu.dma_semaphore, #tpu.memory_space<semaphore_mem>>) src(%dma_wait3A_267 : memref<10240x128xf32, #tpu.memory_space<hbm>>) dst(%arg11 : memref<80x128xf32, #tpu.memory_space<vmem>>)
      %mul3A_268 = arith.constant 4 : i32
      %mul3A_269 = arith.muli %mul3A_268, %add3A_177 : i32
      %add3A_270 = arith.constant 3 : i32
      %add3A_271 = arith.addi %mul3A_269, %add3A_270 : i32
      %dma_start3A_272 = arith.constant 0 : i32
      %dma_start3A_273 = tpu.memref_slice %arg7[%add3A_271, %dma_start3A_272] : memref<32x80xi32, #tpu.memory_space<vmem>> -> memref<1x80xi32, #tpu.memory_space<vmem>>
      %dma_start3A_274 = tpu.memref_squeeze %dma_start3A_273 : memref<1x80xi32, #tpu.memory_space<vmem>> -> memref<80xi32, #tpu.memory_space<vmem>>
      %dma_start3A_275 = arith.constant 0 : i32
      %dma_start3A_276 = arith.constant 0 : i32
      %dma_start3A_277 = tpu.memref_slice %arg12[%dma_start3A_275, %dma_start3A_276] : memref<10240x128xf32, #tpu.memory_space<vmem_shared>> -> memref<10240x128xf32, #tpu.memory_space<vmem_shared>>
      tpu.enqueue_indirect_dma source(%arg11 : memref<80x128xf32, #tpu.memory_space<vmem>>) target(%dma_start3A_277 : memref<10240x128xf32, #tpu.memory_space<vmem_shared>>) offsets(%dma_start3A_274 : memref<80xi32, #tpu.memory_space<vmem>>) semaphore(%arg20 : memref<!tpu.dma_semaphore, #tpu.memory_space<semaphore_mem>>) {add = true}
      %dma_wait3A_278 = arith.constant 0 : i32
      %dma_wait3A_279 = arith.constant 0 : i32
      %dma_wait3A_280 = tpu.memref_slice %arg7[%dma_wait3A_278, %dma_wait3A_279] : memref<32x80xi32, #tpu.memory_space<vmem>> -> memref<1x80xi32, #tpu.memory_space<vmem>>
      %dma_wait3A_281 = tpu.memref_squeeze %dma_wait3A_280 : memref<1x80xi32, #tpu.memory_space<vmem>> -> memref<80xi32, #tpu.memory_space<vmem>>
      %dma_wait3A_282 = arith.constant 0 : i32
      %dma_wait3A_283 = arith.constant 0 : i32
      %dma_wait3A_284 = tpu.memref_slice %arg12[%dma_wait3A_282, %dma_wait3A_283] : memref<10240x128xf32, #tpu.memory_space<vmem_shared>> -> memref<10240x128xf32, #tpu.memory_space<vmem_shared>>
      tpu.wait_indirect_dma semaphore(%arg20 : memref<!tpu.dma_semaphore, #tpu.memory_space<semaphore_mem>>) src(%arg11 : memref<80x128xf32, #tpu.memory_space<vmem>>) dst(%dma_wait3A_284 : memref<10240x128xf32, #tpu.memory_space<vmem_shared>>)
      %lt3A_285 = arith.constant 7 : i32
      %lt3A_286 = arith.cmpi slt, %add3A_177, %lt3A_285 : i32
      %convert_element_type3A_287 = arith.extui %lt3A_286 : i1 to i32
      %cond3A_288 = arith.constant 0 : i32
      %cond3A_289 = arith.cmpi ne, %convert_element_type3A_287, %cond3A_288 : i32
      scf.if %cond3A_289 {
        %mul3A_290 = arith.constant 4 : i32
        %mul3A_291 = arith.muli %mul3A_290, %add3A_177 : i32
        %add3A_292 = arith.constant 4 : i32
        %add3A_293 = arith.addi %mul3A_291, %add3A_292 : i32
        %add3A_294 = arith.constant 3 : i32
        %add3A_295 = arith.addi %add3A_293, %add3A_294 : i32
        %dma_start3A_296 = arith.constant 0 : i32
        %dma_start3A_297 = tpu.memref_slice %arg6[%add3A_295, %dma_start3A_296] : memref<32x80xi32, #tpu.memory_space<vmem>> -> memref<1x80xi32, #tpu.memory_space<vmem>>
        %dma_start3A_298 = tpu.memref_squeeze %dma_start3A_297 : memref<1x80xi32, #tpu.memory_space<vmem>> -> memref<80xi32, #tpu.memory_space<vmem>>
        %dma_start3A_299 = arith.constant 0 : i32
        %dma_start3A_300 = arith.constant 0 : i32
        %dma_start3A_301 = tpu.memref_slice %arg2[%dma_start3A_299, %dma_start3A_300] : memref<10240x128xf32, #tpu.memory_space<hbm>> -> memref<10240x128xf32, #tpu.memory_space<hbm>>
        tpu.enqueue_indirect_dma source(%dma_start3A_301 : memref<10240x128xf32, #tpu.memory_space<hbm>>) target(%arg11 : memref<80x128xf32, #tpu.memory_space<vmem>>) offsets(%dma_start3A_298 : memref<80xi32, #tpu.memory_space<vmem>>) semaphore(%arg16 : memref<!tpu.dma_semaphore, #tpu.memory_space<semaphore_mem>>)
      } else {
      }
    }
    %scan3A_167 = arith.constant 8 : i32
    %barrier3A_168 = arith.constant 0 : index
    tpu.barrier barrier_id(%barrier3A_168)
    %mul3A_169 = arith.constant 640 : i32
    %mul3A_170 = arith.muli %arg1, %mul3A_169 : i32
    %mul3A_171 = arith.constant 640 : i32
    %mul3A_172 = arith.muli %arg1, %mul3A_171 : i32
    "tpu.region"() ({
      %run_scoped3A = tpu.sem_alloc : memref<!tpu.dma_semaphore, #tpu.memory_space<semaphore_mem>>
      %dma_start3A_173 = arith.constant 0 : i32
      %dma_start3A_174 = tpu.memref_slice %arg5[%arg0, %mul3A_172, %dma_start3A_173] : memref<2x10240x128xf32, #tpu.memory_space<hbm>> -> memref<1x640x128xf32, #tpu.memory_space<hbm>>
      %dma_start3A_175 = tpu.memref_squeeze %dma_start3A_174 : memref<1x640x128xf32, #tpu.memory_space<hbm>> -> memref<640x128xf32, #tpu.memory_space<hbm>>
      %dma_start3A_176 = arith.constant 0 : i32
      %dma_start3A_177 = tpu.memref_slice %arg12[%mul3A_170, %dma_start3A_176] : memref<10240x128xf32, #tpu.memory_space<vmem_shared>> -> memref<640x128xf32, #tpu.memory_space<vmem_shared>>
      tpu.enqueue_dma source(%dma_start3A_177 : memref<640x128xf32, #tpu.memory_space<vmem_shared>>) target(%dma_start3A_175 : memref<640x128xf32, #tpu.memory_space<hbm>>) target_semaphore(%run_scoped3A : memref<!tpu.dma_semaphore, #tpu.memory_space<semaphore_mem>>)
      %dma_wait3A = arith.constant 0 : i32
      %dma_wait3A_178 = tpu.memref_slice %arg5[%arg0, %mul3A_172, %dma_wait3A] : memref<2x10240x128xf32, #tpu.memory_space<hbm>> -> memref<1x640x128xf32, #tpu.memory_space<hbm>>
      %dma_wait3A_179 = tpu.memref_squeeze %dma_wait3A_178 : memref<1x640x128xf32, #tpu.memory_space<hbm>> -> memref<640x128xf32, #tpu.memory_space<hbm>>
      %dma_wait3A_180 = arith.constant 0 : i32
      %dma_wait3A_181 = tpu.memref_slice %arg12[%mul3A_170, %dma_wait3A_180] : memref<10240x128xf32, #tpu.memory_space<vmem_shared>> -> memref<640x128xf32, #tpu.memory_space<vmem_shared>>
      tpu.wait_dma2 semaphore(%run_scoped3A : memref<!tpu.dma_semaphore, #tpu.memory_space<semaphore_mem>>) src(%dma_wait3A_181 : memref<640x128xf32, #tpu.memory_space<vmem_shared>>) dst(%dma_wait3A_179 : memref<640x128xf32, #tpu.memory_space<hbm>>)
      tpu.yield
    }) : () -> ()
    return
  }
}

#map = affine_map<(d0, d1) -> (0, 0)>
#map1 = affine_map<(d0, d1) -> (0, 0, 0)>
module attributes {stable_mosaic.version = 14 : i64} {
  func.func @k(%arg0: i32, %arg1: i32, %arg2: memref<10240x128xf32, #tpu.memory_space<hbm>>, %arg3: memref<32x128x80xi32, #tpu.memory_space<hbm>>, %arg4: memref<32x128x80xi32, #tpu.memory_space<hbm>>, %arg5: memref<2x10240x128xf32, #tpu.memory_space<hbm>>, %arg6: memref<32x80xi32, #tpu.memory_space<vmem>>, %arg7: memref<32x80xi32, #tpu.memory_space<vmem>>, %arg8: memref<80x128xf32, #tpu.memory_space<vmem>>, %arg9: memref<80x128xf32, #tpu.memory_space<vmem>>, %arg10: memref<80x128xf32, #tpu.memory_space<vmem>>, %arg11: memref<80x128xf32, #tpu.memory_space<vmem>>, %arg12: memref<10240x128xf32, #tpu.memory_space<vmem_shared>>, %arg13: memref<!tpu.dma_semaphore, #tpu.memory_space<semaphore_mem>>, %arg14: memref<!tpu.dma_semaphore, #tpu.memory_space<semaphore_mem>>, %arg15: memref<!tpu.dma_semaphore, #tpu.memory_space<semaphore_mem>>, %arg16: memref<!tpu.dma_semaphore, #tpu.memory_space<semaphore_mem>>, %arg17: memref<!tpu.dma_semaphore, #tpu.memory_space<semaphore_mem>>, %arg18: memref<!tpu.dma_semaphore, #tpu.memory_space<semaphore_mem>>, %arg19: memref<!tpu.dma_semaphore, #tpu.memory_space<semaphore_mem>>, %arg20: memref<!tpu.dma_semaphore, #tpu.memory_space<semaphore_mem>>) attributes {dimension_semantics = [#tpu.dimension_semantics<core_parallel>, #tpu.dimension_semantics<subcore_parallel>], iteration_bounds = array<i64: 2, 16>, scalar_prefetch = 0 : i64, scratch_operands = 15 : i64, tpu.core_type = #tpu.core_type<sc_vector_subcore>, window_params = [{transform_indices = #map}, {transform_indices = #map1}, {transform_indices = #map1}, {transform_indices = #map1}]} {
    %mul3A = arith.constant 2 : i32
    %mul3A_0 = arith.muli %arg1, %mul3A : i32
    %add3A = arith.addi %mul3A_0, %arg0 : i32
    %scan3A = arith.constant 0 : i32
    %scan3A_1 = arith.constant 80 : i32
    %scan3A_2 = arith.addi %scan3A, %scan3A_1 : i32
    %scan3A_3 = arith.constant 1 : i32
    scf.for %scan3A_173 = %scan3A to %scan3A_2 step %scan3A_3  : i32 {
      %mul3A_174 = arith.constant 1 : i32
      %mul3A_175 = arith.muli %scan3A_173, %mul3A_174 : i32
      %add3A_176 = arith.constant 0 : i32
      %add3A_177 = arith.addi %add3A_176, %mul3A_175 : i32
      %broadcast_in_dim3A = arith.constant 0.000000e+00 : f32
      %broadcast_in_dim3A_178 = vector.broadcast %broadcast_in_dim3A : f32 to vector<16xf32>
      %swap3A = arith.index_cast %add3A_177 : i32 to index
      %swap3A_179 = arith.constant 0 : index
      %swap3A_180 = tpu.vector_load %arg8[%swap3A, %swap3A_179] {strides = array<i32>} : memref<80x128xf32, #tpu.memory_space<vmem>>, vector<1x16xf32>,
      %swap3A_181 = vector.shape_cast %swap3A_180 : vector<1x16xf32> to vector<16xf32>
      %swap3A_182 = vector.shape_cast %broadcast_in_dim3A_178 : vector<16xf32> to vector<1x16xf32>
      tpu.vector_store %arg8[%swap3A, %swap3A_179], %swap3A_182 {strides = array<i32>} : memref<80x128xf32, #tpu.memory_space<vmem>>, vector<1x16xf32>,
      %broadcast_in_dim3A_183 = arith.constant 0.000000e+00 : f32
      %broadcast_in_dim3A_184 = vector.broadcast %broadcast_in_dim3A_183 : f32 to vector<16xf32>
      %swap3A_185 = arith.index_cast %add3A_177 : i32 to index
      %swap3A_186 = arith.constant 16 : index
      %swap3A_187 = tpu.vector_load %arg8[%swap3A_185, %swap3A_186] {strides = array<i32>} : memref<80x128xf32, #tpu.memory_space<vmem>>, vector<1x16xf32>,
      %swap3A_188 = vector.shape_cast %swap3A_187 : vector<1x16xf32> to vector<16xf32>
      %swap3A_189 = vector.shape_cast %broadcast_in_dim3A_184 : vector<16xf32> to vector<1x16xf32>
      tpu.vector_store %arg8[%swap3A_185, %swap3A_186], %swap3A_189 {strides = array<i32>} : memref<80x128xf32, #tpu.memory_space<vmem>>, vector<1x16xf32>,
      %broadcast_in_dim3A_190 = arith.constant 0.000000e+00 : f32
      %broadcast_in_dim3A_191 = vector.broadcast %broadcast_in_dim3A_190 : f32 to vector<16xf32>
      %swap3A_192 = arith.index_cast %add3A_177 : i32 to index
      %swap3A_193 = arith.constant 32 : index
      %swap3A_194 = tpu.vector_load %arg8[%swap3A_192, %swap3A_193] {strides = array<i32>} : memref<80x128xf32, #tpu.memory_space<vmem>>, vector<1x16xf32>,
      %swap3A_195 = vector.shape_cast %swap3A_194 : vector<1x16xf32> to vector<16xf32>
      %swap3A_196 = vector.shape_cast %broadcast_in_dim3A_191 : vector<16xf32> to vector<1x16xf32>
      tpu.vector_store %arg8[%swap3A_192, %swap3A_193], %swap3A_196 {strides = array<i32>} : memref<80x128xf32, #tpu.memory_space<vmem>>, vector<1x16xf32>,
      %broadcast_in_dim3A_197 = arith.constant 0.000000e+00 : f32
      %broadcast_in_dim3A_198 = vector.broadcast %broadcast_in_dim3A_197 : f32 to vector<16xf32>
      %swap3A_199 = arith.index_cast %add3A_177 : i32 to index
      %swap3A_200 = arith.constant 48 : index
      %swap3A_201 = tpu.vector_load %arg8[%swap3A_199, %swap3A_200] {strides = array<i32>} : memref<80x128xf32, #tpu.memory_space<vmem>>, vector<1x16xf32>,
      %swap3A_202 = vector.shape_cast %swap3A_201 : vector<1x16xf32> to vector<16xf32>
      %swap3A_203 = vector.shape_cast %broadcast_in_dim3A_198 : vector<16xf32> to vector<1x16xf32>
      tpu.vector_store %arg8[%swap3A_199, %swap3A_200], %swap3A_203 {strides = array<i32>} : memref<80x128xf32, #tpu.memory_space<vmem>>, vector<1x16xf32>,
      %broadcast_in_dim3A_204 = arith.constant 0.000000e+00 : f32
      %broadcast_in_dim3A_205 = vector.broadcast %broadcast_in_dim3A_204 : f32 to vector<16xf32>
      %swap3A_206 = arith.index_cast %add3A_177 : i32 to index
      %swap3A_207 = arith.constant 64 : index
      %swap3A_208 = tpu.vector_load %arg8[%swap3A_206, %swap3A_207] {strides = array<i32>} : memref<80x128xf32, #tpu.memory_space<vmem>>, vector<1x16xf32>,
      %swap3A_209 = vector.shape_cast %swap3A_208 : vector<1x16xf32> to vector<16xf32>
      %swap3A_210 = vector.shape_cast %broadcast_in_dim3A_205 : vector<16xf32> to vector<1x16xf32>
      tpu.vector_store %arg8[%swap3A_206, %swap3A_207], %swap3A_210 {strides = array<i32>} : memref<80x128xf32, #tpu.memory_space<vmem>>, vector<1x16xf32>,
      %broadcast_in_dim3A_211 = arith.constant 0.000000e+00 : f32
      %broadcast_in_dim3A_212 = vector.broadcast %broadcast_in_dim3A_211 : f32 to vector<16xf32>
      %swap3A_213 = arith.index_cast %add3A_177 : i32 to index
      %swap3A_214 = arith.constant 80 : index
      %swap3A_215 = tpu.vector_load %arg8[%swap3A_213, %swap3A_214] {strides = array<i32>} : memref<80x128xf32, #tpu.memory_space<vmem>>, vector<1x16xf32>,
      %swap3A_216 = vector.shape_cast %swap3A_215 : vector<1x16xf32> to vector<16xf32>
      %swap3A_217 = vector.shape_cast %broadcast_in_dim3A_212 : vector<16xf32> to vector<1x16xf32>
      tpu.vector_store %arg8[%swap3A_213, %swap3A_214], %swap3A_217 {strides = array<i32>} : memref<80x128xf32, #tpu.memory_space<vmem>>, vector<1x16xf32>,
      %broadcast_in_dim3A_218 = arith.constant 0.000000e+00 : f32
      %broadcast_in_dim3A_219 = vector.broadcast %broadcast_in_dim3A_218 : f32 to vector<16xf32>
      %swap3A_220 = arith.index_cast %add3A_177 : i32 to index
      %swap3A_221 = arith.constant 96 : index
      %swap3A_222 = tpu.vector_load %arg8[%swap3A_220, %swap3A_221] {strides = array<i32>} : memref<80x128xf32, #tpu.memory_space<vmem>>, vector<1x16xf32>,
      %swap3A_223 = vector.shape_cast %swap3A_222 : vector<1x16xf32> to vector<16xf32>
      %swap3A_224 = vector.shape_cast %broadcast_in_dim3A_219 : vector<16xf32> to vector<1x16xf32>
      tpu.vector_store %arg8[%swap3A_220, %swap3A_221], %swap3A_224 {strides = array<i32>} : memref<80x128xf32, #tpu.memory_space<vmem>>, vector<1x16xf32>,
      %broadcast_in_dim3A_225 = arith.constant 0.000000e+00 : f32
      %broadcast_in_dim3A_226 = vector.broadcast %broadcast_in_dim3A_225 : f32 to vector<16xf32>
      %swap3A_227 = arith.index_cast %add3A_177 : i32 to index
      %swap3A_228 = arith.constant 112 : index
      %swap3A_229 = tpu.vector_load %arg8[%swap3A_227, %swap3A_228] {strides = array<i32>} : memref<80x128xf32, #tpu.memory_space<vmem>>, vector<1x16xf32>,
      %swap3A_230 = vector.shape_cast %swap3A_229 : vector<1x16xf32> to vector<16xf32>
      %swap3A_231 = vector.shape_cast %broadcast_in_dim3A_226 : vector<16xf32> to vector<1x16xf32>
      tpu.vector_store %arg8[%swap3A_227, %swap3A_228], %swap3A_231 {strides = array<i32>} : memref<80x128xf32, #tpu.memory_space<vmem>>, vector<1x16xf32>,
    }
    %scan3A_4 = arith.constant 80 : i32
    %mul3A_5 = arith.constant 640 : i32
    %mul3A_6 = arith.muli %arg1, %mul3A_5 : i32
    %add3A_7 = arith.constant 0 : i32
    %add3A_8 = arith.addi %mul3A_6, %add3A_7 : i32
    "tpu.region"() ({
      %run_scoped3A = tpu.sem_alloc : memref<!tpu.dma_semaphore, #tpu.memory_space<semaphore_mem>>
      %dma_start3A_173 = arith.constant 0 : i32
      %dma_start3A_174 = tpu.memref_slice %arg12[%add3A_8, %dma_start3A_173] : memref<10240x128xf32, #tpu.memory_space<vmem_shared>> -> memref<80x128xf32, #tpu.memory_space<vmem_shared>>
      %dma_start3A_175 = arith.constant 0 : i32
      %dma_start3A_176 = tpu.memref_slice %arg12[%add3A_8, %dma_start3A_175] : memref<10240x128xf32, #tpu.memory_space<vmem_shared>> -> memref<80x128xf32, #tpu.memory_space<vmem_shared>>
      tpu.enqueue_dma source(%arg8 : memref<80x128xf32, #tpu.memory_space<vmem>>) target(%dma_start3A_176 : memref<80x128xf32, #tpu.memory_space<vmem_shared>>) target_semaphore(%run_scoped3A : memref<!tpu.dma_semaphore, #tpu.memory_space<semaphore_mem>>)
      %dma_wait3A = arith.constant 0 : i32
      %dma_wait3A_177 = tpu.memref_slice %arg12[%add3A_8, %dma_wait3A] : memref<10240x128xf32, #tpu.memory_space<vmem_shared>> -> memref<80x128xf32, #tpu.memory_space<vmem_shared>>
      %dma_wait3A_178 = arith.constant 0 : i32
      %dma_wait3A_179 = tpu.memref_slice %arg12[%add3A_8, %dma_wait3A_178] : memref<10240x128xf32, #tpu.memory_space<vmem_shared>> -> memref<80x128xf32, #tpu.memory_space<vmem_shared>>
      tpu.wait_dma2 semaphore(%run_scoped3A : memref<!tpu.dma_semaphore, #tpu.memory_space<semaphore_mem>>) src(%arg8 : memref<80x128xf32, #tpu.memory_space<vmem>>) dst(%dma_wait3A_179 : memref<80x128xf32, #tpu.memory_space<vmem_shared>>)
      tpu.yield
    }) : () -> ()
    %mul3A_9 = arith.constant 640 : i32
    %mul3A_10 = arith.muli %arg1, %mul3A_9 : i32
    %add3A_11 = arith.constant 80 : i32
    %add3A_12 = arith.addi %mul3A_10, %add3A_11 : i32
    "tpu.region"() ({
      %run_scoped3A = tpu.sem_alloc : memref<!tpu.dma_semaphore, #tpu.memory_space<semaphore_mem>>
      %dma_start3A_173 = arith.constant 0 : i32
      %dma_start3A_174 = tpu.memref_slice %arg12[%add3A_12, %dma_start3A_173] : memref<10240x128xf32, #tpu.memory_space<vmem_shared>> -> memref<80x128xf32, #tpu.memory_space<vmem_shared>>
      %dma_start3A_175 = arith.constant 0 : i32
      %dma_start3A_176 = tpu.memref_slice %arg12[%add3A_12, %dma_start3A_175] : memref<10240x128xf32, #tpu.memory_space<vmem_shared>> -> memref<80x128xf32, #tpu.memory_space<vmem_shared>>
      tpu.enqueue_dma source(%arg8 : memref<80x128xf32, #tpu.memory_space<vmem>>) target(%dma_start3A_176 : memref<80x128xf32, #tpu.memory_space<vmem_shared>>) target_semaphore(%run_scoped3A : memref<!tpu.dma_semaphore, #tpu.memory_space<semaphore_mem>>)
      %dma_wait3A = arith.constant 0 : i32
      %dma_wait3A_177 = tpu.memref_slice %arg12[%add3A_12, %dma_wait3A] : memref<10240x128xf32, #tpu.memory_space<vmem_shared>> -> memref<80x128xf32, #tpu.memory_space<vmem_shared>>
      %dma_wait3A_178 = arith.constant 0 : i32
      %dma_wait3A_179 = tpu.memref_slice %arg12[%add3A_12, %dma_wait3A_178] : memref<10240x128xf32, #tpu.memory_space<vmem_shared>> -> memref<80x128xf32, #tpu.memory_space<vmem_shared>>
      tpu.wait_dma2 semaphore(%run_scoped3A : memref<!tpu.dma_semaphore, #tpu.memory_space<semaphore_mem>>) src(%arg8 : memref<80x128xf32, #tpu.memory_space<vmem>>) dst(%dma_wait3A_179 : memref<80x128xf32, #tpu.memory_space<vmem_shared>>)
      tpu.yield
    }) : () -> ()
    %mul3A_13 = arith.constant 640 : i32
    %mul3A_14 = arith.muli %arg1, %mul3A_13 : i32
    %add3A_15 = arith.constant 160 : i32
    %add3A_16 = arith.addi %mul3A_14, %add3A_15 : i32
    "tpu.region"() ({
      %run_scoped3A = tpu.sem_alloc : memref<!tpu.dma_semaphore, #tpu.memory_space<semaphore_mem>>
      %dma_start3A_173 = arith.constant 0 : i32
      %dma_start3A_174 = tpu.memref_slice %arg12[%add3A_16, %dma_start3A_173] : memref<10240x128xf32, #tpu.memory_space<vmem_shared>> -> memref<80x128xf32, #tpu.memory_space<vmem_shared>>
      %dma_start3A_175 = arith.constant 0 : i32
      %dma_start3A_176 = tpu.memref_slice %arg12[%add3A_16, %dma_start3A_175] : memref<10240x128xf32, #tpu.memory_space<vmem_shared>> -> memref<80x128xf32, #tpu.memory_space<vmem_shared>>
      tpu.enqueue_dma source(%arg8 : memref<80x128xf32, #tpu.memory_space<vmem>>) target(%dma_start3A_176 : memref<80x128xf32, #tpu.memory_space<vmem_shared>>) target_semaphore(%run_scoped3A : memref<!tpu.dma_semaphore, #tpu.memory_space<semaphore_mem>>)
      %dma_wait3A = arith.constant 0 : i32
      %dma_wait3A_177 = tpu.memref_slice %arg12[%add3A_16, %dma_wait3A] : memref<10240x128xf32, #tpu.memory_space<vmem_shared>> -> memref<80x128xf32, #tpu.memory_space<vmem_shared>>
      %dma_wait3A_178 = arith.constant 0 : i32
      %dma_wait3A_179 = tpu.memref_slice %arg12[%add3A_16, %dma_wait3A_178] : memref<10240x128xf32, #tpu.memory_space<vmem_shared>> -> memref<80x128xf32, #tpu.memory_space<vmem_shared>>
      tpu.wait_dma2 semaphore(%run_scoped3A : memref<!tpu.dma_semaphore, #tpu.memory_space<semaphore_mem>>) src(%arg8 : memref<80x128xf32, #tpu.memory_space<vmem>>) dst(%dma_wait3A_179 : memref<80x128xf32, #tpu.memory_space<vmem_shared>>)
      tpu.yield
    }) : () -> ()
    %mul3A_17 = arith.constant 640 : i32
    %mul3A_18 = arith.muli %arg1, %mul3A_17 : i32
    %add3A_19 = arith.constant 240 : i32
    %add3A_20 = arith.addi %mul3A_18, %add3A_19 : i32
    "tpu.region"() ({
      %run_scoped3A = tpu.sem_alloc : memref<!tpu.dma_semaphore, #tpu.memory_space<semaphore_mem>>
      %dma_start3A_173 = arith.constant 0 : i32
      %dma_start3A_174 = tpu.memref_slice %arg12[%add3A_20, %dma_start3A_173] : memref<10240x128xf32, #tpu.memory_space<vmem_shared>> -> memref<80x128xf32, #tpu.memory_space<vmem_shared>>
      %dma_start3A_175 = arith.constant 0 : i32
      %dma_start3A_176 = tpu.memref_slice %arg12[%add3A_20, %dma_start3A_175] : memref<10240x128xf32, #tpu.memory_space<vmem_shared>> -> memref<80x128xf32, #tpu.memory_space<vmem_shared>>
      tpu.enqueue_dma source(%arg8 : memref<80x128xf32, #tpu.memory_space<vmem>>) target(%dma_start3A_176 : memref<80x128xf32, #tpu.memory_space<vmem_shared>>) target_semaphore(%run_scoped3A : memref<!tpu.dma_semaphore, #tpu.memory_space<semaphore_mem>>)
      %dma_wait3A = arith.constant 0 : i32
      %dma_wait3A_177 = tpu.memref_slice %arg12[%add3A_20, %dma_wait3A] : memref<10240x128xf32, #tpu.memory_space<vmem_shared>> -> memref<80x128xf32, #tpu.memory_space<vmem_shared>>
      %dma_wait3A_178 = arith.constant 0 : i32
      %dma_wait3A_179 = tpu.memref_slice %arg12[%add3A_20, %dma_wait3A_178] : memref<10240x128xf32, #tpu.memory_space<vmem_shared>> -> memref<80x128xf32, #tpu.memory_space<vmem_shared>>
      tpu.wait_dma2 semaphore(%run_scoped3A : memref<!tpu.dma_semaphore, #tpu.memory_space<semaphore_mem>>) src(%arg8 : memref<80x128xf32, #tpu.memory_space<vmem>>) dst(%dma_wait3A_179 : memref<80x128xf32, #tpu.memory_space<vmem_shared>>)
      tpu.yield
    }) : () -> ()
    %mul3A_21 = arith.constant 640 : i32
    %mul3A_22 = arith.muli %arg1, %mul3A_21 : i32
    %add3A_23 = arith.constant 320 : i32
    %add3A_24 = arith.addi %mul3A_22, %add3A_23 : i32
    "tpu.region"() ({
      %run_scoped3A = tpu.sem_alloc : memref<!tpu.dma_semaphore, #tpu.memory_space<semaphore_mem>>
      %dma_start3A_173 = arith.constant 0 : i32
      %dma_start3A_174 = tpu.memref_slice %arg12[%add3A_24, %dma_start3A_173] : memref<10240x128xf32, #tpu.memory_space<vmem_shared>> -> memref<80x128xf32, #tpu.memory_space<vmem_shared>>
      %dma_start3A_175 = arith.constant 0 : i32
      %dma_start3A_176 = tpu.memref_slice %arg12[%add3A_24, %dma_start3A_175] : memref<10240x128xf32, #tpu.memory_space<vmem_shared>> -> memref<80x128xf32, #tpu.memory_space<vmem_shared>>
      tpu.enqueue_dma source(%arg8 : memref<80x128xf32, #tpu.memory_space<vmem>>) target(%dma_start3A_176 : memref<80x128xf32, #tpu.memory_space<vmem_shared>>) target_semaphore(%run_scoped3A : memref<!tpu.dma_semaphore, #tpu.memory_space<semaphore_mem>>)
      %dma_wait3A = arith.constant 0 : i32
      %dma_wait3A_177 = tpu.memref_slice %arg12[%add3A_24, %dma_wait3A] : memref<10240x128xf32, #tpu.memory_space<vmem_shared>> -> memref<80x128xf32, #tpu.memory_space<vmem_shared>>
      %dma_wait3A_178 = arith.constant 0 : i32
      %dma_wait3A_179 = tpu.memref_slice %arg12[%add3A_24, %dma_wait3A_178] : memref<10240x128xf32, #tpu.memory_space<vmem_shared>> -> memref<80x128xf32, #tpu.memory_space<vmem_shared>>
      tpu.wait_dma2 semaphore(%run_scoped3A : memref<!tpu.dma_semaphore, #tpu.memory_space<semaphore_mem>>) src(%arg8 : memref<80x128xf32, #tpu.memory_space<vmem>>) dst(%dma_wait3A_179 : memref<80x128xf32, #tpu.memory_space<vmem_shared>>)
      tpu.yield
    }) : () -> ()
    %mul3A_25 = arith.constant 640 : i32
    %mul3A_26 = arith.muli %arg1, %mul3A_25 : i32
    %add3A_27 = arith.constant 400 : i32
    %add3A_28 = arith.addi %mul3A_26, %add3A_27 : i32
    "tpu.region"() ({
      %run_scoped3A = tpu.sem_alloc : memref<!tpu.dma_semaphore, #tpu.memory_space<semaphore_mem>>
      %dma_start3A_173 = arith.constant 0 : i32
      %dma_start3A_174 = tpu.memref_slice %arg12[%add3A_28, %dma_start3A_173] : memref<10240x128xf32, #tpu.memory_space<vmem_shared>> -> memref<80x128xf32, #tpu.memory_space<vmem_shared>>
      %dma_start3A_175 = arith.constant 0 : i32
      %dma_start3A_176 = tpu.memref_slice %arg12[%add3A_28, %dma_start3A_175] : memref<10240x128xf32, #tpu.memory_space<vmem_shared>> -> memref<80x128xf32, #tpu.memory_space<vmem_shared>>
      tpu.enqueue_dma source(%arg8 : memref<80x128xf32, #tpu.memory_space<vmem>>) target(%dma_start3A_176 : memref<80x128xf32, #tpu.memory_space<vmem_shared>>) target_semaphore(%run_scoped3A : memref<!tpu.dma_semaphore, #tpu.memory_space<semaphore_mem>>)
      %dma_wait3A = arith.constant 0 : i32
      %dma_wait3A_177 = tpu.memref_slice %arg12[%add3A_28, %dma_wait3A] : memref<10240x128xf32, #tpu.memory_space<vmem_shared>> -> memref<80x128xf32, #tpu.memory_space<vmem_shared>>
      %dma_wait3A_178 = arith.constant 0 : i32
      %dma_wait3A_179 = tpu.memref_slice %arg12[%add3A_28, %dma_wait3A_178] : memref<10240x128xf32, #tpu.memory_space<vmem_shared>> -> memref<80x128xf32, #tpu.memory_space<vmem_shared>>
      tpu.wait_dma2 semaphore(%run_scoped3A : memref<!tpu.dma_semaphore, #tpu.memory_space<semaphore_mem>>) src(%arg8 : memref<80x128xf32, #tpu.memory_space<vmem>>) dst(%dma_wait3A_179 : memref<80x128xf32, #tpu.memory_space<vmem_shared>>)
      tpu.yield
    }) : () -> ()
    %mul3A_29 = arith.constant 640 : i32
    %mul3A_30 = arith.muli %arg1, %mul3A_29 : i32
    %add3A_31 = arith.constant 480 : i32
    %add3A_32 = arith.addi %mul3A_30, %add3A_31 : i32
    "tpu.region"() ({
      %run_scoped3A = tpu.sem_alloc : memref<!tpu.dma_semaphore, #tpu.memory_space<semaphore_mem>>
      %dma_start3A_173 = arith.constant 0 : i32
      %dma_start3A_174 = tpu.memref_slice %arg12[%add3A_32, %dma_start3A_173] : memref<10240x128xf32, #tpu.memory_space<vmem_shared>> -> memref<80x128xf32, #tpu.memory_space<vmem_shared>>
      %dma_start3A_175 = arith.constant 0 : i32
      %dma_start3A_176 = tpu.memref_slice %arg12[%add3A_32, %dma_start3A_175] : memref<10240x128xf32, #tpu.memory_space<vmem_shared>> -> memref<80x128xf32, #tpu.memory_space<vmem_shared>>
      tpu.enqueue_dma source(%arg8 : memref<80x128xf32, #tpu.memory_space<vmem>>) target(%dma_start3A_176 : memref<80x128xf32, #tpu.memory_space<vmem_shared>>) target_semaphore(%run_scoped3A : memref<!tpu.dma_semaphore, #tpu.memory_space<semaphore_mem>>)
      %dma_wait3A = arith.constant 0 : i32
      %dma_wait3A_177 = tpu.memref_slice %arg12[%add3A_32, %dma_wait3A] : memref<10240x128xf32, #tpu.memory_space<vmem_shared>> -> memref<80x128xf32, #tpu.memory_space<vmem_shared>>
      %dma_wait3A_178 = arith.constant 0 : i32
      %dma_wait3A_179 = tpu.memref_slice %arg12[%add3A_32, %dma_wait3A_178] : memref<10240x128xf32, #tpu.memory_space<vmem_shared>> -> memref<80x128xf32, #tpu.memory_space<vmem_shared>>
      tpu.wait_dma2 semaphore(%run_scoped3A : memref<!tpu.dma_semaphore, #tpu.memory_space<semaphore_mem>>) src(%arg8 : memref<80x128xf32, #tpu.memory_space<vmem>>) dst(%dma_wait3A_179 : memref<80x128xf32, #tpu.memory_space<vmem_shared>>)
      tpu.yield
    }) : () -> ()
    %mul3A_33 = arith.constant 640 : i32
    %mul3A_34 = arith.muli %arg1, %mul3A_33 : i32
    %add3A_35 = arith.constant 560 : i32
    %add3A_36 = arith.addi %mul3A_34, %add3A_35 : i32
    "tpu.region"() ({
      %run_scoped3A = tpu.sem_alloc : memref<!tpu.dma_semaphore, #tpu.memory_space<semaphore_mem>>
      %dma_start3A_173 = arith.constant 0 : i32
      %dma_start3A_174 = tpu.memref_slice %arg12[%add3A_36, %dma_start3A_173] : memref<10240x128xf32, #tpu.memory_space<vmem_shared>> -> memref<80x128xf32, #tpu.memory_space<vmem_shared>>
      %dma_start3A_175 = arith.constant 0 : i32
      %dma_start3A_176 = tpu.memref_slice %arg12[%add3A_36, %dma_start3A_175] : memref<10240x128xf32, #tpu.memory_space<vmem_shared>> -> memref<80x128xf32, #tpu.memory_space<vmem_shared>>
      tpu.enqueue_dma source(%arg8 : memref<80x128xf32, #tpu.memory_space<vmem>>) target(%dma_start3A_176 : memref<80x128xf32, #tpu.memory_space<vmem_shared>>) target_semaphore(%run_scoped3A : memref<!tpu.dma_semaphore, #tpu.memory_space<semaphore_mem>>)
      %dma_wait3A = arith.constant 0 : i32
      %dma_wait3A_177 = tpu.memref_slice %arg12[%add3A_36, %dma_wait3A] : memref<10240x128xf32, #tpu.memory_space<vmem_shared>> -> memref<80x128xf32, #tpu.memory_space<vmem_shared>>
      %dma_wait3A_178 = arith.constant 0 : i32
      %dma_wait3A_179 = tpu.memref_slice %arg12[%add3A_36, %dma_wait3A_178] : memref<10240x128xf32, #tpu.memory_space<vmem_shared>> -> memref<80x128xf32, #tpu.memory_space<vmem_shared>>
      tpu.wait_dma2 semaphore(%run_scoped3A : memref<!tpu.dma_semaphore, #tpu.memory_space<semaphore_mem>>) src(%arg8 : memref<80x128xf32, #tpu.memory_space<vmem>>) dst(%dma_wait3A_179 : memref<80x128xf32, #tpu.memory_space<vmem_shared>>)
      tpu.yield
    }) : () -> ()
    %barrier3A = arith.constant 0 : index
    tpu.barrier barrier_id(%barrier3A)
    "tpu.region"() ({
      %run_scoped3A = tpu.sem_alloc : memref<!tpu.dma_semaphore, #tpu.memory_space<semaphore_mem>>
      %dma_start3A_173 = arith.constant 0 : i32
      %dma_start3A_174 = arith.constant 0 : i32
      %dma_start3A_175 = tpu.memref_slice %arg3[%add3A, %dma_start3A_173, %dma_start3A_174] : memref<32x128x80xi32, #tpu.memory_space<hbm>> -> memref<1x32x80xi32, #tpu.memory_space<hbm>>
      %dma_start3A_176 = tpu.memref_squeeze %dma_start3A_175 : memref<1x32x80xi32, #tpu.memory_space<hbm>> -> memref<32x80xi32, #tpu.memory_space<hbm>>
      %dma_start3A_177 = arith.constant 0 : i32
      %dma_start3A_178 = arith.constant 0 : i32
      %dma_start3A_179 = tpu.memref_slice %arg3[%add3A, %dma_start3A_177, %dma_start3A_178] : memref<32x128x80xi32, #tpu.memory_space<hbm>> -> memref<1x32x80xi32, #tpu.memory_space<hbm>>
      %dma_start3A_180 = tpu.memref_squeeze %dma_start3A_179 : memref<1x32x80xi32, #tpu.memory_space<hbm>> -> memref<32x80xi32, #tpu.memory_space<hbm>>
      tpu.enqueue_dma source(%dma_start3A_180 : memref<32x80xi32, #tpu.memory_space<hbm>>) target(%arg6 : memref<32x80xi32, #tpu.memory_space<vmem>>) target_semaphore(%run_scoped3A : memref<!tpu.dma_semaphore, #tpu.memory_space<semaphore_mem>>)
      %dma_wait3A = arith.constant 0 : i32
      %dma_wait3A_181 = arith.constant 0 : i32
      %dma_wait3A_182 = tpu.memref_slice %arg3[%add3A, %dma_wait3A, %dma_wait3A_181] : memref<32x128x80xi32, #tpu.memory_space<hbm>> -> memref<1x32x80xi32, #tpu.memory_space<hbm>>
      %dma_wait3A_183 = tpu.memref_squeeze %dma_wait3A_182 : memref<1x32x80xi32, #tpu.memory_space<hbm>> -> memref<32x80xi32, #tpu.memory_space<hbm>>
      %dma_wait3A_184 = arith.constant 0 : i32
      %dma_wait3A_185 = arith.constant 0 : i32
      %dma_wait3A_186 = tpu.memref_slice %arg3[%add3A, %dma_wait3A_184, %dma_wait3A_185] : memref<32x128x80xi32, #tpu.memory_space<hbm>> -> memref<1x32x80xi32, #tpu.memory_space<hbm>>
      %dma_wait3A_187 = tpu.memref_squeeze %dma_wait3A_186 : memref<1x32x80xi32, #tpu.memory_space<hbm>> -> memref<32x80xi32, #tpu.memory_space<hbm>>
      tpu.wait_dma2 semaphore(%run_scoped3A : memref<!tpu.dma_semaphore, #tpu.memory_space<semaphore_mem>>) src(%dma_wait3A_187 : memref<32x80xi32, #tpu.memory_space<hbm>>) dst(%arg6 : memref<32x80xi32, #tpu.memory_space<vmem>>)
      tpu.yield
    }) : () -> ()
    "tpu.region"() ({
      %run_scoped3A = tpu.sem_alloc : memref<!tpu.dma_semaphore, #tpu.memory_space<semaphore_mem>>
      %dma_start3A_173 = arith.constant 0 : i32
      %dma_start3A_174 = arith.constant 0 : i32
      %dma_start3A_175 = tpu.memref_slice %arg4[%add3A, %dma_start3A_173, %dma_start3A_174] : memref<32x128x80xi32, #tpu.memory_space<hbm>> -> memref<1x32x80xi32, #tpu.memory_space<hbm>>
      %dma_start3A_176 = tpu.memref_squeeze %dma_start3A_175 : memref<1x32x80xi32, #tpu.memory_space<hbm>> -> memref<32x80xi32, #tpu.memory_space<hbm>>
      %dma_start3A_177 = arith.constant 0 : i32
      %dma_start3A_178 = arith.constant 0 : i32
      %dma_start3A_179 = tpu.memref_slice %arg4[%add3A, %dma_start3A_177, %dma_start3A_178] : memref<32x128x80xi32, #tpu.memory_space<hbm>> -> memref<1x32x80xi32, #tpu.memory_space<hbm>>
      %dma_start3A_180 = tpu.memref_squeeze %dma_start3A_179 : memref<1x32x80xi32, #tpu.memory_space<hbm>> -> memref<32x80xi32, #tpu.memory_space<hbm>>
      tpu.enqueue_dma source(%dma_start3A_180 : memref<32x80xi32, #tpu.memory_space<hbm>>) target(%arg7 : memref<32x80xi32, #tpu.memory_space<vmem>>) target_semaphore(%run_scoped3A : memref<!tpu.dma_semaphore, #tpu.memory_space<semaphore_mem>>)
      %dma_wait3A = arith.constant 0 : i32
      %dma_wait3A_181 = arith.constant 0 : i32
      %dma_wait3A_182 = tpu.memref_slice %arg4[%add3A, %dma_wait3A, %dma_wait3A_181] : memref<32x128x80xi32, #tpu.memory_space<hbm>> -> memref<1x32x80xi32, #tpu.memory_space<hbm>>
      %dma_wait3A_183 = tpu.memref_squeeze %dma_wait3A_182 : memref<1x32x80xi32, #tpu.memory_space<hbm>> -> memref<32x80xi32, #tpu.memory_space<hbm>>
      %dma_wait3A_184 = arith.constant 0 : i32
      %dma_wait3A_185 = arith.constant 0 : i32
      %dma_wait3A_186 = tpu.memref_slice %arg4[%add3A, %dma_wait3A_184, %dma_wait3A_185] : memref<32x128x80xi32, #tpu.memory_space<hbm>> -> memref<1x32x80xi32, #tpu.memory_space<hbm>>
      %dma_wait3A_187 = tpu.memref_squeeze %dma_wait3A_186 : memref<1x32x80xi32, #tpu.memory_space<hbm>> -> memref<32x80xi32, #tpu.memory_space<hbm>>
      tpu.wait_dma2 semaphore(%run_scoped3A : memref<!tpu.dma_semaphore, #tpu.memory_space<semaphore_mem>>) src(%dma_wait3A_187 : memref<32x80xi32, #tpu.memory_space<hbm>>) dst(%arg7 : memref<32x80xi32, #tpu.memory_space<vmem>>)
      tpu.yield
    }) : () -> ()
    %dma_start3A = arith.constant 0 : i32
    %dma_start3A_37 = arith.constant 0 : i32
    %dma_start3A_38 = tpu.memref_slice %arg6[%dma_start3A, %dma_start3A_37] : memref<32x80xi32, #tpu.memory_space<vmem>> -> memref<1x80xi32, #tpu.memory_space<vmem>>
    %dma_start3A_39 = tpu.memref_squeeze %dma_start3A_38 : memref<1x80xi32, #tpu.memory_space<vmem>> -> memref<80xi32, #tpu.memory_space<vmem>>
    %dma_start3A_40 = arith.constant 0 : i32
    %dma_start3A_41 = arith.constant 0 : i32
    %dma_start3A_42 = tpu.memref_slice %arg2[%dma_start3A_40, %dma_start3A_41] : memref<10240x128xf32, #tpu.memory_space<hbm>> -> memref<10240x128xf32, #tpu.memory_space<hbm>>
    tpu.enqueue_indirect_dma source(%dma_start3A_42 : memref<10240x128xf32, #tpu.memory_space<hbm>>) target(%arg8 : memref<80x128xf32, #tpu.memory_space<vmem>>) offsets(%dma_start3A_39 : memref<80xi32, #tpu.memory_space<vmem>>) semaphore(%arg13 : memref<!tpu.dma_semaphore, #tpu.memory_space<semaphore_mem>>)
    %dma_start3A_43 = arith.constant 1 : i32
    %dma_start3A_44 = arith.constant 0 : i32
    %dma_start3A_45 = tpu.memref_slice %arg6[%dma_start3A_43, %dma_start3A_44] : memref<32x80xi32, #tpu.memory_space<vmem>> -> memref<1x80xi32, #tpu.memory_space<vmem>>
    %dma_start3A_46 = tpu.memref_squeeze %dma_start3A_45 : memref<1x80xi32, #tpu.memory_space<vmem>> -> memref<80xi32, #tpu.memory_space<vmem>>
    %dma_start3A_47 = arith.constant 0 : i32
    %dma_start3A_48 = arith.constant 0 : i32
    %dma_start3A_49 = tpu.memref_slice %arg2[%dma_start3A_47, %dma_start3A_48] : memref<10240x128xf32, #tpu.memory_space<hbm>> -> memref<10240x128xf32, #tpu.memory_space<hbm>>
    tpu.enqueue_indirect_dma source(%dma_start3A_49 : memref<10240x128xf32, #tpu.memory_space<hbm>>) target(%arg9 : memref<80x128xf32, #tpu.memory_space<vmem>>) offsets(%dma_start3A_46 : memref<80xi32, #tpu.memory_space<vmem>>) semaphore(%arg14 : memref<!tpu.dma_semaphore, #tpu.memory_space<semaphore_mem>>)
    %dma_start3A_50 = arith.constant 2 : i32
    %dma_start3A_51 = arith.constant 0 : i32
    %dma_start3A_52 = tpu.memref_slice %arg6[%dma_start3A_50, %dma_start3A_51] : memref<32x80xi32, #tpu.memory_space<vmem>> -> memref<1x80xi32, #tpu.memory_space<vmem>>
    %dma_start3A_53 = tpu.memref_squeeze %dma_start3A_52 : memref<1x80xi32, #tpu.memory_space<vmem>> -> memref<80xi32, #tpu.memory_space<vmem>>
    %dma_start3A_54 = arith.constant 0 : i32
    %dma_start3A_55 = arith.constant 0 : i32
    %dma_start3A_56 = tpu.memref_slice %arg2[%dma_start3A_54, %dma_start3A_55] : memref<10240x128xf32, #tpu.memory_space<hbm>> -> memref<10240x128xf32, #tpu.memory_space<hbm>>
    tpu.enqueue_indirect_dma source(%dma_start3A_56 : memref<10240x128xf32, #tpu.memory_space<hbm>>) target(%arg10 : memref<80x128xf32, #tpu.memory_space<vmem>>) offsets(%dma_start3A_53 : memref<80xi32, #tpu.memory_space<vmem>>) semaphore(%arg15 : memref<!tpu.dma_semaphore, #tpu.memory_space<semaphore_mem>>)
    %dma_start3A_57 = arith.constant 3 : i32
    %dma_start3A_58 = arith.constant 0 : i32
    %dma_start3A_59 = tpu.memref_slice %arg6[%dma_start3A_57, %dma_start3A_58] : memref<32x80xi32, #tpu.memory_space<vmem>> -> memref<1x80xi32, #tpu.memory_space<vmem>>
    %dma_start3A_60 = tpu.memref_squeeze %dma_start3A_59 : memref<1x80xi32, #tpu.memory_space<vmem>> -> memref<80xi32, #tpu.memory_space<vmem>>
    %dma_start3A_61 = arith.constant 0 : i32
    %dma_start3A_62 = arith.constant 0 : i32
    %dma_start3A_63 = tpu.memref_slice %arg2[%dma_start3A_61, %dma_start3A_62] : memref<10240x128xf32, #tpu.memory_space<hbm>> -> memref<10240x128xf32, #tpu.memory_space<hbm>>
    tpu.enqueue_indirect_dma source(%dma_start3A_63 : memref<10240x128xf32, #tpu.memory_space<hbm>>) target(%arg11 : memref<80x128xf32, #tpu.memory_space<vmem>>) offsets(%dma_start3A_60 : memref<80xi32, #tpu.memory_space<vmem>>) semaphore(%arg16 : memref<!tpu.dma_semaphore, #tpu.memory_space<semaphore_mem>>)
    %scan3A_64 = arith.constant 0 : i32
    %scan3A_65 = arith.constant 8 : i32
    %scan3A_66 = arith.addi %scan3A_64, %scan3A_65 : i32
    %scan3A_67 = arith.constant 1 : i32
    scf.for %scan3A_173 = %scan3A_64 to %scan3A_66 step %scan3A_67  : i32 {
      %mul3A_174 = arith.constant 1 : i32
      %mul3A_175 = arith.muli %scan3A_173, %mul3A_174 : i32
      %add3A_176 = arith.constant 0 : i32
      %add3A_177 = arith.addi %add3A_176, %mul3A_175 : i32
      %dma_wait3A = arith.constant 0 : i32
      %dma_wait3A_178 = arith.constant 0 : i32
      %dma_wait3A_179 = tpu.memref_slice %arg6[%dma_wait3A, %dma_wait3A_178] : memref<32x80xi32, #tpu.memory_space<vmem>> -> memref<1x80xi32, #tpu.memory_space<vmem>>
      %dma_wait3A_180 = tpu.memref_squeeze %dma_wait3A_179 : memref<1x80xi32, #tpu.memory_space<vmem>> -> memref<80xi32, #tpu.memory_space<vmem>>
      %dma_wait3A_181 = arith.constant 0 : i32
      %dma_wait3A_182 = arith.constant 0 : i32
      %dma_wait3A_183 = tpu.memref_slice %arg2[%dma_wait3A_181, %dma_wait3A_182] : memref<10240x128xf32, #tpu.memory_space<hbm>> -> memref<10240x128xf32, #tpu.memory_space<hbm>>
      tpu.wait_indirect_dma semaphore(%arg13 : memref<!tpu.dma_semaphore, #tpu.memory_space<semaphore_mem>>) src(%dma_wait3A_183 : memref<10240x128xf32, #tpu.memory_space<hbm>>) dst(%arg8 : memref<80x128xf32, #tpu.memory_space<vmem>>)
      %mul3A_184 = arith.constant 4 : i32
      %mul3A_185 = arith.muli %mul3A_184, %add3A_177 : i32
      %add3A_186 = arith.constant 0 : i32
      %add3A_187 = arith.addi %mul3A_185, %add3A_186 : i32
      %dma_start3A_188 = arith.constant 0 : i32
      %dma_start3A_189 = tpu.memref_slice %arg7[%add3A_187, %dma_start3A_188] : memref<32x80xi32, #tpu.memory_space<vmem>> -> memref<1x80xi32, #tpu.memory_space<vmem>>
      %dma_start3A_190 = tpu.memref_squeeze %dma_start3A_189 : memref<1x80xi32, #tpu.memory_space<vmem>> -> memref<80xi32, #tpu.memory_space<vmem>>
      %dma_start3A_191 = arith.constant 0 : i32
      %dma_start3A_192 = arith.constant 0 : i32
      %dma_start3A_193 = tpu.memref_slice %arg12[%dma_start3A_191, %dma_start3A_192] : memref<10240x128xf32, #tpu.memory_space<vmem_shared>> -> memref<10240x128xf32, #tpu.memory_space<vmem_shared>>
      tpu.enqueue_indirect_dma source(%arg8 : memref<80x128xf32, #tpu.memory_space<vmem>>) target(%dma_start3A_193 : memref<10240x128xf32, #tpu.memory_space<vmem_shared>>) offsets(%dma_start3A_190 : memref<80xi32, #tpu.memory_space<vmem>>) semaphore(%arg17 : memref<!tpu.dma_semaphore, #tpu.memory_space<semaphore_mem>>) {add = true}
      %dma_wait3A_194 = arith.constant 0 : i32
      %dma_wait3A_195 = arith.constant 0 : i32
      %dma_wait3A_196 = tpu.memref_slice %arg7[%dma_wait3A_194, %dma_wait3A_195] : memref<32x80xi32, #tpu.memory_space<vmem>> -> memref<1x80xi32, #tpu.memory_space<vmem>>
      %dma_wait3A_197 = tpu.memref_squeeze %dma_wait3A_196 : memref<1x80xi32, #tpu.memory_space<vmem>> -> memref<80xi32, #tpu.memory_space<vmem>>
      %dma_wait3A_198 = arith.constant 0 : i32
      %dma_wait3A_199 = arith.constant 0 : i32
      %dma_wait3A_200 = tpu.memref_slice %arg12[%dma_wait3A_198, %dma_wait3A_199] : memref<10240x128xf32, #tpu.memory_space<vmem_shared>> -> memref<10240x128xf32, #tpu.memory_space<vmem_shared>>
      tpu.wait_indirect_dma semaphore(%arg17 : memref<!tpu.dma_semaphore, #tpu.memory_space<semaphore_mem>>) src(%arg8 : memref<80x128xf32, #tpu.memory_space<vmem>>) dst(%dma_wait3A_200 : memref<10240x128xf32, #tpu.memory_space<vmem_shared>>)
      %lt3A = arith.constant 7 : i32
      %lt3A_201 = arith.cmpi slt, %add3A_177, %lt3A : i32
      %convert_element_type3A = arith.extui %lt3A_201 : i1 to i32
      %cond3A = arith.constant 0 : i32
      %cond3A_202 = arith.cmpi ne, %convert_element_type3A, %cond3A : i32
      scf.if %cond3A_202 {
        %mul3A_290 = arith.constant 4 : i32
        %mul3A_291 = arith.muli %mul3A_290, %add3A_177 : i32
        %add3A_292 = arith.constant 4 : i32
        %add3A_293 = arith.addi %mul3A_291, %add3A_292 : i32
        %add3A_294 = arith.constant 0 : i32
        %add3A_295 = arith.addi %add3A_293, %add3A_294 : i32
        %dma_start3A_296 = arith.constant 0 : i32
        %dma_start3A_297 = tpu.memref_slice %arg6[%add3A_295, %dma_start3A_296] : memref<32x80xi32, #tpu.memory_space<vmem>> -> memref<1x80xi32, #tpu.memory_space<vmem>>
        %dma_start3A_298 = tpu.memref_squeeze %dma_start3A_297 : memref<1x80xi32, #tpu.memory_space<vmem>> -> memref<80xi32, #tpu.memory_space<vmem>>
        %dma_start3A_299 = arith.constant 0 : i32
        %dma_start3A_300 = arith.constant 0 : i32
        %dma_start3A_301 = tpu.memref_slice %arg2[%dma_start3A_299, %dma_start3A_300] : memref<10240x128xf32, #tpu.memory_space<hbm>> -> memref<10240x128xf32, #tpu.memory_space<hbm>>
        tpu.enqueue_indirect_dma source(%dma_start3A_301 : memref<10240x128xf32, #tpu.memory_space<hbm>>) target(%arg8 : memref<80x128xf32, #tpu.memory_space<vmem>>) offsets(%dma_start3A_298 : memref<80xi32, #tpu.memory_space<vmem>>) semaphore(%arg13 : memref<!tpu.dma_semaphore, #tpu.memory_space<semaphore_mem>>)
      } else {
      }
      %dma_wait3A_203 = arith.constant 0 : i32
      %dma_wait3A_204 = arith.constant 0 : i32
      %dma_wait3A_205 = tpu.memref_slice %arg6[%dma_wait3A_203, %dma_wait3A_204] : memref<32x80xi32, #tpu.memory_space<vmem>> -> memref<1x80xi32, #tpu.memory_space<vmem>>
      %dma_wait3A_206 = tpu.memref_squeeze %dma_wait3A_205 : memref<1x80xi32, #tpu.memory_space<vmem>> -> memref<80xi32, #tpu.memory_space<vmem>>
      %dma_wait3A_207 = arith.constant 0 : i32
      %dma_wait3A_208 = arith.constant 0 : i32
      %dma_wait3A_209 = tpu.memref_slice %arg2[%dma_wait3A_207, %dma_wait3A_208] : memref<10240x128xf32, #tpu.memory_space<hbm>> -> memref<10240x128xf32, #tpu.memory_space<hbm>>
      tpu.wait_indirect_dma semaphore(%arg14 : memref<!tpu.dma_semaphore, #tpu.memory_space<semaphore_mem>>) src(%dma_wait3A_209 : memref<10240x128xf32, #tpu.memory_space<hbm>>) dst(%arg9 : memref<80x128xf32, #tpu.memory_space<vmem>>)
      %mul3A_210 = arith.constant 4 : i32
      %mul3A_211 = arith.muli %mul3A_210, %add3A_177 : i32
      %add3A_212 = arith.constant 1 : i32
      %add3A_213 = arith.addi %mul3A_211, %add3A_212 : i32
      %dma_start3A_214 = arith.constant 0 : i32
      %dma_start3A_215 = tpu.memref_slice %arg7[%add3A_213, %dma_start3A_214] : memref<32x80xi32, #tpu.memory_space<vmem>> -> memref<1x80xi32, #tpu.memory_space<vmem>>
      %dma_start3A_216 = tpu.memref_squeeze %dma_start3A_215 : memref<1x80xi32, #tpu.memory_space<vmem>> -> memref<80xi32, #tpu.memory_space<vmem>>
      %dma_start3A_217 = arith.constant 0 : i32
      %dma_start3A_218 = arith.constant 0 : i32
      %dma_start3A_219 = tpu.memref_slice %arg12[%dma_start3A_217, %dma_start3A_218] : memref<10240x128xf32, #tpu.memory_space<vmem_shared>> -> memref<10240x128xf32, #tpu.memory_space<vmem_shared>>
      tpu.enqueue_indirect_dma source(%arg9 : memref<80x128xf32, #tpu.memory_space<vmem>>) target(%dma_start3A_219 : memref<10240x128xf32, #tpu.memory_space<vmem_shared>>) offsets(%dma_start3A_216 : memref<80xi32, #tpu.memory_space<vmem>>) semaphore(%arg18 : memref<!tpu.dma_semaphore, #tpu.memory_space<semaphore_mem>>) {add = true}
      %dma_wait3A_220 = arith.constant 0 : i32
      %dma_wait3A_221 = arith.constant 0 : i32
      %dma_wait3A_222 = tpu.memref_slice %arg7[%dma_wait3A_220, %dma_wait3A_221] : memref<32x80xi32, #tpu.memory_space<vmem>> -> memref<1x80xi32, #tpu.memory_space<vmem>>
      %dma_wait3A_223 = tpu.memref_squeeze %dma_wait3A_222 : memref<1x80xi32, #tpu.memory_space<vmem>> -> memref<80xi32, #tpu.memory_space<vmem>>
      %dma_wait3A_224 = arith.constant 0 : i32
      %dma_wait3A_225 = arith.constant 0 : i32
      %dma_wait3A_226 = tpu.memref_slice %arg12[%dma_wait3A_224, %dma_wait3A_225] : memref<10240x128xf32, #tpu.memory_space<vmem_shared>> -> memref<10240x128xf32, #tpu.memory_space<vmem_shared>>
      tpu.wait_indirect_dma semaphore(%arg18 : memref<!tpu.dma_semaphore, #tpu.memory_space<semaphore_mem>>) src(%arg9 : memref<80x128xf32, #tpu.memory_space<vmem>>) dst(%dma_wait3A_226 : memref<10240x128xf32, #tpu.memory_space<vmem_shared>>)
      %lt3A_227 = arith.constant 7 : i32
      %lt3A_228 = arith.cmpi slt, %add3A_177, %lt3A_227 : i32
      %convert_element_type3A_229 = arith.extui %lt3A_228 : i1 to i32
      %cond3A_230 = arith.constant 0 : i32
      %cond3A_231 = arith.cmpi ne, %convert_element_type3A_229, %cond3A_230 : i32
      scf.if %cond3A_231 {
        %mul3A_290 = arith.constant 4 : i32
        %mul3A_291 = arith.muli %mul3A_290, %add3A_177 : i32
        %add3A_292 = arith.constant 4 : i32
        %add3A_293 = arith.addi %mul3A_291, %add3A_292 : i32
        %add3A_294 = arith.constant 1 : i32
        %add3A_295 = arith.addi %add3A_293, %add3A_294 : i32
        %dma_start3A_296 = arith.constant 0 : i32
        %dma_start3A_297 = tpu.memref_slice %arg6[%add3A_295, %dma_start3A_296] : memref<32x80xi32, #tpu.memory_space<vmem>> -> memref<1x80xi32, #tpu.memory_space<vmem>>
        %dma_start3A_298 = tpu.memref_squeeze %dma_start3A_297 : memref<1x80xi32, #tpu.memory_space<vmem>> -> memref<80xi32, #tpu.memory_space<vmem>>
        %dma_start3A_299 = arith.constant 0 : i32
        %dma_start3A_300 = arith.constant 0 : i32
        %dma_start3A_301 = tpu.memref_slice %arg2[%dma_start3A_299, %dma_start3A_300] : memref<10240x128xf32, #tpu.memory_space<hbm>> -> memref<10240x128xf32, #tpu.memory_space<hbm>>
        tpu.enqueue_indirect_dma source(%dma_start3A_301 : memref<10240x128xf32, #tpu.memory_space<hbm>>) target(%arg9 : memref<80x128xf32, #tpu.memory_space<vmem>>) offsets(%dma_start3A_298 : memref<80xi32, #tpu.memory_space<vmem>>) semaphore(%arg14 : memref<!tpu.dma_semaphore, #tpu.memory_space<semaphore_mem>>)
      } else {
      }
      %dma_wait3A_232 = arith.constant 0 : i32
      %dma_wait3A_233 = arith.constant 0 : i32
      %dma_wait3A_234 = tpu.memref_slice %arg6[%dma_wait3A_232, %dma_wait3A_233] : memref<32x80xi32, #tpu.memory_space<vmem>> -> memref<1x80xi32, #tpu.memory_space<vmem>>
      %dma_wait3A_235 = tpu.memref_squeeze %dma_wait3A_234 : memref<1x80xi32, #tpu.memory_space<vmem>> -> memref<80xi32, #tpu.memory_space<vmem>>
      %dma_wait3A_236 = arith.constant 0 : i32
      %dma_wait3A_237 = arith.constant 0 : i32
      %dma_wait3A_238 = tpu.memref_slice %arg2[%dma_wait3A_236, %dma_wait3A_237] : memref<10240x128xf32, #tpu.memory_space<hbm>> -> memref<10240x128xf32, #tpu.memory_space<hbm>>
      tpu.wait_indirect_dma semaphore(%arg15 : memref<!tpu.dma_semaphore, #tpu.memory_space<semaphore_mem>>) src(%dma_wait3A_238 : memref<10240x128xf32, #tpu.memory_space<hbm>>) dst(%arg10 : memref<80x128xf32, #tpu.memory_space<vmem>>)
      %mul3A_239 = arith.constant 4 : i32
      %mul3A_240 = arith.muli %mul3A_239, %add3A_177 : i32
      %add3A_241 = arith.constant 2 : i32
      %add3A_242 = arith.addi %mul3A_240, %add3A_241 : i32
      %dma_start3A_243 = arith.constant 0 : i32
      %dma_start3A_244 = tpu.memref_slice %arg7[%add3A_242, %dma_start3A_243] : memref<32x80xi32, #tpu.memory_space<vmem>> -> memref<1x80xi32, #tpu.memory_space<vmem>>
      %dma_start3A_245 = tpu.memref_squeeze %dma_start3A_244 : memref<1x80xi32, #tpu.memory_space<vmem>> -> memref<80xi32, #tpu.memory_space<vmem>>
      %dma_start3A_246 = arith.constant 0 : i32
      %dma_start3A_247 = arith.constant 0 : i32
      %dma_start3A_248 = tpu.memref_slice %arg12[%dma_start3A_246, %dma_start3A_247] : memref<10240x128xf32, #tpu.memory_space<vmem_shared>> -> memref<10240x128xf32, #tpu.memory_space<vmem_shared>>
      tpu.enqueue_indirect_dma source(%arg10 : memref<80x128xf32, #tpu.memory_space<vmem>>) target(%dma_start3A_248 : memref<10240x128xf32, #tpu.memory_space<vmem_shared>>) offsets(%dma_start3A_245 : memref<80xi32, #tpu.memory_space<vmem>>) semaphore(%arg19 : memref<!tpu.dma_semaphore, #tpu.memory_space<semaphore_mem>>) {add = true}
      %dma_wait3A_249 = arith.constant 0 : i32
      %dma_wait3A_250 = arith.constant 0 : i32
      %dma_wait3A_251 = tpu.memref_slice %arg7[%dma_wait3A_249, %dma_wait3A_250] : memref<32x80xi32, #tpu.memory_space<vmem>> -> memref<1x80xi32, #tpu.memory_space<vmem>>
      %dma_wait3A_252 = tpu.memref_squeeze %dma_wait3A_251 : memref<1x80xi32, #tpu.memory_space<vmem>> -> memref<80xi32, #tpu.memory_space<vmem>>
      %dma_wait3A_253 = arith.constant 0 : i32
      %dma_wait3A_254 = arith.constant 0 : i32
      %dma_wait3A_255 = tpu.memref_slice %arg12[%dma_wait3A_253, %dma_wait3A_254] : memref<10240x128xf32, #tpu.memory_space<vmem_shared>> -> memref<10240x128xf32, #tpu.memory_space<vmem_shared>>
      tpu.wait_indirect_dma semaphore(%arg19 : memref<!tpu.dma_semaphore, #tpu.memory_space<semaphore_mem>>) src(%arg10 : memref<80x128xf32, #tpu.memory_space<vmem>>) dst(%dma_wait3A_255 : memref<10240x128xf32, #tpu.memory_space<vmem_shared>>)
      %lt3A_256 = arith.constant 7 : i32
      %lt3A_257 = arith.cmpi slt, %add3A_177, %lt3A_256 : i32
      %convert_element_type3A_258 = arith.extui %lt3A_257 : i1 to i32
      %cond3A_259 = arith.constant 0 : i32
      %cond3A_260 = arith.cmpi ne, %convert_element_type3A_258, %cond3A_259 : i32
      scf.if %cond3A_260 {
        %mul3A_290 = arith.constant 4 : i32
        %mul3A_291 = arith.muli %mul3A_290, %add3A_177 : i32
        %add3A_292 = arith.constant 4 : i32
        %add3A_293 = arith.addi %mul3A_291, %add3A_292 : i32
        %add3A_294 = arith.constant 2 : i32
        %add3A_295 = arith.addi %add3A_293, %add3A_294 : i32
        %dma_start3A_296 = arith.constant 0 : i32
        %dma_start3A_297 = tpu.memref_slice %arg6[%add3A_295, %dma_start3A_296] : memref<32x80xi32, #tpu.memory_space<vmem>> -> memref<1x80xi32, #tpu.memory_space<vmem>>
        %dma_start3A_298 = tpu.memref_squeeze %dma_start3A_297 : memref<1x80xi32, #tpu.memory_space<vmem>> -> memref<80xi32, #tpu.memory_space<vmem>>
        %dma_start3A_299 = arith.constant 0 : i32
        %dma_start3A_300 = arith.constant 0 : i32
        %dma_start3A_301 = tpu.memref_slice %arg2[%dma_start3A_299, %dma_start3A_300] : memref<10240x128xf32, #tpu.memory_space<hbm>> -> memref<10240x128xf32, #tpu.memory_space<hbm>>
        tpu.enqueue_indirect_dma source(%dma_start3A_301 : memref<10240x128xf32, #tpu.memory_space<hbm>>) target(%arg10 : memref<80x128xf32, #tpu.memory_space<vmem>>) offsets(%dma_start3A_298 : memref<80xi32, #tpu.memory_space<vmem>>) semaphore(%arg15 : memref<!tpu.dma_semaphore, #tpu.memory_space<semaphore_mem>>)
      } else {
      }
      %dma_wait3A_261 = arith.constant 0 : i32
      %dma_wait3A_262 = arith.constant 0 : i32
      %dma_wait3A_263 = tpu.memref_slice %arg6[%dma_wait3A_261, %dma_wait3A_262] : memref<32x80xi32, #tpu.memory_space<vmem>> -> memref<1x80xi32, #tpu.memory_space<vmem>>
      %dma_wait3A_264 = tpu.memref_squeeze %dma_wait3A_263 : memref<1x80xi32, #tpu.memory_space<vmem>> -> memref<80xi32, #tpu.memory_space<vmem>>
      %dma_wait3A_265 = arith.constant 0 : i32
      %dma_wait3A_266 = arith.constant 0 : i32
      %dma_wait3A_267 = tpu.memref_slice %arg2[%dma_wait3A_265, %dma_wait3A_266] : memref<10240x128xf32, #tpu.memory_space<hbm>> -> memref<10240x128xf32, #tpu.memory_space<hbm>>
      tpu.wait_indirect_dma semaphore(%arg16 : memref<!tpu.dma_semaphore, #tpu.memory_space<semaphore_mem>>) src(%dma_wait3A_267 : memref<10240x128xf32, #tpu.memory_space<hbm>>) dst(%arg11 : memref<80x128xf32, #tpu.memory_space<vmem>>)
      %mul3A_268 = arith.constant 4 : i32
      %mul3A_269 = arith.muli %mul3A_268, %add3A_177 : i32
      %add3A_270 = arith.constant 3 : i32
      %add3A_271 = arith.addi %mul3A_269, %add3A_270 : i32
      %dma_start3A_272 = arith.constant 0 : i32
      %dma_start3A_273 = tpu.memref_slice %arg7[%add3A_271, %dma_start3A_272] : memref<32x80xi32, #tpu.memory_space<vmem>> -> memref<1x80xi32, #tpu.memory_space<vmem>>
      %dma_start3A_274 = tpu.memref_squeeze %dma_start3A_273 : memref<1x80xi32, #tpu.memory_space<vmem>> -> memref<80xi32, #tpu.memory_space<vmem>>
      %dma_start3A_275 = arith.constant 0 : i32
      %dma_start3A_276 = arith.constant 0 : i32
      %dma_start3A_277 = tpu.memref_slice %arg12[%dma_start3A_275, %dma_start3A_276] : memref<10240x128xf32, #tpu.memory_space<vmem_shared>> -> memref<10240x128xf32, #tpu.memory_space<vmem_shared>>
      tpu.enqueue_indirect_dma source(%arg11 : memref<80x128xf32, #tpu.memory_space<vmem>>) target(%dma_start3A_277 : memref<10240x128xf32, #tpu.memory_space<vmem_shared>>) offsets(%dma_start3A_274 : memref<80xi32, #tpu.memory_space<vmem>>) semaphore(%arg20 : memref<!tpu.dma_semaphore, #tpu.memory_space<semaphore_mem>>) {add = true}
      %dma_wait3A_278 = arith.constant 0 : i32
      %dma_wait3A_279 = arith.constant 0 : i32
      %dma_wait3A_280 = tpu.memref_slice %arg7[%dma_wait3A_278, %dma_wait3A_279] : memref<32x80xi32, #tpu.memory_space<vmem>> -> memref<1x80xi32, #tpu.memory_space<vmem>>
      %dma_wait3A_281 = tpu.memref_squeeze %dma_wait3A_280 : memref<1x80xi32, #tpu.memory_space<vmem>> -> memref<80xi32, #tpu.memory_space<vmem>>
      %dma_wait3A_282 = arith.constant 0 : i32
      %dma_wait3A_283 = arith.constant 0 : i32
      %dma_wait3A_284 = tpu.memref_slice %arg12[%dma_wait3A_282, %dma_wait3A_283] : memref<10240x128xf32, #tpu.memory_space<vmem_shared>> -> memref<10240x128xf32, #tpu.memory_space<vmem_shared>>
      tpu.wait_indirect_dma semaphore(%arg20 : memref<!tpu.dma_semaphore, #tpu.memory_space<semaphore_mem>>) src(%arg11 : memref<80x128xf32, #tpu.memory_space<vmem>>) dst(%dma_wait3A_284 : memref<10240x128xf32, #tpu.memory_space<vmem_shared>>)
      %lt3A_285 = arith.constant 7 : i32
      %lt3A_286 = arith.cmpi slt, %add3A_177, %lt3A_285 : i32
      %convert_element_type3A_287 = arith.extui %lt3A_286 : i1 to i32
      %cond3A_288 = arith.constant 0 : i32
      %cond3A_289 = arith.cmpi ne, %convert_element_type3A_287, %cond3A_288 : i32
      scf.if %cond3A_289 {
        %mul3A_290 = arith.constant 4 : i32
        %mul3A_291 = arith.muli %mul3A_290, %add3A_177 : i32
        %add3A_292 = arith.constant 4 : i32
        %add3A_293 = arith.addi %mul3A_291, %add3A_292 : i32
        %add3A_294 = arith.constant 3 : i32
        %add3A_295 = arith.addi %add3A_293, %add3A_294 : i32
        %dma_start3A_296 = arith.constant 0 : i32
        %dma_start3A_297 = tpu.memref_slice %arg6[%add3A_295, %dma_start3A_296] : memref<32x80xi32, #tpu.memory_space<vmem>> -> memref<1x80xi32, #tpu.memory_space<vmem>>
        %dma_start3A_298 = tpu.memref_squeeze %dma_start3A_297 : memref<1x80xi32, #tpu.memory_space<vmem>> -> memref<80xi32, #tpu.memory_space<vmem>>
        %dma_start3A_299 = arith.constant 0 : i32
        %dma_start3A_300 = arith.constant 0 : i32
        %dma_start3A_301 = tpu.memref_slice %arg2[%dma_start3A_299, %dma_start3A_300] : memref<10240x128xf32, #tpu.memory_space<hbm>> -> memref<10240x128xf32, #tpu.memory_space<hbm>>
        tpu.enqueue_indirect_dma source(%dma_start3A_301 : memref<10240x128xf32, #tpu.memory_space<hbm>>) target(%arg11 : memref<80x128xf32, #tpu.memory_space<vmem>>) offsets(%dma_start3A_298 : memref<80xi32, #tpu.memory_space<vmem>>) semaphore(%arg16 : memref<!tpu.dma_semaphore, #tpu.memory_space<semaphore_mem>>)
      } else {
      }
    }
    %scan3A_68 = arith.constant 8 : i32
    "tpu.region"() ({
      %run_scoped3A = tpu.sem_alloc : memref<!tpu.dma_semaphore, #tpu.memory_space<semaphore_mem>>
      %dma_start3A_173 = arith.constant 32 : i32
      %dma_start3A_174 = arith.constant 0 : i32
      %dma_start3A_175 = tpu.memref_slice %arg3[%add3A, %dma_start3A_173, %dma_start3A_174] : memref<32x128x80xi32, #tpu.memory_space<hbm>> -> memref<1x32x80xi32, #tpu.memory_space<hbm>>
      %dma_start3A_176 = tpu.memref_squeeze %dma_start3A_175 : memref<1x32x80xi32, #tpu.memory_space<hbm>> -> memref<32x80xi32, #tpu.memory_space<hbm>>
      %dma_start3A_177 = arith.constant 32 : i32
      %dma_start3A_178 = arith.constant 0 : i32
      %dma_start3A_179 = tpu.memref_slice %arg3[%add3A, %dma_start3A_177, %dma_start3A_178] : memref<32x128x80xi32, #tpu.memory_space<hbm>> -> memref<1x32x80xi32, #tpu.memory_space<hbm>>
      %dma_start3A_180 = tpu.memref_squeeze %dma_start3A_179 : memref<1x32x80xi32, #tpu.memory_space<hbm>> -> memref<32x80xi32, #tpu.memory_space<hbm>>
      tpu.enqueue_dma source(%dma_start3A_180 : memref<32x80xi32, #tpu.memory_space<hbm>>) target(%arg6 : memref<32x80xi32, #tpu.memory_space<vmem>>) target_semaphore(%run_scoped3A : memref<!tpu.dma_semaphore, #tpu.memory_space<semaphore_mem>>)
      %dma_wait3A = arith.constant 32 : i32
      %dma_wait3A_181 = arith.constant 0 : i32
      %dma_wait3A_182 = tpu.memref_slice %arg3[%add3A, %dma_wait3A, %dma_wait3A_181] : memref<32x128x80xi32, #tpu.memory_space<hbm>> -> memref<1x32x80xi32, #tpu.memory_space<hbm>>
      %dma_wait3A_183 = tpu.memref_squeeze %dma_wait3A_182 : memref<1x32x80xi32, #tpu.memory_space<hbm>> -> memref<32x80xi32, #tpu.memory_space<hbm>>
      %dma_wait3A_184 = arith.constant 32 : i32
      %dma_wait3A_185 = arith.constant 0 : i32
      %dma_wait3A_186 = tpu.memref_slice %arg3[%add3A, %dma_wait3A_184, %dma_wait3A_185] : memref<32x128x80xi32, #tpu.memory_space<hbm>> -> memref<1x32x80xi32, #tpu.memory_space<hbm>>
      %dma_wait3A_187 = tpu.memref_squeeze %dma_wait3A_186 : memref<1x32x80xi32, #tpu.memory_space<hbm>> -> memref<32x80xi32, #tpu.memory_space<hbm>>
      tpu.wait_dma2 semaphore(%run_scoped3A : memref<!tpu.dma_semaphore, #tpu.memory_space<semaphore_mem>>) src(%dma_wait3A_187 : memref<32x80xi32, #tpu.memory_space<hbm>>) dst(%arg6 : memref<32x80xi32, #tpu.memory_space<vmem>>)
      tpu.yield
    }) : () -> ()
    "tpu.region"() ({
      %run_scoped3A = tpu.sem_alloc : memref<!tpu.dma_semaphore, #tpu.memory_space<semaphore_mem>>
      %dma_start3A_173 = arith.constant 32 : i32
      %dma_start3A_174 = arith.constant 0 : i32
      %dma_start3A_175 = tpu.memref_slice %arg4[%add3A, %dma_start3A_173, %dma_start3A_174] : memref<32x128x80xi32, #tpu.memory_space<hbm>> -> memref<1x32x80xi32, #tpu.memory_space<hbm>>
      %dma_start3A_176 = tpu.memref_squeeze %dma_start3A_175 : memref<1x32x80xi32, #tpu.memory_space<hbm>> -> memref<32x80xi32, #tpu.memory_space<hbm>>
      %dma_start3A_177 = arith.constant 32 : i32
      %dma_start3A_178 = arith.constant 0 : i32
      %dma_start3A_179 = tpu.memref_slice %arg4[%add3A, %dma_start3A_177, %dma_start3A_178] : memref<32x128x80xi32, #tpu.memory_space<hbm>> -> memref<1x32x80xi32, #tpu.memory_space<hbm>>
      %dma_start3A_180 = tpu.memref_squeeze %dma_start3A_179 : memref<1x32x80xi32, #tpu.memory_space<hbm>> -> memref<32x80xi32, #tpu.memory_space<hbm>>
      tpu.enqueue_dma source(%dma_start3A_180 : memref<32x80xi32, #tpu.memory_space<hbm>>) target(%arg7 : memref<32x80xi32, #tpu.memory_space<vmem>>) target_semaphore(%run_scoped3A : memref<!tpu.dma_semaphore, #tpu.memory_space<semaphore_mem>>)
      %dma_wait3A = arith.constant 32 : i32
      %dma_wait3A_181 = arith.constant 0 : i32
      %dma_wait3A_182 = tpu.memref_slice %arg4[%add3A, %dma_wait3A, %dma_wait3A_181] : memref<32x128x80xi32, #tpu.memory_space<hbm>> -> memref<1x32x80xi32, #tpu.memory_space<hbm>>
      %dma_wait3A_183 = tpu.memref_squeeze %dma_wait3A_182 : memref<1x32x80xi32, #tpu.memory_space<hbm>> -> memref<32x80xi32, #tpu.memory_space<hbm>>
      %dma_wait3A_184 = arith.constant 32 : i32
      %dma_wait3A_185 = arith.constant 0 : i32
      %dma_wait3A_186 = tpu.memref_slice %arg4[%add3A, %dma_wait3A_184, %dma_wait3A_185] : memref<32x128x80xi32, #tpu.memory_space<hbm>> -> memref<1x32x80xi32, #tpu.memory_space<hbm>>
      %dma_wait3A_187 = tpu.memref_squeeze %dma_wait3A_186 : memref<1x32x80xi32, #tpu.memory_space<hbm>> -> memref<32x80xi32, #tpu.memory_space<hbm>>
      tpu.wait_dma2 semaphore(%run_scoped3A : memref<!tpu.dma_semaphore, #tpu.memory_space<semaphore_mem>>) src(%dma_wait3A_187 : memref<32x80xi32, #tpu.memory_space<hbm>>) dst(%arg7 : memref<32x80xi32, #tpu.memory_space<vmem>>)
      tpu.yield
    }) : () -> ()
    %dma_start3A_69 = arith.constant 0 : i32
    %dma_start3A_70 = arith.constant 0 : i32
    %dma_start3A_71 = tpu.memref_slice %arg6[%dma_start3A_69, %dma_start3A_70] : memref<32x80xi32, #tpu.memory_space<vmem>> -> memref<1x80xi32, #tpu.memory_space<vmem>>
    %dma_start3A_72 = tpu.memref_squeeze %dma_start3A_71 : memref<1x80xi32, #tpu.memory_space<vmem>> -> memref<80xi32, #tpu.memory_space<vmem>>
    %dma_start3A_73 = arith.constant 0 : i32
    %dma_start3A_74 = arith.constant 0 : i32
    %dma_start3A_75 = tpu.memref_slice %arg2[%dma_start3A_73, %dma_start3A_74] : memref<10240x128xf32, #tpu.memory_space<hbm>> -> memref<10240x128xf32, #tpu.memory_space<hbm>>
    tpu.enqueue_indirect_dma source(%dma_start3A_75 : memref<10240x128xf32, #tpu.memory_space<hbm>>) target(%arg8 : memref<80x128xf32, #tpu.memory_space<vmem>>) offsets(%dma_start3A_72 : memref<80xi32, #tpu.memory_space<vmem>>) semaphore(%arg13 : memref<!tpu.dma_semaphore, #tpu.memory_space<semaphore_mem>>)
    %dma_start3A_76 = arith.constant 1 : i32
    %dma_start3A_77 = arith.constant 0 : i32
    %dma_start3A_78 = tpu.memref_slice %arg6[%dma_start3A_76, %dma_start3A_77] : memref<32x80xi32, #tpu.memory_space<vmem>> -> memref<1x80xi32, #tpu.memory_space<vmem>>
    %dma_start3A_79 = tpu.memref_squeeze %dma_start3A_78 : memref<1x80xi32, #tpu.memory_space<vmem>> -> memref<80xi32, #tpu.memory_space<vmem>>
    %dma_start3A_80 = arith.constant 0 : i32
    %dma_start3A_81 = arith.constant 0 : i32
    %dma_start3A_82 = tpu.memref_slice %arg2[%dma_start3A_80, %dma_start3A_81] : memref<10240x128xf32, #tpu.memory_space<hbm>> -> memref<10240x128xf32, #tpu.memory_space<hbm>>
    tpu.enqueue_indirect_dma source(%dma_start3A_82 : memref<10240x128xf32, #tpu.memory_space<hbm>>) target(%arg9 : memref<80x128xf32, #tpu.memory_space<vmem>>) offsets(%dma_start3A_79 : memref<80xi32, #tpu.memory_space<vmem>>) semaphore(%arg14 : memref<!tpu.dma_semaphore, #tpu.memory_space<semaphore_mem>>)
    %dma_start3A_83 = arith.constant 2 : i32
    %dma_start3A_84 = arith.constant 0 : i32
    %dma_start3A_85 = tpu.memref_slice %arg6[%dma_start3A_83, %dma_start3A_84] : memref<32x80xi32, #tpu.memory_space<vmem>> -> memref<1x80xi32, #tpu.memory_space<vmem>>
    %dma_start3A_86 = tpu.memref_squeeze %dma_start3A_85 : memref<1x80xi32, #tpu.memory_space<vmem>> -> memref<80xi32, #tpu.memory_space<vmem>>
    %dma_start3A_87 = arith.constant 0 : i32
    %dma_start3A_88 = arith.constant 0 : i32
    %dma_start3A_89 = tpu.memref_slice %arg2[%dma_start3A_87, %dma_start3A_88] : memref<10240x128xf32, #tpu.memory_space<hbm>> -> memref<10240x128xf32, #tpu.memory_space<hbm>>
    tpu.enqueue_indirect_dma source(%dma_start3A_89 : memref<10240x128xf32, #tpu.memory_space<hbm>>) target(%arg10 : memref<80x128xf32, #tpu.memory_space<vmem>>) offsets(%dma_start3A_86 : memref<80xi32, #tpu.memory_space<vmem>>) semaphore(%arg15 : memref<!tpu.dma_semaphore, #tpu.memory_space<semaphore_mem>>)
    %dma_start3A_90 = arith.constant 3 : i32
    %dma_start3A_91 = arith.constant 0 : i32
    %dma_start3A_92 = tpu.memref_slice %arg6[%dma_start3A_90, %dma_start3A_91] : memref<32x80xi32, #tpu.memory_space<vmem>> -> memref<1x80xi32, #tpu.memory_space<vmem>>
    %dma_start3A_93 = tpu.memref_squeeze %dma_start3A_92 : memref<1x80xi32, #tpu.memory_space<vmem>> -> memref<80xi32, #tpu.memory_space<vmem>>
    %dma_start3A_94 = arith.constant 0 : i32
    %dma_start3A_95 = arith.constant 0 : i32
    %dma_start3A_96 = tpu.memref_slice %arg2[%dma_start3A_94, %dma_start3A_95] : memref<10240x128xf32, #tpu.memory_space<hbm>> -> memref<10240x128xf32, #tpu.memory_space<hbm>>
    tpu.enqueue_indirect_dma source(%dma_start3A_96 : memref<10240x128xf32, #tpu.memory_space<hbm>>) target(%arg11 : memref<80x128xf32, #tpu.memory_space<vmem>>) offsets(%dma_start3A_93 : memref<80xi32, #tpu.memory_space<vmem>>) semaphore(%arg16 : memref<!tpu.dma_semaphore, #tpu.memory_space<semaphore_mem>>)
    %scan3A_97 = arith.constant 0 : i32
    %scan3A_98 = arith.constant 8 : i32
    %scan3A_99 = arith.addi %scan3A_97, %scan3A_98 : i32
    %scan3A_100 = arith.constant 1 : i32
    scf.for %scan3A_173 = %scan3A_97 to %scan3A_99 step %scan3A_100  : i32 {
      %mul3A_174 = arith.constant 1 : i32
      %mul3A_175 = arith.muli %scan3A_173, %mul3A_174 : i32
      %add3A_176 = arith.constant 0 : i32
      %add3A_177 = arith.addi %add3A_176, %mul3A_175 : i32
      %dma_wait3A = arith.constant 0 : i32
      %dma_wait3A_178 = arith.constant 0 : i32
      %dma_wait3A_179 = tpu.memref_slice %arg6[%dma_wait3A, %dma_wait3A_178] : memref<32x80xi32, #tpu.memory_space<vmem>> -> memref<1x80xi32, #tpu.memory_space<vmem>>
      %dma_wait3A_180 = tpu.memref_squeeze %dma_wait3A_179 : memref<1x80xi32, #tpu.memory_space<vmem>> -> memref<80xi32, #tpu.memory_space<vmem>>
      %dma_wait3A_181 = arith.constant 0 : i32
      %dma_wait3A_182 = arith.constant 0 : i32
      %dma_wait3A_183 = tpu.memref_slice %arg2[%dma_wait3A_181, %dma_wait3A_182] : memref<10240x128xf32, #tpu.memory_space<hbm>> -> memref<10240x128xf32, #tpu.memory_space<hbm>>
      tpu.wait_indirect_dma semaphore(%arg13 : memref<!tpu.dma_semaphore, #tpu.memory_space<semaphore_mem>>) src(%dma_wait3A_183 : memref<10240x128xf32, #tpu.memory_space<hbm>>) dst(%arg8 : memref<80x128xf32, #tpu.memory_space<vmem>>)
      %mul3A_184 = arith.constant 4 : i32
      %mul3A_185 = arith.muli %mul3A_184, %add3A_177 : i32
      %add3A_186 = arith.constant 0 : i32
      %add3A_187 = arith.addi %mul3A_185, %add3A_186 : i32
      %dma_start3A_188 = arith.constant 0 : i32
      %dma_start3A_189 = tpu.memref_slice %arg7[%add3A_187, %dma_start3A_188] : memref<32x80xi32, #tpu.memory_space<vmem>> -> memref<1x80xi32, #tpu.memory_space<vmem>>
      %dma_start3A_190 = tpu.memref_squeeze %dma_start3A_189 : memref<1x80xi32, #tpu.memory_space<vmem>> -> memref<80xi32, #tpu.memory_space<vmem>>
      %dma_start3A_191 = arith.constant 0 : i32
      %dma_start3A_192 = arith.constant 0 : i32
      %dma_start3A_193 = tpu.memref_slice %arg12[%dma_start3A_191, %dma_start3A_192] : memref<10240x128xf32, #tpu.memory_space<vmem_shared>> -> memref<10240x128xf32, #tpu.memory_space<vmem_shared>>
      tpu.enqueue_indirect_dma source(%arg8 : memref<80x128xf32, #tpu.memory_space<vmem>>) target(%dma_start3A_193 : memref<10240x128xf32, #tpu.memory_space<vmem_shared>>) offsets(%dma_start3A_190 : memref<80xi32, #tpu.memory_space<vmem>>) semaphore(%arg17 : memref<!tpu.dma_semaphore, #tpu.memory_space<semaphore_mem>>) {add = true}
      %dma_wait3A_194 = arith.constant 0 : i32
      %dma_wait3A_195 = arith.constant 0 : i32
      %dma_wait3A_196 = tpu.memref_slice %arg7[%dma_wait3A_194, %dma_wait3A_195] : memref<32x80xi32, #tpu.memory_space<vmem>> -> memref<1x80xi32, #tpu.memory_space<vmem>>
      %dma_wait3A_197 = tpu.memref_squeeze %dma_wait3A_196 : memref<1x80xi32, #tpu.memory_space<vmem>> -> memref<80xi32, #tpu.memory_space<vmem>>
      %dma_wait3A_198 = arith.constant 0 : i32
      %dma_wait3A_199 = arith.constant 0 : i32
      %dma_wait3A_200 = tpu.memref_slice %arg12[%dma_wait3A_198, %dma_wait3A_199] : memref<10240x128xf32, #tpu.memory_space<vmem_shared>> -> memref<10240x128xf32, #tpu.memory_space<vmem_shared>>
      tpu.wait_indirect_dma semaphore(%arg17 : memref<!tpu.dma_semaphore, #tpu.memory_space<semaphore_mem>>) src(%arg8 : memref<80x128xf32, #tpu.memory_space<vmem>>) dst(%dma_wait3A_200 : memref<10240x128xf32, #tpu.memory_space<vmem_shared>>)
      %lt3A = arith.constant 7 : i32
      %lt3A_201 = arith.cmpi slt, %add3A_177, %lt3A : i32
      %convert_element_type3A = arith.extui %lt3A_201 : i1 to i32
      %cond3A = arith.constant 0 : i32
      %cond3A_202 = arith.cmpi ne, %convert_element_type3A, %cond3A : i32
      scf.if %cond3A_202 {
        %mul3A_290 = arith.constant 4 : i32
        %mul3A_291 = arith.muli %mul3A_290, %add3A_177 : i32
        %add3A_292 = arith.constant 4 : i32
        %add3A_293 = arith.addi %mul3A_291, %add3A_292 : i32
        %add3A_294 = arith.constant 0 : i32
        %add3A_295 = arith.addi %add3A_293, %add3A_294 : i32
        %dma_start3A_296 = arith.constant 0 : i32
        %dma_start3A_297 = tpu.memref_slice %arg6[%add3A_295, %dma_start3A_296] : memref<32x80xi32, #tpu.memory_space<vmem>> -> memref<1x80xi32, #tpu.memory_space<vmem>>
        %dma_start3A_298 = tpu.memref_squeeze %dma_start3A_297 : memref<1x80xi32, #tpu.memory_space<vmem>> -> memref<80xi32, #tpu.memory_space<vmem>>
        %dma_start3A_299 = arith.constant 0 : i32
        %dma_start3A_300 = arith.constant 0 : i32
        %dma_start3A_301 = tpu.memref_slice %arg2[%dma_start3A_299, %dma_start3A_300] : memref<10240x128xf32, #tpu.memory_space<hbm>> -> memref<10240x128xf32, #tpu.memory_space<hbm>>
        tpu.enqueue_indirect_dma source(%dma_start3A_301 : memref<10240x128xf32, #tpu.memory_space<hbm>>) target(%arg8 : memref<80x128xf32, #tpu.memory_space<vmem>>) offsets(%dma_start3A_298 : memref<80xi32, #tpu.memory_space<vmem>>) semaphore(%arg13 : memref<!tpu.dma_semaphore, #tpu.memory_space<semaphore_mem>>)
      } else {
      }
      %dma_wait3A_203 = arith.constant 0 : i32
      %dma_wait3A_204 = arith.constant 0 : i32
      %dma_wait3A_205 = tpu.memref_slice %arg6[%dma_wait3A_203, %dma_wait3A_204] : memref<32x80xi32, #tpu.memory_space<vmem>> -> memref<1x80xi32, #tpu.memory_space<vmem>>
      %dma_wait3A_206 = tpu.memref_squeeze %dma_wait3A_205 : memref<1x80xi32, #tpu.memory_space<vmem>> -> memref<80xi32, #tpu.memory_space<vmem>>
      %dma_wait3A_207 = arith.constant 0 : i32
      %dma_wait3A_208 = arith.constant 0 : i32
      %dma_wait3A_209 = tpu.memref_slice %arg2[%dma_wait3A_207, %dma_wait3A_208] : memref<10240x128xf32, #tpu.memory_space<hbm>> -> memref<10240x128xf32, #tpu.memory_space<hbm>>
      tpu.wait_indirect_dma semaphore(%arg14 : memref<!tpu.dma_semaphore, #tpu.memory_space<semaphore_mem>>) src(%dma_wait3A_209 : memref<10240x128xf32, #tpu.memory_space<hbm>>) dst(%arg9 : memref<80x128xf32, #tpu.memory_space<vmem>>)
      %mul3A_210 = arith.constant 4 : i32
      %mul3A_211 = arith.muli %mul3A_210, %add3A_177 : i32
      %add3A_212 = arith.constant 1 : i32
      %add3A_213 = arith.addi %mul3A_211, %add3A_212 : i32
      %dma_start3A_214 = arith.constant 0 : i32
      %dma_start3A_215 = tpu.memref_slice %arg7[%add3A_213, %dma_start3A_214] : memref<32x80xi32, #tpu.memory_space<vmem>> -> memref<1x80xi32, #tpu.memory_space<vmem>>
      %dma_start3A_216 = tpu.memref_squeeze %dma_start3A_215 : memref<1x80xi32, #tpu.memory_space<vmem>> -> memref<80xi32, #tpu.memory_space<vmem>>
      %dma_start3A_217 = arith.constant 0 : i32
      %dma_start3A_218 = arith.constant 0 : i32
      %dma_start3A_219 = tpu.memref_slice %arg12[%dma_start3A_217, %dma_start3A_218] : memref<10240x128xf32, #tpu.memory_space<vmem_shared>> -> memref<10240x128xf32, #tpu.memory_space<vmem_shared>>
      tpu.enqueue_indirect_dma source(%arg9 : memref<80x128xf32, #tpu.memory_space<vmem>>) target(%dma_start3A_219 : memref<10240x128xf32, #tpu.memory_space<vmem_shared>>) offsets(%dma_start3A_216 : memref<80xi32, #tpu.memory_space<vmem>>) semaphore(%arg18 : memref<!tpu.dma_semaphore, #tpu.memory_space<semaphore_mem>>) {add = true}
      %dma_wait3A_220 = arith.constant 0 : i32
      %dma_wait3A_221 = arith.constant 0 : i32
      %dma_wait3A_222 = tpu.memref_slice %arg7[%dma_wait3A_220, %dma_wait3A_221] : memref<32x80xi32, #tpu.memory_space<vmem>> -> memref<1x80xi32, #tpu.memory_space<vmem>>
      %dma_wait3A_223 = tpu.memref_squeeze %dma_wait3A_222 : memref<1x80xi32, #tpu.memory_space<vmem>> -> memref<80xi32, #tpu.memory_space<vmem>>
      %dma_wait3A_224 = arith.constant 0 : i32
      %dma_wait3A_225 = arith.constant 0 : i32
      %dma_wait3A_226 = tpu.memref_slice %arg12[%dma_wait3A_224, %dma_wait3A_225] : memref<10240x128xf32, #tpu.memory_space<vmem_shared>> -> memref<10240x128xf32, #tpu.memory_space<vmem_shared>>
      tpu.wait_indirect_dma semaphore(%arg18 : memref<!tpu.dma_semaphore, #tpu.memory_space<semaphore_mem>>) src(%arg9 : memref<80x128xf32, #tpu.memory_space<vmem>>) dst(%dma_wait3A_226 : memref<10240x128xf32, #tpu.memory_space<vmem_shared>>)
      %lt3A_227 = arith.constant 7 : i32
      %lt3A_228 = arith.cmpi slt, %add3A_177, %lt3A_227 : i32
      %convert_element_type3A_229 = arith.extui %lt3A_228 : i1 to i32
      %cond3A_230 = arith.constant 0 : i32
      %cond3A_231 = arith.cmpi ne, %convert_element_type3A_229, %cond3A_230 : i32
      scf.if %cond3A_231 {
        %mul3A_290 = arith.constant 4 : i32
        %mul3A_291 = arith.muli %mul3A_290, %add3A_177 : i32
        %add3A_292 = arith.constant 4 : i32
        %add3A_293 = arith.addi %mul3A_291, %add3A_292 : i32
        %add3A_294 = arith.constant 1 : i32
        %add3A_295 = arith.addi %add3A_293, %add3A_294 : i32
        %dma_start3A_296 = arith.constant 0 : i32
        %dma_start3A_297 = tpu.memref_slice %arg6[%add3A_295, %dma_start3A_296] : memref<32x80xi32, #tpu.memory_space<vmem>> -> memref<1x80xi32, #tpu.memory_space<vmem>>
        %dma_start3A_298 = tpu.memref_squeeze %dma_start3A_297 : memref<1x80xi32, #tpu.memory_space<vmem>> -> memref<80xi32, #tpu.memory_space<vmem>>
        %dma_start3A_299 = arith.constant 0 : i32
        %dma_start3A_300 = arith.constant 0 : i32
        %dma_start3A_301 = tpu.memref_slice %arg2[%dma_start3A_299, %dma_start3A_300] : memref<10240x128xf32, #tpu.memory_space<hbm>> -> memref<10240x128xf32, #tpu.memory_space<hbm>>
        tpu.enqueue_indirect_dma source(%dma_start3A_301 : memref<10240x128xf32, #tpu.memory_space<hbm>>) target(%arg9 : memref<80x128xf32, #tpu.memory_space<vmem>>) offsets(%dma_start3A_298 : memref<80xi32, #tpu.memory_space<vmem>>) semaphore(%arg14 : memref<!tpu.dma_semaphore, #tpu.memory_space<semaphore_mem>>)
      } else {
      }
      %dma_wait3A_232 = arith.constant 0 : i32
      %dma_wait3A_233 = arith.constant 0 : i32
      %dma_wait3A_234 = tpu.memref_slice %arg6[%dma_wait3A_232, %dma_wait3A_233] : memref<32x80xi32, #tpu.memory_space<vmem>> -> memref<1x80xi32, #tpu.memory_space<vmem>>
      %dma_wait3A_235 = tpu.memref_squeeze %dma_wait3A_234 : memref<1x80xi32, #tpu.memory_space<vmem>> -> memref<80xi32, #tpu.memory_space<vmem>>
      %dma_wait3A_236 = arith.constant 0 : i32
      %dma_wait3A_237 = arith.constant 0 : i32
      %dma_wait3A_238 = tpu.memref_slice %arg2[%dma_wait3A_236, %dma_wait3A_237] : memref<10240x128xf32, #tpu.memory_space<hbm>> -> memref<10240x128xf32, #tpu.memory_space<hbm>>
      tpu.wait_indirect_dma semaphore(%arg15 : memref<!tpu.dma_semaphore, #tpu.memory_space<semaphore_mem>>) src(%dma_wait3A_238 : memref<10240x128xf32, #tpu.memory_space<hbm>>) dst(%arg10 : memref<80x128xf32, #tpu.memory_space<vmem>>)
      %mul3A_239 = arith.constant 4 : i32
      %mul3A_240 = arith.muli %mul3A_239, %add3A_177 : i32
      %add3A_241 = arith.constant 2 : i32
      %add3A_242 = arith.addi %mul3A_240, %add3A_241 : i32
      %dma_start3A_243 = arith.constant 0 : i32
      %dma_start3A_244 = tpu.memref_slice %arg7[%add3A_242, %dma_start3A_243] : memref<32x80xi32, #tpu.memory_space<vmem>> -> memref<1x80xi32, #tpu.memory_space<vmem>>
      %dma_start3A_245 = tpu.memref_squeeze %dma_start3A_244 : memref<1x80xi32, #tpu.memory_space<vmem>> -> memref<80xi32, #tpu.memory_space<vmem>>
      %dma_start3A_246 = arith.constant 0 : i32
      %dma_start3A_247 = arith.constant 0 : i32
      %dma_start3A_248 = tpu.memref_slice %arg12[%dma_start3A_246, %dma_start3A_247] : memref<10240x128xf32, #tpu.memory_space<vmem_shared>> -> memref<10240x128xf32, #tpu.memory_space<vmem_shared>>
      tpu.enqueue_indirect_dma source(%arg10 : memref<80x128xf32, #tpu.memory_space<vmem>>) target(%dma_start3A_248 : memref<10240x128xf32, #tpu.memory_space<vmem_shared>>) offsets(%dma_start3A_245 : memref<80xi32, #tpu.memory_space<vmem>>) semaphore(%arg19 : memref<!tpu.dma_semaphore, #tpu.memory_space<semaphore_mem>>) {add = true}
      %dma_wait3A_249 = arith.constant 0 : i32
      %dma_wait3A_250 = arith.constant 0 : i32
      %dma_wait3A_251 = tpu.memref_slice %arg7[%dma_wait3A_249, %dma_wait3A_250] : memref<32x80xi32, #tpu.memory_space<vmem>> -> memref<1x80xi32, #tpu.memory_space<vmem>>
      %dma_wait3A_252 = tpu.memref_squeeze %dma_wait3A_251 : memref<1x80xi32, #tpu.memory_space<vmem>> -> memref<80xi32, #tpu.memory_space<vmem>>
      %dma_wait3A_253 = arith.constant 0 : i32
      %dma_wait3A_254 = arith.constant 0 : i32
      %dma_wait3A_255 = tpu.memref_slice %arg12[%dma_wait3A_253, %dma_wait3A_254] : memref<10240x128xf32, #tpu.memory_space<vmem_shared>> -> memref<10240x128xf32, #tpu.memory_space<vmem_shared>>
      tpu.wait_indirect_dma semaphore(%arg19 : memref<!tpu.dma_semaphore, #tpu.memory_space<semaphore_mem>>) src(%arg10 : memref<80x128xf32, #tpu.memory_space<vmem>>) dst(%dma_wait3A_255 : memref<10240x128xf32, #tpu.memory_space<vmem_shared>>)
      %lt3A_256 = arith.constant 7 : i32
      %lt3A_257 = arith.cmpi slt, %add3A_177, %lt3A_256 : i32
      %convert_element_type3A_258 = arith.extui %lt3A_257 : i1 to i32
      %cond3A_259 = arith.constant 0 : i32
      %cond3A_260 = arith.cmpi ne, %convert_element_type3A_258, %cond3A_259 : i32
      scf.if %cond3A_260 {
        %mul3A_290 = arith.constant 4 : i32
        %mul3A_291 = arith.muli %mul3A_290, %add3A_177 : i32
        %add3A_292 = arith.constant 4 : i32
        %add3A_293 = arith.addi %mul3A_291, %add3A_292 : i32
        %add3A_294 = arith.constant 2 : i32
        %add3A_295 = arith.addi %add3A_293, %add3A_294 : i32
        %dma_start3A_296 = arith.constant 0 : i32
        %dma_start3A_297 = tpu.memref_slice %arg6[%add3A_295, %dma_start3A_296] : memref<32x80xi32, #tpu.memory_space<vmem>> -> memref<1x80xi32, #tpu.memory_space<vmem>>
        %dma_start3A_298 = tpu.memref_squeeze %dma_start3A_297 : memref<1x80xi32, #tpu.memory_space<vmem>> -> memref<80xi32, #tpu.memory_space<vmem>>
        %dma_start3A_299 = arith.constant 0 : i32
        %dma_start3A_300 = arith.constant 0 : i32
        %dma_start3A_301 = tpu.memref_slice %arg2[%dma_start3A_299, %dma_start3A_300] : memref<10240x128xf32, #tpu.memory_space<hbm>> -> memref<10240x128xf32, #tpu.memory_space<hbm>>
        tpu.enqueue_indirect_dma source(%dma_start3A_301 : memref<10240x128xf32, #tpu.memory_space<hbm>>) target(%arg10 : memref<80x128xf32, #tpu.memory_space<vmem>>) offsets(%dma_start3A_298 : memref<80xi32, #tpu.memory_space<vmem>>) semaphore(%arg15 : memref<!tpu.dma_semaphore, #tpu.memory_space<semaphore_mem>>)
      } else {
      }
      %dma_wait3A_261 = arith.constant 0 : i32
      %dma_wait3A_262 = arith.constant 0 : i32
      %dma_wait3A_263 = tpu.memref_slice %arg6[%dma_wait3A_261, %dma_wait3A_262] : memref<32x80xi32, #tpu.memory_space<vmem>> -> memref<1x80xi32, #tpu.memory_space<vmem>>
      %dma_wait3A_264 = tpu.memref_squeeze %dma_wait3A_263 : memref<1x80xi32, #tpu.memory_space<vmem>> -> memref<80xi32, #tpu.memory_space<vmem>>
      %dma_wait3A_265 = arith.constant 0 : i32
      %dma_wait3A_266 = arith.constant 0 : i32
      %dma_wait3A_267 = tpu.memref_slice %arg2[%dma_wait3A_265, %dma_wait3A_266] : memref<10240x128xf32, #tpu.memory_space<hbm>> -> memref<10240x128xf32, #tpu.memory_space<hbm>>
      tpu.wait_indirect_dma semaphore(%arg16 : memref<!tpu.dma_semaphore, #tpu.memory_space<semaphore_mem>>) src(%dma_wait3A_267 : memref<10240x128xf32, #tpu.memory_space<hbm>>) dst(%arg11 : memref<80x128xf32, #tpu.memory_space<vmem>>)
      %mul3A_268 = arith.constant 4 : i32
      %mul3A_269 = arith.muli %mul3A_268, %add3A_177 : i32
      %add3A_270 = arith.constant 3 : i32
      %add3A_271 = arith.addi %mul3A_269, %add3A_270 : i32
      %dma_start3A_272 = arith.constant 0 : i32
      %dma_start3A_273 = tpu.memref_slice %arg7[%add3A_271, %dma_start3A_272] : memref<32x80xi32, #tpu.memory_space<vmem>> -> memref<1x80xi32, #tpu.memory_space<vmem>>
      %dma_start3A_274 = tpu.memref_squeeze %dma_start3A_273 : memref<1x80xi32, #tpu.memory_space<vmem>> -> memref<80xi32, #tpu.memory_space<vmem>>
      %dma_start3A_275 = arith.constant 0 : i32
      %dma_start3A_276 = arith.constant 0 : i32
      %dma_start3A_277 = tpu.memref_slice %arg12[%dma_start3A_275, %dma_start3A_276] : memref<10240x128xf32, #tpu.memory_space<vmem_shared>> -> memref<10240x128xf32, #tpu.memory_space<vmem_shared>>
      tpu.enqueue_indirect_dma source(%arg11 : memref<80x128xf32, #tpu.memory_space<vmem>>) target(%dma_start3A_277 : memref<10240x128xf32, #tpu.memory_space<vmem_shared>>) offsets(%dma_start3A_274 : memref<80xi32, #tpu.memory_space<vmem>>) semaphore(%arg20 : memref<!tpu.dma_semaphore, #tpu.memory_space<semaphore_mem>>) {add = true}
      %dma_wait3A_278 = arith.constant 0 : i32
      %dma_wait3A_279 = arith.constant 0 : i32
      %dma_wait3A_280 = tpu.memref_slice %arg7[%dma_wait3A_278, %dma_wait3A_279] : memref<32x80xi32, #tpu.memory_space<vmem>> -> memref<1x80xi32, #tpu.memory_space<vmem>>
      %dma_wait3A_281 = tpu.memref_squeeze %dma_wait3A_280 : memref<1x80xi32, #tpu.memory_space<vmem>> -> memref<80xi32, #tpu.memory_space<vmem>>
      %dma_wait3A_282 = arith.constant 0 : i32
      %dma_wait3A_283 = arith.constant 0 : i32
      %dma_wait3A_284 = tpu.memref_slice %arg12[%dma_wait3A_282, %dma_wait3A_283] : memref<10240x128xf32, #tpu.memory_space<vmem_shared>> -> memref<10240x128xf32, #tpu.memory_space<vmem_shared>>
      tpu.wait_indirect_dma semaphore(%arg20 : memref<!tpu.dma_semaphore, #tpu.memory_space<semaphore_mem>>) src(%arg11 : memref<80x128xf32, #tpu.memory_space<vmem>>) dst(%dma_wait3A_284 : memref<10240x128xf32, #tpu.memory_space<vmem_shared>>)
      %lt3A_285 = arith.constant 7 : i32
      %lt3A_286 = arith.cmpi slt, %add3A_177, %lt3A_285 : i32
      %convert_element_type3A_287 = arith.extui %lt3A_286 : i1 to i32
      %cond3A_288 = arith.constant 0 : i32
      %cond3A_289 = arith.cmpi ne, %convert_element_type3A_287, %cond3A_288 : i32
      scf.if %cond3A_289 {
        %mul3A_290 = arith.constant 4 : i32
        %mul3A_291 = arith.muli %mul3A_290, %add3A_177 : i32
        %add3A_292 = arith.constant 4 : i32
        %add3A_293 = arith.addi %mul3A_291, %add3A_292 : i32
        %add3A_294 = arith.constant 3 : i32
        %add3A_295 = arith.addi %add3A_293, %add3A_294 : i32
        %dma_start3A_296 = arith.constant 0 : i32
        %dma_start3A_297 = tpu.memref_slice %arg6[%add3A_295, %dma_start3A_296] : memref<32x80xi32, #tpu.memory_space<vmem>> -> memref<1x80xi32, #tpu.memory_space<vmem>>
        %dma_start3A_298 = tpu.memref_squeeze %dma_start3A_297 : memref<1x80xi32, #tpu.memory_space<vmem>> -> memref<80xi32, #tpu.memory_space<vmem>>
        %dma_start3A_299 = arith.constant 0 : i32
        %dma_start3A_300 = arith.constant 0 : i32
        %dma_start3A_301 = tpu.memref_slice %arg2[%dma_start3A_299, %dma_start3A_300] : memref<10240x128xf32, #tpu.memory_space<hbm>> -> memref<10240x128xf32, #tpu.memory_space<hbm>>
        tpu.enqueue_indirect_dma source(%dma_start3A_301 : memref<10240x128xf32, #tpu.memory_space<hbm>>) target(%arg11 : memref<80x128xf32, #tpu.memory_space<vmem>>) offsets(%dma_start3A_298 : memref<80xi32, #tpu.memory_space<vmem>>) semaphore(%arg16 : memref<!tpu.dma_semaphore, #tpu.memory_space<semaphore_mem>>)
      } else {
      }
    }
    %scan3A_101 = arith.constant 8 : i32
    "tpu.region"() ({
      %run_scoped3A = tpu.sem_alloc : memref<!tpu.dma_semaphore, #tpu.memory_space<semaphore_mem>>
      %dma_start3A_173 = arith.constant 64 : i32
      %dma_start3A_174 = arith.constant 0 : i32
      %dma_start3A_175 = tpu.memref_slice %arg3[%add3A, %dma_start3A_173, %dma_start3A_174] : memref<32x128x80xi32, #tpu.memory_space<hbm>> -> memref<1x32x80xi32, #tpu.memory_space<hbm>>
      %dma_start3A_176 = tpu.memref_squeeze %dma_start3A_175 : memref<1x32x80xi32, #tpu.memory_space<hbm>> -> memref<32x80xi32, #tpu.memory_space<hbm>>
      %dma_start3A_177 = arith.constant 64 : i32
      %dma_start3A_178 = arith.constant 0 : i32
      %dma_start3A_179 = tpu.memref_slice %arg3[%add3A, %dma_start3A_177, %dma_start3A_178] : memref<32x128x80xi32, #tpu.memory_space<hbm>> -> memref<1x32x80xi32, #tpu.memory_space<hbm>>
      %dma_start3A_180 = tpu.memref_squeeze %dma_start3A_179 : memref<1x32x80xi32, #tpu.memory_space<hbm>> -> memref<32x80xi32, #tpu.memory_space<hbm>>
      tpu.enqueue_dma source(%dma_start3A_180 : memref<32x80xi32, #tpu.memory_space<hbm>>) target(%arg6 : memref<32x80xi32, #tpu.memory_space<vmem>>) target_semaphore(%run_scoped3A : memref<!tpu.dma_semaphore, #tpu.memory_space<semaphore_mem>>)
      %dma_wait3A = arith.constant 64 : i32
      %dma_wait3A_181 = arith.constant 0 : i32
      %dma_wait3A_182 = tpu.memref_slice %arg3[%add3A, %dma_wait3A, %dma_wait3A_181] : memref<32x128x80xi32, #tpu.memory_space<hbm>> -> memref<1x32x80xi32, #tpu.memory_space<hbm>>
      %dma_wait3A_183 = tpu.memref_squeeze %dma_wait3A_182 : memref<1x32x80xi32, #tpu.memory_space<hbm>> -> memref<32x80xi32, #tpu.memory_space<hbm>>
      %dma_wait3A_184 = arith.constant 64 : i32
      %dma_wait3A_185 = arith.constant 0 : i32
      %dma_wait3A_186 = tpu.memref_slice %arg3[%add3A, %dma_wait3A_184, %dma_wait3A_185] : memref<32x128x80xi32, #tpu.memory_space<hbm>> -> memref<1x32x80xi32, #tpu.memory_space<hbm>>
      %dma_wait3A_187 = tpu.memref_squeeze %dma_wait3A_186 : memref<1x32x80xi32, #tpu.memory_space<hbm>> -> memref<32x80xi32, #tpu.memory_space<hbm>>
      tpu.wait_dma2 semaphore(%run_scoped3A : memref<!tpu.dma_semaphore, #tpu.memory_space<semaphore_mem>>) src(%dma_wait3A_187 : memref<32x80xi32, #tpu.memory_space<hbm>>) dst(%arg6 : memref<32x80xi32, #tpu.memory_space<vmem>>)
      tpu.yield
    }) : () -> ()
    "tpu.region"() ({
      %run_scoped3A = tpu.sem_alloc : memref<!tpu.dma_semaphore, #tpu.memory_space<semaphore_mem>>
      %dma_start3A_173 = arith.constant 64 : i32
      %dma_start3A_174 = arith.constant 0 : i32
      %dma_start3A_175 = tpu.memref_slice %arg4[%add3A, %dma_start3A_173, %dma_start3A_174] : memref<32x128x80xi32, #tpu.memory_space<hbm>> -> memref<1x32x80xi32, #tpu.memory_space<hbm>>
      %dma_start3A_176 = tpu.memref_squeeze %dma_start3A_175 : memref<1x32x80xi32, #tpu.memory_space<hbm>> -> memref<32x80xi32, #tpu.memory_space<hbm>>
      %dma_start3A_177 = arith.constant 64 : i32
      %dma_start3A_178 = arith.constant 0 : i32
      %dma_start3A_179 = tpu.memref_slice %arg4[%add3A, %dma_start3A_177, %dma_start3A_178] : memref<32x128x80xi32, #tpu.memory_space<hbm>> -> memref<1x32x80xi32, #tpu.memory_space<hbm>>
      %dma_start3A_180 = tpu.memref_squeeze %dma_start3A_179 : memref<1x32x80xi32, #tpu.memory_space<hbm>> -> memref<32x80xi32, #tpu.memory_space<hbm>>
      tpu.enqueue_dma source(%dma_start3A_180 : memref<32x80xi32, #tpu.memory_space<hbm>>) target(%arg7 : memref<32x80xi32, #tpu.memory_space<vmem>>) target_semaphore(%run_scoped3A : memref<!tpu.dma_semaphore, #tpu.memory_space<semaphore_mem>>)
      %dma_wait3A = arith.constant 64 : i32
      %dma_wait3A_181 = arith.constant 0 : i32
      %dma_wait3A_182 = tpu.memref_slice %arg4[%add3A, %dma_wait3A, %dma_wait3A_181] : memref<32x128x80xi32, #tpu.memory_space<hbm>> -> memref<1x32x80xi32, #tpu.memory_space<hbm>>
      %dma_wait3A_183 = tpu.memref_squeeze %dma_wait3A_182 : memref<1x32x80xi32, #tpu.memory_space<hbm>> -> memref<32x80xi32, #tpu.memory_space<hbm>>
      %dma_wait3A_184 = arith.constant 64 : i32
      %dma_wait3A_185 = arith.constant 0 : i32
      %dma_wait3A_186 = tpu.memref_slice %arg4[%add3A, %dma_wait3A_184, %dma_wait3A_185] : memref<32x128x80xi32, #tpu.memory_space<hbm>> -> memref<1x32x80xi32, #tpu.memory_space<hbm>>
      %dma_wait3A_187 = tpu.memref_squeeze %dma_wait3A_186 : memref<1x32x80xi32, #tpu.memory_space<hbm>> -> memref<32x80xi32, #tpu.memory_space<hbm>>
      tpu.wait_dma2 semaphore(%run_scoped3A : memref<!tpu.dma_semaphore, #tpu.memory_space<semaphore_mem>>) src(%dma_wait3A_187 : memref<32x80xi32, #tpu.memory_space<hbm>>) dst(%arg7 : memref<32x80xi32, #tpu.memory_space<vmem>>)
      tpu.yield
    }) : () -> ()
    %dma_start3A_102 = arith.constant 0 : i32
    %dma_start3A_103 = arith.constant 0 : i32
    %dma_start3A_104 = tpu.memref_slice %arg6[%dma_start3A_102, %dma_start3A_103] : memref<32x80xi32, #tpu.memory_space<vmem>> -> memref<1x80xi32, #tpu.memory_space<vmem>>
    %dma_start3A_105 = tpu.memref_squeeze %dma_start3A_104 : memref<1x80xi32, #tpu.memory_space<vmem>> -> memref<80xi32, #tpu.memory_space<vmem>>
    %dma_start3A_106 = arith.constant 0 : i32
    %dma_start3A_107 = arith.constant 0 : i32
    %dma_start3A_108 = tpu.memref_slice %arg2[%dma_start3A_106, %dma_start3A_107] : memref<10240x128xf32, #tpu.memory_space<hbm>> -> memref<10240x128xf32, #tpu.memory_space<hbm>>
    tpu.enqueue_indirect_dma source(%dma_start3A_108 : memref<10240x128xf32, #tpu.memory_space<hbm>>) target(%arg8 : memref<80x128xf32, #tpu.memory_space<vmem>>) offsets(%dma_start3A_105 : memref<80xi32, #tpu.memory_space<vmem>>) semaphore(%arg13 : memref<!tpu.dma_semaphore, #tpu.memory_space<semaphore_mem>>)
    %dma_start3A_109 = arith.constant 1 : i32
    %dma_start3A_110 = arith.constant 0 : i32
    %dma_start3A_111 = tpu.memref_slice %arg6[%dma_start3A_109, %dma_start3A_110] : memref<32x80xi32, #tpu.memory_space<vmem>> -> memref<1x80xi32, #tpu.memory_space<vmem>>
    %dma_start3A_112 = tpu.memref_squeeze %dma_start3A_111 : memref<1x80xi32, #tpu.memory_space<vmem>> -> memref<80xi32, #tpu.memory_space<vmem>>
    %dma_start3A_113 = arith.constant 0 : i32
    %dma_start3A_114 = arith.constant 0 : i32
    %dma_start3A_115 = tpu.memref_slice %arg2[%dma_start3A_113, %dma_start3A_114] : memref<10240x128xf32, #tpu.memory_space<hbm>> -> memref<10240x128xf32, #tpu.memory_space<hbm>>
    tpu.enqueue_indirect_dma source(%dma_start3A_115 : memref<10240x128xf32, #tpu.memory_space<hbm>>) target(%arg9 : memref<80x128xf32, #tpu.memory_space<vmem>>) offsets(%dma_start3A_112 : memref<80xi32, #tpu.memory_space<vmem>>) semaphore(%arg14 : memref<!tpu.dma_semaphore, #tpu.memory_space<semaphore_mem>>)
    %dma_start3A_116 = arith.constant 2 : i32
    %dma_start3A_117 = arith.constant 0 : i32
    %dma_start3A_118 = tpu.memref_slice %arg6[%dma_start3A_116, %dma_start3A_117] : memref<32x80xi32, #tpu.memory_space<vmem>> -> memref<1x80xi32, #tpu.memory_space<vmem>>
    %dma_start3A_119 = tpu.memref_squeeze %dma_start3A_118 : memref<1x80xi32, #tpu.memory_space<vmem>> -> memref<80xi32, #tpu.memory_space<vmem>>
    %dma_start3A_120 = arith.constant 0 : i32
    %dma_start3A_121 = arith.constant 0 : i32
    %dma_start3A_122 = tpu.memref_slice %arg2[%dma_start3A_120, %dma_start3A_121] : memref<10240x128xf32, #tpu.memory_space<hbm>> -> memref<10240x128xf32, #tpu.memory_space<hbm>>
    tpu.enqueue_indirect_dma source(%dma_start3A_122 : memref<10240x128xf32, #tpu.memory_space<hbm>>) target(%arg10 : memref<80x128xf32, #tpu.memory_space<vmem>>) offsets(%dma_start3A_119 : memref<80xi32, #tpu.memory_space<vmem>>) semaphore(%arg15 : memref<!tpu.dma_semaphore, #tpu.memory_space<semaphore_mem>>)
    %dma_start3A_123 = arith.constant 3 : i32
    %dma_start3A_124 = arith.constant 0 : i32
    %dma_start3A_125 = tpu.memref_slice %arg6[%dma_start3A_123, %dma_start3A_124] : memref<32x80xi32, #tpu.memory_space<vmem>> -> memref<1x80xi32, #tpu.memory_space<vmem>>
    %dma_start3A_126 = tpu.memref_squeeze %dma_start3A_125 : memref<1x80xi32, #tpu.memory_space<vmem>> -> memref<80xi32, #tpu.memory_space<vmem>>
    %dma_start3A_127 = arith.constant 0 : i32
    %dma_start3A_128 = arith.constant 0 : i32
    %dma_start3A_129 = tpu.memref_slice %arg2[%dma_start3A_127, %dma_start3A_128] : memref<10240x128xf32, #tpu.memory_space<hbm>> -> memref<10240x128xf32, #tpu.memory_space<hbm>>
    tpu.enqueue_indirect_dma source(%dma_start3A_129 : memref<10240x128xf32, #tpu.memory_space<hbm>>) target(%arg11 : memref<80x128xf32, #tpu.memory_space<vmem>>) offsets(%dma_start3A_126 : memref<80xi32, #tpu.memory_space<vmem>>) semaphore(%arg16 : memref<!tpu.dma_semaphore, #tpu.memory_space<semaphore_mem>>)
    %scan3A_130 = arith.constant 0 : i32
    %scan3A_131 = arith.constant 8 : i32
    %scan3A_132 = arith.addi %scan3A_130, %scan3A_131 : i32
    %scan3A_133 = arith.constant 1 : i32
    scf.for %scan3A_173 = %scan3A_130 to %scan3A_132 step %scan3A_133  : i32 {
      %mul3A_174 = arith.constant 1 : i32
      %mul3A_175 = arith.muli %scan3A_173, %mul3A_174 : i32
      %add3A_176 = arith.constant 0 : i32
      %add3A_177 = arith.addi %add3A_176, %mul3A_175 : i32
      %dma_wait3A = arith.constant 0 : i32
      %dma_wait3A_178 = arith.constant 0 : i32
      %dma_wait3A_179 = tpu.memref_slice %arg6[%dma_wait3A, %dma_wait3A_178] : memref<32x80xi32, #tpu.memory_space<vmem>> -> memref<1x80xi32, #tpu.memory_space<vmem>>
      %dma_wait3A_180 = tpu.memref_squeeze %dma_wait3A_179 : memref<1x80xi32, #tpu.memory_space<vmem>> -> memref<80xi32, #tpu.memory_space<vmem>>
      %dma_wait3A_181 = arith.constant 0 : i32
      %dma_wait3A_182 = arith.constant 0 : i32
      %dma_wait3A_183 = tpu.memref_slice %arg2[%dma_wait3A_181, %dma_wait3A_182] : memref<10240x128xf32, #tpu.memory_space<hbm>> -> memref<10240x128xf32, #tpu.memory_space<hbm>>
      tpu.wait_indirect_dma semaphore(%arg13 : memref<!tpu.dma_semaphore, #tpu.memory_space<semaphore_mem>>) src(%dma_wait3A_183 : memref<10240x128xf32, #tpu.memory_space<hbm>>) dst(%arg8 : memref<80x128xf32, #tpu.memory_space<vmem>>)
      %mul3A_184 = arith.constant 4 : i32
      %mul3A_185 = arith.muli %mul3A_184, %add3A_177 : i32
      %add3A_186 = arith.constant 0 : i32
      %add3A_187 = arith.addi %mul3A_185, %add3A_186 : i32
      %dma_start3A_188 = arith.constant 0 : i32
      %dma_start3A_189 = tpu.memref_slice %arg7[%add3A_187, %dma_start3A_188] : memref<32x80xi32, #tpu.memory_space<vmem>> -> memref<1x80xi32, #tpu.memory_space<vmem>>
      %dma_start3A_190 = tpu.memref_squeeze %dma_start3A_189 : memref<1x80xi32, #tpu.memory_space<vmem>> -> memref<80xi32, #tpu.memory_space<vmem>>
      %dma_start3A_191 = arith.constant 0 : i32
      %dma_start3A_192 = arith.constant 0 : i32
      %dma_start3A_193 = tpu.memref_slice %arg12[%dma_start3A_191, %dma_start3A_192] : memref<10240x128xf32, #tpu.memory_space<vmem_shared>> -> memref<10240x128xf32, #tpu.memory_space<vmem_shared>>
      tpu.enqueue_indirect_dma source(%arg8 : memref<80x128xf32, #tpu.memory_space<vmem>>) target(%dma_start3A_193 : memref<10240x128xf32, #tpu.memory_space<vmem_shared>>) offsets(%dma_start3A_190 : memref<80xi32, #tpu.memory_space<vmem>>) semaphore(%arg17 : memref<!tpu.dma_semaphore, #tpu.memory_space<semaphore_mem>>) {add = true}
      %dma_wait3A_194 = arith.constant 0 : i32
      %dma_wait3A_195 = arith.constant 0 : i32
      %dma_wait3A_196 = tpu.memref_slice %arg7[%dma_wait3A_194, %dma_wait3A_195] : memref<32x80xi32, #tpu.memory_space<vmem>> -> memref<1x80xi32, #tpu.memory_space<vmem>>
      %dma_wait3A_197 = tpu.memref_squeeze %dma_wait3A_196 : memref<1x80xi32, #tpu.memory_space<vmem>> -> memref<80xi32, #tpu.memory_space<vmem>>
      %dma_wait3A_198 = arith.constant 0 : i32
      %dma_wait3A_199 = arith.constant 0 : i32
      %dma_wait3A_200 = tpu.memref_slice %arg12[%dma_wait3A_198, %dma_wait3A_199] : memref<10240x128xf32, #tpu.memory_space<vmem_shared>> -> memref<10240x128xf32, #tpu.memory_space<vmem_shared>>
      tpu.wait_indirect_dma semaphore(%arg17 : memref<!tpu.dma_semaphore, #tpu.memory_space<semaphore_mem>>) src(%arg8 : memref<80x128xf32, #tpu.memory_space<vmem>>) dst(%dma_wait3A_200 : memref<10240x128xf32, #tpu.memory_space<vmem_shared>>)
      %lt3A = arith.constant 7 : i32
      %lt3A_201 = arith.cmpi slt, %add3A_177, %lt3A : i32
      %convert_element_type3A = arith.extui %lt3A_201 : i1 to i32
      %cond3A = arith.constant 0 : i32
      %cond3A_202 = arith.cmpi ne, %convert_element_type3A, %cond3A : i32
      scf.if %cond3A_202 {
        %mul3A_290 = arith.constant 4 : i32
        %mul3A_291 = arith.muli %mul3A_290, %add3A_177 : i32
        %add3A_292 = arith.constant 4 : i32
        %add3A_293 = arith.addi %mul3A_291, %add3A_292 : i32
        %add3A_294 = arith.constant 0 : i32
        %add3A_295 = arith.addi %add3A_293, %add3A_294 : i32
        %dma_start3A_296 = arith.constant 0 : i32
        %dma_start3A_297 = tpu.memref_slice %arg6[%add3A_295, %dma_start3A_296] : memref<32x80xi32, #tpu.memory_space<vmem>> -> memref<1x80xi32, #tpu.memory_space<vmem>>
        %dma_start3A_298 = tpu.memref_squeeze %dma_start3A_297 : memref<1x80xi32, #tpu.memory_space<vmem>> -> memref<80xi32, #tpu.memory_space<vmem>>
        %dma_start3A_299 = arith.constant 0 : i32
        %dma_start3A_300 = arith.constant 0 : i32
        %dma_start3A_301 = tpu.memref_slice %arg2[%dma_start3A_299, %dma_start3A_300] : memref<10240x128xf32, #tpu.memory_space<hbm>> -> memref<10240x128xf32, #tpu.memory_space<hbm>>
        tpu.enqueue_indirect_dma source(%dma_start3A_301 : memref<10240x128xf32, #tpu.memory_space<hbm>>) target(%arg8 : memref<80x128xf32, #tpu.memory_space<vmem>>) offsets(%dma_start3A_298 : memref<80xi32, #tpu.memory_space<vmem>>) semaphore(%arg13 : memref<!tpu.dma_semaphore, #tpu.memory_space<semaphore_mem>>)
      } else {
      }
      %dma_wait3A_203 = arith.constant 0 : i32
      %dma_wait3A_204 = arith.constant 0 : i32
      %dma_wait3A_205 = tpu.memref_slice %arg6[%dma_wait3A_203, %dma_wait3A_204] : memref<32x80xi32, #tpu.memory_space<vmem>> -> memref<1x80xi32, #tpu.memory_space<vmem>>
      %dma_wait3A_206 = tpu.memref_squeeze %dma_wait3A_205 : memref<1x80xi32, #tpu.memory_space<vmem>> -> memref<80xi32, #tpu.memory_space<vmem>>
      %dma_wait3A_207 = arith.constant 0 : i32
      %dma_wait3A_208 = arith.constant 0 : i32
      %dma_wait3A_209 = tpu.memref_slice %arg2[%dma_wait3A_207, %dma_wait3A_208] : memref<10240x128xf32, #tpu.memory_space<hbm>> -> memref<10240x128xf32, #tpu.memory_space<hbm>>
      tpu.wait_indirect_dma semaphore(%arg14 : memref<!tpu.dma_semaphore, #tpu.memory_space<semaphore_mem>>) src(%dma_wait3A_209 : memref<10240x128xf32, #tpu.memory_space<hbm>>) dst(%arg9 : memref<80x128xf32, #tpu.memory_space<vmem>>)
      %mul3A_210 = arith.constant 4 : i32
      %mul3A_211 = arith.muli %mul3A_210, %add3A_177 : i32
      %add3A_212 = arith.constant 1 : i32
      %add3A_213 = arith.addi %mul3A_211, %add3A_212 : i32
      %dma_start3A_214 = arith.constant 0 : i32
      %dma_start3A_215 = tpu.memref_slice %arg7[%add3A_213, %dma_start3A_214] : memref<32x80xi32, #tpu.memory_space<vmem>> -> memref<1x80xi32, #tpu.memory_space<vmem>>
      %dma_start3A_216 = tpu.memref_squeeze %dma_start3A_215 : memref<1x80xi32, #tpu.memory_space<vmem>> -> memref<80xi32, #tpu.memory_space<vmem>>
      %dma_start3A_217 = arith.constant 0 : i32
      %dma_start3A_218 = arith.constant 0 : i32
      %dma_start3A_219 = tpu.memref_slice %arg12[%dma_start3A_217, %dma_start3A_218] : memref<10240x128xf32, #tpu.memory_space<vmem_shared>> -> memref<10240x128xf32, #tpu.memory_space<vmem_shared>>
      tpu.enqueue_indirect_dma source(%arg9 : memref<80x128xf32, #tpu.memory_space<vmem>>) target(%dma_start3A_219 : memref<10240x128xf32, #tpu.memory_space<vmem_shared>>) offsets(%dma_start3A_216 : memref<80xi32, #tpu.memory_space<vmem>>) semaphore(%arg18 : memref<!tpu.dma_semaphore, #tpu.memory_space<semaphore_mem>>) {add = true}
      %dma_wait3A_220 = arith.constant 0 : i32
      %dma_wait3A_221 = arith.constant 0 : i32
      %dma_wait3A_222 = tpu.memref_slice %arg7[%dma_wait3A_220, %dma_wait3A_221] : memref<32x80xi32, #tpu.memory_space<vmem>> -> memref<1x80xi32, #tpu.memory_space<vmem>>
      %dma_wait3A_223 = tpu.memref_squeeze %dma_wait3A_222 : memref<1x80xi32, #tpu.memory_space<vmem>> -> memref<80xi32, #tpu.memory_space<vmem>>
      %dma_wait3A_224 = arith.constant 0 : i32
      %dma_wait3A_225 = arith.constant 0 : i32
      %dma_wait3A_226 = tpu.memref_slice %arg12[%dma_wait3A_224, %dma_wait3A_225] : memref<10240x128xf32, #tpu.memory_space<vmem_shared>> -> memref<10240x128xf32, #tpu.memory_space<vmem_shared>>
      tpu.wait_indirect_dma semaphore(%arg18 : memref<!tpu.dma_semaphore, #tpu.memory_space<semaphore_mem>>) src(%arg9 : memref<80x128xf32, #tpu.memory_space<vmem>>) dst(%dma_wait3A_226 : memref<10240x128xf32, #tpu.memory_space<vmem_shared>>)
      %lt3A_227 = arith.constant 7 : i32
      %lt3A_228 = arith.cmpi slt, %add3A_177, %lt3A_227 : i32
      %convert_element_type3A_229 = arith.extui %lt3A_228 : i1 to i32
      %cond3A_230 = arith.constant 0 : i32
      %cond3A_231 = arith.cmpi ne, %convert_element_type3A_229, %cond3A_230 : i32
      scf.if %cond3A_231 {
        %mul3A_290 = arith.constant 4 : i32
        %mul3A_291 = arith.muli %mul3A_290, %add3A_177 : i32
        %add3A_292 = arith.constant 4 : i32
        %add3A_293 = arith.addi %mul3A_291, %add3A_292 : i32
        %add3A_294 = arith.constant 1 : i32
        %add3A_295 = arith.addi %add3A_293, %add3A_294 : i32
        %dma_start3A_296 = arith.constant 0 : i32
        %dma_start3A_297 = tpu.memref_slice %arg6[%add3A_295, %dma_start3A_296] : memref<32x80xi32, #tpu.memory_space<vmem>> -> memref<1x80xi32, #tpu.memory_space<vmem>>
        %dma_start3A_298 = tpu.memref_squeeze %dma_start3A_297 : memref<1x80xi32, #tpu.memory_space<vmem>> -> memref<80xi32, #tpu.memory_space<vmem>>
        %dma_start3A_299 = arith.constant 0 : i32
        %dma_start3A_300 = arith.constant 0 : i32
        %dma_start3A_301 = tpu.memref_slice %arg2[%dma_start3A_299, %dma_start3A_300] : memref<10240x128xf32, #tpu.memory_space<hbm>> -> memref<10240x128xf32, #tpu.memory_space<hbm>>
        tpu.enqueue_indirect_dma source(%dma_start3A_301 : memref<10240x128xf32, #tpu.memory_space<hbm>>) target(%arg9 : memref<80x128xf32, #tpu.memory_space<vmem>>) offsets(%dma_start3A_298 : memref<80xi32, #tpu.memory_space<vmem>>) semaphore(%arg14 : memref<!tpu.dma_semaphore, #tpu.memory_space<semaphore_mem>>)
      } else {
      }
      %dma_wait3A_232 = arith.constant 0 : i32
      %dma_wait3A_233 = arith.constant 0 : i32
      %dma_wait3A_234 = tpu.memref_slice %arg6[%dma_wait3A_232, %dma_wait3A_233] : memref<32x80xi32, #tpu.memory_space<vmem>> -> memref<1x80xi32, #tpu.memory_space<vmem>>
      %dma_wait3A_235 = tpu.memref_squeeze %dma_wait3A_234 : memref<1x80xi32, #tpu.memory_space<vmem>> -> memref<80xi32, #tpu.memory_space<vmem>>
      %dma_wait3A_236 = arith.constant 0 : i32
      %dma_wait3A_237 = arith.constant 0 : i32
      %dma_wait3A_238 = tpu.memref_slice %arg2[%dma_wait3A_236, %dma_wait3A_237] : memref<10240x128xf32, #tpu.memory_space<hbm>> -> memref<10240x128xf32, #tpu.memory_space<hbm>>
      tpu.wait_indirect_dma semaphore(%arg15 : memref<!tpu.dma_semaphore, #tpu.memory_space<semaphore_mem>>) src(%dma_wait3A_238 : memref<10240x128xf32, #tpu.memory_space<hbm>>) dst(%arg10 : memref<80x128xf32, #tpu.memory_space<vmem>>)
      %mul3A_239 = arith.constant 4 : i32
      %mul3A_240 = arith.muli %mul3A_239, %add3A_177 : i32
      %add3A_241 = arith.constant 2 : i32
      %add3A_242 = arith.addi %mul3A_240, %add3A_241 : i32
      %dma_start3A_243 = arith.constant 0 : i32
      %dma_start3A_244 = tpu.memref_slice %arg7[%add3A_242, %dma_start3A_243] : memref<32x80xi32, #tpu.memory_space<vmem>> -> memref<1x80xi32, #tpu.memory_space<vmem>>
      %dma_start3A_245 = tpu.memref_squeeze %dma_start3A_244 : memref<1x80xi32, #tpu.memory_space<vmem>> -> memref<80xi32, #tpu.memory_space<vmem>>
      %dma_start3A_246 = arith.constant 0 : i32
      %dma_start3A_247 = arith.constant 0 : i32
      %dma_start3A_248 = tpu.memref_slice %arg12[%dma_start3A_246, %dma_start3A_247] : memref<10240x128xf32, #tpu.memory_space<vmem_shared>> -> memref<10240x128xf32, #tpu.memory_space<vmem_shared>>
      tpu.enqueue_indirect_dma source(%arg10 : memref<80x128xf32, #tpu.memory_space<vmem>>) target(%dma_start3A_248 : memref<10240x128xf32, #tpu.memory_space<vmem_shared>>) offsets(%dma_start3A_245 : memref<80xi32, #tpu.memory_space<vmem>>) semaphore(%arg19 : memref<!tpu.dma_semaphore, #tpu.memory_space<semaphore_mem>>) {add = true}
      %dma_wait3A_249 = arith.constant 0 : i32
      %dma_wait3A_250 = arith.constant 0 : i32
      %dma_wait3A_251 = tpu.memref_slice %arg7[%dma_wait3A_249, %dma_wait3A_250] : memref<32x80xi32, #tpu.memory_space<vmem>> -> memref<1x80xi32, #tpu.memory_space<vmem>>
      %dma_wait3A_252 = tpu.memref_squeeze %dma_wait3A_251 : memref<1x80xi32, #tpu.memory_space<vmem>> -> memref<80xi32, #tpu.memory_space<vmem>>
      %dma_wait3A_253 = arith.constant 0 : i32
      %dma_wait3A_254 = arith.constant 0 : i32
      %dma_wait3A_255 = tpu.memref_slice %arg12[%dma_wait3A_253, %dma_wait3A_254] : memref<10240x128xf32, #tpu.memory_space<vmem_shared>> -> memref<10240x128xf32, #tpu.memory_space<vmem_shared>>
      tpu.wait_indirect_dma semaphore(%arg19 : memref<!tpu.dma_semaphore, #tpu.memory_space<semaphore_mem>>) src(%arg10 : memref<80x128xf32, #tpu.memory_space<vmem>>) dst(%dma_wait3A_255 : memref<10240x128xf32, #tpu.memory_space<vmem_shared>>)
      %lt3A_256 = arith.constant 7 : i32
      %lt3A_257 = arith.cmpi slt, %add3A_177, %lt3A_256 : i32
      %convert_element_type3A_258 = arith.extui %lt3A_257 : i1 to i32
      %cond3A_259 = arith.constant 0 : i32
      %cond3A_260 = arith.cmpi ne, %convert_element_type3A_258, %cond3A_259 : i32
      scf.if %cond3A_260 {
        %mul3A_290 = arith.constant 4 : i32
        %mul3A_291 = arith.muli %mul3A_290, %add3A_177 : i32
        %add3A_292 = arith.constant 4 : i32
        %add3A_293 = arith.addi %mul3A_291, %add3A_292 : i32
        %add3A_294 = arith.constant 2 : i32
        %add3A_295 = arith.addi %add3A_293, %add3A_294 : i32
        %dma_start3A_296 = arith.constant 0 : i32
        %dma_start3A_297 = tpu.memref_slice %arg6[%add3A_295, %dma_start3A_296] : memref<32x80xi32, #tpu.memory_space<vmem>> -> memref<1x80xi32, #tpu.memory_space<vmem>>
        %dma_start3A_298 = tpu.memref_squeeze %dma_start3A_297 : memref<1x80xi32, #tpu.memory_space<vmem>> -> memref<80xi32, #tpu.memory_space<vmem>>
        %dma_start3A_299 = arith.constant 0 : i32
        %dma_start3A_300 = arith.constant 0 : i32
        %dma_start3A_301 = tpu.memref_slice %arg2[%dma_start3A_299, %dma_start3A_300] : memref<10240x128xf32, #tpu.memory_space<hbm>> -> memref<10240x128xf32, #tpu.memory_space<hbm>>
        tpu.enqueue_indirect_dma source(%dma_start3A_301 : memref<10240x128xf32, #tpu.memory_space<hbm>>) target(%arg10 : memref<80x128xf32, #tpu.memory_space<vmem>>) offsets(%dma_start3A_298 : memref<80xi32, #tpu.memory_space<vmem>>) semaphore(%arg15 : memref<!tpu.dma_semaphore, #tpu.memory_space<semaphore_mem>>)
      } else {
      }
      %dma_wait3A_261 = arith.constant 0 : i32
      %dma_wait3A_262 = arith.constant 0 : i32
      %dma_wait3A_263 = tpu.memref_slice %arg6[%dma_wait3A_261, %dma_wait3A_262] : memref<32x80xi32, #tpu.memory_space<vmem>> -> memref<1x80xi32, #tpu.memory_space<vmem>>
      %dma_wait3A_264 = tpu.memref_squeeze %dma_wait3A_263 : memref<1x80xi32, #tpu.memory_space<vmem>> -> memref<80xi32, #tpu.memory_space<vmem>>
      %dma_wait3A_265 = arith.constant 0 : i32
      %dma_wait3A_266 = arith.constant 0 : i32
      %dma_wait3A_267 = tpu.memref_slice %arg2[%dma_wait3A_265, %dma_wait3A_266] : memref<10240x128xf32, #tpu.memory_space<hbm>> -> memref<10240x128xf32, #tpu.memory_space<hbm>>
      tpu.wait_indirect_dma semaphore(%arg16 : memref<!tpu.dma_semaphore, #tpu.memory_space<semaphore_mem>>) src(%dma_wait3A_267 : memref<10240x128xf32, #tpu.memory_space<hbm>>) dst(%arg11 : memref<80x128xf32, #tpu.memory_space<vmem>>)
      %mul3A_268 = arith.constant 4 : i32
      %mul3A_269 = arith.muli %mul3A_268, %add3A_177 : i32
      %add3A_270 = arith.constant 3 : i32
      %add3A_271 = arith.addi %mul3A_269, %add3A_270 : i32
      %dma_start3A_272 = arith.constant 0 : i32
      %dma_start3A_273 = tpu.memref_slice %arg7[%add3A_271, %dma_start3A_272] : memref<32x80xi32, #tpu.memory_space<vmem>> -> memref<1x80xi32, #tpu.memory_space<vmem>>
      %dma_start3A_274 = tpu.memref_squeeze %dma_start3A_273 : memref<1x80xi32, #tpu.memory_space<vmem>> -> memref<80xi32, #tpu.memory_space<vmem>>
      %dma_start3A_275 = arith.constant 0 : i32
      %dma_start3A_276 = arith.constant 0 : i32
      %dma_start3A_277 = tpu.memref_slice %arg12[%dma_start3A_275, %dma_start3A_276] : memref<10240x128xf32, #tpu.memory_space<vmem_shared>> -> memref<10240x128xf32, #tpu.memory_space<vmem_shared>>
      tpu.enqueue_indirect_dma source(%arg11 : memref<80x128xf32, #tpu.memory_space<vmem>>) target(%dma_start3A_277 : memref<10240x128xf32, #tpu.memory_space<vmem_shared>>) offsets(%dma_start3A_274 : memref<80xi32, #tpu.memory_space<vmem>>) semaphore(%arg20 : memref<!tpu.dma_semaphore, #tpu.memory_space<semaphore_mem>>) {add = true}
      %dma_wait3A_278 = arith.constant 0 : i32
      %dma_wait3A_279 = arith.constant 0 : i32
      %dma_wait3A_280 = tpu.memref_slice %arg7[%dma_wait3A_278, %dma_wait3A_279] : memref<32x80xi32, #tpu.memory_space<vmem>> -> memref<1x80xi32, #tpu.memory_space<vmem>>
      %dma_wait3A_281 = tpu.memref_squeeze %dma_wait3A_280 : memref<1x80xi32, #tpu.memory_space<vmem>> -> memref<80xi32, #tpu.memory_space<vmem>>
      %dma_wait3A_282 = arith.constant 0 : i32
      %dma_wait3A_283 = arith.constant 0 : i32
      %dma_wait3A_284 = tpu.memref_slice %arg12[%dma_wait3A_282, %dma_wait3A_283] : memref<10240x128xf32, #tpu.memory_space<vmem_shared>> -> memref<10240x128xf32, #tpu.memory_space<vmem_shared>>
      tpu.wait_indirect_dma semaphore(%arg20 : memref<!tpu.dma_semaphore, #tpu.memory_space<semaphore_mem>>) src(%arg11 : memref<80x128xf32, #tpu.memory_space<vmem>>) dst(%dma_wait3A_284 : memref<10240x128xf32, #tpu.memory_space<vmem_shared>>)
      %lt3A_285 = arith.constant 7 : i32
      %lt3A_286 = arith.cmpi slt, %add3A_177, %lt3A_285 : i32
      %convert_element_type3A_287 = arith.extui %lt3A_286 : i1 to i32
      %cond3A_288 = arith.constant 0 : i32
      %cond3A_289 = arith.cmpi ne, %convert_element_type3A_287, %cond3A_288 : i32
      scf.if %cond3A_289 {
        %mul3A_290 = arith.constant 4 : i32
        %mul3A_291 = arith.muli %mul3A_290, %add3A_177 : i32
        %add3A_292 = arith.constant 4 : i32
        %add3A_293 = arith.addi %mul3A_291, %add3A_292 : i32
        %add3A_294 = arith.constant 3 : i32
        %add3A_295 = arith.addi %add3A_293, %add3A_294 : i32
        %dma_start3A_296 = arith.constant 0 : i32
        %dma_start3A_297 = tpu.memref_slice %arg6[%add3A_295, %dma_start3A_296] : memref<32x80xi32, #tpu.memory_space<vmem>> -> memref<1x80xi32, #tpu.memory_space<vmem>>
        %dma_start3A_298 = tpu.memref_squeeze %dma_start3A_297 : memref<1x80xi32, #tpu.memory_space<vmem>> -> memref<80xi32, #tpu.memory_space<vmem>>
        %dma_start3A_299 = arith.constant 0 : i32
        %dma_start3A_300 = arith.constant 0 : i32
        %dma_start3A_301 = tpu.memref_slice %arg2[%dma_start3A_299, %dma_start3A_300] : memref<10240x128xf32, #tpu.memory_space<hbm>> -> memref<10240x128xf32, #tpu.memory_space<hbm>>
        tpu.enqueue_indirect_dma source(%dma_start3A_301 : memref<10240x128xf32, #tpu.memory_space<hbm>>) target(%arg11 : memref<80x128xf32, #tpu.memory_space<vmem>>) offsets(%dma_start3A_298 : memref<80xi32, #tpu.memory_space<vmem>>) semaphore(%arg16 : memref<!tpu.dma_semaphore, #tpu.memory_space<semaphore_mem>>)
      } else {
      }
    }
    %scan3A_134 = arith.constant 8 : i32
    "tpu.region"() ({
      %run_scoped3A = tpu.sem_alloc : memref<!tpu.dma_semaphore, #tpu.memory_space<semaphore_mem>>
      %dma_start3A_173 = arith.constant 96 : i32
      %dma_start3A_174 = arith.constant 0 : i32
      %dma_start3A_175 = tpu.memref_slice %arg3[%add3A, %dma_start3A_173, %dma_start3A_174] : memref<32x128x80xi32, #tpu.memory_space<hbm>> -> memref<1x32x80xi32, #tpu.memory_space<hbm>>
      %dma_start3A_176 = tpu.memref_squeeze %dma_start3A_175 : memref<1x32x80xi32, #tpu.memory_space<hbm>> -> memref<32x80xi32, #tpu.memory_space<hbm>>
      %dma_start3A_177 = arith.constant 96 : i32
      %dma_start3A_178 = arith.constant 0 : i32
      %dma_start3A_179 = tpu.memref_slice %arg3[%add3A, %dma_start3A_177, %dma_start3A_178] : memref<32x128x80xi32, #tpu.memory_space<hbm>> -> memref<1x32x80xi32, #tpu.memory_space<hbm>>
      %dma_start3A_180 = tpu.memref_squeeze %dma_start3A_179 : memref<1x32x80xi32, #tpu.memory_space<hbm>> -> memref<32x80xi32, #tpu.memory_space<hbm>>
      tpu.enqueue_dma source(%dma_start3A_180 : memref<32x80xi32, #tpu.memory_space<hbm>>) target(%arg6 : memref<32x80xi32, #tpu.memory_space<vmem>>) target_semaphore(%run_scoped3A : memref<!tpu.dma_semaphore, #tpu.memory_space<semaphore_mem>>)
      %dma_wait3A = arith.constant 96 : i32
      %dma_wait3A_181 = arith.constant 0 : i32
      %dma_wait3A_182 = tpu.memref_slice %arg3[%add3A, %dma_wait3A, %dma_wait3A_181] : memref<32x128x80xi32, #tpu.memory_space<hbm>> -> memref<1x32x80xi32, #tpu.memory_space<hbm>>
      %dma_wait3A_183 = tpu.memref_squeeze %dma_wait3A_182 : memref<1x32x80xi32, #tpu.memory_space<hbm>> -> memref<32x80xi32, #tpu.memory_space<hbm>>
      %dma_wait3A_184 = arith.constant 96 : i32
      %dma_wait3A_185 = arith.constant 0 : i32
      %dma_wait3A_186 = tpu.memref_slice %arg3[%add3A, %dma_wait3A_184, %dma_wait3A_185] : memref<32x128x80xi32, #tpu.memory_space<hbm>> -> memref<1x32x80xi32, #tpu.memory_space<hbm>>
      %dma_wait3A_187 = tpu.memref_squeeze %dma_wait3A_186 : memref<1x32x80xi32, #tpu.memory_space<hbm>> -> memref<32x80xi32, #tpu.memory_space<hbm>>
      tpu.wait_dma2 semaphore(%run_scoped3A : memref<!tpu.dma_semaphore, #tpu.memory_space<semaphore_mem>>) src(%dma_wait3A_187 : memref<32x80xi32, #tpu.memory_space<hbm>>) dst(%arg6 : memref<32x80xi32, #tpu.memory_space<vmem>>)
      tpu.yield
    }) : () -> ()
    "tpu.region"() ({
      %run_scoped3A = tpu.sem_alloc : memref<!tpu.dma_semaphore, #tpu.memory_space<semaphore_mem>>
      %dma_start3A_173 = arith.constant 96 : i32
      %dma_start3A_174 = arith.constant 0 : i32
      %dma_start3A_175 = tpu.memref_slice %arg4[%add3A, %dma_start3A_173, %dma_start3A_174] : memref<32x128x80xi32, #tpu.memory_space<hbm>> -> memref<1x32x80xi32, #tpu.memory_space<hbm>>
      %dma_start3A_176 = tpu.memref_squeeze %dma_start3A_175 : memref<1x32x80xi32, #tpu.memory_space<hbm>> -> memref<32x80xi32, #tpu.memory_space<hbm>>
      %dma_start3A_177 = arith.constant 96 : i32
      %dma_start3A_178 = arith.constant 0 : i32
      %dma_start3A_179 = tpu.memref_slice %arg4[%add3A, %dma_start3A_177, %dma_start3A_178] : memref<32x128x80xi32, #tpu.memory_space<hbm>> -> memref<1x32x80xi32, #tpu.memory_space<hbm>>
      %dma_start3A_180 = tpu.memref_squeeze %dma_start3A_179 : memref<1x32x80xi32, #tpu.memory_space<hbm>> -> memref<32x80xi32, #tpu.memory_space<hbm>>
      tpu.enqueue_dma source(%dma_start3A_180 : memref<32x80xi32, #tpu.memory_space<hbm>>) target(%arg7 : memref<32x80xi32, #tpu.memory_space<vmem>>) target_semaphore(%run_scoped3A : memref<!tpu.dma_semaphore, #tpu.memory_space<semaphore_mem>>)
      %dma_wait3A = arith.constant 96 : i32
      %dma_wait3A_181 = arith.constant 0 : i32
      %dma_wait3A_182 = tpu.memref_slice %arg4[%add3A, %dma_wait3A, %dma_wait3A_181] : memref<32x128x80xi32, #tpu.memory_space<hbm>> -> memref<1x32x80xi32, #tpu.memory_space<hbm>>
      %dma_wait3A_183 = tpu.memref_squeeze %dma_wait3A_182 : memref<1x32x80xi32, #tpu.memory_space<hbm>> -> memref<32x80xi32, #tpu.memory_space<hbm>>
      %dma_wait3A_184 = arith.constant 96 : i32
      %dma_wait3A_185 = arith.constant 0 : i32
      %dma_wait3A_186 = tpu.memref_slice %arg4[%add3A, %dma_wait3A_184, %dma_wait3A_185] : memref<32x128x80xi32, #tpu.memory_space<hbm>> -> memref<1x32x80xi32, #tpu.memory_space<hbm>>
      %dma_wait3A_187 = tpu.memref_squeeze %dma_wait3A_186 : memref<1x32x80xi32, #tpu.memory_space<hbm>> -> memref<32x80xi32, #tpu.memory_space<hbm>>
      tpu.wait_dma2 semaphore(%run_scoped3A : memref<!tpu.dma_semaphore, #tpu.memory_space<semaphore_mem>>) src(%dma_wait3A_187 : memref<32x80xi32, #tpu.memory_space<hbm>>) dst(%arg7 : memref<32x80xi32, #tpu.memory_space<vmem>>)
      tpu.yield
    }) : () -> ()
    %dma_start3A_135 = arith.constant 0 : i32
    %dma_start3A_136 = arith.constant 0 : i32
    %dma_start3A_137 = tpu.memref_slice %arg6[%dma_start3A_135, %dma_start3A_136] : memref<32x80xi32, #tpu.memory_space<vmem>> -> memref<1x80xi32, #tpu.memory_space<vmem>>
    %dma_start3A_138 = tpu.memref_squeeze %dma_start3A_137 : memref<1x80xi32, #tpu.memory_space<vmem>> -> memref<80xi32, #tpu.memory_space<vmem>>
    %dma_start3A_139 = arith.constant 0 : i32
    %dma_start3A_140 = arith.constant 0 : i32
    %dma_start3A_141 = tpu.memref_slice %arg2[%dma_start3A_139, %dma_start3A_140] : memref<10240x128xf32, #tpu.memory_space<hbm>> -> memref<10240x128xf32, #tpu.memory_space<hbm>>
    tpu.enqueue_indirect_dma source(%dma_start3A_141 : memref<10240x128xf32, #tpu.memory_space<hbm>>) target(%arg8 : memref<80x128xf32, #tpu.memory_space<vmem>>) offsets(%dma_start3A_138 : memref<80xi32, #tpu.memory_space<vmem>>) semaphore(%arg13 : memref<!tpu.dma_semaphore, #tpu.memory_space<semaphore_mem>>)
    %dma_start3A_142 = arith.constant 1 : i32
    %dma_start3A_143 = arith.constant 0 : i32
    %dma_start3A_144 = tpu.memref_slice %arg6[%dma_start3A_142, %dma_start3A_143] : memref<32x80xi32, #tpu.memory_space<vmem>> -> memref<1x80xi32, #tpu.memory_space<vmem>>
    %dma_start3A_145 = tpu.memref_squeeze %dma_start3A_144 : memref<1x80xi32, #tpu.memory_space<vmem>> -> memref<80xi32, #tpu.memory_space<vmem>>
    %dma_start3A_146 = arith.constant 0 : i32
    %dma_start3A_147 = arith.constant 0 : i32
    %dma_start3A_148 = tpu.memref_slice %arg2[%dma_start3A_146, %dma_start3A_147] : memref<10240x128xf32, #tpu.memory_space<hbm>> -> memref<10240x128xf32, #tpu.memory_space<hbm>>
    tpu.enqueue_indirect_dma source(%dma_start3A_148 : memref<10240x128xf32, #tpu.memory_space<hbm>>) target(%arg9 : memref<80x128xf32, #tpu.memory_space<vmem>>) offsets(%dma_start3A_145 : memref<80xi32, #tpu.memory_space<vmem>>) semaphore(%arg14 : memref<!tpu.dma_semaphore, #tpu.memory_space<semaphore_mem>>)
    %dma_start3A_149 = arith.constant 2 : i32
    %dma_start3A_150 = arith.constant 0 : i32
    %dma_start3A_151 = tpu.memref_slice %arg6[%dma_start3A_149, %dma_start3A_150] : memref<32x80xi32, #tpu.memory_space<vmem>> -> memref<1x80xi32, #tpu.memory_space<vmem>>
    %dma_start3A_152 = tpu.memref_squeeze %dma_start3A_151 : memref<1x80xi32, #tpu.memory_space<vmem>> -> memref<80xi32, #tpu.memory_space<vmem>>
    %dma_start3A_153 = arith.constant 0 : i32
    %dma_start3A_154 = arith.constant 0 : i32
    %dma_start3A_155 = tpu.memref_slice %arg2[%dma_start3A_153, %dma_start3A_154] : memref<10240x128xf32, #tpu.memory_space<hbm>> -> memref<10240x128xf32, #tpu.memory_space<hbm>>
    tpu.enqueue_indirect_dma source(%dma_start3A_155 : memref<10240x128xf32, #tpu.memory_space<hbm>>) target(%arg10 : memref<80x128xf32, #tpu.memory_space<vmem>>) offsets(%dma_start3A_152 : memref<80xi32, #tpu.memory_space<vmem>>) semaphore(%arg15 : memref<!tpu.dma_semaphore, #tpu.memory_space<semaphore_mem>>)
    %dma_start3A_156 = arith.constant 3 : i32
    %dma_start3A_157 = arith.constant 0 : i32
    %dma_start3A_158 = tpu.memref_slice %arg6[%dma_start3A_156, %dma_start3A_157] : memref<32x80xi32, #tpu.memory_space<vmem>> -> memref<1x80xi32, #tpu.memory_space<vmem>>
    %dma_start3A_159 = tpu.memref_squeeze %dma_start3A_158 : memref<1x80xi32, #tpu.memory_space<vmem>> -> memref<80xi32, #tpu.memory_space<vmem>>
    %dma_start3A_160 = arith.constant 0 : i32
    %dma_start3A_161 = arith.constant 0 : i32
    %dma_start3A_162 = tpu.memref_slice %arg2[%dma_start3A_160, %dma_start3A_161] : memref<10240x128xf32, #tpu.memory_space<hbm>> -> memref<10240x128xf32, #tpu.memory_space<hbm>>
    tpu.enqueue_indirect_dma source(%dma_start3A_162 : memref<10240x128xf32, #tpu.memory_space<hbm>>) target(%arg11 : memref<80x128xf32, #tpu.memory_space<vmem>>) offsets(%dma_start3A_159 : memref<80xi32, #tpu.memory_space<vmem>>) semaphore(%arg16 : memref<!tpu.dma_semaphore, #tpu.memory_space<semaphore_mem>>)
    %scan3A_163 = arith.constant 0 : i32
    %scan3A_164 = arith.constant 8 : i32
    %scan3A_165 = arith.addi %scan3A_163, %scan3A_164 : i32
    %scan3A_166 = arith.constant 1 : i32
    scf.for %scan3A_173 = %scan3A_163 to %scan3A_165 step %scan3A_166  : i32 {
      %mul3A_174 = arith.constant 1 : i32
      %mul3A_175 = arith.muli %scan3A_173, %mul3A_174 : i32
      %add3A_176 = arith.constant 0 : i32
      %add3A_177 = arith.addi %add3A_176, %mul3A_175 : i32
      %dma_wait3A = arith.constant 0 : i32
      %dma_wait3A_178 = arith.constant 0 : i32
      %dma_wait3A_179 = tpu.memref_slice %arg6[%dma_wait3A, %dma_wait3A_178] : memref<32x80xi32, #tpu.memory_space<vmem>> -> memref<1x80xi32, #tpu.memory_space<vmem>>
      %dma_wait3A_180 = tpu.memref_squeeze %dma_wait3A_179 : memref<1x80xi32, #tpu.memory_space<vmem>> -> memref<80xi32, #tpu.memory_space<vmem>>
      %dma_wait3A_181 = arith.constant 0 : i32
      %dma_wait3A_182 = arith.constant 0 : i32
      %dma_wait3A_183 = tpu.memref_slice %arg2[%dma_wait3A_181, %dma_wait3A_182] : memref<10240x128xf32, #tpu.memory_space<hbm>> -> memref<10240x128xf32, #tpu.memory_space<hbm>>
      tpu.wait_indirect_dma semaphore(%arg13 : memref<!tpu.dma_semaphore, #tpu.memory_space<semaphore_mem>>) src(%dma_wait3A_183 : memref<10240x128xf32, #tpu.memory_space<hbm>>) dst(%arg8 : memref<80x128xf32, #tpu.memory_space<vmem>>)
      %mul3A_184 = arith.constant 4 : i32
      %mul3A_185 = arith.muli %mul3A_184, %add3A_177 : i32
      %add3A_186 = arith.constant 0 : i32
      %add3A_187 = arith.addi %mul3A_185, %add3A_186 : i32
      %dma_start3A_188 = arith.constant 0 : i32
      %dma_start3A_189 = tpu.memref_slice %arg7[%add3A_187, %dma_start3A_188] : memref<32x80xi32, #tpu.memory_space<vmem>> -> memref<1x80xi32, #tpu.memory_space<vmem>>
      %dma_start3A_190 = tpu.memref_squeeze %dma_start3A_189 : memref<1x80xi32, #tpu.memory_space<vmem>> -> memref<80xi32, #tpu.memory_space<vmem>>
      %dma_start3A_191 = arith.constant 0 : i32
      %dma_start3A_192 = arith.constant 0 : i32
      %dma_start3A_193 = tpu.memref_slice %arg12[%dma_start3A_191, %dma_start3A_192] : memref<10240x128xf32, #tpu.memory_space<vmem_shared>> -> memref<10240x128xf32, #tpu.memory_space<vmem_shared>>
      tpu.enqueue_indirect_dma source(%arg8 : memref<80x128xf32, #tpu.memory_space<vmem>>) target(%dma_start3A_193 : memref<10240x128xf32, #tpu.memory_space<vmem_shared>>) offsets(%dma_start3A_190 : memref<80xi32, #tpu.memory_space<vmem>>) semaphore(%arg17 : memref<!tpu.dma_semaphore, #tpu.memory_space<semaphore_mem>>) {add = true}
      %dma_wait3A_194 = arith.constant 0 : i32
      %dma_wait3A_195 = arith.constant 0 : i32
      %dma_wait3A_196 = tpu.memref_slice %arg7[%dma_wait3A_194, %dma_wait3A_195] : memref<32x80xi32, #tpu.memory_space<vmem>> -> memref<1x80xi32, #tpu.memory_space<vmem>>
      %dma_wait3A_197 = tpu.memref_squeeze %dma_wait3A_196 : memref<1x80xi32, #tpu.memory_space<vmem>> -> memref<80xi32, #tpu.memory_space<vmem>>
      %dma_wait3A_198 = arith.constant 0 : i32
      %dma_wait3A_199 = arith.constant 0 : i32
      %dma_wait3A_200 = tpu.memref_slice %arg12[%dma_wait3A_198, %dma_wait3A_199] : memref<10240x128xf32, #tpu.memory_space<vmem_shared>> -> memref<10240x128xf32, #tpu.memory_space<vmem_shared>>
      tpu.wait_indirect_dma semaphore(%arg17 : memref<!tpu.dma_semaphore, #tpu.memory_space<semaphore_mem>>) src(%arg8 : memref<80x128xf32, #tpu.memory_space<vmem>>) dst(%dma_wait3A_200 : memref<10240x128xf32, #tpu.memory_space<vmem_shared>>)
      %lt3A = arith.constant 7 : i32
      %lt3A_201 = arith.cmpi slt, %add3A_177, %lt3A : i32
      %convert_element_type3A = arith.extui %lt3A_201 : i1 to i32
      %cond3A = arith.constant 0 : i32
      %cond3A_202 = arith.cmpi ne, %convert_element_type3A, %cond3A : i32
      scf.if %cond3A_202 {
        %mul3A_290 = arith.constant 4 : i32
        %mul3A_291 = arith.muli %mul3A_290, %add3A_177 : i32
        %add3A_292 = arith.constant 4 : i32
        %add3A_293 = arith.addi %mul3A_291, %add3A_292 : i32
        %add3A_294 = arith.constant 0 : i32
        %add3A_295 = arith.addi %add3A_293, %add3A_294 : i32
        %dma_start3A_296 = arith.constant 0 : i32
        %dma_start3A_297 = tpu.memref_slice %arg6[%add3A_295, %dma_start3A_296] : memref<32x80xi32, #tpu.memory_space<vmem>> -> memref<1x80xi32, #tpu.memory_space<vmem>>
        %dma_start3A_298 = tpu.memref_squeeze %dma_start3A_297 : memref<1x80xi32, #tpu.memory_space<vmem>> -> memref<80xi32, #tpu.memory_space<vmem>>
        %dma_start3A_299 = arith.constant 0 : i32
        %dma_start3A_300 = arith.constant 0 : i32
        %dma_start3A_301 = tpu.memref_slice %arg2[%dma_start3A_299, %dma_start3A_300] : memref<10240x128xf32, #tpu.memory_space<hbm>> -> memref<10240x128xf32, #tpu.memory_space<hbm>>
        tpu.enqueue_indirect_dma source(%dma_start3A_301 : memref<10240x128xf32, #tpu.memory_space<hbm>>) target(%arg8 : memref<80x128xf32, #tpu.memory_space<vmem>>) offsets(%dma_start3A_298 : memref<80xi32, #tpu.memory_space<vmem>>) semaphore(%arg13 : memref<!tpu.dma_semaphore, #tpu.memory_space<semaphore_mem>>)
      } else {
      }
      %dma_wait3A_203 = arith.constant 0 : i32
      %dma_wait3A_204 = arith.constant 0 : i32
      %dma_wait3A_205 = tpu.memref_slice %arg6[%dma_wait3A_203, %dma_wait3A_204] : memref<32x80xi32, #tpu.memory_space<vmem>> -> memref<1x80xi32, #tpu.memory_space<vmem>>
      %dma_wait3A_206 = tpu.memref_squeeze %dma_wait3A_205 : memref<1x80xi32, #tpu.memory_space<vmem>> -> memref<80xi32, #tpu.memory_space<vmem>>
      %dma_wait3A_207 = arith.constant 0 : i32
      %dma_wait3A_208 = arith.constant 0 : i32
      %dma_wait3A_209 = tpu.memref_slice %arg2[%dma_wait3A_207, %dma_wait3A_208] : memref<10240x128xf32, #tpu.memory_space<hbm>> -> memref<10240x128xf32, #tpu.memory_space<hbm>>
      tpu.wait_indirect_dma semaphore(%arg14 : memref<!tpu.dma_semaphore, #tpu.memory_space<semaphore_mem>>) src(%dma_wait3A_209 : memref<10240x128xf32, #tpu.memory_space<hbm>>) dst(%arg9 : memref<80x128xf32, #tpu.memory_space<vmem>>)
      %mul3A_210 = arith.constant 4 : i32
      %mul3A_211 = arith.muli %mul3A_210, %add3A_177 : i32
      %add3A_212 = arith.constant 1 : i32
      %add3A_213 = arith.addi %mul3A_211, %add3A_212 : i32
      %dma_start3A_214 = arith.constant 0 : i32
      %dma_start3A_215 = tpu.memref_slice %arg7[%add3A_213, %dma_start3A_214] : memref<32x80xi32, #tpu.memory_space<vmem>> -> memref<1x80xi32, #tpu.memory_space<vmem>>
      %dma_start3A_216 = tpu.memref_squeeze %dma_start3A_215 : memref<1x80xi32, #tpu.memory_space<vmem>> -> memref<80xi32, #tpu.memory_space<vmem>>
      %dma_start3A_217 = arith.constant 0 : i32
      %dma_start3A_218 = arith.constant 0 : i32
      %dma_start3A_219 = tpu.memref_slice %arg12[%dma_start3A_217, %dma_start3A_218] : memref<10240x128xf32, #tpu.memory_space<vmem_shared>> -> memref<10240x128xf32, #tpu.memory_space<vmem_shared>>
      tpu.enqueue_indirect_dma source(%arg9 : memref<80x128xf32, #tpu.memory_space<vmem>>) target(%dma_start3A_219 : memref<10240x128xf32, #tpu.memory_space<vmem_shared>>) offsets(%dma_start3A_216 : memref<80xi32, #tpu.memory_space<vmem>>) semaphore(%arg18 : memref<!tpu.dma_semaphore, #tpu.memory_space<semaphore_mem>>) {add = true}
      %dma_wait3A_220 = arith.constant 0 : i32
      %dma_wait3A_221 = arith.constant 0 : i32
      %dma_wait3A_222 = tpu.memref_slice %arg7[%dma_wait3A_220, %dma_wait3A_221] : memref<32x80xi32, #tpu.memory_space<vmem>> -> memref<1x80xi32, #tpu.memory_space<vmem>>
      %dma_wait3A_223 = tpu.memref_squeeze %dma_wait3A_222 : memref<1x80xi32, #tpu.memory_space<vmem>> -> memref<80xi32, #tpu.memory_space<vmem>>
      %dma_wait3A_224 = arith.constant 0 : i32
      %dma_wait3A_225 = arith.constant 0 : i32
      %dma_wait3A_226 = tpu.memref_slice %arg12[%dma_wait3A_224, %dma_wait3A_225] : memref<10240x128xf32, #tpu.memory_space<vmem_shared>> -> memref<10240x128xf32, #tpu.memory_space<vmem_shared>>
      tpu.wait_indirect_dma semaphore(%arg18 : memref<!tpu.dma_semaphore, #tpu.memory_space<semaphore_mem>>) src(%arg9 : memref<80x128xf32, #tpu.memory_space<vmem>>) dst(%dma_wait3A_226 : memref<10240x128xf32, #tpu.memory_space<vmem_shared>>)
      %lt3A_227 = arith.constant 7 : i32
      %lt3A_228 = arith.cmpi slt, %add3A_177, %lt3A_227 : i32
      %convert_element_type3A_229 = arith.extui %lt3A_228 : i1 to i32
      %cond3A_230 = arith.constant 0 : i32
      %cond3A_231 = arith.cmpi ne, %convert_element_type3A_229, %cond3A_230 : i32
      scf.if %cond3A_231 {
        %mul3A_290 = arith.constant 4 : i32
        %mul3A_291 = arith.muli %mul3A_290, %add3A_177 : i32
        %add3A_292 = arith.constant 4 : i32
        %add3A_293 = arith.addi %mul3A_291, %add3A_292 : i32
        %add3A_294 = arith.constant 1 : i32
        %add3A_295 = arith.addi %add3A_293, %add3A_294 : i32
        %dma_start3A_296 = arith.constant 0 : i32
        %dma_start3A_297 = tpu.memref_slice %arg6[%add3A_295, %dma_start3A_296] : memref<32x80xi32, #tpu.memory_space<vmem>> -> memref<1x80xi32, #tpu.memory_space<vmem>>
        %dma_start3A_298 = tpu.memref_squeeze %dma_start3A_297 : memref<1x80xi32, #tpu.memory_space<vmem>> -> memref<80xi32, #tpu.memory_space<vmem>>
        %dma_start3A_299 = arith.constant 0 : i32
        %dma_start3A_300 = arith.constant 0 : i32
        %dma_start3A_301 = tpu.memref_slice %arg2[%dma_start3A_299, %dma_start3A_300] : memref<10240x128xf32, #tpu.memory_space<hbm>> -> memref<10240x128xf32, #tpu.memory_space<hbm>>
        tpu.enqueue_indirect_dma source(%dma_start3A_301 : memref<10240x128xf32, #tpu.memory_space<hbm>>) target(%arg9 : memref<80x128xf32, #tpu.memory_space<vmem>>) offsets(%dma_start3A_298 : memref<80xi32, #tpu.memory_space<vmem>>) semaphore(%arg14 : memref<!tpu.dma_semaphore, #tpu.memory_space<semaphore_mem>>)
      } else {
      }
      %dma_wait3A_232 = arith.constant 0 : i32
      %dma_wait3A_233 = arith.constant 0 : i32
      %dma_wait3A_234 = tpu.memref_slice %arg6[%dma_wait3A_232, %dma_wait3A_233] : memref<32x80xi32, #tpu.memory_space<vmem>> -> memref<1x80xi32, #tpu.memory_space<vmem>>
      %dma_wait3A_235 = tpu.memref_squeeze %dma_wait3A_234 : memref<1x80xi32, #tpu.memory_space<vmem>> -> memref<80xi32, #tpu.memory_space<vmem>>
      %dma_wait3A_236 = arith.constant 0 : i32
      %dma_wait3A_237 = arith.constant 0 : i32
      %dma_wait3A_238 = tpu.memref_slice %arg2[%dma_wait3A_236, %dma_wait3A_237] : memref<10240x128xf32, #tpu.memory_space<hbm>> -> memref<10240x128xf32, #tpu.memory_space<hbm>>
      tpu.wait_indirect_dma semaphore(%arg15 : memref<!tpu.dma_semaphore, #tpu.memory_space<semaphore_mem>>) src(%dma_wait3A_238 : memref<10240x128xf32, #tpu.memory_space<hbm>>) dst(%arg10 : memref<80x128xf32, #tpu.memory_space<vmem>>)
      %mul3A_239 = arith.constant 4 : i32
      %mul3A_240 = arith.muli %mul3A_239, %add3A_177 : i32
      %add3A_241 = arith.constant 2 : i32
      %add3A_242 = arith.addi %mul3A_240, %add3A_241 : i32
      %dma_start3A_243 = arith.constant 0 : i32
      %dma_start3A_244 = tpu.memref_slice %arg7[%add3A_242, %dma_start3A_243] : memref<32x80xi32, #tpu.memory_space<vmem>> -> memref<1x80xi32, #tpu.memory_space<vmem>>
      %dma_start3A_245 = tpu.memref_squeeze %dma_start3A_244 : memref<1x80xi32, #tpu.memory_space<vmem>> -> memref<80xi32, #tpu.memory_space<vmem>>
      %dma_start3A_246 = arith.constant 0 : i32
      %dma_start3A_247 = arith.constant 0 : i32
      %dma_start3A_248 = tpu.memref_slice %arg12[%dma_start3A_246, %dma_start3A_247] : memref<10240x128xf32, #tpu.memory_space<vmem_shared>> -> memref<10240x128xf32, #tpu.memory_space<vmem_shared>>
      tpu.enqueue_indirect_dma source(%arg10 : memref<80x128xf32, #tpu.memory_space<vmem>>) target(%dma_start3A_248 : memref<10240x128xf32, #tpu.memory_space<vmem_shared>>) offsets(%dma_start3A_245 : memref<80xi32, #tpu.memory_space<vmem>>) semaphore(%arg19 : memref<!tpu.dma_semaphore, #tpu.memory_space<semaphore_mem>>) {add = true}
      %dma_wait3A_249 = arith.constant 0 : i32
      %dma_wait3A_250 = arith.constant 0 : i32
      %dma_wait3A_251 = tpu.memref_slice %arg7[%dma_wait3A_249, %dma_wait3A_250] : memref<32x80xi32, #tpu.memory_space<vmem>> -> memref<1x80xi32, #tpu.memory_space<vmem>>
      %dma_wait3A_252 = tpu.memref_squeeze %dma_wait3A_251 : memref<1x80xi32, #tpu.memory_space<vmem>> -> memref<80xi32, #tpu.memory_space<vmem>>
      %dma_wait3A_253 = arith.constant 0 : i32
      %dma_wait3A_254 = arith.constant 0 : i32
      %dma_wait3A_255 = tpu.memref_slice %arg12[%dma_wait3A_253, %dma_wait3A_254] : memref<10240x128xf32, #tpu.memory_space<vmem_shared>> -> memref<10240x128xf32, #tpu.memory_space<vmem_shared>>
      tpu.wait_indirect_dma semaphore(%arg19 : memref<!tpu.dma_semaphore, #tpu.memory_space<semaphore_mem>>) src(%arg10 : memref<80x128xf32, #tpu.memory_space<vmem>>) dst(%dma_wait3A_255 : memref<10240x128xf32, #tpu.memory_space<vmem_shared>>)
      %lt3A_256 = arith.constant 7 : i32
      %lt3A_257 = arith.cmpi slt, %add3A_177, %lt3A_256 : i32
      %convert_element_type3A_258 = arith.extui %lt3A_257 : i1 to i32
      %cond3A_259 = arith.constant 0 : i32
      %cond3A_260 = arith.cmpi ne, %convert_element_type3A_258, %cond3A_259 : i32
      scf.if %cond3A_260 {
        %mul3A_290 = arith.constant 4 : i32
        %mul3A_291 = arith.muli %mul3A_290, %add3A_177 : i32
        %add3A_292 = arith.constant 4 : i32
        %add3A_293 = arith.addi %mul3A_291, %add3A_292 : i32
        %add3A_294 = arith.constant 2 : i32
        %add3A_295 = arith.addi %add3A_293, %add3A_294 : i32
        %dma_start3A_296 = arith.constant 0 : i32
        %dma_start3A_297 = tpu.memref_slice %arg6[%add3A_295, %dma_start3A_296] : memref<32x80xi32, #tpu.memory_space<vmem>> -> memref<1x80xi32, #tpu.memory_space<vmem>>
        %dma_start3A_298 = tpu.memref_squeeze %dma_start3A_297 : memref<1x80xi32, #tpu.memory_space<vmem>> -> memref<80xi32, #tpu.memory_space<vmem>>
        %dma_start3A_299 = arith.constant 0 : i32
        %dma_start3A_300 = arith.constant 0 : i32
        %dma_start3A_301 = tpu.memref_slice %arg2[%dma_start3A_299, %dma_start3A_300] : memref<10240x128xf32, #tpu.memory_space<hbm>> -> memref<10240x128xf32, #tpu.memory_space<hbm>>
        tpu.enqueue_indirect_dma source(%dma_start3A_301 : memref<10240x128xf32, #tpu.memory_space<hbm>>) target(%arg10 : memref<80x128xf32, #tpu.memory_space<vmem>>) offsets(%dma_start3A_298 : memref<80xi32, #tpu.memory_space<vmem>>) semaphore(%arg15 : memref<!tpu.dma_semaphore, #tpu.memory_space<semaphore_mem>>)
      } else {
      }
      %dma_wait3A_261 = arith.constant 0 : i32
      %dma_wait3A_262 = arith.constant 0 : i32
      %dma_wait3A_263 = tpu.memref_slice %arg6[%dma_wait3A_261, %dma_wait3A_262] : memref<32x80xi32, #tpu.memory_space<vmem>> -> memref<1x80xi32, #tpu.memory_space<vmem>>
      %dma_wait3A_264 = tpu.memref_squeeze %dma_wait3A_263 : memref<1x80xi32, #tpu.memory_space<vmem>> -> memref<80xi32, #tpu.memory_space<vmem>>
      %dma_wait3A_265 = arith.constant 0 : i32
      %dma_wait3A_266 = arith.constant 0 : i32
      %dma_wait3A_267 = tpu.memref_slice %arg2[%dma_wait3A_265, %dma_wait3A_266] : memref<10240x128xf32, #tpu.memory_space<hbm>> -> memref<10240x128xf32, #tpu.memory_space<hbm>>
      tpu.wait_indirect_dma semaphore(%arg16 : memref<!tpu.dma_semaphore, #tpu.memory_space<semaphore_mem>>) src(%dma_wait3A_267 : memref<10240x128xf32, #tpu.memory_space<hbm>>) dst(%arg11 : memref<80x128xf32, #tpu.memory_space<vmem>>)
      %mul3A_268 = arith.constant 4 : i32
      %mul3A_269 = arith.muli %mul3A_268, %add3A_177 : i32
      %add3A_270 = arith.constant 3 : i32
      %add3A_271 = arith.addi %mul3A_269, %add3A_270 : i32
      %dma_start3A_272 = arith.constant 0 : i32
      %dma_start3A_273 = tpu.memref_slice %arg7[%add3A_271, %dma_start3A_272] : memref<32x80xi32, #tpu.memory_space<vmem>> -> memref<1x80xi32, #tpu.memory_space<vmem>>
      %dma_start3A_274 = tpu.memref_squeeze %dma_start3A_273 : memref<1x80xi32, #tpu.memory_space<vmem>> -> memref<80xi32, #tpu.memory_space<vmem>>
      %dma_start3A_275 = arith.constant 0 : i32
      %dma_start3A_276 = arith.constant 0 : i32
      %dma_start3A_277 = tpu.memref_slice %arg12[%dma_start3A_275, %dma_start3A_276] : memref<10240x128xf32, #tpu.memory_space<vmem_shared>> -> memref<10240x128xf32, #tpu.memory_space<vmem_shared>>
      tpu.enqueue_indirect_dma source(%arg11 : memref<80x128xf32, #tpu.memory_space<vmem>>) target(%dma_start3A_277 : memref<10240x128xf32, #tpu.memory_space<vmem_shared>>) offsets(%dma_start3A_274 : memref<80xi32, #tpu.memory_space<vmem>>) semaphore(%arg20 : memref<!tpu.dma_semaphore, #tpu.memory_space<semaphore_mem>>) {add = true}
      %dma_wait3A_278 = arith.constant 0 : i32
      %dma_wait3A_279 = arith.constant 0 : i32
      %dma_wait3A_280 = tpu.memref_slice %arg7[%dma_wait3A_278, %dma_wait3A_279] : memref<32x80xi32, #tpu.memory_space<vmem>> -> memref<1x80xi32, #tpu.memory_space<vmem>>
      %dma_wait3A_281 = tpu.memref_squeeze %dma_wait3A_280 : memref<1x80xi32, #tpu.memory_space<vmem>> -> memref<80xi32, #tpu.memory_space<vmem>>
      %dma_wait3A_282 = arith.constant 0 : i32
      %dma_wait3A_283 = arith.constant 0 : i32
      %dma_wait3A_284 = tpu.memref_slice %arg12[%dma_wait3A_282, %dma_wait3A_283] : memref<10240x128xf32, #tpu.memory_space<vmem_shared>> -> memref<10240x128xf32, #tpu.memory_space<vmem_shared>>
      tpu.wait_indirect_dma semaphore(%arg20 : memref<!tpu.dma_semaphore, #tpu.memory_space<semaphore_mem>>) src(%arg11 : memref<80x128xf32, #tpu.memory_space<vmem>>) dst(%dma_wait3A_284 : memref<10240x128xf32, #tpu.memory_space<vmem_shared>>)
      %lt3A_285 = arith.constant 7 : i32
      %lt3A_286 = arith.cmpi slt, %add3A_177, %lt3A_285 : i32
      %convert_element_type3A_287 = arith.extui %lt3A_286 : i1 to i32
      %cond3A_288 = arith.constant 0 : i32
      %cond3A_289 = arith.cmpi ne, %convert_element_type3A_287, %cond3A_288 : i32
      scf.if %cond3A_289 {
        %mul3A_290 = arith.constant 4 : i32
        %mul3A_291 = arith.muli %mul3A_290, %add3A_177 : i32
        %add3A_292 = arith.constant 4 : i32
        %add3A_293 = arith.addi %mul3A_291, %add3A_292 : i32
        %add3A_294 = arith.constant 3 : i32
        %add3A_295 = arith.addi %add3A_293, %add3A_294 : i32
        %dma_start3A_296 = arith.constant 0 : i32
        %dma_start3A_297 = tpu.memref_slice %arg6[%add3A_295, %dma_start3A_296] : memref<32x80xi32, #tpu.memory_space<vmem>> -> memref<1x80xi32, #tpu.memory_space<vmem>>
        %dma_start3A_298 = tpu.memref_squeeze %dma_start3A_297 : memref<1x80xi32, #tpu.memory_space<vmem>> -> memref<80xi32, #tpu.memory_space<vmem>>
        %dma_start3A_299 = arith.constant 0 : i32
        %dma_start3A_300 = arith.constant 0 : i32
        %dma_start3A_301 = tpu.memref_slice %arg2[%dma_start3A_299, %dma_start3A_300] : memref<10240x128xf32, #tpu.memory_space<hbm>> -> memref<10240x128xf32, #tpu.memory_space<hbm>>
        tpu.enqueue_indirect_dma source(%dma_start3A_301 : memref<10240x128xf32, #tpu.memory_space<hbm>>) target(%arg11 : memref<80x128xf32, #tpu.memory_space<vmem>>) offsets(%dma_start3A_298 : memref<80xi32, #tpu.memory_space<vmem>>) semaphore(%arg16 : memref<!tpu.dma_semaphore, #tpu.memory_space<semaphore_mem>>)
      } else {
      }
    }
    %scan3A_167 = arith.constant 8 : i32
    %barrier3A_168 = arith.constant 0 : index
    tpu.barrier barrier_id(%barrier3A_168)
    %mul3A_169 = arith.constant 640 : i32
    %mul3A_170 = arith.muli %arg1, %mul3A_169 : i32
    %mul3A_171 = arith.constant 640 : i32
    %mul3A_172 = arith.muli %arg1, %mul3A_171 : i32
    "tpu.region"() ({
      %run_scoped3A = tpu.sem_alloc : memref<!tpu.dma_semaphore, #tpu.memory_space<semaphore_mem>>
      %dma_start3A_173 = arith.constant 0 : i32
      %dma_start3A_174 = tpu.memref_slice %arg5[%arg0, %mul3A_172, %dma_start3A_173] : memref<2x10240x128xf32, #tpu.memory_space<hbm>> -> memref<1x640x128xf32, #tpu.memory_space<hbm>>
      %dma_start3A_175 = tpu.memref_squeeze %dma_start3A_174 : memref<1x640x128xf32, #tpu.memory_space<hbm>> -> memref<640x128xf32, #tpu.memory_space<hbm>>
      %dma_start3A_176 = arith.constant 0 : i32
      %dma_start3A_177 = tpu.memref_slice %arg12[%mul3A_170, %dma_start3A_176] : memref<10240x128xf32, #tpu.memory_space<vmem_shared>> -> memref<640x128xf32, #tpu.memory_space<vmem_shared>>
      tpu.enqueue_dma source(%dma_start3A_177 : memref<640x128xf32, #tpu.memory_space<vmem_shared>>) target(%dma_start3A_175 : memref<640x128xf32, #tpu.memory_space<hbm>>) target_semaphore(%run_scoped3A : memref<!tpu.dma_semaphore, #tpu.memory_space<semaphore_mem>>)
      %dma_wait3A = arith.constant 0 : i32
      %dma_wait3A_178 = tpu.memref_slice %arg5[%arg0, %mul3A_172, %dma_wait3A] : memref<2x10240x128xf32, #tpu.memory_space<hbm>> -> memref<1x640x128xf32, #tpu.memory_space<hbm>>
      %dma_wait3A_179 = tpu.memref_squeeze %dma_wait3A_178 : memref<1x640x128xf32, #tpu.memory_space<hbm>> -> memref<640x128xf32, #tpu.memory_space<hbm>>
      %dma_wait3A_180 = arith.constant 0 : i32
      %dma_wait3A_181 = tpu.memref_slice %arg12[%mul3A_170, %dma_wait3A_180] : memref<10240x128xf32, #tpu.memory_space<vmem_shared>> -> memref<640x128xf32, #tpu.memory_space<vmem_shared>>
      tpu.wait_dma2 semaphore(%run_scoped3A : memref<!tpu.dma_semaphore, #tpu.memory_space<semaphore_mem>>) src(%dma_wait3A_181 : memref<640x128xf32, #tpu.memory_space<vmem_shared>>) dst(%dma_wait3A_179 : memref<640x128xf32, #tpu.memory_space<hbm>>)
      tpu.yield
    }) : () -> ()
    return
  }
}

module attributes {stable_mosaic.version = 14 : i64} {
  func.func @body(%arg0: i32, %arg1: memref<2x512x128xf32, #tpu.memory_space<vmem>>, %arg2: memref<512x128xf32, #tpu.memory_space<vmem>>, %arg3: memref<512x1xf32, #tpu.memory_space<vmem>>, %arg4: memref<1x128xf32, #tpu.memory_space<vmem>>, %arg5: memref<128x128xf32, #tpu.memory_space<vmem>>, %arg6: memref<512x128xf32, #tpu.memory_space<vmem>>) attributes {dimension_semantics = [#tpu.dimension_semantics<arbitrary>], iteration_bounds = array<i64: 20>, scalar_prefetch = 0 : i64, scratch_operands = 0 : i64, tpu.core_type = #tpu.core_type<tc>, window_params = [{transform_indices = @transform_0, window_bounds = array<i64: 2, 512, 128>}, {transform_indices = @transform_1, window_bounds = array<i64: 512, 128>}, {transform_indices = @transform_2, window_bounds = array<i64: 512, 1>}, {pipeline_mode = #tpu.pipeline_mode<synchronous>, transform_indices = @transform_3, window_bounds = array<i64: 1, 128>}, {pipeline_mode = #tpu.pipeline_mode<synchronous>, transform_indices = @transform_4, window_bounds = array<i64: 128, 128>}, {transform_indices = @transform_5, window_bounds = array<i64: 512, 128>}]} {
    %get3A = arith.constant 0 : index
    %get3A_0 = arith.constant 0 : index
    %get3A_1 = vector.load %arg3[%get3A, %get3A_0] : memref<512x1xf32, #tpu.memory_space<vmem>>, vector<512x1xf32>
    %get3A_2 = arith.constant 0 : index
    %get3A_3 = arith.constant 0 : index
    %get3A_4 = arith.constant 0 : index
    %get3A_5 = vector.load %arg1[%get3A_2, %get3A_3, %get3A_4] : memref<2x512x128xf32, #tpu.memory_space<vmem>>, vector<1x512x128xf32>
    %get3A_6 = vector.shape_cast %get3A_5 : vector<1x512x128xf32> to vector<512x128xf32>
    %get3A_7 = arith.constant 1 : index
    %get3A_8 = arith.constant 0 : index
    %get3A_9 = arith.constant 0 : index
    %get3A_10 = vector.load %arg1[%get3A_7, %get3A_8, %get3A_9] : memref<2x512x128xf32, #tpu.memory_space<vmem>>, vector<1x512x128xf32>
    %get3A_11 = vector.shape_cast %get3A_10 : vector<1x512x128xf32> to vector<512x128xf32>
    %add3A = arith.addf %get3A_6, %get3A_11 : vector<512x128xf32>
    %get3A_12 = arith.constant 0 : index
    %get3A_13 = arith.constant 0 : index
    %get3A_14 = vector.load %arg2[%get3A_12, %get3A_13] : memref<512x128xf32, #tpu.memory_space<vmem>>, vector<512x128xf32>
    %add3A_15 = arith.addf %add3A, %get3A_14 : vector<512x128xf32>
    %mul3A = vector.broadcast %get3A_1 : vector<512x1xf32> to vector<512x128xf32>
    %mul3A_16 = arith.mulf %add3A_15, %mul3A : vector<512x128xf32>
    %get3A_17 = arith.constant 0 : index
    %get3A_18 = arith.constant 0 : index
    %get3A_19 = vector.load %arg4[%get3A_17, %get3A_18] : memref<1x128xf32, #tpu.memory_space<vmem>>, vector<1x128xf32>
    %add3A_20 = vector.broadcast %get3A_19 : vector<1x128xf32> to vector<512x128xf32>
    %add3A_21 = arith.addf %mul3A_16, %add3A_20 : vector<512x128xf32>
    %max3A = arith.constant 0.000000e+00 : f32
    %max3A_22 = vector.broadcast %max3A : f32 to vector<512x128xf32>
    %max3A_23 = arith.maximumf %add3A_21, %max3A_22 : vector<512x128xf32>
    %get3A_24 = arith.constant 0 : index
    %get3A_25 = arith.constant 0 : index
    %get3A_26 = vector.load %arg5[%get3A_24, %get3A_25] : memref<128x128xf32, #tpu.memory_space<vmem>>, vector<128x128xf32>
    %dot_general3A = arith.constant dense<0.000000e+00> : vector<512x128xf32>
    %dot_general3A_27 = tpu.matmul %max3A_23, %get3A_26, %dot_general3A {dimension_numbers = #tpu.dot_dimension_numbers<[1], [0], [0], [1], [0, 0, 1, 1], [], []>, transpose_lhs_hint = false} : vector<512x128xf32>, vector<128x128xf32>, vector<512x128xf32> -> vector<512x128xf32>
    %mul3A_28 = vector.broadcast %get3A_1 : vector<512x1xf32> to vector<512x128xf32>
    %mul3A_29 = arith.mulf %dot_general3A_27, %mul3A_28 : vector<512x128xf32>
    %swap3A = arith.constant 0 : index
    %swap3A_30 = arith.constant 0 : index
    %swap3A_31 = vector.load %arg6[%swap3A, %swap3A_30] : memref<512x128xf32, #tpu.memory_space<vmem>>, vector<512x128xf32>
    tpu.vector_store %arg6[%swap3A, %swap3A_30], %mul3A_29 {strides = array<i32>} : memref<512x128xf32, #tpu.memory_space<vmem>>, vector<512x128xf32>,
    return
  }
  func.func @transform_0(%arg0: i32) -> (i32, i32, i32) {
    %c0_i32 = arith.constant 0 : i32
    %c0_i32_0 = arith.constant 0 : i32
    %c0_i32_1 = arith.constant 0 : i32
    return %c0_i32, %arg0, %c0_i32_0 : i32, i32, i32
  }
  func.func @transform_1(%arg0: i32) -> (i32, i32) {
    %c0_i32 = arith.constant 0 : i32
    %c0_i32_0 = arith.constant 0 : i32
    return %arg0, %c0_i32 : i32, i32
  }
  func.func @transform_2(%arg0: i32) -> (i32, i32) {
    %c0_i32 = arith.constant 0 : i32
    %c0_i32_0 = arith.constant 0 : i32
    return %arg0, %c0_i32 : i32, i32
  }
  func.func @transform_3(%arg0: i32) -> (i32, i32) {
    %c0_i32 = arith.constant 0 : i32
    %c0_i32_0 = arith.constant 0 : i32
    %c0_i32_1 = arith.constant 0 : i32
    return %c0_i32, %c0_i32_0 : i32, i32
  }
  func.func @transform_4(%arg0: i32) -> (i32, i32) {
    %c0_i32 = arith.constant 0 : i32
    %c0_i32_0 = arith.constant 0 : i32
    %c0_i32_1 = arith.constant 0 : i32
    return %c0_i32, %c0_i32_0 : i32, i32
  }
  func.func @transform_5(%arg0: i32) -> (i32, i32) {
    %c0_i32 = arith.constant 0 : i32
    %c0_i32_0 = arith.constant 0 : i32
    return %arg0, %c0_i32 : i32, i32
  }
}

module attributes {stable_mosaic.version = 14 : i64} {
  func.func @body(%arg0: i32, %arg1: memref<512x128xf32, #tpu.memory_space<vmem>>, %arg2: memref<2x512x1xf32, #tpu.memory_space<vmem>>, %arg3: memref<128x128xf32, #tpu.memory_space<vmem>>, %arg4: memref<512x128xf32, #tpu.memory_space<vmem>>, %arg5: memref<512x1xf32, #tpu.memory_space<vmem>>) attributes {dimension_semantics = [#tpu.dimension_semantics<arbitrary>], iteration_bounds = array<i64: 20>, scalar_prefetch = 0 : i64, scratch_operands = 0 : i64, tpu.core_type = #tpu.core_type<tc>, window_params = [{transform_indices = @transform_0, window_bounds = array<i64: 512, 128>}, {transform_indices = @transform_1, window_bounds = array<i64: 2, 512, 1>}, {pipeline_mode = #tpu.pipeline_mode<synchronous>, transform_indices = @transform_2, window_bounds = array<i64: 128, 128>}, {transform_indices = @transform_3, window_bounds = array<i64: 512, 128>}, {transform_indices = @transform_4, window_bounds = array<i64: 512, 1>}]} {
    %get3A = arith.constant 0 : index
    %get3A_0 = arith.constant 0 : index
    %get3A_1 = arith.constant 0 : index
    %get3A_2 = vector.load %arg2[%get3A, %get3A_0, %get3A_1] : memref<2x512x1xf32, #tpu.memory_space<vmem>>, vector<1x512x1xf32>
    %get3A_3 = vector.shape_cast %get3A_2 : vector<1x512x1xf32> to vector<512x1xf32>
    %get3A_4 = arith.constant 1 : index
    %get3A_5 = arith.constant 0 : index
    %get3A_6 = arith.constant 0 : index
    %get3A_7 = vector.load %arg2[%get3A_4, %get3A_5, %get3A_6] : memref<2x512x1xf32, #tpu.memory_space<vmem>>, vector<1x512x1xf32>
    %get3A_8 = vector.shape_cast %get3A_7 : vector<1x512x1xf32> to vector<512x1xf32>
    %add3A = arith.addf %get3A_3, %get3A_8 : vector<512x1xf32>
    %add3A_9 = arith.constant 1.000000e+00 : f32
    %add3A_10 = vector.broadcast %add3A_9 : f32 to vector<512x1xf32>
    %add3A_11 = arith.addf %add3A, %add3A_10 : vector<512x1xf32>
    %rsqrt3A = math.rsqrt %add3A_11 : vector<512x1xf32>
    %get3A_12 = arith.constant 0 : index
    %get3A_13 = arith.constant 0 : index
    %get3A_14 = vector.load %arg1[%get3A_12, %get3A_13] : memref<512x128xf32, #tpu.memory_space<vmem>>, vector<512x128xf32>
    %get3A_15 = arith.constant 0 : index
    %get3A_16 = arith.constant 0 : index
    %get3A_17 = vector.load %arg3[%get3A_15, %get3A_16] : memref<128x128xf32, #tpu.memory_space<vmem>>, vector<128x128xf32>
    %dot_general3A = arith.constant dense<0.000000e+00> : vector<512x128xf32>
    %dot_general3A_18 = tpu.matmul %get3A_14, %get3A_17, %dot_general3A {dimension_numbers = #tpu.dot_dimension_numbers<[1], [0], [0], [1], [0, 0, 1, 1], [], []>, transpose_lhs_hint = false} : vector<512x128xf32>, vector<128x128xf32>, vector<512x128xf32> -> vector<512x128xf32>
    %mul3A = vector.broadcast %rsqrt3A : vector<512x1xf32> to vector<512x128xf32>
    %mul3A_19 = arith.mulf %dot_general3A_18, %mul3A : vector<512x128xf32>
    %swap3A = arith.constant 0 : index
    %swap3A_20 = arith.constant 0 : index
    %swap3A_21 = vector.load %arg4[%swap3A, %swap3A_20] : memref<512x128xf32, #tpu.memory_space<vmem>>, vector<512x128xf32>
    tpu.vector_store %arg4[%swap3A, %swap3A_20], %mul3A_19 {strides = array<i32>} : memref<512x128xf32, #tpu.memory_space<vmem>>, vector<512x128xf32>,
    %swap3A_22 = arith.constant 0 : index
    %swap3A_23 = arith.constant 0 : index
    %swap3A_24 = vector.load %arg5[%swap3A_22, %swap3A_23] : memref<512x1xf32, #tpu.memory_space<vmem>>, vector<512x1xf32>
    tpu.vector_store %arg5[%swap3A_22, %swap3A_23], %rsqrt3A {strides = array<i32>} : memref<512x1xf32, #tpu.memory_space<vmem>>, vector<512x1xf32>,
    return
  }
  func.func @transform_0(%arg0: i32) -> (i32, i32) {
    %c0_i32 = arith.constant 0 : i32
    %c0_i32_0 = arith.constant 0 : i32
    return %arg0, %c0_i32 : i32, i32
  }
  func.func @transform_1(%arg0: i32) -> (i32, i32, i32) {
    %c0_i32 = arith.constant 0 : i32
    %c0_i32_0 = arith.constant 0 : i32
    %c0_i32_1 = arith.constant 0 : i32
    return %c0_i32, %arg0, %c0_i32_0 : i32, i32, i32
  }
  func.func @transform_2(%arg0: i32) -> (i32, i32) {
    %c0_i32 = arith.constant 0 : i32
    %c0_i32_0 = arith.constant 0 : i32
    %c0_i32_1 = arith.constant 0 : i32
    return %c0_i32, %c0_i32_0 : i32, i32
  }
  func.func @transform_3(%arg0: i32) -> (i32, i32) {
    %c0_i32 = arith.constant 0 : i32
    %c0_i32_0 = arith.constant 0 : i32
    return %arg0, %c0_i32 : i32, i32
  }
  func.func @transform_4(%arg0: i32) -> (i32, i32) {
    %c0_i32 = arith.constant 0 : i32
    %c0_i32_0 = arith.constant 0 : i32
    return %arg0, %c0_i32 : i32, i32
  }
}

module attributes {stable_mosaic.version = 14 : i64} {
  func.func @body(%arg0: i32, %arg1: memref<2x512x128xf32, #tpu.memory_space<vmem>>, %arg2: memref<512x128xf32, #tpu.memory_space<vmem>>, %arg3: memref<512x1xf32, #tpu.memory_space<vmem>>, %arg4: memref<1x128xf32, #tpu.memory_space<vmem>>, %arg5: memref<128x4xf32, #tpu.memory_space<vmem>>, %arg6: memref<1x4xf32, #tpu.memory_space<vmem>>, %arg7: memref<4x16xf32, #tpu.memory_space<vmem>>, %arg8: memref<1x16xf32, #tpu.memory_space<vmem>>, %arg9: memref<512x16xf32, #tpu.memory_space<vmem>>) attributes {dimension_semantics = [#tpu.dimension_semantics<arbitrary>], iteration_bounds = array<i64: 20>, scalar_prefetch = 0 : i64, scratch_operands = 0 : i64, tpu.core_type = #tpu.core_type<tc>, window_params = [{transform_indices = @transform_0, window_bounds = array<i64: 2, 512, 128>}, {transform_indices = @transform_1, window_bounds = array<i64: 512, 128>}, {transform_indices = @transform_2, window_bounds = array<i64: 512, 1>}, {pipeline_mode = #tpu.pipeline_mode<synchronous>, transform_indices = @transform_3, window_bounds = array<i64: 1, 128>}, {pipeline_mode = #tpu.pipeline_mode<synchronous>, transform_indices = @transform_4, window_bounds = array<i64: 128, 4>}, {pipeline_mode = #tpu.pipeline_mode<synchronous>, transform_indices = @transform_5, window_bounds = array<i64: 1, 4>}, {pipeline_mode = #tpu.pipeline_mode<synchronous>, transform_indices = @transform_6, window_bounds = array<i64: 4, 16>}, {pipeline_mode = #tpu.pipeline_mode<synchronous>, transform_indices = @transform_7, window_bounds = array<i64: 1, 16>}, {transform_indices = @transform_8, window_bounds = array<i64: 512, 16>}]} {
    %get3A = arith.constant 0 : index
    %get3A_0 = arith.constant 0 : index
    %get3A_1 = arith.constant 0 : index
    %get3A_2 = vector.load %arg1[%get3A, %get3A_0, %get3A_1] : memref<2x512x128xf32, #tpu.memory_space<vmem>>, vector<1x512x128xf32>
    %get3A_3 = vector.shape_cast %get3A_2 : vector<1x512x128xf32> to vector<512x128xf32>
    %get3A_4 = arith.constant 1 : index
    %get3A_5 = arith.constant 0 : index
    %get3A_6 = arith.constant 0 : index
    %get3A_7 = vector.load %arg1[%get3A_4, %get3A_5, %get3A_6] : memref<2x512x128xf32, #tpu.memory_space<vmem>>, vector<1x512x128xf32>
    %get3A_8 = vector.shape_cast %get3A_7 : vector<1x512x128xf32> to vector<512x128xf32>
    %add3A = arith.addf %get3A_3, %get3A_8 : vector<512x128xf32>
    %get3A_9 = arith.constant 0 : index
    %get3A_10 = arith.constant 0 : index
    %get3A_11 = vector.load %arg2[%get3A_9, %get3A_10] : memref<512x128xf32, #tpu.memory_space<vmem>>, vector<512x128xf32>
    %add3A_12 = arith.addf %add3A, %get3A_11 : vector<512x128xf32>
    %get3A_13 = arith.constant 0 : index
    %get3A_14 = arith.constant 0 : index
    %get3A_15 = vector.load %arg3[%get3A_13, %get3A_14] : memref<512x1xf32, #tpu.memory_space<vmem>>, vector<512x1xf32>
    %mul3A = vector.broadcast %get3A_15 : vector<512x1xf32> to vector<512x128xf32>
    %mul3A_16 = arith.mulf %add3A_12, %mul3A : vector<512x128xf32>
    %get3A_17 = arith.constant 0 : index
    %get3A_18 = arith.constant 0 : index
    %get3A_19 = vector.load %arg4[%get3A_17, %get3A_18] : memref<1x128xf32, #tpu.memory_space<vmem>>, vector<1x128xf32>
    %add3A_20 = vector.broadcast %get3A_19 : vector<1x128xf32> to vector<512x128xf32>
    %add3A_21 = arith.addf %mul3A_16, %add3A_20 : vector<512x128xf32>
    %max3A = arith.constant 0.000000e+00 : f32
    %max3A_22 = vector.broadcast %max3A : f32 to vector<512x128xf32>
    %max3A_23 = arith.maximumf %add3A_21, %max3A_22 : vector<512x128xf32>
    %get3A_24 = arith.constant 0 : index
    %get3A_25 = arith.constant 0 : index
    %get3A_26 = vector.load %arg5[%get3A_24, %get3A_25] : memref<128x4xf32, #tpu.memory_space<vmem>>, vector<128x4xf32>
    %dot_general3A = arith.constant dense<0.000000e+00> : vector<512x4xf32>
    %dot_general3A_27 = tpu.matmul %max3A_23, %get3A_26, %dot_general3A {dimension_numbers = #tpu.dot_dimension_numbers<[1], [0], [0], [1], [0, 0, 1, 1], [], []>, transpose_lhs_hint = false} : vector<512x128xf32>, vector<128x4xf32>, vector<512x4xf32> -> vector<512x4xf32>
    %get3A_28 = arith.constant 0 : index
    %get3A_29 = arith.constant 0 : index
    %get3A_30 = vector.load %arg6[%get3A_28, %get3A_29] : memref<1x4xf32, #tpu.memory_space<vmem>>, vector<1x4xf32>
    %add3A_31 = vector.broadcast %get3A_30 : vector<1x4xf32> to vector<512x4xf32>
    %add3A_32 = arith.addf %dot_general3A_27, %add3A_31 : vector<512x4xf32>
    %get3A_33 = arith.constant 0 : index
    %get3A_34 = arith.constant 0 : index
    %get3A_35 = vector.load %arg7[%get3A_33, %get3A_34] : memref<4x16xf32, #tpu.memory_space<vmem>>, vector<4x16xf32>
    %dot_general3A_36 = arith.constant dense<0.000000e+00> : vector<512x16xf32>
    %dot_general3A_37 = tpu.matmul %add3A_32, %get3A_35, %dot_general3A_36 {dimension_numbers = #tpu.dot_dimension_numbers<[1], [0], [0], [1], [0, 0, 1, 1], [], []>, transpose_lhs_hint = false} : vector<512x4xf32>, vector<4x16xf32>, vector<512x16xf32> -> vector<512x16xf32>
    %get3A_38 = arith.constant 0 : index
    %get3A_39 = arith.constant 0 : index
    %get3A_40 = vector.load %arg8[%get3A_38, %get3A_39] : memref<1x16xf32, #tpu.memory_space<vmem>>, vector<1x16xf32>
    %add3A_41 = vector.broadcast %get3A_40 : vector<1x16xf32> to vector<512x16xf32>
    %add3A_42 = arith.addf %dot_general3A_37, %add3A_41 : vector<512x16xf32>
    %swap3A = arith.constant 0 : index
    %swap3A_43 = arith.constant 0 : index
    %swap3A_44 = vector.load %arg9[%swap3A, %swap3A_43] : memref<512x16xf32, #tpu.memory_space<vmem>>, vector<512x16xf32>
    tpu.vector_store %arg9[%swap3A, %swap3A_43], %add3A_42 {strides = array<i32>} : memref<512x16xf32, #tpu.memory_space<vmem>>, vector<512x16xf32>,
    return
  }
  func.func @transform_0(%arg0: i32) -> (i32, i32, i32) {
    %c0_i32 = arith.constant 0 : i32
    %c0_i32_0 = arith.constant 0 : i32
    %c0_i32_1 = arith.constant 0 : i32
    return %c0_i32, %arg0, %c0_i32_0 : i32, i32, i32
  }
  func.func @transform_1(%arg0: i32) -> (i32, i32) {
    %c0_i32 = arith.constant 0 : i32
    %c0_i32_0 = arith.constant 0 : i32
    return %arg0, %c0_i32 : i32, i32
  }
  func.func @transform_2(%arg0: i32) -> (i32, i32) {
    %c0_i32 = arith.constant 0 : i32
    %c0_i32_0 = arith.constant 0 : i32
    return %arg0, %c0_i32 : i32, i32
  }
  func.func @transform_3(%arg0: i32) -> (i32, i32) {
    %c0_i32 = arith.constant 0 : i32
    %c0_i32_0 = arith.constant 0 : i32
    %c0_i32_1 = arith.constant 0 : i32
    return %c0_i32, %c0_i32_0 : i32, i32
  }
  func.func @transform_4(%arg0: i32) -> (i32, i32) {
    %c0_i32 = arith.constant 0 : i32
    %c0_i32_0 = arith.constant 0 : i32
    %c0_i32_1 = arith.constant 0 : i32
    return %c0_i32, %c0_i32_0 : i32, i32
  }
  func.func @transform_5(%arg0: i32) -> (i32, i32) {
    %c0_i32 = arith.constant 0 : i32
    %c0_i32_0 = arith.constant 0 : i32
    %c0_i32_1 = arith.constant 0 : i32
    return %c0_i32, %c0_i32_0 : i32, i32
  }
  func.func @transform_6(%arg0: i32) -> (i32, i32) {
    %c0_i32 = arith.constant 0 : i32
    %c0_i32_0 = arith.constant 0 : i32
    %c0_i32_1 = arith.constant 0 : i32
    return %c0_i32, %c0_i32_0 : i32, i32
  }
  func.func @transform_7(%arg0: i32) -> (i32, i32) {
    %c0_i32 = arith.constant 0 : i32
    %c0_i32_0 = arith.constant 0 : i32
    %c0_i32_1 = arith.constant 0 : i32
    return %c0_i32, %c0_i32_0 : i32, i32
  }
  func.func @transform_8(%arg0: i32) -> (i32, i32) {
    %c0_i32 = arith.constant 0 : i32
    %c0_i32_0 = arith.constant 0 : i32
    return %arg0, %c0_i32 : i32, i32
  }
}

</mosaic_0001>

<sc_bundles>
// kernel: kernel.11.cloned.1.call-start
scs
__scs_entry_jumppad:
0x0: {  	(pc) =	sbr.rel $0x88, $3  }
0x1: {  	(tag) =	ssettag $0x0;
	lr =	simm.s32 $0x1  }
0x2: {  	[smem:$0x3F97] =	sst lr;
	_ =	strace $0xD0000000  }
0x3: {  	_ = 	snop  }
0x4: {  	_ = 	snop  }
0x5: {  	_ = 	snop  }
0x6: {  	_ = 	snop  }
0x7: {  	_ = 	snop  }
__scs_overlays_trampoline_lowered:
0x8: {  	[smem:$0x3FA6] =	sst s0  }
0x9: {  	[smem:$0x3FA7] =	sst s1  }
0xa: {  	[smem:$0x3FA8] =	sst s2  }
0xb: {  	[smem:$0x3FA9] =	sst s3  }
0xc: {  	[smem:$0x3FAA] =	sst s4  }
0xd: {  	[smem:$0x3FAB] =	sst s5  }
0xe: {  	[smem:$0x3FAC] =	sst s6  }
0xf: {  	[smem:$0x3FAD] =	sst s7  }
0x10: {  	[smem:$0x3FAE] =	sst s8  }
0x11: {  	[smem:$0x3FAF] =	sst s9;
	s0 =	simm.s32 @!p0 $0x0  }
0x12: {  	s1 =	sld [smem:$0x3F95];
	s0 =	simm.s32 @p0 $0x1  }
0x13: {  	[smem:$0x3FB0] =	sst s0;
	s0 =	simm.s32 @!p1 $0x0  }
0x14: {  	s2 =	sld [smem:$0x3F94];
	s0 =	simm.s32 @p1 $0x1  }
0x15: {  	[smem:$0x3FB1] =	sst s0;
	s0 =	simm.s32 @!p2 $0x0  }
0x16: {  	s3 =	sld [smem:$0x3FDB];
	s0 =	simm.s32 @p2 $0x1  }
0x17: {  	s4 =	simm.s32 $0x1BF5;
	[smem:$0x3FB3] =	sst s0  }
0x18: {  	s0 =	sld [smem:$0x3F96];
	_ =	swait.ge [sflag:s4], $0x0  }
0x19: {  	s7 =	sld [smem:$0x3F97]  }
0x1a: {  	s8 =	sadd.s32 $0xFFFFE003, lr  }
0x1b: {  	s9 =	sadd.s32 $0xFFFFFEF7, lr;
	s5 =	simm.s32 $0xFFFFFFFF;
	p2 =	slt.u32 s8, $0xFFFFF086  }
0x1c: {  	p1 =	slt.u32 s9, $0xF7A;
	s5 =	simm.s32 @!p2 $0x0  }
0x1d: {  	s5 =	simm.s32 @p1 $0x1;
	p0 =	seq.s32 s7, s2  }
0x1e: {  	s7 =	smul.u32 @!p0 $0xF7A, s2;
	p2 =	seq.s32 @!p0 s5, $0x0  }
0x1f: {  	s9 =	smul.u32 $0xF7A, s1;
	s8 =	simm.s32 @!p0 $0x1BF5;
	p2 =	por !p2, p0  }
0x20: {  	[sflag:s8] =	ssyncset.s32 @!p0 $0xFFFFF086;
	s6 =	sadd.s32 @!p0 s3, s7;
	s7 =	simm.s32 @!p0 $0x108  }
0x21: {  	s3 =	sadd.s32 s3, s9;
	s6 =	sadd.s32 @!p0 $0x88, s6;
	s7 =	simm.s32 @p2 $0x1082  }
0x22: {  	[simem:s7], [sflag:s8] =	dma.local @!p0 [hbm:s6], $0xF7A  }
0x23: {  	s9 =	sor.u32 $0xD0000000, s2;
	s6 =	simm.s32 $0x108;
	_ =	swait.ge @!p0 [sflag:s8], $0x0  }
0x24: {  	s3 =	sadd.s32 $0x88, s3;
	s6 =	simm.s32 @!p1 $0x1082;
	[sflag:s4] =	ssyncset.s32 $0xFFFFF086  }
0x25: {  	[simem:s6], [sflag:s4] =	dma.local [hbm:s3], $0xF7A  }
0x26: {  	[smem:$0x3F97] =	sst s1;
	(tag) =	ssettag s2;
	_ =	strace s9  }
0x27: {  	s1 =	sld [smem:$0x3FA7]  }
0x28: {  	s2 =	sld [smem:$0x3FA8]  }
0x29: {  	s4 =	sld [smem:$0x3FAA]  }
0x2a: {  	p0 =	seq.s32 s5, $0x0;
	s5 =	sld [smem:$0x3FAB]  }
0x2b: {  	s6 =	sld [smem:$0x3FAC]  }
0x2c: {  	s7 =	sld [smem:$0x3FAD]  }
0x2d: {  	s3 =	simm.s32 $0x108;
	s8 =	sld [smem:$0x3FAE]  }
0x2e: {  	s3 =	simm.s32 @!p0 $0x1082;
	s9 =	sld [smem:$0x3FAF]  }
0x2f: {  	lr =	sadd.s32 s0, s3;
	s0 =	sld [smem:$0x3FA6]  }
0x30: {  	s3 =	sld [smem:$0x3FA9]  }
0x31: {  	[smem:$0x3FB2] =	sst s10  }
0x32: {  	s10 =	sld [smem:$0x3FB0];
	_ =	sdelay $0x3  }
0x33: {  	p0 =	seq.s32 s10, $0x1;
	s10 =	sld [smem:$0x3FB2];
	_ =	sdelay $0x3  }
0x34: {  	[smem:$0x3FB2] =	sst s10  }
0x35: {  	s10 =	sld [smem:$0x3FB1];
	_ =	sdelay $0x3  }
0x36: {  	p1 =	seq.s32 s10, $0x1;
	s10 =	sld [smem:$0x3FB2];
	_ =	sdelay $0x3  }
0x37: {  	[smem:$0x3FB2] =	sst s10  }
0x38: {  	s10 =	sld [smem:$0x3FB3]  }
0x39: {  	_ = 	snop;
	(pc) =	sbr.ind lr, $3  }
0x3a: {  	_ = 	snop  }
0x3b: {  	_ = 	snop  }
0x3c: {  	p2 =	seq.s32 s10, $0x1;
	s10 =	sld [smem:$0x3FB2]  }
0x3d: {  	_ =	shalt  }
0x3e: {  	_ =	shalt  }
0x3f: {  	_ =	shalt  }
0x40: {  	_ =	shalt  }
0x41: {  	_ =	shalt  }
0x42: {  	_ =	shalt  }
0x43: {  	_ =	shalt  }
0x44: {  	_ =	shalt  }
0x45: {  	_ =	shalt  }
0x46: {  	_ =	shalt  }
0x47: {  	_ =	shalt  }
0x48: {  	_ =	shalt  }
0x49: {  	_ =	shalt  }
0x4a: {  	_ =	shalt  }
0x4b: {  	_ =	shalt  }
0x4c: {  	_ =	shalt  }
0x4d: {  	_ =	shalt  }
0x4e: {  	_ =	shalt  }
0x4f: {  	_ =	shalt  }
0x50: {  	_ =	shalt  }
0x51: {  	_ =	shalt  }
0x52: {  	_ =	shalt  }
0x53: {  	_ =	shalt  }
0x54: {  	_ =	shalt  }
0x55: {  	_ =	shalt  }
0x56: {  	_ =	shalt  }
0x57: {  	_ =	shalt  }
0x58: {  	_ =	shalt  }
0x59: {  	_ =	shalt  }
0x5a: {  	_ =	shalt  }
0x5b: {  	_ =	shalt  }
0x5c: {  	_ =	shalt  }
0x5d: {  	_ =	shalt  }
0x5e: {  	_ =	shalt  }
0x5f: {  	_ =	shalt  }
0x60: {  	_ =	shalt  }
0x61: {  	_ =	shalt  }
0x62: {  	_ =	shalt  }
0x63: {  	_ =	shalt  }
0x64: {  	_ =	shalt  }
0x65: {  	_ =	shalt  }
0x66: {  	_ =	shalt  }
0x67: {  	_ =	shalt  }
0x68: {  	_ =	shalt  }
0x69: {  	_ =	shalt  }
0x6a: {  	_ =	shalt  }
0x6b: {  	_ =	shalt  }
0x6c: {  	_ =	shalt  }
0x6d: {  	_ =	shalt  }
0x6e: {  	_ =	shalt  }
0x6f: {  	_ =	shalt  }
0x70: {  	_ =	shalt  }
0x71: {  	_ =	shalt  }
0x72: {  	_ =	shalt  }
0x73: {  	_ =	shalt  }
0x74: {  	_ =	shalt  }
0x75: {  	_ =	shalt  }
0x76: {  	_ =	shalt  }
0x77: {  	_ =	shalt  }
0x78: {  	_ =	shalt  }
0x79: {  	_ =	shalt  }
0x7a: {  	_ =	shalt  }
0x7b: {  	_ =	shalt  }
0x7c: {  	_ =	shalt  }
0x7d: {  	_ =	shalt  }
0x7e: {  	_ =	shalt  }
0x7f: {  	_ =	shalt  }
0x80: {  	_ =	shalt  }
0x81: {  	_ =	shalt  }
0x82: {  	_ =	shalt  }
0x83: {  	_ =	shalt  }
0x84: {  	_ =	shalt  }
0x85: {  	_ =	shalt  }
0x86: {  	_ =	shalt  }
0x87: {  	_ =	shalt  }
.Lfunc_end0:
.L_simem_size_0:
called_computation.1_lowered:
.L_overlay_start_0:
0x88: {  	s2 =	sld [smem:$0x3FD9]  }
0x89: {  	s3 =	sld [smem:$0x3FFE];
	_ =	sdelay $0x1  }
0x8a: {  	s1 =	srdreg.scid  }
0x8b: {  	s0 =	sand.u32 $0x1, s1  }
0x8c: {  	s16 =	sshll.u32 s0, $0xA;
	s2 =	sadd.s32 s3, s2  }
0x8d: {  	s2 =	sadd.s32 s2, s16  }
0x8e: {  	[smem:$0x3FBE] =	sst s2  }
0x8f: {  	_ = 	snop  }
0x90: {  	(tm) =	ssettm $0x1  }
0x91: {  	s17 =	sld [smem:$0x3FFB];
	_ =	sdelay $0x3  }
0x92: {  	_ =	strace s17  }
0x93: {  	s2 =	sld [smem:$0x3FFC];
	_ =	sdelay $0x3  }
0x94: {  	_ =	strace s2  }
0x95: {  	s2 =	sld [smem:$0x3FFD];
	_ =	sdelay $0x3  }
0x96: {  	_ =	strace s2  }
0x97: {  	_ =	strace $0x8FFFFFFF  }
0x98: {  	s18 =	sld [smem:$0x3FDB];
	_ =	sdelay $0x1  }
0x99: {  	s19 =	simm.s32 $_scs_section_size  }
0x9a: {  	s4 =	simm.s32 $_size__tile_overlayer_lowered;
	s5 =	simm.s32 $_tile_overlayer_lowered  }
0x9b: {  	s22 =	simm.s32 $0x1BFF;
	s21 =	sshll.u32 s5, $0x1;
	s2 =	sadd.s32 s19, s18  }
0x9c: {  	s6 =	simm.s32 $0x0;
	s20 =	sshll.u32 s4, $0x1;
	s4 =	sadd.s32 s21, s2  }
0x9d: {  	[timem:s6], [sflag:s22] =	dma.local [hbm:s4], s20  }
0x9e: {  	_ =	swait.ge [sflag:s22], s20  }
0x9f: {  	s3 =	ssub.s32 $0x0, s20;
	[sflag:s22] =	ssyncset.done $0x0  }
0xa0: {  	[sflag:s22] =	ssyncadd.s32 s3;
	_ =	sdelay $0x1  }
0xa1: {  	s23 =	simm.s32 $0x1B8B  }
0xa2: {  	_ =	swait.ge [sflag:s23], $0x1  }
0xa3: {  	[sflag:s23] =	ssyncset.done $0x0  }
0xa4: {  	s25 =	simm.s32 $0x1B8E;
	s24 =	sld [smem:$0x3FFE];
	[sflag:s23] =	ssyncadd.s32 $0xFFFFFFFF  }
0xa5: {  	s26 =	simm.s32 $execute0_lowered;
	[smem:$0x3FD2] =	sst s25  }
0xa6: {  	s4 =	sshll.u32 s26, $0x1;
	_ =	strace $0x80000049;
	[dreg:$0x1] =	wrdreg $0xFFFFFFFF  }
0xa7: {  	s28 =	simm.s32 $_size_execute0_lowered;
	s2 =	sadd.s32 s2, s4;
	[dreg:$0x0] =	wrdreg $0x0  }
0xa8: {  	s4 =	sshll.u32 s28, $0x1;
	[dreg:$0x2] =	wrdreg s2  }
0xa9: {  	[dreg:$0x3] =	wrdreg s4  }
0xaa: {  	[dreg:$0x4] =	wrdreg $0xC0  }
0xab: {  	_ =	task [dreg:s6], $0x5FFFF  }
0xac: {  	[dreg:$0x1] =	wrdreg $0xFFFFFFFF  }
0xad: {  	[dreg:$0x0] =	wrdreg $0x60  }
0xae: {  	[dreg:$0x2] =	wrdreg s24  }
0xaf: {  	[dreg:$0x3] =	wrdreg $0xC0000  }
0xb0: {  	[dreg:$0x4] =	wrdreg $0x9  }
0xb1: {  	_ =	task.clear_ibuf [dreg:s6], $0x5FFFF;
	_ =	strace $0x90000049  }
0xb2: {  	s29 =	simm.s32 $0x9;
	_ =	strace $0x8000004B  }
0xb3: {  	_ =	swait.ge [sflag:s29], $0x1  }
0xb4: {  	[sflag:s29] =	ssyncadd.s32 $0xFFFFFFFF  }
0xb5: {  	_ =	strace $0x9000004B  }
0xb6: {  	_ =	sfence  }
0xb7: {  	s30 =	sld [smem:$0x0];
	_ =	sdelay $0x2  }
0xb8: {  	s31 =	sshll.u32 s1, $0xD;
	s1 =	sshrl.u32 s1, $0x2  }
0xb9: {  	s3 =	sand.u32 $0x4000, s31;
	s1 =	sadd.s32 s1, s30  }
0xba: {  	s0 =	sor.u32 s3, s0;
	s1 =	sshll.u32 s1, $0x11  }
0xbb: {  	s0 =	sor.u32 s1, s0  }
0xbc: {  	s0 =	sadd.s32 $0x8F2B, s0  }
0xbd: {  	[sflag:s0] =	ssyncadd.remote.s32 $0x1  }
0xbe: {  	_ =	sfence.sel $0xFFFF  }
0xbf: {  	[dreg:$0x0] =	wrdreg $0xFFFFFFFF;
	(pc) =	sbr.abs _section_cstart, $3  }
0xc0: {  	[dreg:$0x1] =	wrdreg $0xFFFFFFFF  }
0xc1: {  	_ =	task.clear_ibuf [dreg:s6], $0x2FFFF;
	_ =	strace $0x9FFFFFFF  }
0xc2: {  	(tm) =	ssettm $0x7FFFFFFF  }
0xc3: {  	_ =	shalt  }
tec
execute0_lowered:
.L_overlay_start_1:
0x0: {  	(tag) =	ssettag $0x1  }
0x1: {  	s0 =	rddreg [dreg:$0x0]  }
0x2: {  	s1 =	rddreg [dreg:$0x1];
	s3 =	simm.s32 $0x0;
	s2 =	srdreg.scid  }
0x3: {  	s11 =	stileid.u32;
	s28 =	simm.s32 $0x80;
	s29 =	simm.s32 $0x4800  }
0x4: {  	s30 =	simm.s32 $0x100;
	s31 =	simm.s32 $0x7000;
	[smem:$0x7FF] =	sst s3  }
0x5: {  	s2 =	sand.u32 $0x1, s2;
	s6 =	smul.u32 $0x14000, s11;
	s4 =	sadd.s32 $0x23000, s0  }
0x6: {  	s7 =	sadd.s32 $0x13000, s0;
	s8 =	smul.u32 $0x50000, s11;
	s9 =	sadd.s32 $0x2E00, s0  }
0x7: {  	s16 =	sshll.u32 s11, $0xC;
	s11 =	simm.s32 $0x7;
	s5 =	smul.u32 $0x140000, s2  }
0x8: {  	_ =	strace $0x8000004A;
	s12 =	ssub.s32 $0x2, s2;
	s2 =	sshll.u32 s2, $0xB  }
0x9: {  	s10 =	sshrl.u32 s12, $0x1;
	s8 =	sshrl.u32 s8, $0x2;
	s2 =	sor.u32 s2, s16  }
0xa: {  	s16 =	simm.s32 $0x1F00;
	s5 =	sadd.s32 s6, s5;
	s6 =	ssub.s32 s12, s10  }
0xb: {  	s20 =	sadd.s32 s7, s2;
	s21 =	sor.u32 $0x200, s2;
	s22 =	sadd.s32 s9, s2  }
0xc: {  	s24 =	sor.u32 $0x400, s2;
	s2 =	sor.u32 $0x600, s2;
	[dreg:$0xa] =	wrdreg s20  }
0xd: {  	s10 =	simm.s32 $0x3;
	[dreg:$0xb] =	wrdreg s22;
	s23 =	sadd.s32 s7, s21  }
0xe: {  	s12 =	simm.s32 $0x4;
	s25 =	sadd.s32 s7, s24;
	[dreg:$0xc] =	wrdreg s23  }
0xf: {  	s5 =	sshrl.u32 s5, $0x3;
	s26 =	sadd.s32 s9, s24;
	[dreg:$0xe] =	wrdreg s25  }
0x10: {  	s7 =	sadd.s32 s7, s2;
	s2 =	sadd.s32 s9, s2;
	[dreg:$0xf] =	wrdreg s26  }
0x11: {  	s0 =	sadd.s32 s5, s0;
	s5 =	sadd.s32 s8, s1;
	[dreg:$0x10] =	wrdreg s7  }
0x12: {  	s22 =	smax.u32 s6, $0x1;
	[dreg:$0x11] =	wrdreg s2;
	s8 =	sadd.s32 $0x2800, s5  }
0x13: {  	s24 =	simm.s32 $0x9;
	s13 =	sadd.s32 $0x5000, s5;
	[dreg:$0x3] =	wrdreg s8  }
0x14: {  	s6 =	simm.s32 $0x1;
	s14 =	sadd.s32 $0x7800, s5;
	[dreg:$0x4] =	wrdreg s13  }
0x15: {  	s23 =	simm.s32 $0x2000;
	s15 =	sadd.s32 $0xA000, s5;
	[dreg:$0x5] =	wrdreg s14  }
0x16: {  	s25 =	simm.s32 $0x1000;
	s17 =	sadd.s32 $0xC800, s5;
	[dreg:$0x6] =	wrdreg s15  }
0x17: {  	s26 =	simm.s32 $0x50;
	s18 =	sadd.s32 $0xF000, s5;
	[dreg:$0x7] =	wrdreg s17  }
0x18: {  	s2 =	simm.s32 $0x9800;
	s19 =	sadd.s32 $0x11800, s5;
	[dreg:$0x8] =	wrdreg s18  }
0x19: {  	s7 =	simm.s32 $0x5;
	[dreg:$0x9] =	wrdreg s19;
	s8 =	sadd.s32 s9, s21  }
0x1a: {  	s21 =	sadd.s32 $0x4B000, s0;
	s0 =	simm.s32 $0x180;
	s9 =	simm.s32 $0x6  }
0x1b: {  	s13 =	simm.s32 $0x8;
	s14 =	simm.s32 $0x1E00;
	s15 =	simm.s32 $0x1E80  }
0x1c: {  	v0 =	vimm.f32 $0.0e+00;
	s17 =	simm.s32 $0x1F80;
	[dreg:$0xd] =	wrdreg s8;
	s8 =	simm.s32 $0x2  }
.LBB2_1:
0x1d: {  	s18 =	simm.s32 $0x0;
	s19 =	simm.s32 $0x200  }
.LBB2_2:
0x1e: {  	p0 =	sne.s32 s19, $0x9E00;
	[tilespmem:s18+$0x2070] =	vst v0  }
0x1f: {  	[tilespmem:s18+$0x2000] =	vst v0  }
0x20: {  	[tilespmem:s18+$0x2010] =	vst v0  }
.Ltmp0:
0x21: {  	[tilespmem:s18+$0x2020] =	vst v0;
	(pc) =	sbr.rel @p0 .LBB2_2-.Ltmp0, $4  }
0x22: {  	[tilespmem:s18+$0x2030] =	vst v0  }
0x23: {  	[tilespmem:s18+$0x2040] =	vst v0  }
0x24: {  	[tilespmem:s18+$0x2050] =	vst v0  }
0x25: {  	[tilespmem:s18+$0x2060] =	vst v0;
	s18 =	sshra.s32 s19, $0x2;
	s19 =	sadd.s32 $0x200, s19  }
0x26: {  	[tilespmem:s18+$0x2070] =	vst v0  }
0x27: {  	[tilespmem:s18+$0x2000] =	vst v0  }
0x28: {  	[tilespmem:s18+$0x2010] =	vst v0  }
0x29: {  	[tilespmem:s18+$0x2020] =	vst v0  }
0x2a: {  	[tilespmem:s18+$0x2030] =	vst v0  }
0x2b: {  	[tilespmem:s18+$0x2040] =	vst v0  }
0x2c: {  	[tilespmem:s18+$0x2050] =	vst v0  }
0x2d: {  	[tilespmem:s18+$0x2060] =	vst v0  }
0x2e: {  	[spmem:s5] =	stream.linear.scatter [tilespmem:s23], [sflag:$0x9], $0x2800, $0x38;
	v63 =	vld [tilespmem:$0x0]  }
0x2f: {  	_ =	swait.ge [sflag:s24], $0x2800  }
0x30: {  	[sflag:s24] =	ssyncset.done $0x0  }
0x31: {  	s19 =	rddreg [dreg:$0x3];
	[sflag:s24] =	ssyncadd.s32 $0xFFFFD800  }
0x32: {  	[spmem:s19] =	stream.linear.scatter [tilespmem:s23], [sflag:$0x9], $0x2800, $0x38;
	v63 =	vld [tilespmem:$0x0]  }
0x33: {  	_ =	swait.ge [sflag:s24], $0x2800  }
0x34: {  	[sflag:s24] =	ssyncset.done $0x0  }
0x35: {  	s20 =	rddreg [dreg:$0x4];
	[sflag:s24] =	ssyncadd.s32 $0xFFFFD800  }
0x36: {  	[spmem:s20] =	stream.linear.scatter [tilespmem:s23], [sflag:$0x9], $0x2800, $0x38;
	v63 =	vld [tilespmem:$0x0]  }
0x37: {  	_ =	swait.ge [sflag:s24], $0x2800  }
0x38: {  	[sflag:s24] =	ssyncset.done $0x0  }
0x39: {  	s19 =	rddreg [dreg:$0x5];
	[sflag:s24] =	ssyncadd.s32 $0xFFFFD800  }
0x3a: {  	[spmem:s19] =	stream.linear.scatter [tilespmem:s23], [sflag:$0x9], $0x2800, $0x38;
	v63 =	vld [tilespmem:$0x0]  }
0x3b: {  	_ =	swait.ge [sflag:s24], $0x2800  }
0x3c: {  	[sflag:s24] =	ssyncset.done $0x0  }
0x3d: {  	s20 =	rddreg [dreg:$0x6];
	[sflag:s24] =	ssyncadd.s32 $0xFFFFD800  }
0x3e: {  	[spmem:s20] =	stream.linear.scatter [tilespmem:s23], [sflag:$0x9], $0x2800, $0x38;
	v63 =	vld [tilespmem:$0x0]  }
0x3f: {  	_ =	swait.ge [sflag:s24], $0x2800  }
0x40: {  	[sflag:s24] =	ssyncset.done $0x0  }
0x41: {  	s19 =	rddreg [dreg:$0x7];
	[sflag:s24] =	ssyncadd.s32 $0xFFFFD800  }
0x42: {  	[spmem:s19] =	stream.linear.scatter [tilespmem:s23], [sflag:$0x9], $0x2800, $0x38;
	v63 =	vld [tilespmem:$0x0]  }
0x43: {  	_ =	swait.ge [sflag:s24], $0x2800  }
0x44: {  	[sflag:s24] =	ssyncset.done $0x0  }
0x45: {  	s20 =	rddreg [dreg:$0x8];
	[sflag:s24] =	ssyncadd.s32 $0xFFFFD800  }
0x46: {  	[spmem:s20] =	stream.linear.scatter [tilespmem:s23], [sflag:$0x9], $0x2800, $0x38;
	v63 =	vld [tilespmem:$0x0]  }
0x47: {  	_ =	swait.ge [sflag:s24], $0x2800  }
0x48: {  	[sflag:s24] =	ssyncset.done $0x0  }
0x49: {  	s19 =	rddreg [dreg:$0x9];
	[sflag:s24] =	ssyncadd.s32 $0xFFFFD800  }
0x4a: {  	[spmem:s19] =	stream.linear.scatter [tilespmem:s23], [sflag:$0x9], $0x2800, $0x38;
	v63 =	vld [tilespmem:$0x0]  }
0x4b: {  	_ =	swait.ge [sflag:s24], $0x2800  }
0x4c: {  	[sflag:s24] =	ssyncset.done $0x0  }
0x4d: {  	[sflag:s24] =	ssyncadd.s32 $0xFFFFD800  }
0x4e: {  	[bflag:$0x0] =	sbarrier.arrive $0xFFFF  }
0x4f: {  	s18 =	simm.s32 $0x0;
	s19 =	rddreg [dreg:$0xa]  }
0x50: {  	[tilespmem:s18], [sflag:$0x9] =	stream.linear.gather [hbm4b:s19+s18], $0x1000, $0x38;
	v63 =	vld [tilespmem:$0x0]  }
0x51: {  	_ =	swait.ge [sflag:s24], $0x1000  }
0x52: {  	[sflag:s24] =	ssyncset.done $0x0  }
0x53: {  	s20 =	rddreg [dreg:$0xb];
	[sflag:s24] =	ssyncadd.s32 $0xFFFFF000  }
0x54: {  	[tilespmem:s25], [sflag:$0x9] =	stream.linear.gather [hbm4b:s20+s18], $0x1000, $0x38;
	v63 =	vld [tilespmem:$0x0]  }
0x55: {  	_ =	swait.ge [sflag:s24], $0x1000  }
0x56: {  	[sflag:s24] =	ssyncset.done $0x0  }
0x57: {  	[sflag:s24] =	ssyncadd.s32 $0xFFFFF000  }
0x58: {  	[tilespmem:s23], [sflag:$0x1] =	stream.indirect.gather [hbm4b:s4+s26], $0x80, s18, s26, $0xb8;
	v63 =	vld [tilespmem:$0x0]  }
0x59: {  	_ = 	snop  }
0x5a: {  	[tilespmem:s29], [sflag:$0x2] =	stream.indirect.gather [hbm4b:s4+s26], $0x80, s28, s26, $0xb8;
	v63 =	vld [tilespmem:$0x0]  }
0x5b: {  	_ = 	snop  }
0x5c: {  	[tilespmem:s31], [sflag:$0x3] =	stream.indirect.gather [hbm4b:s4+s26], $0x80, s30, s26, $0xb8;
	v63 =	vld [tilespmem:$0x0]  }
0x5d: {  	_ = 	snop  }
0x5e: {  	[tilespmem:s2], [sflag:$0x4] =	stream.indirect.gather [hbm4b:s4+s26], $0x80, s0, s26, $0xb8;
	v63 =	vld [tilespmem:$0x0]  }
0x5f: {  	_ =	swait.ge [sflag:s6], $0x2800  }
0x60: {  	[sflag:s6] =	ssyncset.done $0x0  }
0x61: {  	s20 =	simm.s32 $0x1000;
	[sflag:s6] =	ssyncadd.s32 $0xFFFFD800  }
0x62: {  	[spmem:s1] =	stream.indirect.scatter.add.f32 [tilespmem:s23], [sflag:$0x5], $0x80, s20, s26, $0xb8;
	v63 =	vld [tilespmem:$0x0]  }
0x63: {  	_ =	swait.ge [sflag:s7], $0x2800  }
0x64: {  	[sflag:s7] =	ssyncset.done $0x0  }
0x65: {  	s19 =	simm.s32 $0x200;
	[sflag:s7] =	ssyncadd.s32 $0xFFFFD800  }
0x66: {  	[tilespmem:s23], [sflag:$0x1] =	stream.indirect.gather [hbm4b:s4+s26], $0x80, s19, s26, $0xb8;
	v63 =	vld [tilespmem:$0x0]  }
0x67: {  	_ =	swait.ge [sflag:s8], $0x2800  }
0x68: {  	[sflag:s8] =	ssyncset.done $0x0  }
0x69: {  	s20 =	simm.s32 $0x1080;
	[sflag:s8] =	ssyncadd.s32 $0xFFFFD800  }
0x6a: {  	[spmem:s1] =	stream.indirect.scatter.add.f32 [tilespmem:s29], [sflag:$0x6], $0x80, s20, s26, $0xb8;
	v63 =	vld [tilespmem:$0x0]  }
0x6b: {  	_ =	swait.ge [sflag:s9], $0x2800  }
0x6c: {  	[sflag:s9] =	ssyncset.done $0x0  }
0x6d: {  	s19 =	simm.s32 $0x280;
	[sflag:s9] =	ssyncadd.s32 $0xFFFFD800  }
0x6e: {  	[tilespmem:s29], [sflag:$0x2] =	stream.indirect.gather [hbm4b:s4+s26], $0x80, s19, s26, $0xb8;
	v63 =	vld [tilespmem:$0x0]  }
0x6f: {  	_ =	swait.ge [sflag:s10], $0x2800  }
0x70: {  	[sflag:s10] =	ssyncset.done $0x0  }
0x71: {  	s20 =	simm.s32 $0x1100;
	[sflag:s10] =	ssyncadd.s32 $0xFFFFD800  }
0x72: {  	[spmem:s1] =	stream.indirect.scatter.add.f32 [tilespmem:s31], [sflag:$0x7], $0x80, s20, s26, $0xb8;
	v63 =	vld [tilespmem:$0x0]  }
0x73: {  	_ =	swait.ge [sflag:s11], $0x2800  }
0x74: {  	[sflag:s11] =	ssyncset.done $0x0  }
0x75: {  	s19 =	simm.s32 $0x300;
	[sflag:s11] =	ssyncadd.s32 $0xFFFFD800  }
0x76: {  	[tilespmem:s31], [sflag:$0x3] =	stream.indirect.gather [hbm4b:s4+s26], $0x80, s19, s26, $0xb8;
	v63 =	vld [tilespmem:$0x0]  }
0x77: {  	_ =	swait.ge [sflag:s12], $0x2800  }
0x78: {  	[sflag:s12] =	ssyncset.done $0x0  }
0x79: {  	s20 =	simm.s32 $0x1180;
	[sflag:s12] =	ssyncadd.s32 $0xFFFFD800  }
0x7a: {  	[spmem:s1] =	stream.indirect.scatter.add.f32 [tilespmem:s2], [sflag:$0x8], $0x80, s20, s26, $0xb8;
	v63 =	vld [tilespmem:$0x0]  }
0x7b: {  	_ =	swait.ge [sflag:s13], $0x2800  }
0x7c: {  	[sflag:s13] =	ssyncset.done $0x0  }
0x7d: {  	s18 =	simm.s32 $0x800;
	s19 =	simm.s32 $0x380;
	[sflag:s13] =	ssyncadd.s32 $0xFFFFD800  }
.LBB2_4:
0x7e: {  	[tilespmem:s2], [sflag:$0x4] =	stream.indirect.gather [hbm4b:s4+s26], $0x80, s19, s26, $0xb8;
	v63 =	vld [tilespmem:$0x0]  }
0x7f: {  	s19 =	smov.u32 s18  }
0x80: {  	p0 =	sne.s32 s18, $0x3000;
	s18 =	sadd.s32 $0x800, s18;
	_ =	swait.ge [sflag:s6], $0x2800  }
0x81: {  	s19 =	sshra.s32 s19, $0x2;
	[sflag:s6] =	ssyncset.done $0x0  }
0x82: {  	s20 =	sadd.s32 $0x1000, s19;
	[sflag:s6] =	ssyncadd.s32 $0xFFFFD800  }
0x83: {  	[spmem:s1] =	stream.indirect.scatter.add.f32 [tilespmem:s23], [sflag:$0x5], $0x80, s20, s26, $0xb8;
	v63 =	vld [tilespmem:$0x0]  }
0x84: {  	_ =	swait.ge [sflag:s7], $0x2800  }
0x85: {  	[sflag:s7] =	ssyncset.done $0x0  }
0x86: {  	s20 =	sadd.s32 $0x200, s19;
	[sflag:s7] =	ssyncadd.s32 $0xFFFFD800  }
0x87: {  	[tilespmem:s23], [sflag:$0x1] =	stream.indirect.gather [hbm4b:s4+s26], $0x80, s20, s26, $0xb8;
	v63 =	vld [tilespmem:$0x0]  }
0x88: {  	_ =	swait.ge [sflag:s8], $0x2800  }
0x89: {  	[sflag:s8] =	ssyncset.done $0x0  }
0x8a: {  	s20 =	sadd.s32 $0x1080, s19;
	[sflag:s8] =	ssyncadd.s32 $0xFFFFD800  }
0x8b: {  	[spmem:s1] =	stream.indirect.scatter.add.f32 [tilespmem:s29], [sflag:$0x6], $0x80, s20, s26, $0xb8;
	v63 =	vld [tilespmem:$0x0]  }
0x8c: {  	_ =	swait.ge [sflag:s9], $0x2800  }
0x8d: {  	[sflag:s9] =	ssyncset.done $0x0  }
0x8e: {  	s20 =	sadd.s32 $0x280, s19;
	[sflag:s9] =	ssyncadd.s32 $0xFFFFD800  }
0x8f: {  	[tilespmem:s29], [sflag:$0x2] =	stream.indirect.gather [hbm4b:s4+s26], $0x80, s20, s26, $0xb8;
	v63 =	vld [tilespmem:$0x0]  }
0x90: {  	_ =	swait.ge [sflag:s10], $0x2800  }
0x91: {  	[sflag:s10] =	ssyncset.done $0x0  }
0x92: {  	s20 =	sadd.s32 $0x1100, s19;
	[sflag:s10] =	ssyncadd.s32 $0xFFFFD800  }
0x93: {  	[spmem:s1] =	stream.indirect.scatter.add.f32 [tilespmem:s31], [sflag:$0x7], $0x80, s20, s26, $0xb8;
	v63 =	vld [tilespmem:$0x0]  }
0x94: {  	_ =	swait.ge [sflag:s11], $0x2800  }
0x95: {  	[sflag:s11] =	ssyncset.done $0x0  }
0x96: {  	s20 =	sadd.s32 $0x300, s19;
	[sflag:s11] =	ssyncadd.s32 $0xFFFFD800  }
0x97: {  	[tilespmem:s31], [sflag:$0x3] =	stream.indirect.gather [hbm4b:s4+s26], $0x80, s20, s26, $0xb8;
	v63 =	vld [tilespmem:$0x0]  }
0x98: {  	_ =	swait.ge [sflag:s12], $0x2800  }
0x99: {  	[sflag:s12] =	ssyncset.done $0x0  }
.Ltmp1:
0x9a: {  	s20 =	sadd.s32 $0x1180, s19;
	[sflag:s12] =	ssyncadd.s32 $0xFFFFD800;
	(pc) =	sbr.rel @p0 .LBB2_4-.Ltmp1, $4  }
0x9b: {  	[spmem:s1] =	stream.indirect.scatter.add.f32 [tilespmem:s2], [sflag:$0x8], $0x80, s20, s26, $0xb8;
	v63 =	vld [tilespmem:$0x0]  }
0x9c: {  	_ =	swait.ge [sflag:s13], $0x2800  }
0x9d: {  	[sflag:s13] =	ssyncset.done $0x0  }
0x9e: {  	s19 =	sadd.s32 $0x380, s19;
	[sflag:s13] =	ssyncadd.s32 $0xFFFFD800  }
0x9f: {  	[tilespmem:s2], [sflag:$0x4] =	stream.indirect.gather [hbm4b:s4+s26], $0x80, s19, s26, $0xb8;
	v63 =	vld [tilespmem:$0x0]  }
0xa0: {  	_ =	swait.ge [sflag:s6], $0x2800  }
0xa1: {  	[sflag:s6] =	ssyncset.done $0x0  }
0xa2: {  	[sflag:s6] =	ssyncadd.s32 $0xFFFFD800  }
0xa3: {  	[spmem:s1] =	stream.indirect.scatter.add.f32 [tilespmem:s23], [sflag:$0x5], $0x80, s14, s26, $0xb8;
	v63 =	vld [tilespmem:$0x0]  }
0xa4: {  	_ =	swait.ge [sflag:s7], $0x2800  }
0xa5: {  	[sflag:s7] =	ssyncset.done $0x0  }
0xa6: {  	[sflag:s7] =	ssyncadd.s32 $0xFFFFD800  }
0xa7: {  	_ =	swait.ge [sflag:s8], $0x2800  }
0xa8: {  	[sflag:s8] =	ssyncset.done $0x0  }
0xa9: {  	[sflag:s8] =	ssyncadd.s32 $0xFFFFD800  }
0xaa: {  	[spmem:s1] =	stream.indirect.scatter.add.f32 [tilespmem:s29], [sflag:$0x6], $0x80, s15, s26, $0xb8;
	v63 =	vld [tilespmem:$0x0]  }
0xab: {  	_ =	swait.ge [sflag:s9], $0x2800  }
0xac: {  	[sflag:s9] =	ssyncset.done $0x0  }
0xad: {  	[sflag:s9] =	ssyncadd.s32 $0xFFFFD800  }
0xae: {  	_ =	swait.ge [sflag:s10], $0x2800  }
0xaf: {  	[sflag:s10] =	ssyncset.done $0x0  }
0xb0: {  	[sflag:s10] =	ssyncadd.s32 $0xFFFFD800  }
0xb1: {  	[spmem:s1] =	stream.indirect.scatter.add.f32 [tilespmem:s31], [sflag:$0x7], $0x80, s16, s26, $0xb8;
	v63 =	vld [tilespmem:$0x0]  }
0xb2: {  	_ =	swait.ge [sflag:s11], $0x2800  }
0xb3: {  	[sflag:s11] =	ssyncset.done $0x0  }
0xb4: {  	[sflag:s11] =	ssyncadd.s32 $0xFFFFD800  }
0xb5: {  	_ =	swait.ge [sflag:s12], $0x2800  }
0xb6: {  	[sflag:s12] =	ssyncset.done $0x0  }
0xb7: {  	[sflag:s12] =	ssyncadd.s32 $0xFFFFD800  }
0xb8: {  	[spmem:s1] =	stream.indirect.scatter.add.f32 [tilespmem:s2], [sflag:$0x8], $0x80, s17, s26, $0xb8;
	v63 =	vld [tilespmem:$0x0]  }
0xb9: {  	_ =	swait.ge [sflag:s13], $0x2800  }
0xba: {  	[sflag:s13] =	ssyncset.done $0x0  }
0xbb: {  	s18 =	simm.s32 $0x0;
	s20 =	rddreg [dreg:$0xc];
	[sflag:s13] =	ssyncadd.s32 $0xFFFFD800  }
0xbc: {  	[tilespmem:s18], [sflag:$0x9] =	stream.linear.gather [hbm4b:s20+s18], $0x1000, $0x38;
	v63 =	vld [tilespmem:$0x0]  }
0xbd: {  	_ =	swait.ge [sflag:s24], $0x1000  }
0xbe: {  	[sflag:s24] =	ssyncset.done $0x0  }
0xbf: {  	s20 =	rddreg [dreg:$0xd];
	[sflag:s24] =	ssyncadd.s32 $0xFFFFF000  }
0xc0: {  	[tilespmem:s25], [sflag:$0x9] =	stream.linear.gather [hbm4b:s20+s18], $0x1000, $0x38;
	v63 =	vld [tilespmem:$0x0]  }
0xc1: {  	_ =	swait.ge [sflag:s24], $0x1000  }
0xc2: {  	[sflag:s24] =	ssyncset.done $0x0  }
0xc3: {  	[sflag:s24] =	ssyncadd.s32 $0xFFFFF000  }
0xc4: {  	[tilespmem:s23], [sflag:$0x1] =	stream.indirect.gather [hbm4b:s4+s26], $0x80, s18, s26, $0xb8;
	v63 =	vld [tilespmem:$0x0]  }
0xc5: {  	_ = 	snop  }
0xc6: {  	[tilespmem:s29], [sflag:$0x2] =	stream.indirect.gather [hbm4b:s4+s26], $0x80, s28, s26, $0xb8;
	v63 =	vld [tilespmem:$0x0]  }
0xc7: {  	_ = 	snop  }
0xc8: {  	[tilespmem:s31], [sflag:$0x3] =	stream.indirect.gather [hbm4b:s4+s26], $0x80, s30, s26, $0xb8;
	v63 =	vld [tilespmem:$0x0]  }
0xc9: {  	_ = 	snop  }
0xca: {  	[tilespmem:s2], [sflag:$0x4] =	stream.indirect.gather [hbm4b:s4+s26], $0x80, s0, s26, $0xb8;
	v63 =	vld [tilespmem:$0x0]  }
0xcb: {  	_ =	swait.ge [sflag:s6], $0x2800  }
0xcc: {  	[sflag:s6] =	ssyncset.done $0x0  }
0xcd: {  	s20 =	simm.s32 $0x1000;
	[sflag:s6] =	ssyncadd.s32 $0xFFFFD800  }
0xce: {  	[spmem:s1] =	stream.indirect.scatter.add.f32 [tilespmem:s23], [sflag:$0x5], $0x80, s20, s26, $0xb8;
	v63 =	vld [tilespmem:$0x0]  }
0xcf: {  	_ =	swait.ge [sflag:s7], $0x2800  }
0xd0: {  	[sflag:s7] =	ssyncset.done $0x0  }
0xd1: {  	s19 =	simm.s32 $0x200;
	[sflag:s7] =	ssyncadd.s32 $0xFFFFD800  }
0xd2: {  	[tilespmem:s23], [sflag:$0x1] =	stream.indirect.gather [hbm4b:s4+s26], $0x80, s19, s26, $0xb8;
	v63 =	vld [tilespmem:$0x0]  }
0xd3: {  	_ =	swait.ge [sflag:s8], $0x2800  }
0xd4: {  	[sflag:s8] =	ssyncset.done $0x0  }
0xd5: {  	s20 =	simm.s32 $0x1080;
	[sflag:s8] =	ssyncadd.s32 $0xFFFFD800  }
0xd6: {  	[spmem:s1] =	stream.indirect.scatter.add.f32 [tilespmem:s29], [sflag:$0x6], $0x80, s20, s26, $0xb8;
	v63 =	vld [tilespmem:$0x0]  }
0xd7: {  	_ =	swait.ge [sflag:s9], $0x2800  }
0xd8: {  	[sflag:s9] =	ssyncset.done $0x0  }
0xd9: {  	s19 =	simm.s32 $0x280;
	[sflag:s9] =	ssyncadd.s32 $0xFFFFD800  }
0xda: {  	[tilespmem:s29], [sflag:$0x2] =	stream.indirect.gather [hbm4b:s4+s26], $0x80, s19, s26, $0xb8;
	v63 =	vld [tilespmem:$0x0]  }
0xdb: {  	_ =	swait.ge [sflag:s10], $0x2800  }
0xdc: {  	[sflag:s10] =	ssyncset.done $0x0  }
0xdd: {  	s20 =	simm.s32 $0x1100;
	[sflag:s10] =	ssyncadd.s32 $0xFFFFD800  }
0xde: {  	[spmem:s1] =	stream.indirect.scatter.add.f32 [tilespmem:s31], [sflag:$0x7], $0x80, s20, s26, $0xb8;
	v63 =	vld [tilespmem:$0x0]  }
0xdf: {  	_ =	swait.ge [sflag:s11], $0x2800  }
0xe0: {  	[sflag:s11] =	ssyncset.done $0x0  }
0xe1: {  	s19 =	simm.s32 $0x300;
	[sflag:s11] =	ssyncadd.s32 $0xFFFFD800  }
0xe2: {  	[tilespmem:s31], [sflag:$0x3] =	stream.indirect.gather [hbm4b:s4+s26], $0x80, s19, s26, $0xb8;
	v63 =	vld [tilespmem:$0x0]  }
0xe3: {  	_ =	swait.ge [sflag:s12], $0x2800  }
0xe4: {  	[sflag:s12] =	ssyncset.done $0x0  }
0xe5: {  	s20 =	simm.s32 $0x1180;
	[sflag:s12] =	ssyncadd.s32 $0xFFFFD800  }
0xe6: {  	[spmem:s1] =	stream.indirect.scatter.add.f32 [tilespmem:s2], [sflag:$0x8], $0x80, s20, s26, $0xb8;
	v63 =	vld [tilespmem:$0x0]  }
0xe7: {  	_ =	swait.ge [sflag:s13], $0x2800  }
0xe8: {  	[sflag:s13] =	ssyncset.done $0x0  }
0xe9: {  	s18 =	simm.s32 $0x800;
	s19 =	simm.s32 $0x380;
	[sflag:s13] =	ssyncadd.s32 $0xFFFFD800  }
.LBB2_6:
0xea: {  	[tilespmem:s2], [sflag:$0x4] =	stream.indirect.gather [hbm4b:s4+s26], $0x80, s19, s26, $0xb8;
	v63 =	vld [tilespmem:$0x0]  }
0xeb: {  	s19 =	smov.u32 s18  }
0xec: {  	p0 =	sne.s32 s18, $0x3000;
	s18 =	sadd.s32 $0x800, s18;
	_ =	swait.ge [sflag:s6], $0x2800  }
0xed: {  	s19 =	sshra.s32 s19, $0x2;
	[sflag:s6] =	ssyncset.done $0x0  }
0xee: {  	s20 =	sadd.s32 $0x1000, s19;
	[sflag:s6] =	ssyncadd.s32 $0xFFFFD800  }
0xef: {  	[spmem:s1] =	stream.indirect.scatter.add.f32 [tilespmem:s23], [sflag:$0x5], $0x80, s20, s26, $0xb8;
	v63 =	vld [tilespmem:$0x0]  }
0xf0: {  	_ =	swait.ge [sflag:s7], $0x2800  }
0xf1: {  	[sflag:s7] =	ssyncset.done $0x0  }
0xf2: {  	s20 =	sadd.s32 $0x200, s19;
	[sflag:s7] =	ssyncadd.s32 $0xFFFFD800  }
0xf3: {  	[tilespmem:s23], [sflag:$0x1] =	stream.indirect.gather [hbm4b:s4+s26], $0x80, s20, s26, $0xb8;
	v63 =	vld [tilespmem:$0x0]  }
0xf4: {  	_ =	swait.ge [sflag:s8], $0x2800  }
0xf5: {  	[sflag:s8] =	ssyncset.done $0x0  }
0xf6: {  	s20 =	sadd.s32 $0x1080, s19;
	[sflag:s8] =	ssyncadd.s32 $0xFFFFD800  }
0xf7: {  	[spmem:s1] =	stream.indirect.scatter.add.f32 [tilespmem:s29], [sflag:$0x6], $0x80, s20, s26, $0xb8;
	v63 =	vld [tilespmem:$0x0]  }
0xf8: {  	_ =	swait.ge [sflag:s9], $0x2800  }
0xf9: {  	[sflag:s9] =	ssyncset.done $0x0  }
0xfa: {  	s20 =	sadd.s32 $0x280, s19;
	[sflag:s9] =	ssyncadd.s32 $0xFFFFD800  }
0xfb: {  	[tilespmem:s29], [sflag:$0x2] =	stream.indirect.gather [hbm4b:s4+s26], $0x80, s20, s26, $0xb8;
	v63 =	vld [tilespmem:$0x0]  }
0xfc: {  	_ =	swait.ge [sflag:s10], $0x2800  }
0xfd: {  	[sflag:s10] =	ssyncset.done $0x0  }
0xfe: {  	s20 =	sadd.s32 $0x1100, s19;
	[sflag:s10] =	ssyncadd.s32 $0xFFFFD800  }
0xff: {  	[spmem:s1] =	stream.indirect.scatter.add.f32 [tilespmem:s31], [sflag:$0x7], $0x80, s20, s26, $0xb8;
	v63 =	vld [tilespmem:$0x0]  }
0x100: {  	_ =	swait.ge [sflag:s11], $0x2800  }
0x101: {  	[sflag:s11] =	ssyncset.done $0x0  }
0x102: {  	s20 =	sadd.s32 $0x300, s19;
	[sflag:s11] =	ssyncadd.s32 $0xFFFFD800  }
0x103: {  	[tilespmem:s31], [sflag:$0x3] =	stream.indirect.gather [hbm4b:s4+s26], $0x80, s20, s26, $0xb8;
	v63 =	vld [tilespmem:$0x0]  }
0x104: {  	_ =	swait.ge [sflag:s12], $0x2800  }
0x105: {  	[sflag:s12] =	ssyncset.done $0x0  }
.Ltmp2:
0x106: {  	s20 =	sadd.s32 $0x1180, s19;
	[sflag:s12] =	ssyncadd.s32 $0xFFFFD800;
	(pc) =	sbr.rel @p0 .LBB2_6-.Ltmp2, $4  }
0x107: {  	[spmem:s1] =	stream.indirect.scatter.add.f32 [tilespmem:s2], [sflag:$0x8], $0x80, s20, s26, $0xb8;
	v63 =	vld [tilespmem:$0x0]  }
0x108: {  	_ =	swait.ge [sflag:s13], $0x2800  }
0x109: {  	[sflag:s13] =	ssyncset.done $0x0  }
0x10a: {  	s19 =	sadd.s32 $0x380, s19;
	[sflag:s13] =	ssyncadd.s32 $0xFFFFD800  }
0x10b: {  	[tilespmem:s2], [sflag:$0x4] =	stream.indirect.gather [hbm4b:s4+s26], $0x80, s19, s26, $0xb8;
	v63 =	vld [tilespmem:$0x0]  }
0x10c: {  	_ =	swait.ge [sflag:s6], $0x2800  }
0x10d: {  	[sflag:s6] =	ssyncset.done $0x0  }
0x10e: {  	[sflag:s6] =	ssyncadd.s32 $0xFFFFD800  }
0x10f: {  	[spmem:s1] =	stream.indirect.scatter.add.f32 [tilespmem:s23], [sflag:$0x5], $0x80, s14, s26, $0xb8;
	v63 =	vld [tilespmem:$0x0]  }
0x110: {  	_ =	swait.ge [sflag:s7], $0x2800  }
0x111: {  	[sflag:s7] =	ssyncset.done $0x0  }
0x112: {  	[sflag:s7] =	ssyncadd.s32 $0xFFFFD800  }
0x113: {  	_ =	swait.ge [sflag:s8], $0x2800  }
0x114: {  	[sflag:s8] =	ssyncset.done $0x0  }
0x115: {  	[sflag:s8] =	ssyncadd.s32 $0xFFFFD800  }
0x116: {  	[spmem:s1] =	stream.indirect.scatter.add.f32 [tilespmem:s29], [sflag:$0x6], $0x80, s15, s26, $0xb8;
	v63 =	vld [tilespmem:$0x0]  }
0x117: {  	_ =	swait.ge [sflag:s9], $0x2800  }
0x118: {  	[sflag:s9] =	ssyncset.done $0x0  }
0x119: {  	[sflag:s9] =	ssyncadd.s32 $0xFFFFD800  }
0x11a: {  	_ =	swait.ge [sflag:s10], $0x2800  }
0x11b: {  	[sflag:s10] =	ssyncset.done $0x0  }
0x11c: {  	[sflag:s10] =	ssyncadd.s32 $0xFFFFD800  }
0x11d: {  	[spmem:s1] =	stream.indirect.scatter.add.f32 [tilespmem:s31], [sflag:$0x7], $0x80, s16, s26, $0xb8;
	v63 =	vld [tilespmem:$0x0]  }
0x11e: {  	_ =	swait.ge [sflag:s11], $0x2800  }
0x11f: {  	[sflag:s11] =	ssyncset.done $0x0  }
0x120: {  	[sflag:s11] =	ssyncadd.s32 $0xFFFFD800  }
0x121: {  	_ =	swait.ge [sflag:s12], $0x2800  }
0x122: {  	[sflag:s12] =	ssyncset.done $0x0  }
0x123: {  	[sflag:s12] =	ssyncadd.s32 $0xFFFFD800  }
0x124: {  	[spmem:s1] =	stream.indirect.scatter.add.f32 [tilespmem:s2], [sflag:$0x8], $0x80, s17, s26, $0xb8;
	v63 =	vld [tilespmem:$0x0]  }
0x125: {  	_ =	swait.ge [sflag:s13], $0x2800  }
0x126: {  	[sflag:s13] =	ssyncset.done $0x0  }
0x127: {  	s18 =	simm.s32 $0x0;
	s20 =	rddreg [dreg:$0xe];
	[sflag:s13] =	ssyncadd.s32 $0xFFFFD800  }
0x128: {  	[tilespmem:s18], [sflag:$0x9] =	stream.linear.gather [hbm4b:s20+s18], $0x1000, $0x38;
	v63 =	vld [tilespmem:$0x0]  }
0x129: {  	_ =	swait.ge [sflag:s24], $0x1000  }
0x12a: {  	[sflag:s24] =	ssyncset.done $0x0  }
0x12b: {  	s20 =	rddreg [dreg:$0xf];
	[sflag:s24] =	ssyncadd.s32 $0xFFFFF000  }
0x12c: {  	[tilespmem:s25], [sflag:$0x9] =	stream.linear.gather [hbm4b:s20+s18], $0x1000, $0x38;
	v63 =	vld [tilespmem:$0x0]  }
0x12d: {  	_ =	swait.ge [sflag:s24], $0x1000  }
0x12e: {  	[sflag:s24] =	ssyncset.done $0x0  }
0x12f: {  	[sflag:s24] =	ssyncadd.s32 $0xFFFFF000  }
0x130: {  	[tilespmem:s23], [sflag:$0x1] =	stream.indirect.gather [hbm4b:s4+s26], $0x80, s18, s26, $0xb8;
	v63 =	vld [tilespmem:$0x0]  }
0x131: {  	_ = 	snop  }
0x132: {  	[tilespmem:s29], [sflag:$0x2] =	stream.indirect.gather [hbm4b:s4+s26], $0x80, s28, s26, $0xb8;
	v63 =	vld [tilespmem:$0x0]  }
0x133: {  	_ = 	snop  }
0x134: {  	[tilespmem:s31], [sflag:$0x3] =	stream.indirect.gather [hbm4b:s4+s26], $0x80, s30, s26, $0xb8;
	v63 =	vld [tilespmem:$0x0]  }
0x135: {  	_ = 	snop  }
0x136: {  	[tilespmem:s2], [sflag:$0x4] =	stream.indirect.gather [hbm4b:s4+s26], $0x80, s0, s26, $0xb8;
	v63 =	vld [tilespmem:$0x0]  }
0x137: {  	_ =	swait.ge [sflag:s6], $0x2800  }
0x138: {  	[sflag:s6] =	ssyncset.done $0x0  }
0x139: {  	s20 =	simm.s32 $0x1000;
	[sflag:s6] =	ssyncadd.s32 $0xFFFFD800  }
0x13a: {  	[spmem:s1] =	stream.indirect.scatter.add.f32 [tilespmem:s23], [sflag:$0x5], $0x80, s20, s26, $0xb8;
	v63 =	vld [tilespmem:$0x0]  }
0x13b: {  	_ =	swait.ge [sflag:s7], $0x2800  }
0x13c: {  	[sflag:s7] =	ssyncset.done $0x0  }
0x13d: {  	s19 =	simm.s32 $0x200;
	[sflag:s7] =	ssyncadd.s32 $0xFFFFD800  }
0x13e: {  	[tilespmem:s23], [sflag:$0x1] =	stream.indirect.gather [hbm4b:s4+s26], $0x80, s19, s26, $0xb8;
	v63 =	vld [tilespmem:$0x0]  }
0x13f: {  	_ =	swait.ge [sflag:s8], $0x2800  }
0x140: {  	[sflag:s8] =	ssyncset.done $0x0  }
0x141: {  	s20 =	simm.s32 $0x1080;
	[sflag:s8] =	ssyncadd.s32 $0xFFFFD800  }
0x142: {  	[spmem:s1] =	stream.indirect.scatter.add.f32 [tilespmem:s29], [sflag:$0x6], $0x80, s20, s26, $0xb8;
	v63 =	vld [tilespmem:$0x0]  }
0x143: {  	_ =	swait.ge [sflag:s9], $0x2800  }
0x144: {  	[sflag:s9] =	ssyncset.done $0x0  }
0x145: {  	s19 =	simm.s32 $0x280;
	[sflag:s9] =	ssyncadd.s32 $0xFFFFD800  }
0x146: {  	[tilespmem:s29], [sflag:$0x2] =	stream.indirect.gather [hbm4b:s4+s26], $0x80, s19, s26, $0xb8;
	v63 =	vld [tilespmem:$0x0]  }
0x147: {  	_ =	swait.ge [sflag:s10], $0x2800  }
0x148: {  	[sflag:s10] =	ssyncset.done $0x0  }
0x149: {  	s20 =	simm.s32 $0x1100;
	[sflag:s10] =	ssyncadd.s32 $0xFFFFD800  }
0x14a: {  	[spmem:s1] =	stream.indirect.scatter.add.f32 [tilespmem:s31], [sflag:$0x7], $0x80, s20, s26, $0xb8;
	v63 =	vld [tilespmem:$0x0]  }
0x14b: {  	_ =	swait.ge [sflag:s11], $0x2800  }
0x14c: {  	[sflag:s11] =	ssyncset.done $0x0  }
0x14d: {  	s19 =	simm.s32 $0x300;
	[sflag:s11] =	ssyncadd.s32 $0xFFFFD800  }
0x14e: {  	[tilespmem:s31], [sflag:$0x3] =	stream.indirect.gather [hbm4b:s4+s26], $0x80, s19, s26, $0xb8;
	v63 =	vld [tilespmem:$0x0]  }
0x14f: {  	_ =	swait.ge [sflag:s12], $0x2800  }
0x150: {  	[sflag:s12] =	ssyncset.done $0x0  }
0x151: {  	s20 =	simm.s32 $0x1180;
	[sflag:s12] =	ssyncadd.s32 $0xFFFFD800  }
0x152: {  	[spmem:s1] =	stream.indirect.scatter.add.f32 [tilespmem:s2], [sflag:$0x8], $0x80, s20, s26, $0xb8;
	v63 =	vld [tilespmem:$0x0]  }
0x153: {  	_ =	swait.ge [sflag:s13], $0x2800  }
0x154: {  	[sflag:s13] =	ssyncset.done $0x0  }
0x155: {  	s18 =	simm.s32 $0x800;
	s19 =	simm.s32 $0x380;
	[sflag:s13] =	ssyncadd.s32 $0xFFFFD800  }
.LBB2_8:
0x156: {  	[tilespmem:s2], [sflag:$0x4] =	stream.indirect.gather [hbm4b:s4+s26], $0x80, s19, s26, $0xb8;
	v63 =	vld [tilespmem:$0x0]  }
0x157: {  	s19 =	smov.u32 s18  }
0x158: {  	p0 =	sne.s32 s18, $0x3000;
	s18 =	sadd.s32 $0x800, s18;
	_ =	swait.ge [sflag:s6], $0x2800  }
0x159: {  	s19 =	sshra.s32 s19, $0x2;
	[sflag:s6] =	ssyncset.done $0x0  }
0x15a: {  	s20 =	sadd.s32 $0x1000, s19;
	[sflag:s6] =	ssyncadd.s32 $0xFFFFD800  }
0x15b: {  	[spmem:s1] =	stream.indirect.scatter.add.f32 [tilespmem:s23], [sflag:$0x5], $0x80, s20, s26, $0xb8;
	v63 =	vld [tilespmem:$0x0]  }
0x15c: {  	_ =	swait.ge [sflag:s7], $0x2800  }
0x15d: {  	[sflag:s7] =	ssyncset.done $0x0  }
0x15e: {  	s20 =	sadd.s32 $0x200, s19;
	[sflag:s7] =	ssyncadd.s32 $0xFFFFD800  }
0x15f: {  	[tilespmem:s23], [sflag:$0x1] =	stream.indirect.gather [hbm4b:s4+s26], $0x80, s20, s26, $0xb8;
	v63 =	vld [tilespmem:$0x0]  }
0x160: {  	_ =	swait.ge [sflag:s8], $0x2800  }
0x161: {  	[sflag:s8] =	ssyncset.done $0x0  }
0x162: {  	s20 =	sadd.s32 $0x1080, s19;
	[sflag:s8] =	ssyncadd.s32 $0xFFFFD800  }
0x163: {  	[spmem:s1] =	stream.indirect.scatter.add.f32 [tilespmem:s29], [sflag:$0x6], $0x80, s20, s26, $0xb8;
	v63 =	vld [tilespmem:$0x0]  }
0x164: {  	_ =	swait.ge [sflag:s9], $0x2800  }
0x165: {  	[sflag:s9] =	ssyncset.done $0x0  }
0x166: {  	s20 =	sadd.s32 $0x280, s19;
	[sflag:s9] =	ssyncadd.s32 $0xFFFFD800  }
0x167: {  	[tilespmem:s29], [sflag:$0x2] =	stream.indirect.gather [hbm4b:s4+s26], $0x80, s20, s26, $0xb8;
	v63 =	vld [tilespmem:$0x0]  }
0x168: {  	_ =	swait.ge [sflag:s10], $0x2800  }
0x169: {  	[sflag:s10] =	ssyncset.done $0x0  }
0x16a: {  	s20 =	sadd.s32 $0x1100, s19;
	[sflag:s10] =	ssyncadd.s32 $0xFFFFD800  }
0x16b: {  	[spmem:s1] =	stream.indirect.scatter.add.f32 [tilespmem:s31], [sflag:$0x7], $0x80, s20, s26, $0xb8;
	v63 =	vld [tilespmem:$0x0]  }
0x16c: {  	_ =	swait.ge [sflag:s11], $0x2800  }
0x16d: {  	[sflag:s11] =	ssyncset.done $0x0  }
0x16e: {  	s20 =	sadd.s32 $0x300, s19;
	[sflag:s11] =	ssyncadd.s32 $0xFFFFD800  }
0x16f: {  	[tilespmem:s31], [sflag:$0x3] =	stream.indirect.gather [hbm4b:s4+s26], $0x80, s20, s26, $0xb8;
	v63 =	vld [tilespmem:$0x0]  }
0x170: {  	_ =	swait.ge [sflag:s12], $0x2800  }
0x171: {  	[sflag:s12] =	ssyncset.done $0x0  }
.Ltmp3:
0x172: {  	s20 =	sadd.s32 $0x1180, s19;
	[sflag:s12] =	ssyncadd.s32 $0xFFFFD800;
	(pc) =	sbr.rel @p0 .LBB2_8-.Ltmp3, $4  }
0x173: {  	[spmem:s1] =	stream.indirect.scatter.add.f32 [tilespmem:s2], [sflag:$0x8], $0x80, s20, s26, $0xb8;
	v63 =	vld [tilespmem:$0x0]  }
0x174: {  	_ =	swait.ge [sflag:s13], $0x2800  }
0x175: {  	[sflag:s13] =	ssyncset.done $0x0  }
0x176: {  	s19 =	sadd.s32 $0x380, s19;
	[sflag:s13] =	ssyncadd.s32 $0xFFFFD800  }
0x177: {  	[tilespmem:s2], [sflag:$0x4] =	stream.indirect.gather [hbm4b:s4+s26], $0x80, s19, s26, $0xb8;
	v63 =	vld [tilespmem:$0x0]  }
0x178: {  	_ =	swait.ge [sflag:s6], $0x2800  }
0x179: {  	[sflag:s6] =	ssyncset.done $0x0  }
0x17a: {  	[sflag:s6] =	ssyncadd.s32 $0xFFFFD800  }
0x17b: {  	[spmem:s1] =	stream.indirect.scatter.add.f32 [tilespmem:s23], [sflag:$0x5], $0x80, s14, s26, $0xb8;
	v63 =	vld [tilespmem:$0x0]  }
0x17c: {  	_ =	swait.ge [sflag:s7], $0x2800  }
0x17d: {  	[sflag:s7] =	ssyncset.done $0x0  }
0x17e: {  	[sflag:s7] =	ssyncadd.s32 $0xFFFFD800  }
0x17f: {  	_ =	swait.ge [sflag:s8], $0x2800  }
0x180: {  	[sflag:s8] =	ssyncset.done $0x0  }
0x181: {  	[sflag:s8] =	ssyncadd.s32 $0xFFFFD800  }
0x182: {  	[spmem:s1] =	stream.indirect.scatter.add.f32 [tilespmem:s29], [sflag:$0x6], $0x80, s15, s26, $0xb8;
	v63 =	vld [tilespmem:$0x0]  }
0x183: {  	_ =	swait.ge [sflag:s9], $0x2800  }
0x184: {  	[sflag:s9] =	ssyncset.done $0x0  }
0x185: {  	[sflag:s9] =	ssyncadd.s32 $0xFFFFD800  }
0x186: {  	_ =	swait.ge [sflag:s10], $0x2800  }
0x187: {  	[sflag:s10] =	ssyncset.done $0x0  }
0x188: {  	[sflag:s10] =	ssyncadd.s32 $0xFFFFD800  }
0x189: {  	[spmem:s1] =	stream.indirect.scatter.add.f32 [tilespmem:s31], [sflag:$0x7], $0x80, s16, s26, $0xb8;
	v63 =	vld [tilespmem:$0x0]  }
0x18a: {  	_ =	swait.ge [sflag:s11], $0x2800  }
0x18b: {  	[sflag:s11] =	ssyncset.done $0x0  }
0x18c: {  	[sflag:s11] =	ssyncadd.s32 $0xFFFFD800  }
0x18d: {  	_ =	swait.ge [sflag:s12], $0x2800  }
0x18e: {  	[sflag:s12] =	ssyncset.done $0x0  }
0x18f: {  	[sflag:s12] =	ssyncadd.s32 $0xFFFFD800  }
0x190: {  	[spmem:s1] =	stream.indirect.scatter.add.f32 [tilespmem:s2], [sflag:$0x8], $0x80, s17, s26, $0xb8;
	v63 =	vld [tilespmem:$0x0]  }
0x191: {  	_ =	swait.ge [sflag:s13], $0x2800  }
0x192: {  	[sflag:s13] =	ssyncset.done $0x0  }
0x193: {  	s18 =	simm.s32 $0x0;
	s20 =	rddreg [dreg:$0x10];
	[sflag:s13] =	ssyncadd.s32 $0xFFFFD800  }
0x194: {  	[tilespmem:s18], [sflag:$0x9] =	stream.linear.gather [hbm4b:s20+s18], $0x1000, $0x38;
	v63 =	vld [tilespmem:$0x0]  }
0x195: {  	_ =	swait.ge [sflag:s24], $0x1000  }
0x196: {  	[sflag:s24] =	ssyncset.done $0x0  }
0x197: {  	s20 =	rddreg [dreg:$0x11];
	[sflag:s24] =	ssyncadd.s32 $0xFFFFF000  }
0x198: {  	[tilespmem:s25], [sflag:$0x9] =	stream.linear.gather [hbm4b:s20+s18], $0x1000, $0x38;
	v63 =	vld [tilespmem:$0x0]  }
0x199: {  	_ =	swait.ge [sflag:s24], $0x1000  }
0x19a: {  	[sflag:s24] =	ssyncset.done $0x0  }
0x19b: {  	[sflag:s24] =	ssyncadd.s32 $0xFFFFF000  }
0x19c: {  	[tilespmem:s23], [sflag:$0x1] =	stream.indirect.gather [hbm4b:s4+s26], $0x80, s18, s26, $0xb8;
	v63 =	vld [tilespmem:$0x0]  }
0x19d: {  	_ = 	snop  }
0x19e: {  	[tilespmem:s29], [sflag:$0x2] =	stream.indirect.gather [hbm4b:s4+s26], $0x80, s28, s26, $0xb8;
	v63 =	vld [tilespmem:$0x0]  }
0x19f: {  	_ = 	snop  }
0x1a0: {  	[tilespmem:s31], [sflag:$0x3] =	stream.indirect.gather [hbm4b:s4+s26], $0x80, s30, s26, $0xb8;
	v63 =	vld [tilespmem:$0x0]  }
0x1a1: {  	_ = 	snop  }
0x1a2: {  	[tilespmem:s2], [sflag:$0x4] =	stream.indirect.gather [hbm4b:s4+s26], $0x80, s0, s26, $0xb8;
	v63 =	vld [tilespmem:$0x0]  }
0x1a3: {  	_ =	swait.ge [sflag:s6], $0x2800  }
0x1a4: {  	[sflag:s6] =	ssyncset.done $0x0  }
0x1a5: {  	s20 =	simm.s32 $0x1000;
	[sflag:s6] =	ssyncadd.s32 $0xFFFFD800  }
0x1a6: {  	[spmem:s1] =	stream.indirect.scatter.add.f32 [tilespmem:s23], [sflag:$0x5], $0x80, s20, s26, $0xb8;
	v63 =	vld [tilespmem:$0x0]  }
0x1a7: {  	_ =	swait.ge [sflag:s7], $0x2800  }
0x1a8: {  	[sflag:s7] =	ssyncset.done $0x0  }
0x1a9: {  	s19 =	simm.s32 $0x200;
	[sflag:s7] =	ssyncadd.s32 $0xFFFFD800  }
0x1aa: {  	[tilespmem:s23], [sflag:$0x1] =	stream.indirect.gather [hbm4b:s4+s26], $0x80, s19, s26, $0xb8;
	v63 =	vld [tilespmem:$0x0]  }
0x1ab: {  	_ =	swait.ge [sflag:s8], $0x2800  }
0x1ac: {  	[sflag:s8] =	ssyncset.done $0x0  }
0x1ad: {  	s20 =	simm.s32 $0x1080;
	[sflag:s8] =	ssyncadd.s32 $0xFFFFD800  }
0x1ae: {  	[spmem:s1] =	stream.indirect.scatter.add.f32 [tilespmem:s29], [sflag:$0x6], $0x80, s20, s26, $0xb8;
	v63 =	vld [tilespmem:$0x0]  }
0x1af: {  	_ =	swait.ge [sflag:s9], $0x2800  }
0x1b0: {  	[sflag:s9] =	ssyncset.done $0x0  }
0x1b1: {  	s19 =	simm.s32 $0x280;
	[sflag:s9] =	ssyncadd.s32 $0xFFFFD800  }
0x1b2: {  	[tilespmem:s29], [sflag:$0x2] =	stream.indirect.gather [hbm4b:s4+s26], $0x80, s19, s26, $0xb8;
	v63 =	vld [tilespmem:$0x0]  }
0x1b3: {  	_ =	swait.ge [sflag:s10], $0x2800  }
0x1b4: {  	[sflag:s10] =	ssyncset.done $0x0  }
0x1b5: {  	s20 =	simm.s32 $0x1100;
	[sflag:s10] =	ssyncadd.s32 $0xFFFFD800  }
0x1b6: {  	[spmem:s1] =	stream.indirect.scatter.add.f32 [tilespmem:s31], [sflag:$0x7], $0x80, s20, s26, $0xb8;
	v63 =	vld [tilespmem:$0x0]  }
0x1b7: {  	_ =	swait.ge [sflag:s11], $0x2800  }
0x1b8: {  	[sflag:s11] =	ssyncset.done $0x0  }
0x1b9: {  	s19 =	simm.s32 $0x300;
	[sflag:s11] =	ssyncadd.s32 $0xFFFFD800  }
0x1ba: {  	[tilespmem:s31], [sflag:$0x3] =	stream.indirect.gather [hbm4b:s4+s26], $0x80, s19, s26, $0xb8;
	v63 =	vld [tilespmem:$0x0]  }
0x1bb: {  	_ =	swait.ge [sflag:s12], $0x2800  }
0x1bc: {  	[sflag:s12] =	ssyncset.done $0x0  }
0x1bd: {  	s20 =	simm.s32 $0x1180;
	[sflag:s12] =	ssyncadd.s32 $0xFFFFD800  }
0x1be: {  	[spmem:s1] =	stream.indirect.scatter.add.f32 [tilespmem:s2], [sflag:$0x8], $0x80, s20, s26, $0xb8;
	v63 =	vld [tilespmem:$0x0]  }
0x1bf: {  	_ =	swait.ge [sflag:s13], $0x2800  }
0x1c0: {  	[sflag:s13] =	ssyncset.done $0x0  }
0x1c1: {  	s18 =	simm.s32 $0x800;
	s19 =	simm.s32 $0x380;
	[sflag:s13] =	ssyncadd.s32 $0xFFFFD800  }
.LBB2_10:
0x1c2: {  	[tilespmem:s2], [sflag:$0x4] =	stream.indirect.gather [hbm4b:s4+s26], $0x80, s19, s26, $0xb8;
	v63 =	vld [tilespmem:$0x0]  }
0x1c3: {  	s19 =	smov.u32 s18  }
0x1c4: {  	p0 =	sne.s32 s18, $0x3000;
	s18 =	sadd.s32 $0x800, s18;
	_ =	swait.ge [sflag:s6], $0x2800  }
0x1c5: {  	s19 =	sshra.s32 s19, $0x2;
	[sflag:s6] =	ssyncset.done $0x0  }
0x1c6: {  	s20 =	sadd.s32 $0x1000, s19;
	[sflag:s6] =	ssyncadd.s32 $0xFFFFD800  }
0x1c7: {  	[spmem:s1] =	stream.indirect.scatter.add.f32 [tilespmem:s23], [sflag:$0x5], $0x80, s20, s26, $0xb8;
	v63 =	vld [tilespmem:$0x0]  }
0x1c8: {  	_ =	swait.ge [sflag:s7], $0x2800  }
0x1c9: {  	[sflag:s7] =	ssyncset.done $0x0  }
0x1ca: {  	s20 =	sadd.s32 $0x200, s19;
	[sflag:s7] =	ssyncadd.s32 $0xFFFFD800  }
0x1cb: {  	[tilespmem:s23], [sflag:$0x1] =	stream.indirect.gather [hbm4b:s4+s26], $0x80, s20, s26, $0xb8;
	v63 =	vld [tilespmem:$0x0]  }
0x1cc: {  	_ =	swait.ge [sflag:s8], $0x2800  }
0x1cd: {  	[sflag:s8] =	ssyncset.done $0x0  }
0x1ce: {  	s20 =	sadd.s32 $0x1080, s19;
	[sflag:s8] =	ssyncadd.s32 $0xFFFFD800  }
0x1cf: {  	[spmem:s1] =	stream.indirect.scatter.add.f32 [tilespmem:s29], [sflag:$0x6], $0x80, s20, s26, $0xb8;
	v63 =	vld [tilespmem:$0x0]  }
0x1d0: {  	_ =	swait.ge [sflag:s9], $0x2800  }
0x1d1: {  	[sflag:s9] =	ssyncset.done $0x0  }
0x1d2: {  	s20 =	sadd.s32 $0x280, s19;
	[sflag:s9] =	ssyncadd.s32 $0xFFFFD800  }
0x1d3: {  	[tilespmem:s29], [sflag:$0x2] =	stream.indirect.gather [hbm4b:s4+s26], $0x80, s20, s26, $0xb8;
	v63 =	vld [tilespmem:$0x0]  }
0x1d4: {  	_ =	swait.ge [sflag:s10], $0x2800  }
0x1d5: {  	[sflag:s10] =	ssyncset.done $0x0  }
0x1d6: {  	s20 =	sadd.s32 $0x1100, s19;
	[sflag:s10] =	ssyncadd.s32 $0xFFFFD800  }
0x1d7: {  	[spmem:s1] =	stream.indirect.scatter.add.f32 [tilespmem:s31], [sflag:$0x7], $0x80, s20, s26, $0xb8;
	v63 =	vld [tilespmem:$0x0]  }
0x1d8: {  	_ =	swait.ge [sflag:s11], $0x2800  }
0x1d9: {  	[sflag:s11] =	ssyncset.done $0x0  }
0x1da: {  	s20 =	sadd.s32 $0x300, s19;
	[sflag:s11] =	ssyncadd.s32 $0xFFFFD800  }
0x1db: {  	[tilespmem:s31], [sflag:$0x3] =	stream.indirect.gather [hbm4b:s4+s26], $0x80, s20, s26, $0xb8;
	v63 =	vld [tilespmem:$0x0]  }
0x1dc: {  	_ =	swait.ge [sflag:s12], $0x2800  }
0x1dd: {  	[sflag:s12] =	ssyncset.done $0x0  }
.Ltmp4:
0x1de: {  	s20 =	sadd.s32 $0x1180, s19;
	[sflag:s12] =	ssyncadd.s32 $0xFFFFD800;
	(pc) =	sbr.rel @p0 .LBB2_10-.Ltmp4, $4  }
0x1df: {  	[spmem:s1] =	stream.indirect.scatter.add.f32 [tilespmem:s2], [sflag:$0x8], $0x80, s20, s26, $0xb8;
	v63 =	vld [tilespmem:$0x0]  }
0x1e0: {  	_ =	swait.ge [sflag:s13], $0x2800  }
0x1e1: {  	[sflag:s13] =	ssyncset.done $0x0  }
0x1e2: {  	s19 =	sadd.s32 $0x380, s19;
	[sflag:s13] =	ssyncadd.s32 $0xFFFFD800  }
0x1e3: {  	[tilespmem:s2], [sflag:$0x4] =	stream.indirect.gather [hbm4b:s4+s26], $0x80, s19, s26, $0xb8;
	v63 =	vld [tilespmem:$0x0]  }
0x1e4: {  	_ =	swait.ge [sflag:s6], $0x2800  }
0x1e5: {  	[sflag:s6] =	ssyncset.done $0x0  }
0x1e6: {  	[sflag:s6] =	ssyncadd.s32 $0xFFFFD800  }
0x1e7: {  	[spmem:s1] =	stream.indirect.scatter.add.f32 [tilespmem:s23], [sflag:$0x5], $0x80, s14, s26, $0xb8;
	v63 =	vld [tilespmem:$0x0]  }
0x1e8: {  	_ =	swait.ge [sflag:s7], $0x2800  }
0x1e9: {  	[sflag:s7] =	ssyncset.done $0x0  }
0x1ea: {  	[sflag:s7] =	ssyncadd.s32 $0xFFFFD800  }
0x1eb: {  	_ =	swait.ge [sflag:s8], $0x2800  }
0x1ec: {  	[sflag:s8] =	ssyncset.done $0x0  }
0x1ed: {  	[sflag:s8] =	ssyncadd.s32 $0xFFFFD800  }
0x1ee: {  	[spmem:s1] =	stream.indirect.scatter.add.f32 [tilespmem:s29], [sflag:$0x6], $0x80, s15, s26, $0xb8;
	v63 =	vld [tilespmem:$0x0]  }
0x1ef: {  	_ =	swait.ge [sflag:s9], $0x2800  }
0x1f0: {  	[sflag:s9] =	ssyncset.done $0x0  }
0x1f1: {  	[sflag:s9] =	ssyncadd.s32 $0xFFFFD800  }
0x1f2: {  	_ =	swait.ge [sflag:s10], $0x2800  }
0x1f3: {  	[sflag:s10] =	ssyncset.done $0x0  }
0x1f4: {  	[sflag:s10] =	ssyncadd.s32 $0xFFFFD800  }
0x1f5: {  	[spmem:s1] =	stream.indirect.scatter.add.f32 [tilespmem:s31], [sflag:$0x7], $0x80, s16, s26, $0xb8;
	v63 =	vld [tilespmem:$0x0]  }
0x1f6: {  	_ =	swait.ge [sflag:s11], $0x2800  }
0x1f7: {  	[sflag:s11] =	ssyncset.done $0x0  }
0x1f8: {  	[sflag:s11] =	ssyncadd.s32 $0xFFFFD800  }
0x1f9: {  	_ =	swait.ge [sflag:s12], $0x2800  }
0x1fa: {  	[sflag:s12] =	ssyncset.done $0x0  }
0x1fb: {  	[sflag:s12] =	ssyncadd.s32 $0xFFFFD800  }
0x1fc: {  	[spmem:s1] =	stream.indirect.scatter.add.f32 [tilespmem:s2], [sflag:$0x8], $0x80, s17, s26, $0xb8;
	v63 =	vld [tilespmem:$0x0]  }
0x1fd: {  	s18 =	stileid.u32;
	_ =	swait.ge [sflag:s13], $0x2800  }
0x1fe: {  	s20 =	sshrl.u32 s5, $0x3;
	s3 =	sadd.s32 $0x1, s3;
	[sflag:s13] =	ssyncset.done $0x0  }
0x1ff: {  	s18 =	sshll.u32 s18, $0x6;
	p0 =	sne.s32 s3, s22;
	[sflag:s13] =	ssyncadd.s32 $0xFFFFD800  }
.Ltmp5:
0x200: {  	s18 =	sor.u32 $0x1C09, s18;
	[bflag:$0x0] =	sbarrier.arrive $0xFFFF;
	(pc) =	sbr.rel @p0 .LBB2_1-.Ltmp5, $4  }
0x201: {  	[hbm:s21], [sflag:s18] =	dma.local [spmem:s20], $0x2800  }
0x202: {  	_ =	swait.ge [sflag:s24], $0x2800  }
0x203: {  	[sflag:s24] =	ssyncset.done $0x0  }
0x204: {  	[sflag:s24] =	ssyncadd.s32 $0xFFFFD800  }
0x205: {  	_ =	sfence.sel $0x180000  }
0x206: {  	[bflag:$0x0] =	sbarrier.arrive $0xFFFF  }
0x207: {  	_ =	strace $0x9000004A  }
0x208: {  	s0 =	stileid.u32;
	[bflag:$0x2] =	sbarrier.arrive $0xFFFF  }
0x209: {  	p0 =	sne.s32 s0, $0x0;
	s0 =	rddreg [dreg:$0x2]  }
0x20a: {  	s0 =	sadd.s32 @!p0 $0x100000, s0  }
0x20b: {  	[sflag:s0] =	ssyncadd.tile.s32 @!p0 $0x1;
	_ =	shalt  }
.Lfunc_end2:
_tile_overlayer_lowered:
.L_overlay_start_2:
0x20c: {  	(tag) =	ssettag $0x2  }
0x20d: {  	s0 =	rddreg [dreg:$0x0];
	s2 =	stileid.u32  }
0x20e: {  	s1 =	rddreg [dreg:$0x1];
	p0 =	sne.s32 s2, $0x0  }
0x20f: {  	s3 =	rddreg [dreg:$0x2];
	[bflag:$0x3] =	sbarrier.arrive $0xFFFF;
	s2 =	simm.s32 @!p0 $0x1C09  }
0x210: {  	[timem:s3], [sflag:s2] =	dma.local @!p0 [hbm:s0], s1  }
0x211: {  	s0 =	simm.s32 @!p0 $0x9  }
0x212: {  	_ =	swait.ge @!p0 [sflag:s0], s1  }
0x213: {  	s1 =	ssub.s32 @!p0 $0x0, s1;
	[sflag:s0] =	ssyncset.done @!p0 $0x0  }
0x214: {  	[sflag:s0] =	ssyncadd.s32 @!p0 s1  }
0x215: {  	[bflag:$0x3] =	sbarrier.arrive $0xFFFF  }
0x216: {  	_ =	shalt  }

// kernel: kernel.14.cloned.1.call-start
scs
__scs_entry_jumppad:
0x0: {  	(pc) =	sbr.rel $0x88, $3  }
0x1: {  	(tag) =	ssettag $0x0;
	lr =	simm.s32 $0x1  }
0x2: {  	[smem:$0x3F97] =	sst lr;
	_ =	strace $0xD0000000  }
0x3: {  	_ = 	snop  }
0x4: {  	_ = 	snop  }
0x5: {  	_ = 	snop  }
0x6: {  	_ = 	snop  }
0x7: {  	_ = 	snop  }
__scs_overlays_trampoline_lowered:
0x8: {  	[smem:$0x3FA6] =	sst s0  }
0x9: {  	[smem:$0x3FA7] =	sst s1  }
0xa: {  	[smem:$0x3FA8] =	sst s2  }
0xb: {  	[smem:$0x3FA9] =	sst s3  }
0xc: {  	[smem:$0x3FAA] =	sst s4  }
0xd: {  	[smem:$0x3FAB] =	sst s5  }
0xe: {  	[smem:$0x3FAC] =	sst s6  }
0xf: {  	[smem:$0x3FAD] =	sst s7  }
0x10: {  	[smem:$0x3FAE] =	sst s8  }
0x11: {  	[smem:$0x3FAF] =	sst s9;
	s0 =	simm.s32 @!p0 $0x0  }
0x12: {  	s1 =	sld [smem:$0x3F95];
	s0 =	simm.s32 @p0 $0x1  }
0x13: {  	[smem:$0x3FB0] =	sst s0;
	s0 =	simm.s32 @!p1 $0x0  }
0x14: {  	s2 =	sld [smem:$0x3F94];
	s0 =	simm.s32 @p1 $0x1  }
0x15: {  	[smem:$0x3FB1] =	sst s0;
	s0 =	simm.s32 @!p2 $0x0  }
0x16: {  	s3 =	sld [smem:$0x3FDB];
	s0 =	simm.s32 @p2 $0x1  }
0x17: {  	s4 =	simm.s32 $0x1BF5;
	[smem:$0x3FB3] =	sst s0  }
0x18: {  	s0 =	sld [smem:$0x3F96];
	_ =	swait.ge [sflag:s4], $0x0  }
0x19: {  	s7 =	sld [smem:$0x3F97]  }
0x1a: {  	s8 =	sadd.s32 $0xFFFFE003, lr  }
0x1b: {  	s9 =	sadd.s32 $0xFFFFFEF7, lr;
	s5 =	simm.s32 $0xFFFFFFFF;
	p2 =	slt.u32 s8, $0xFFFFF086  }
0x1c: {  	p1 =	slt.u32 s9, $0xF7A;
	s5 =	simm.s32 @!p2 $0x0  }
0x1d: {  	s5 =	simm.s32 @p1 $0x1;
	p0 =	seq.s32 s7, s2  }
0x1e: {  	s7 =	smul.u32 @!p0 $0xF7A, s2;
	p2 =	seq.s32 @!p0 s5, $0x0  }
0x1f: {  	s9 =	smul.u32 $0xF7A, s1;
	s8 =	simm.s32 @!p0 $0x1BF5;
	p2 =	por !p2, p0  }
0x20: {  	[sflag:s8] =	ssyncset.s32 @!p0 $0xFFFFF086;
	s6 =	sadd.s32 @!p0 s3, s7;
	s7 =	simm.s32 @!p0 $0x108  }
0x21: {  	s3 =	sadd.s32 s3, s9;
	s6 =	sadd.s32 @!p0 $0x88, s6;
	s7 =	simm.s32 @p2 $0x1082  }
0x22: {  	[simem:s7], [sflag:s8] =	dma.local @!p0 [hbm:s6], $0xF7A  }
0x23: {  	s9 =	sor.u32 $0xD0000000, s2;
	s6 =	simm.s32 $0x108;
	_ =	swait.ge @!p0 [sflag:s8], $0x0  }
0x24: {  	s3 =	sadd.s32 $0x88, s3;
	s6 =	simm.s32 @!p1 $0x1082;
	[sflag:s4] =	ssyncset.s32 $0xFFFFF086  }
0x25: {  	[simem:s6], [sflag:s4] =	dma.local [hbm:s3], $0xF7A  }
0x26: {  	[smem:$0x3F97] =	sst s1;
	(tag) =	ssettag s2;
	_ =	strace s9  }
0x27: {  	s1 =	sld [smem:$0x3FA7]  }
0x28: {  	s2 =	sld [smem:$0x3FA8]  }
0x29: {  	s4 =	sld [smem:$0x3FAA]  }
0x2a: {  	p0 =	seq.s32 s5, $0x0;
	s5 =	sld [smem:$0x3FAB]  }
0x2b: {  	s6 =	sld [smem:$0x3FAC]  }
0x2c: {  	s7 =	sld [smem:$0x3FAD]  }
0x2d: {  	s3 =	simm.s32 $0x108;
	s8 =	sld [smem:$0x3FAE]  }
0x2e: {  	s3 =	simm.s32 @!p0 $0x1082;
	s9 =	sld [smem:$0x3FAF]  }
0x2f: {  	lr =	sadd.s32 s0, s3;
	s0 =	sld [smem:$0x3FA6]  }
0x30: {  	s3 =	sld [smem:$0x3FA9]  }
0x31: {  	[smem:$0x3FB2] =	sst s10  }
0x32: {  	s10 =	sld [smem:$0x3FB0];
	_ =	sdelay $0x3  }
0x33: {  	p0 =	seq.s32 s10, $0x1;
	s10 =	sld [smem:$0x3FB2];
	_ =	sdelay $0x3  }
0x34: {  	[smem:$0x3FB2] =	sst s10  }
0x35: {  	s10 =	sld [smem:$0x3FB1];
	_ =	sdelay $0x3  }
0x36: {  	p1 =	seq.s32 s10, $0x1;
	s10 =	sld [smem:$0x3FB2];
	_ =	sdelay $0x3  }
0x37: {  	[smem:$0x3FB2] =	sst s10  }
0x38: {  	s10 =	sld [smem:$0x3FB3]  }
0x39: {  	_ = 	snop;
	(pc) =	sbr.ind lr, $3  }
0x3a: {  	_ = 	snop  }
0x3b: {  	_ = 	snop  }
0x3c: {  	p2 =	seq.s32 s10, $0x1;
	s10 =	sld [smem:$0x3FB2]  }
0x3d: {  	_ =	shalt  }
0x3e: {  	_ =	shalt  }
0x3f: {  	_ =	shalt  }
0x40: {  	_ =	shalt  }
0x41: {  	_ =	shalt  }
0x42: {  	_ =	shalt  }
0x43: {  	_ =	shalt  }
0x44: {  	_ =	shalt  }
0x45: {  	_ =	shalt  }
0x46: {  	_ =	shalt  }
0x47: {  	_ =	shalt  }
0x48: {  	_ =	shalt  }
0x49: {  	_ =	shalt  }
0x4a: {  	_ =	shalt  }
0x4b: {  	_ =	shalt  }
0x4c: {  	_ =	shalt  }
0x4d: {  	_ =	shalt  }
0x4e: {  	_ =	shalt  }
0x4f: {  	_ =	shalt  }
0x50: {  	_ =	shalt  }
0x51: {  	_ =	shalt  }
0x52: {  	_ =	shalt  }
0x53: {  	_ =	shalt  }
0x54: {  	_ =	shalt  }
0x55: {  	_ =	shalt  }
0x56: {  	_ =	shalt  }
0x57: {  	_ =	shalt  }
0x58: {  	_ =	shalt  }
0x59: {  	_ =	shalt  }
0x5a: {  	_ =	shalt  }
0x5b: {  	_ =	shalt  }
0x5c: {  	_ =	shalt  }
0x5d: {  	_ =	shalt  }
0x5e: {  	_ =	shalt  }
0x5f: {  	_ =	shalt  }
0x60: {  	_ =	shalt  }
0x61: {  	_ =	shalt  }
0x62: {  	_ =	shalt  }
0x63: {  	_ =	shalt  }
0x64: {  	_ =	shalt  }
0x65: {  	_ =	shalt  }
0x66: {  	_ =	shalt  }
0x67: {  	_ =	shalt  }
0x68: {  	_ =	shalt  }
0x69: {  	_ =	shalt  }
0x6a: {  	_ =	shalt  }
0x6b: {  	_ =	shalt  }
0x6c: {  	_ =	shalt  }
0x6d: {  	_ =	shalt  }
0x6e: {  	_ =	shalt  }
0x6f: {  	_ =	shalt  }
0x70: {  	_ =	shalt  }
0x71: {  	_ =	shalt  }
0x72: {  	_ =	shalt  }
0x73: {  	_ =	shalt  }
0x74: {  	_ =	shalt  }
0x75: {  	_ =	shalt  }
0x76: {  	_ =	shalt  }
0x77: {  	_ =	shalt  }
0x78: {  	_ =	shalt  }
0x79: {  	_ =	shalt  }
0x7a: {  	_ =	shalt  }
0x7b: {  	_ =	shalt  }
0x7c: {  	_ =	shalt  }
0x7d: {  	_ =	shalt  }
0x7e: {  	_ =	shalt  }
0x7f: {  	_ =	shalt  }
0x80: {  	_ =	shalt  }
0x81: {  	_ =	shalt  }
0x82: {  	_ =	shalt  }
0x83: {  	_ =	shalt  }
0x84: {  	_ =	shalt  }
0x85: {  	_ =	shalt  }
0x86: {  	_ =	shalt  }
0x87: {  	_ =	shalt  }
.Lfunc_end0:
.L_simem_size_0:
called_computation.2_lowered:
.L_overlay_start_0:
0x88: {  	s2 =	sld [smem:$0x3FD9]  }
0x89: {  	s3 =	sld [smem:$0x3FFE];
	_ =	sdelay $0x1  }
0x8a: {  	s1 =	srdreg.scid  }
0x8b: {  	s0 =	sand.u32 $0x1, s1  }
0x8c: {  	s16 =	sshll.u32 s0, $0xA;
	s2 =	sadd.s32 s3, s2  }
0x8d: {  	s2 =	sadd.s32 s2, s16  }
0x8e: {  	[smem:$0x3FBE] =	sst s2  }
0x8f: {  	_ = 	snop  }
0x90: {  	(tm) =	ssettm $0x1  }
0x91: {  	s17 =	sld [smem:$0x3FFB];
	_ =	sdelay $0x3  }
0x92: {  	_ =	strace s17  }
0x93: {  	s2 =	sld [smem:$0x3FFC];
	_ =	sdelay $0x3  }
0x94: {  	_ =	strace s2  }
0x95: {  	s2 =	sld [smem:$0x3FFD];
	_ =	sdelay $0x3  }
0x96: {  	_ =	strace s2  }
0x97: {  	_ =	strace $0x8FFFFFFF  }
0x98: {  	s18 =	sld [smem:$0x3FDB];
	_ =	sdelay $0x1  }
0x99: {  	s19 =	simm.s32 $_scs_section_size  }
0x9a: {  	s4 =	simm.s32 $_size__tile_overlayer_lowered;
	s5 =	simm.s32 $_tile_overlayer_lowered  }
0x9b: {  	s22 =	simm.s32 $0x1BFF;
	s21 =	sshll.u32 s5, $0x1;
	s2 =	sadd.s32 s19, s18  }
0x9c: {  	s6 =	simm.s32 $0x0;
	s20 =	sshll.u32 s4, $0x1;
	s4 =	sadd.s32 s21, s2  }
0x9d: {  	[timem:s6], [sflag:s22] =	dma.local [hbm:s4], s20  }
0x9e: {  	_ =	swait.ge [sflag:s22], s20  }
0x9f: {  	s3 =	ssub.s32 $0x0, s20;
	[sflag:s22] =	ssyncset.done $0x0  }
0xa0: {  	[sflag:s22] =	ssyncadd.s32 s3;
	_ =	sdelay $0x1  }
0xa1: {  	s23 =	simm.s32 $0x1B8B  }
0xa2: {  	_ =	swait.ge [sflag:s23], $0x1  }
0xa3: {  	[sflag:s23] =	ssyncset.done $0x0  }
0xa4: {  	s25 =	simm.s32 $0x1B8E;
	s24 =	sld [smem:$0x3FFE];
	[sflag:s23] =	ssyncadd.s32 $0xFFFFFFFF  }
0xa5: {  	s26 =	simm.s32 $execute0_lowered;
	[smem:$0x3FD2] =	sst s25  }
0xa6: {  	s4 =	sshll.u32 s26, $0x1;
	_ =	strace $0x8000004C;
	[dreg:$0x1] =	wrdreg $0xFFFFFFFF  }
0xa7: {  	s28 =	simm.s32 $_size_execute0_lowered;
	s2 =	sadd.s32 s2, s4;
	[dreg:$0x0] =	wrdreg $0x0  }
0xa8: {  	s4 =	sshll.u32 s28, $0x1;
	[dreg:$0x2] =	wrdreg s2  }
0xa9: {  	[dreg:$0x3] =	wrdreg s4  }
0xaa: {  	[dreg:$0x4] =	wrdreg $0xC0  }
0xab: {  	_ =	task [dreg:s6], $0x5FFFF  }
0xac: {  	[dreg:$0x1] =	wrdreg $0xFFFFFFFF  }
0xad: {  	[dreg:$0x0] =	wrdreg $0x60  }
0xae: {  	[dreg:$0x2] =	wrdreg s24  }
0xaf: {  	[dreg:$0x3] =	wrdreg $0xC0000  }
0xb0: {  	[dreg:$0x4] =	wrdreg $0x9  }
0xb1: {  	_ =	task.clear_ibuf [dreg:s6], $0x5FFFF;
	_ =	strace $0x9000004C  }
0xb2: {  	s29 =	simm.s32 $0x9;
	_ =	strace $0x8000004E  }
0xb3: {  	_ =	swait.ge [sflag:s29], $0x1  }
0xb4: {  	[sflag:s29] =	ssyncadd.s32 $0xFFFFFFFF  }
0xb5: {  	_ =	strace $0x9000004E  }
0xb6: {  	_ =	sfence  }
0xb7: {  	s30 =	sld [smem:$0x0];
	_ =	sdelay $0x2  }
0xb8: {  	s31 =	sshll.u32 s1, $0xD;
	s1 =	sshrl.u32 s1, $0x2  }
0xb9: {  	s3 =	sand.u32 $0x4000, s31;
	s1 =	sadd.s32 s1, s30  }
0xba: {  	s0 =	sor.u32 s3, s0;
	s1 =	sshll.u32 s1, $0x11  }
0xbb: {  	s0 =	sor.u32 s1, s0  }
0xbc: {  	s0 =	sadd.s32 $0x8F2B, s0  }
0xbd: {  	[sflag:s0] =	ssyncadd.remote.s32 $0x1  }
0xbe: {  	_ =	sfence.sel $0xFFFF  }
0xbf: {  	[dreg:$0x0] =	wrdreg $0xFFFFFFFF;
	(pc) =	sbr.abs _section_cstart, $3  }
0xc0: {  	[dreg:$0x1] =	wrdreg $0xFFFFFFFF  }
0xc1: {  	_ =	task.clear_ibuf [dreg:s6], $0x2FFFF;
	_ =	strace $0x9FFFFFFF  }
0xc2: {  	(tm) =	ssettm $0x7FFFFFFF  }
0xc3: {  	_ =	shalt  }
tec
execute0_lowered:
.L_overlay_start_1:
0x0: {  	(tag) =	ssettag $0x1  }
0x1: {  	s0 =	rddreg [dreg:$0x0]  }
0x2: {  	s1 =	rddreg [dreg:$0x1];
	s3 =	simm.s32 $0x0;
	s2 =	srdreg.scid  }
0x3: {  	s11 =	stileid.u32;
	s28 =	simm.s32 $0x80;
	s29 =	simm.s32 $0x4800  }
0x4: {  	s30 =	simm.s32 $0x100;
	s31 =	simm.s32 $0x7000;
	[smem:$0x7FF] =	sst s3  }
0x5: {  	s2 =	sand.u32 $0x1, s2;
	s6 =	smul.u32 $0x14000, s11;
	s4 =	sadd.s32 $0x23000, s0  }
0x6: {  	s7 =	sadd.s32 $0x13000, s0;
	s8 =	smul.u32 $0x50000, s11;
	s9 =	sadd.s32 $0x2E00, s0  }
0x7: {  	s16 =	sshll.u32 s11, $0xC;
	s11 =	simm.s32 $0x7;
	s5 =	smul.u32 $0x140000, s2  }
0x8: {  	_ =	strace $0x8000004D;
	s12 =	ssub.s32 $0x2, s2;
	s2 =	sshll.u32 s2, $0xB  }
0x9: {  	s10 =	sshrl.u32 s12, $0x1;
	s8 =	sshrl.u32 s8, $0x2;
	s2 =	sor.u32 s2, s16  }
0xa: {  	s16 =	simm.s32 $0x1F00;
	s5 =	sadd.s32 s6, s5;
	s6 =	ssub.s32 s12, s10  }
0xb: {  	s20 =	sadd.s32 s7, s2;
	s21 =	sor.u32 $0x200, s2;
	s22 =	sadd.s32 s9, s2  }
0xc: {  	s24 =	sor.u32 $0x400, s2;
	s2 =	sor.u32 $0x600, s2;
	[dreg:$0xa] =	wrdreg s20  }
0xd: {  	s10 =	simm.s32 $0x3;
	[dreg:$0xb] =	wrdreg s22;
	s23 =	sadd.s32 s7, s21  }
0xe: {  	s12 =	simm.s32 $0x4;
	s25 =	sadd.s32 s7, s24;
	[dreg:$0xc] =	wrdreg s23  }
0xf: {  	s5 =	sshrl.u32 s5, $0x3;
	s26 =	sadd.s32 s9, s24;
	[dreg:$0xe] =	wrdreg s25  }
0x10: {  	s7 =	sadd.s32 s7, s2;
	s2 =	sadd.s32 s9, s2;
	[dreg:$0xf] =	wrdreg s26  }
0x11: {  	s0 =	sadd.s32 s5, s0;
	s5 =	sadd.s32 s8, s1;
	[dreg:$0x10] =	wrdreg s7  }
0x12: {  	s22 =	smax.u32 s6, $0x1;
	[dreg:$0x11] =	wrdreg s2;
	s8 =	sadd.s32 $0x2800, s5  }
0x13: {  	s24 =	simm.s32 $0x9;
	s13 =	sadd.s32 $0x5000, s5;
	[dreg:$0x3] =	wrdreg s8  }
0x14: {  	s6 =	simm.s32 $0x1;
	s14 =	sadd.s32 $0x7800, s5;
	[dreg:$0x4] =	wrdreg s13  }
0x15: {  	s23 =	simm.s32 $0x2000;
	s15 =	sadd.s32 $0xA000, s5;
	[dreg:$0x5] =	wrdreg s14  }
0x16: {  	s25 =	simm.s32 $0x1000;
	s17 =	sadd.s32 $0xC800, s5;
	[dreg:$0x6] =	wrdreg s15  }
0x17: {  	s26 =	simm.s32 $0x50;
	s18 =	sadd.s32 $0xF000, s5;
	[dreg:$0x7] =	wrdreg s17  }
0x18: {  	s2 =	simm.s32 $0x9800;
	s19 =	sadd.s32 $0x11800, s5;
	[dreg:$0x8] =	wrdreg s18  }
0x19: {  	s7 =	simm.s32 $0x5;
	[dreg:$0x9] =	wrdreg s19;
	s8 =	sadd.s32 s9, s21  }
0x1a: {  	s21 =	sadd.s32 $0x4B000, s0;
	s0 =	simm.s32 $0x180;
	s9 =	simm.s32 $0x6  }
0x1b: {  	s13 =	simm.s32 $0x8;
	s14 =	simm.s32 $0x1E00;
	s15 =	simm.s32 $0x1E80  }
0x1c: {  	v0 =	vimm.f32 $0.0e+00;
	s17 =	simm.s32 $0x1F80;
	[dreg:$0xd] =	wrdreg s8;
	s8 =	simm.s32 $0x2  }
.LBB2_1:
0x1d: {  	s18 =	simm.s32 $0x0;
	s19 =	simm.s32 $0x200  }
.LBB2_2:
0x1e: {  	p0 =	sne.s32 s19, $0x9E00;
	[tilespmem:s18+$0x2070] =	vst v0  }
0x1f: {  	[tilespmem:s18+$0x2000] =	vst v0  }
0x20: {  	[tilespmem:s18+$0x2010] =	vst v0  }
.Ltmp0:
0x21: {  	[tilespmem:s18+$0x2020] =	vst v0;
	(pc) =	sbr.rel @p0 .LBB2_2-.Ltmp0, $4  }
0x22: {  	[tilespmem:s18+$0x2030] =	vst v0  }
0x23: {  	[tilespmem:s18+$0x2040] =	vst v0  }
0x24: {  	[tilespmem:s18+$0x2050] =	vst v0  }
0x25: {  	[tilespmem:s18+$0x2060] =	vst v0;
	s18 =	sshra.s32 s19, $0x2;
	s19 =	sadd.s32 $0x200, s19  }
0x26: {  	[tilespmem:s18+$0x2070] =	vst v0  }
0x27: {  	[tilespmem:s18+$0x2000] =	vst v0  }
0x28: {  	[tilespmem:s18+$0x2010] =	vst v0  }
0x29: {  	[tilespmem:s18+$0x2020] =	vst v0  }
0x2a: {  	[tilespmem:s18+$0x2030] =	vst v0  }
0x2b: {  	[tilespmem:s18+$0x2040] =	vst v0  }
0x2c: {  	[tilespmem:s18+$0x2050] =	vst v0  }
0x2d: {  	[tilespmem:s18+$0x2060] =	vst v0  }
0x2e: {  	[spmem:s5] =	stream.linear.scatter [tilespmem:s23], [sflag:$0x9], $0x2800, $0x38;
	v63 =	vld [tilespmem:$0x0]  }
0x2f: {  	_ =	swait.ge [sflag:s24], $0x2800  }
0x30: {  	[sflag:s24] =	ssyncset.done $0x0  }
0x31: {  	s19 =	rddreg [dreg:$0x3];
	[sflag:s24] =	ssyncadd.s32 $0xFFFFD800  }
0x32: {  	[spmem:s19] =	stream.linear.scatter [tilespmem:s23], [sflag:$0x9], $0x2800, $0x38;
	v63 =	vld [tilespmem:$0x0]  }
0x33: {  	_ =	swait.ge [sflag:s24], $0x2800  }
0x34: {  	[sflag:s24] =	ssyncset.done $0x0  }
0x35: {  	s20 =	rddreg [dreg:$0x4];
	[sflag:s24] =	ssyncadd.s32 $0xFFFFD800  }
0x36: {  	[spmem:s20] =	stream.linear.scatter [tilespmem:s23], [sflag:$0x9], $0x2800, $0x38;
	v63 =	vld [tilespmem:$0x0]  }
0x37: {  	_ =	swait.ge [sflag:s24], $0x2800  }
0x38: {  	[sflag:s24] =	ssyncset.done $0x0  }
0x39: {  	s19 =	rddreg [dreg:$0x5];
	[sflag:s24] =	ssyncadd.s32 $0xFFFFD800  }
0x3a: {  	[spmem:s19] =	stream.linear.scatter [tilespmem:s23], [sflag:$0x9], $0x2800, $0x38;
	v63 =	vld [tilespmem:$0x0]  }
0x3b: {  	_ =	swait.ge [sflag:s24], $0x2800  }
0x3c: {  	[sflag:s24] =	ssyncset.done $0x0  }
0x3d: {  	s20 =	rddreg [dreg:$0x6];
	[sflag:s24] =	ssyncadd.s32 $0xFFFFD800  }
0x3e: {  	[spmem:s20] =	stream.linear.scatter [tilespmem:s23], [sflag:$0x9], $0x2800, $0x38;
	v63 =	vld [tilespmem:$0x0]  }
0x3f: {  	_ =	swait.ge [sflag:s24], $0x2800  }
0x40: {  	[sflag:s24] =	ssyncset.done $0x0  }
0x41: {  	s19 =	rddreg [dreg:$0x7];
	[sflag:s24] =	ssyncadd.s32 $0xFFFFD800  }
0x42: {  	[spmem:s19] =	stream.linear.scatter [tilespmem:s23], [sflag:$0x9], $0x2800, $0x38;
	v63 =	vld [tilespmem:$0x0]  }
0x43: {  	_ =	swait.ge [sflag:s24], $0x2800  }
0x44: {  	[sflag:s24] =	ssyncset.done $0x0  }
0x45: {  	s20 =	rddreg [dreg:$0x8];
	[sflag:s24] =	ssyncadd.s32 $0xFFFFD800  }
0x46: {  	[spmem:s20] =	stream.linear.scatter [tilespmem:s23], [sflag:$0x9], $0x2800, $0x38;
	v63 =	vld [tilespmem:$0x0]  }
0x47: {  	_ =	swait.ge [sflag:s24], $0x2800  }
0x48: {  	[sflag:s24] =	ssyncset.done $0x0  }
0x49: {  	s19 =	rddreg [dreg:$0x9];
	[sflag:s24] =	ssyncadd.s32 $0xFFFFD800  }
0x4a: {  	[spmem:s19] =	stream.linear.scatter [tilespmem:s23], [sflag:$0x9], $0x2800, $0x38;
	v63 =	vld [tilespmem:$0x0]  }
0x4b: {  	_ =	swait.ge [sflag:s24], $0x2800  }
0x4c: {  	[sflag:s24] =	ssyncset.done $0x0  }
0x4d: {  	[sflag:s24] =	ssyncadd.s32 $0xFFFFD800  }
0x4e: {  	[bflag:$0x0] =	sbarrier.arrive $0xFFFF  }
0x4f: {  	s18 =	simm.s32 $0x0;
	s19 =	rddreg [dreg:$0xa]  }
0x50: {  	[tilespmem:s18], [sflag:$0x9] =	stream.linear.gather [hbm4b:s19+s18], $0x1000, $0x38;
	v63 =	vld [tilespmem:$0x0]  }
0x51: {  	_ =	swait.ge [sflag:s24], $0x1000  }
0x52: {  	[sflag:s24] =	ssyncset.done $0x0  }
0x53: {  	s20 =	rddreg [dreg:$0xb];
	[sflag:s24] =	ssyncadd.s32 $0xFFFFF000  }
0x54: {  	[tilespmem:s25], [sflag:$0x9] =	stream.linear.gather [hbm4b:s20+s18], $0x1000, $0x38;
	v63 =	vld [tilespmem:$0x0]  }
0x55: {  	_ =	swait.ge [sflag:s24], $0x1000  }
0x56: {  	[sflag:s24] =	ssyncset.done $0x0  }
0x57: {  	[sflag:s24] =	ssyncadd.s32 $0xFFFFF000  }
0x58: {  	[tilespmem:s23], [sflag:$0x1] =	stream.indirect.gather [hbm4b:s4+s26], $0x80, s18, s26, $0xb8;
	v63 =	vld [tilespmem:$0x0]  }
0x59: {  	_ = 	snop  }
0x5a: {  	[tilespmem:s29], [sflag:$0x2] =	stream.indirect.gather [hbm4b:s4+s26], $0x80, s28, s26, $0xb8;
	v63 =	vld [tilespmem:$0x0]  }
0x5b: {  	_ = 	snop  }
0x5c: {  	[tilespmem:s31], [sflag:$0x3] =	stream.indirect.gather [hbm4b:s4+s26], $0x80, s30, s26, $0xb8;
	v63 =	vld [tilespmem:$0x0]  }
0x5d: {  	_ = 	snop  }
0x5e: {  	[tilespmem:s2], [sflag:$0x4] =	stream.indirect.gather [hbm4b:s4+s26], $0x80, s0, s26, $0xb8;
	v63 =	vld [tilespmem:$0x0]  }
0x5f: {  	_ =	swait.ge [sflag:s6], $0x2800  }
0x60: {  	[sflag:s6] =	ssyncset.done $0x0  }
0x61: {  	s20 =	simm.s32 $0x1000;
	[sflag:s6] =	ssyncadd.s32 $0xFFFFD800  }
0x62: {  	[spmem:s1] =	stream.indirect.scatter.add.f32 [tilespmem:s23], [sflag:$0x5], $0x80, s20, s26, $0xb8;
	v63 =	vld [tilespmem:$0x0]  }
0x63: {  	_ =	swait.ge [sflag:s7], $0x2800  }
0x64: {  	[sflag:s7] =	ssyncset.done $0x0  }
0x65: {  	s19 =	simm.s32 $0x200;
	[sflag:s7] =	ssyncadd.s32 $0xFFFFD800  }
0x66: {  	[tilespmem:s23], [sflag:$0x1] =	stream.indirect.gather [hbm4b:s4+s26], $0x80, s19, s26, $0xb8;
	v63 =	vld [tilespmem:$0x0]  }
0x67: {  	_ =	swait.ge [sflag:s8], $0x2800  }
0x68: {  	[sflag:s8] =	ssyncset.done $0x0  }
0x69: {  	s20 =	simm.s32 $0x1080;
	[sflag:s8] =	ssyncadd.s32 $0xFFFFD800  }
0x6a: {  	[spmem:s1] =	stream.indirect.scatter.add.f32 [tilespmem:s29], [sflag:$0x6], $0x80, s20, s26, $0xb8;
	v63 =	vld [tilespmem:$0x0]  }
0x6b: {  	_ =	swait.ge [sflag:s9], $0x2800  }
0x6c: {  	[sflag:s9] =	ssyncset.done $0x0  }
0x6d: {  	s19 =	simm.s32 $0x280;
	[sflag:s9] =	ssyncadd.s32 $0xFFFFD800  }
0x6e: {  	[tilespmem:s29], [sflag:$0x2] =	stream.indirect.gather [hbm4b:s4+s26], $0x80, s19, s26, $0xb8;
	v63 =	vld [tilespmem:$0x0]  }
0x6f: {  	_ =	swait.ge [sflag:s10], $0x2800  }
0x70: {  	[sflag:s10] =	ssyncset.done $0x0  }
0x71: {  	s20 =	simm.s32 $0x1100;
	[sflag:s10] =	ssyncadd.s32 $0xFFFFD800  }
0x72: {  	[spmem:s1] =	stream.indirect.scatter.add.f32 [tilespmem:s31], [sflag:$0x7], $0x80, s20, s26, $0xb8;
	v63 =	vld [tilespmem:$0x0]  }
0x73: {  	_ =	swait.ge [sflag:s11], $0x2800  }
0x74: {  	[sflag:s11] =	ssyncset.done $0x0  }
0x75: {  	s19 =	simm.s32 $0x300;
	[sflag:s11] =	ssyncadd.s32 $0xFFFFD800  }
0x76: {  	[tilespmem:s31], [sflag:$0x3] =	stream.indirect.gather [hbm4b:s4+s26], $0x80, s19, s26, $0xb8;
	v63 =	vld [tilespmem:$0x0]  }
0x77: {  	_ =	swait.ge [sflag:s12], $0x2800  }
0x78: {  	[sflag:s12] =	ssyncset.done $0x0  }
0x79: {  	s20 =	simm.s32 $0x1180;
	[sflag:s12] =	ssyncadd.s32 $0xFFFFD800  }
0x7a: {  	[spmem:s1] =	stream.indirect.scatter.add.f32 [tilespmem:s2], [sflag:$0x8], $0x80, s20, s26, $0xb8;
	v63 =	vld [tilespmem:$0x0]  }
0x7b: {  	_ =	swait.ge [sflag:s13], $0x2800  }
0x7c: {  	[sflag:s13] =	ssyncset.done $0x0  }
0x7d: {  	s18 =	simm.s32 $0x800;
	s19 =	simm.s32 $0x380;
	[sflag:s13] =	ssyncadd.s32 $0xFFFFD800  }
.LBB2_4:
0x7e: {  	[tilespmem:s2], [sflag:$0x4] =	stream.indirect.gather [hbm4b:s4+s26], $0x80, s19, s26, $0xb8;
	v63 =	vld [tilespmem:$0x0]  }
0x7f: {  	s19 =	smov.u32 s18  }
0x80: {  	p0 =	sne.s32 s18, $0x3000;
	s18 =	sadd.s32 $0x800, s18;
	_ =	swait.ge [sflag:s6], $0x2800  }
0x81: {  	s19 =	sshra.s32 s19, $0x2;
	[sflag:s6] =	ssyncset.done $0x0  }
0x82: {  	s20 =	sadd.s32 $0x1000, s19;
	[sflag:s6] =	ssyncadd.s32 $0xFFFFD800  }
0x83: {  	[spmem:s1] =	stream.indirect.scatter.add.f32 [tilespmem:s23], [sflag:$0x5], $0x80, s20, s26, $0xb8;
	v63 =	vld [tilespmem:$0x0]  }
0x84: {  	_ =	swait.ge [sflag:s7], $0x2800  }
0x85: {  	[sflag:s7] =	ssyncset.done $0x0  }
0x86: {  	s20 =	sadd.s32 $0x200, s19;
	[sflag:s7] =	ssyncadd.s32 $0xFFFFD800  }
0x87: {  	[tilespmem:s23], [sflag:$0x1] =	stream.indirect.gather [hbm4b:s4+s26], $0x80, s20, s26, $0xb8;
	v63 =	vld [tilespmem:$0x0]  }
0x88: {  	_ =	swait.ge [sflag:s8], $0x2800  }
0x89: {  	[sflag:s8] =	ssyncset.done $0x0  }
0x8a: {  	s20 =	sadd.s32 $0x1080, s19;
	[sflag:s8] =	ssyncadd.s32 $0xFFFFD800  }
0x8b: {  	[spmem:s1] =	stream.indirect.scatter.add.f32 [tilespmem:s29], [sflag:$0x6], $0x80, s20, s26, $0xb8;
	v63 =	vld [tilespmem:$0x0]  }
0x8c: {  	_ =	swait.ge [sflag:s9], $0x2800  }
0x8d: {  	[sflag:s9] =	ssyncset.done $0x0  }
0x8e: {  	s20 =	sadd.s32 $0x280, s19;
	[sflag:s9] =	ssyncadd.s32 $0xFFFFD800  }
0x8f: {  	[tilespmem:s29], [sflag:$0x2] =	stream.indirect.gather [hbm4b:s4+s26], $0x80, s20, s26, $0xb8;
	v63 =	vld [tilespmem:$0x0]  }
0x90: {  	_ =	swait.ge [sflag:s10], $0x2800  }
0x91: {  	[sflag:s10] =	ssyncset.done $0x0  }
0x92: {  	s20 =	sadd.s32 $0x1100, s19;
	[sflag:s10] =	ssyncadd.s32 $0xFFFFD800  }
0x93: {  	[spmem:s1] =	stream.indirect.scatter.add.f32 [tilespmem:s31], [sflag:$0x7], $0x80, s20, s26, $0xb8;
	v63 =	vld [tilespmem:$0x0]  }
0x94: {  	_ =	swait.ge [sflag:s11], $0x2800  }
0x95: {  	[sflag:s11] =	ssyncset.done $0x0  }
0x96: {  	s20 =	sadd.s32 $0x300, s19;
	[sflag:s11] =	ssyncadd.s32 $0xFFFFD800  }
0x97: {  	[tilespmem:s31], [sflag:$0x3] =	stream.indirect.gather [hbm4b:s4+s26], $0x80, s20, s26, $0xb8;
	v63 =	vld [tilespmem:$0x0]  }
0x98: {  	_ =	swait.ge [sflag:s12], $0x2800  }
0x99: {  	[sflag:s12] =	ssyncset.done $0x0  }
.Ltmp1:
0x9a: {  	s20 =	sadd.s32 $0x1180, s19;
	[sflag:s12] =	ssyncadd.s32 $0xFFFFD800;
	(pc) =	sbr.rel @p0 .LBB2_4-.Ltmp1, $4  }
0x9b: {  	[spmem:s1] =	stream.indirect.scatter.add.f32 [tilespmem:s2], [sflag:$0x8], $0x80, s20, s26, $0xb8;
	v63 =	vld [tilespmem:$0x0]  }
0x9c: {  	_ =	swait.ge [sflag:s13], $0x2800  }
0x9d: {  	[sflag:s13] =	ssyncset.done $0x0  }
0x9e: {  	s19 =	sadd.s32 $0x380, s19;
	[sflag:s13] =	ssyncadd.s32 $0xFFFFD800  }
0x9f: {  	[tilespmem:s2], [sflag:$0x4] =	stream.indirect.gather [hbm4b:s4+s26], $0x80, s19, s26, $0xb8;
	v63 =	vld [tilespmem:$0x0]  }
0xa0: {  	_ =	swait.ge [sflag:s6], $0x2800  }
0xa1: {  	[sflag:s6] =	ssyncset.done $0x0  }
0xa2: {  	[sflag:s6] =	ssyncadd.s32 $0xFFFFD800  }
0xa3: {  	[spmem:s1] =	stream.indirect.scatter.add.f32 [tilespmem:s23], [sflag:$0x5], $0x80, s14, s26, $0xb8;
	v63 =	vld [tilespmem:$0x0]  }
0xa4: {  	_ =	swait.ge [sflag:s7], $0x2800  }
0xa5: {  	[sflag:s7] =	ssyncset.done $0x0  }
0xa6: {  	[sflag:s7] =	ssyncadd.s32 $0xFFFFD800  }
0xa7: {  	_ =	swait.ge [sflag:s8], $0x2800  }
0xa8: {  	[sflag:s8] =	ssyncset.done $0x0  }
0xa9: {  	[sflag:s8] =	ssyncadd.s32 $0xFFFFD800  }
0xaa: {  	[spmem:s1] =	stream.indirect.scatter.add.f32 [tilespmem:s29], [sflag:$0x6], $0x80, s15, s26, $0xb8;
	v63 =	vld [tilespmem:$0x0]  }
0xab: {  	_ =	swait.ge [sflag:s9], $0x2800  }
0xac: {  	[sflag:s9] =	ssyncset.done $0x0  }
0xad: {  	[sflag:s9] =	ssyncadd.s32 $0xFFFFD800  }
0xae: {  	_ =	swait.ge [sflag:s10], $0x2800  }
0xaf: {  	[sflag:s10] =	ssyncset.done $0x0  }
0xb0: {  	[sflag:s10] =	ssyncadd.s32 $0xFFFFD800  }
0xb1: {  	[spmem:s1] =	stream.indirect.scatter.add.f32 [tilespmem:s31], [sflag:$0x7], $0x80, s16, s26, $0xb8;
	v63 =	vld [tilespmem:$0x0]  }
0xb2: {  	_ =	swait.ge [sflag:s11], $0x2800  }
0xb3: {  	[sflag:s11] =	ssyncset.done $0x0  }
0xb4: {  	[sflag:s11] =	ssyncadd.s32 $0xFFFFD800  }
0xb5: {  	_ =	swait.ge [sflag:s12], $0x2800  }
0xb6: {  	[sflag:s12] =	ssyncset.done $0x0  }
0xb7: {  	[sflag:s12] =	ssyncadd.s32 $0xFFFFD800  }
0xb8: {  	[spmem:s1] =	stream.indirect.scatter.add.f32 [tilespmem:s2], [sflag:$0x8], $0x80, s17, s26, $0xb8;
	v63 =	vld [tilespmem:$0x0]  }
0xb9: {  	_ =	swait.ge [sflag:s13], $0x2800  }
0xba: {  	[sflag:s13] =	ssyncset.done $0x0  }
0xbb: {  	s18 =	simm.s32 $0x0;
	s20 =	rddreg [dreg:$0xc];
	[sflag:s13] =	ssyncadd.s32 $0xFFFFD800  }
0xbc: {  	[tilespmem:s18], [sflag:$0x9] =	stream.linear.gather [hbm4b:s20+s18], $0x1000, $0x38;
	v63 =	vld [tilespmem:$0x0]  }
0xbd: {  	_ =	swait.ge [sflag:s24], $0x1000  }
0xbe: {  	[sflag:s24] =	ssyncset.done $0x0  }
0xbf: {  	s20 =	rddreg [dreg:$0xd];
	[sflag:s24] =	ssyncadd.s32 $0xFFFFF000  }
0xc0: {  	[tilespmem:s25], [sflag:$0x9] =	stream.linear.gather [hbm4b:s20+s18], $0x1000, $0x38;
	v63 =	vld [tilespmem:$0x0]  }
0xc1: {  	_ =	swait.ge [sflag:s24], $0x1000  }
0xc2: {  	[sflag:s24] =	ssyncset.done $0x0  }
0xc3: {  	[sflag:s24] =	ssyncadd.s32 $0xFFFFF000  }
0xc4: {  	[tilespmem:s23], [sflag:$0x1] =	stream.indirect.gather [hbm4b:s4+s26], $0x80, s18, s26, $0xb8;
	v63 =	vld [tilespmem:$0x0]  }
0xc5: {  	_ = 	snop  }
0xc6: {  	[tilespmem:s29], [sflag:$0x2] =	stream.indirect.gather [hbm4b:s4+s26], $0x80, s28, s26, $0xb8;
	v63 =	vld [tilespmem:$0x0]  }
0xc7: {  	_ = 	snop  }
0xc8: {  	[tilespmem:s31], [sflag:$0x3] =	stream.indirect.gather [hbm4b:s4+s26], $0x80, s30, s26, $0xb8;
	v63 =	vld [tilespmem:$0x0]  }
0xc9: {  	_ = 	snop  }
0xca: {  	[tilespmem:s2], [sflag:$0x4] =	stream.indirect.gather [hbm4b:s4+s26], $0x80, s0, s26, $0xb8;
	v63 =	vld [tilespmem:$0x0]  }
0xcb: {  	_ =	swait.ge [sflag:s6], $0x2800  }
0xcc: {  	[sflag:s6] =	ssyncset.done $0x0  }
0xcd: {  	s20 =	simm.s32 $0x1000;
	[sflag:s6] =	ssyncadd.s32 $0xFFFFD800  }
0xce: {  	[spmem:s1] =	stream.indirect.scatter.add.f32 [tilespmem:s23], [sflag:$0x5], $0x80, s20, s26, $0xb8;
	v63 =	vld [tilespmem:$0x0]  }
0xcf: {  	_ =	swait.ge [sflag:s7], $0x2800  }
0xd0: {  	[sflag:s7] =	ssyncset.done $0x0  }
0xd1: {  	s19 =	simm.s32 $0x200;
	[sflag:s7] =	ssyncadd.s32 $0xFFFFD800  }
0xd2: {  	[tilespmem:s23], [sflag:$0x1] =	stream.indirect.gather [hbm4b:s4+s26], $0x80, s19, s26, $0xb8;
	v63 =	vld [tilespmem:$0x0]  }
0xd3: {  	_ =	swait.ge [sflag:s8], $0x2800  }
0xd4: {  	[sflag:s8] =	ssyncset.done $0x0  }
0xd5: {  	s20 =	simm.s32 $0x1080;
	[sflag:s8] =	ssyncadd.s32 $0xFFFFD800  }
0xd6: {  	[spmem:s1] =	stream.indirect.scatter.add.f32 [tilespmem:s29], [sflag:$0x6], $0x80, s20, s26, $0xb8;
	v63 =	vld [tilespmem:$0x0]  }
0xd7: {  	_ =	swait.ge [sflag:s9], $0x2800  }
0xd8: {  	[sflag:s9] =	ssyncset.done $0x0  }
0xd9: {  	s19 =	simm.s32 $0x280;
	[sflag:s9] =	ssyncadd.s32 $0xFFFFD800  }
0xda: {  	[tilespmem:s29], [sflag:$0x2] =	stream.indirect.gather [hbm4b:s4+s26], $0x80, s19, s26, $0xb8;
	v63 =	vld [tilespmem:$0x0]  }
0xdb: {  	_ =	swait.ge [sflag:s10], $0x2800  }
0xdc: {  	[sflag:s10] =	ssyncset.done $0x0  }
0xdd: {  	s20 =	simm.s32 $0x1100;
	[sflag:s10] =	ssyncadd.s32 $0xFFFFD800  }
0xde: {  	[spmem:s1] =	stream.indirect.scatter.add.f32 [tilespmem:s31], [sflag:$0x7], $0x80, s20, s26, $0xb8;
	v63 =	vld [tilespmem:$0x0]  }
0xdf: {  	_ =	swait.ge [sflag:s11], $0x2800  }
0xe0: {  	[sflag:s11] =	ssyncset.done $0x0  }
0xe1: {  	s19 =	simm.s32 $0x300;
	[sflag:s11] =	ssyncadd.s32 $0xFFFFD800  }
0xe2: {  	[tilespmem:s31], [sflag:$0x3] =	stream.indirect.gather [hbm4b:s4+s26], $0x80, s19, s26, $0xb8;
	v63 =	vld [tilespmem:$0x0]  }
0xe3: {  	_ =	swait.ge [sflag:s12], $0x2800  }
0xe4: {  	[sflag:s12] =	ssyncset.done $0x0  }
0xe5: {  	s20 =	simm.s32 $0x1180;
	[sflag:s12] =	ssyncadd.s32 $0xFFFFD800  }
0xe6: {  	[spmem:s1] =	stream.indirect.scatter.add.f32 [tilespmem:s2], [sflag:$0x8], $0x80, s20, s26, $0xb8;
	v63 =	vld [tilespmem:$0x0]  }
0xe7: {  	_ =	swait.ge [sflag:s13], $0x2800  }
0xe8: {  	[sflag:s13] =	ssyncset.done $0x0  }
0xe9: {  	s18 =	simm.s32 $0x800;
	s19 =	simm.s32 $0x380;
	[sflag:s13] =	ssyncadd.s32 $0xFFFFD800  }
.LBB2_6:
0xea: {  	[tilespmem:s2], [sflag:$0x4] =	stream.indirect.gather [hbm4b:s4+s26], $0x80, s19, s26, $0xb8;
	v63 =	vld [tilespmem:$0x0]  }
0xeb: {  	s19 =	smov.u32 s18  }
0xec: {  	p0 =	sne.s32 s18, $0x3000;
	s18 =	sadd.s32 $0x800, s18;
	_ =	swait.ge [sflag:s6], $0x2800  }
0xed: {  	s19 =	sshra.s32 s19, $0x2;
	[sflag:s6] =	ssyncset.done $0x0  }
0xee: {  	s20 =	sadd.s32 $0x1000, s19;
	[sflag:s6] =	ssyncadd.s32 $0xFFFFD800  }
0xef: {  	[spmem:s1] =	stream.indirect.scatter.add.f32 [tilespmem:s23], [sflag:$0x5], $0x80, s20, s26, $0xb8;
	v63 =	vld [tilespmem:$0x0]  }
0xf0: {  	_ =	swait.ge [sflag:s7], $0x2800  }
0xf1: {  	[sflag:s7] =	ssyncset.done $0x0  }
0xf2: {  	s20 =	sadd.s32 $0x200, s19;
	[sflag:s7] =	ssyncadd.s32 $0xFFFFD800  }
0xf3: {  	[tilespmem:s23], [sflag:$0x1] =	stream.indirect.gather [hbm4b:s4+s26], $0x80, s20, s26, $0xb8;
	v63 =	vld [tilespmem:$0x0]  }
0xf4: {  	_ =	swait.ge [sflag:s8], $0x2800  }
0xf5: {  	[sflag:s8] =	ssyncset.done $0x0  }
0xf6: {  	s20 =	sadd.s32 $0x1080, s19;
	[sflag:s8] =	ssyncadd.s32 $0xFFFFD800  }
0xf7: {  	[spmem:s1] =	stream.indirect.scatter.add.f32 [tilespmem:s29], [sflag:$0x6], $0x80, s20, s26, $0xb8;
	v63 =	vld [tilespmem:$0x0]  }
0xf8: {  	_ =	swait.ge [sflag:s9], $0x2800  }
0xf9: {  	[sflag:s9] =	ssyncset.done $0x0  }
0xfa: {  	s20 =	sadd.s32 $0x280, s19;
	[sflag:s9] =	ssyncadd.s32 $0xFFFFD800  }
0xfb: {  	[tilespmem:s29], [sflag:$0x2] =	stream.indirect.gather [hbm4b:s4+s26], $0x80, s20, s26, $0xb8;
	v63 =	vld [tilespmem:$0x0]  }
0xfc: {  	_ =	swait.ge [sflag:s10], $0x2800  }
0xfd: {  	[sflag:s10] =	ssyncset.done $0x0  }
0xfe: {  	s20 =	sadd.s32 $0x1100, s19;
	[sflag:s10] =	ssyncadd.s32 $0xFFFFD800  }
0xff: {  	[spmem:s1] =	stream.indirect.scatter.add.f32 [tilespmem:s31], [sflag:$0x7], $0x80, s20, s26, $0xb8;
	v63 =	vld [tilespmem:$0x0]  }
0x100: {  	_ =	swait.ge [sflag:s11], $0x2800  }
0x101: {  	[sflag:s11] =	ssyncset.done $0x0  }
0x102: {  	s20 =	sadd.s32 $0x300, s19;
	[sflag:s11] =	ssyncadd.s32 $0xFFFFD800  }
0x103: {  	[tilespmem:s31], [sflag:$0x3] =	stream.indirect.gather [hbm4b:s4+s26], $0x80, s20, s26, $0xb8;
	v63 =	vld [tilespmem:$0x0]  }
0x104: {  	_ =	swait.ge [sflag:s12], $0x2800  }
0x105: {  	[sflag:s12] =	ssyncset.done $0x0  }
.Ltmp2:
0x106: {  	s20 =	sadd.s32 $0x1180, s19;
	[sflag:s12] =	ssyncadd.s32 $0xFFFFD800;
	(pc) =	sbr.rel @p0 .LBB2_6-.Ltmp2, $4  }
0x107: {  	[spmem:s1] =	stream.indirect.scatter.add.f32 [tilespmem:s2], [sflag:$0x8], $0x80, s20, s26, $0xb8;
	v63 =	vld [tilespmem:$0x0]  }
0x108: {  	_ =	swait.ge [sflag:s13], $0x2800  }
0x109: {  	[sflag:s13] =	ssyncset.done $0x0  }
0x10a: {  	s19 =	sadd.s32 $0x380, s19;
	[sflag:s13] =	ssyncadd.s32 $0xFFFFD800  }
0x10b: {  	[tilespmem:s2], [sflag:$0x4] =	stream.indirect.gather [hbm4b:s4+s26], $0x80, s19, s26, $0xb8;
	v63 =	vld [tilespmem:$0x0]  }
0x10c: {  	_ =	swait.ge [sflag:s6], $0x2800  }
0x10d: {  	[sflag:s6] =	ssyncset.done $0x0  }
0x10e: {  	[sflag:s6] =	ssyncadd.s32 $0xFFFFD800  }
0x10f: {  	[spmem:s1] =	stream.indirect.scatter.add.f32 [tilespmem:s23], [sflag:$0x5], $0x80, s14, s26, $0xb8;
	v63 =	vld [tilespmem:$0x0]  }
0x110: {  	_ =	swait.ge [sflag:s7], $0x2800  }
0x111: {  	[sflag:s7] =	ssyncset.done $0x0  }
0x112: {  	[sflag:s7] =	ssyncadd.s32 $0xFFFFD800  }
0x113: {  	_ =	swait.ge [sflag:s8], $0x2800  }
0x114: {  	[sflag:s8] =	ssyncset.done $0x0  }
0x115: {  	[sflag:s8] =	ssyncadd.s32 $0xFFFFD800  }
0x116: {  	[spmem:s1] =	stream.indirect.scatter.add.f32 [tilespmem:s29], [sflag:$0x6], $0x80, s15, s26, $0xb8;
	v63 =	vld [tilespmem:$0x0]  }
0x117: {  	_ =	swait.ge [sflag:s9], $0x2800  }
0x118: {  	[sflag:s9] =	ssyncset.done $0x0  }
0x119: {  	[sflag:s9] =	ssyncadd.s32 $0xFFFFD800  }
0x11a: {  	_ =	swait.ge [sflag:s10], $0x2800  }
0x11b: {  	[sflag:s10] =	ssyncset.done $0x0  }
0x11c: {  	[sflag:s10] =	ssyncadd.s32 $0xFFFFD800  }
0x11d: {  	[spmem:s1] =	stream.indirect.scatter.add.f32 [tilespmem:s31], [sflag:$0x7], $0x80, s16, s26, $0xb8;
	v63 =	vld [tilespmem:$0x0]  }
0x11e: {  	_ =	swait.ge [sflag:s11], $0x2800  }
0x11f: {  	[sflag:s11] =	ssyncset.done $0x0  }
0x120: {  	[sflag:s11] =	ssyncadd.s32 $0xFFFFD800  }
0x121: {  	_ =	swait.ge [sflag:s12], $0x2800  }
0x122: {  	[sflag:s12] =	ssyncset.done $0x0  }
0x123: {  	[sflag:s12] =	ssyncadd.s32 $0xFFFFD800  }
0x124: {  	[spmem:s1] =	stream.indirect.scatter.add.f32 [tilespmem:s2], [sflag:$0x8], $0x80, s17, s26, $0xb8;
	v63 =	vld [tilespmem:$0x0]  }
0x125: {  	_ =	swait.ge [sflag:s13], $0x2800  }
0x126: {  	[sflag:s13] =	ssyncset.done $0x0  }
0x127: {  	s18 =	simm.s32 $0x0;
	s20 =	rddreg [dreg:$0xe];
	[sflag:s13] =	ssyncadd.s32 $0xFFFFD800  }
0x128: {  	[tilespmem:s18], [sflag:$0x9] =	stream.linear.gather [hbm4b:s20+s18], $0x1000, $0x38;
	v63 =	vld [tilespmem:$0x0]  }
0x129: {  	_ =	swait.ge [sflag:s24], $0x1000  }
0x12a: {  	[sflag:s24] =	ssyncset.done $0x0  }
0x12b: {  	s20 =	rddreg [dreg:$0xf];
	[sflag:s24] =	ssyncadd.s32 $0xFFFFF000  }
0x12c: {  	[tilespmem:s25], [sflag:$0x9] =	stream.linear.gather [hbm4b:s20+s18], $0x1000, $0x38;
	v63 =	vld [tilespmem:$0x0]  }
0x12d: {  	_ =	swait.ge [sflag:s24], $0x1000  }
0x12e: {  	[sflag:s24] =	ssyncset.done $0x0  }
0x12f: {  	[sflag:s24] =	ssyncadd.s32 $0xFFFFF000  }
0x130: {  	[tilespmem:s23], [sflag:$0x1] =	stream.indirect.gather [hbm4b:s4+s26], $0x80, s18, s26, $0xb8;
	v63 =	vld [tilespmem:$0x0]  }
0x131: {  	_ = 	snop  }
0x132: {  	[tilespmem:s29], [sflag:$0x2] =	stream.indirect.gather [hbm4b:s4+s26], $0x80, s28, s26, $0xb8;
	v63 =	vld [tilespmem:$0x0]  }
0x133: {  	_ = 	snop  }
0x134: {  	[tilespmem:s31], [sflag:$0x3] =	stream.indirect.gather [hbm4b:s4+s26], $0x80, s30, s26, $0xb8;
	v63 =	vld [tilespmem:$0x0]  }
0x135: {  	_ = 	snop  }
0x136: {  	[tilespmem:s2], [sflag:$0x4] =	stream.indirect.gather [hbm4b:s4+s26], $0x80, s0, s26, $0xb8;
	v63 =	vld [tilespmem:$0x0]  }
0x137: {  	_ =	swait.ge [sflag:s6], $0x2800  }
0x138: {  	[sflag:s6] =	ssyncset.done $0x0  }
0x139: {  	s20 =	simm.s32 $0x1000;
	[sflag:s6] =	ssyncadd.s32 $0xFFFFD800  }
0x13a: {  	[spmem:s1] =	stream.indirect.scatter.add.f32 [tilespmem:s23], [sflag:$0x5], $0x80, s20, s26, $0xb8;
	v63 =	vld [tilespmem:$0x0]  }
0x13b: {  	_ =	swait.ge [sflag:s7], $0x2800  }
0x13c: {  	[sflag:s7] =	ssyncset.done $0x0  }
0x13d: {  	s19 =	simm.s32 $0x200;
	[sflag:s7] =	ssyncadd.s32 $0xFFFFD800  }
0x13e: {  	[tilespmem:s23], [sflag:$0x1] =	stream.indirect.gather [hbm4b:s4+s26], $0x80, s19, s26, $0xb8;
	v63 =	vld [tilespmem:$0x0]  }
0x13f: {  	_ =	swait.ge [sflag:s8], $0x2800  }
0x140: {  	[sflag:s8] =	ssyncset.done $0x0  }
0x141: {  	s20 =	simm.s32 $0x1080;
	[sflag:s8] =	ssyncadd.s32 $0xFFFFD800  }
0x142: {  	[spmem:s1] =	stream.indirect.scatter.add.f32 [tilespmem:s29], [sflag:$0x6], $0x80, s20, s26, $0xb8;
	v63 =	vld [tilespmem:$0x0]  }
0x143: {  	_ =	swait.ge [sflag:s9], $0x2800  }
0x144: {  	[sflag:s9] =	ssyncset.done $0x0  }
0x145: {  	s19 =	simm.s32 $0x280;
	[sflag:s9] =	ssyncadd.s32 $0xFFFFD800  }
0x146: {  	[tilespmem:s29], [sflag:$0x2] =	stream.indirect.gather [hbm4b:s4+s26], $0x80, s19, s26, $0xb8;
	v63 =	vld [tilespmem:$0x0]  }
0x147: {  	_ =	swait.ge [sflag:s10], $0x2800  }
0x148: {  	[sflag:s10] =	ssyncset.done $0x0  }
0x149: {  	s20 =	simm.s32 $0x1100;
	[sflag:s10] =	ssyncadd.s32 $0xFFFFD800  }
0x14a: {  	[spmem:s1] =	stream.indirect.scatter.add.f32 [tilespmem:s31], [sflag:$0x7], $0x80, s20, s26, $0xb8;
	v63 =	vld [tilespmem:$0x0]  }
0x14b: {  	_ =	swait.ge [sflag:s11], $0x2800  }
0x14c: {  	[sflag:s11] =	ssyncset.done $0x0  }
0x14d: {  	s19 =	simm.s32 $0x300;
	[sflag:s11] =	ssyncadd.s32 $0xFFFFD800  }
0x14e: {  	[tilespmem:s31], [sflag:$0x3] =	stream.indirect.gather [hbm4b:s4+s26], $0x80, s19, s26, $0xb8;
	v63 =	vld [tilespmem:$0x0]  }
0x14f: {  	_ =	swait.ge [sflag:s12], $0x2800  }
0x150: {  	[sflag:s12] =	ssyncset.done $0x0  }
0x151: {  	s20 =	simm.s32 $0x1180;
	[sflag:s12] =	ssyncadd.s32 $0xFFFFD800  }
0x152: {  	[spmem:s1] =	stream.indirect.scatter.add.f32 [tilespmem:s2], [sflag:$0x8], $0x80, s20, s26, $0xb8;
	v63 =	vld [tilespmem:$0x0]  }
0x153: {  	_ =	swait.ge [sflag:s13], $0x2800  }
0x154: {  	[sflag:s13] =	ssyncset.done $0x0  }
0x155: {  	s18 =	simm.s32 $0x800;
	s19 =	simm.s32 $0x380;
	[sflag:s13] =	ssyncadd.s32 $0xFFFFD800  }
.LBB2_8:
0x156: {  	[tilespmem:s2], [sflag:$0x4] =	stream.indirect.gather [hbm4b:s4+s26], $0x80, s19, s26, $0xb8;
	v63 =	vld [tilespmem:$0x0]  }
0x157: {  	s19 =	smov.u32 s18  }
0x158: {  	p0 =	sne.s32 s18, $0x3000;
	s18 =	sadd.s32 $0x800, s18;
	_ =	swait.ge [sflag:s6], $0x2800  }
0x159: {  	s19 =	sshra.s32 s19, $0x2;
	[sflag:s6] =	ssyncset.done $0x0  }
0x15a: {  	s20 =	sadd.s32 $0x1000, s19;
	[sflag:s6] =	ssyncadd.s32 $0xFFFFD800  }
0x15b: {  	[spmem:s1] =	stream.indirect.scatter.add.f32 [tilespmem:s23], [sflag:$0x5], $0x80, s20, s26, $0xb8;
	v63 =	vld [tilespmem:$0x0]  }
0x15c: {  	_ =	swait.ge [sflag:s7], $0x2800  }
0x15d: {  	[sflag:s7] =	ssyncset.done $0x0  }
0x15e: {  	s20 =	sadd.s32 $0x200, s19;
	[sflag:s7] =	ssyncadd.s32 $0xFFFFD800  }
0x15f: {  	[tilespmem:s23], [sflag:$0x1] =	stream.indirect.gather [hbm4b:s4+s26], $0x80, s20, s26, $0xb8;
	v63 =	vld [tilespmem:$0x0]  }
0x160: {  	_ =	swait.ge [sflag:s8], $0x2800  }
0x161: {  	[sflag:s8] =	ssyncset.done $0x0  }
0x162: {  	s20 =	sadd.s32 $0x1080, s19;
	[sflag:s8] =	ssyncadd.s32 $0xFFFFD800  }
0x163: {  	[spmem:s1] =	stream.indirect.scatter.add.f32 [tilespmem:s29], [sflag:$0x6], $0x80, s20, s26, $0xb8;
	v63 =	vld [tilespmem:$0x0]  }
0x164: {  	_ =	swait.ge [sflag:s9], $0x2800  }
0x165: {  	[sflag:s9] =	ssyncset.done $0x0  }
0x166: {  	s20 =	sadd.s32 $0x280, s19;
	[sflag:s9] =	ssyncadd.s32 $0xFFFFD800  }
0x167: {  	[tilespmem:s29], [sflag:$0x2] =	stream.indirect.gather [hbm4b:s4+s26], $0x80, s20, s26, $0xb8;
	v63 =	vld [tilespmem:$0x0]  }
0x168: {  	_ =	swait.ge [sflag:s10], $0x2800  }
0x169: {  	[sflag:s10] =	ssyncset.done $0x0  }
0x16a: {  	s20 =	sadd.s32 $0x1100, s19;
	[sflag:s10] =	ssyncadd.s32 $0xFFFFD800  }
0x16b: {  	[spmem:s1] =	stream.indirect.scatter.add.f32 [tilespmem:s31], [sflag:$0x7], $0x80, s20, s26, $0xb8;
	v63 =	vld [tilespmem:$0x0]  }
0x16c: {  	_ =	swait.ge [sflag:s11], $0x2800  }
0x16d: {  	[sflag:s11] =	ssyncset.done $0x0  }
0x16e: {  	s20 =	sadd.s32 $0x300, s19;
	[sflag:s11] =	ssyncadd.s32 $0xFFFFD800  }
0x16f: {  	[tilespmem:s31], [sflag:$0x3] =	stream.indirect.gather [hbm4b:s4+s26], $0x80, s20, s26, $0xb8;
	v63 =	vld [tilespmem:$0x0]  }
0x170: {  	_ =	swait.ge [sflag:s12], $0x2800  }
0x171: {  	[sflag:s12] =	ssyncset.done $0x0  }
.Ltmp3:
0x172: {  	s20 =	sadd.s32 $0x1180, s19;
	[sflag:s12] =	ssyncadd.s32 $0xFFFFD800;
	(pc) =	sbr.rel @p0 .LBB2_8-.Ltmp3, $4  }
0x173: {  	[spmem:s1] =	stream.indirect.scatter.add.f32 [tilespmem:s2], [sflag:$0x8], $0x80, s20, s26, $0xb8;
	v63 =	vld [tilespmem:$0x0]  }
0x174: {  	_ =	swait.ge [sflag:s13], $0x2800  }
0x175: {  	[sflag:s13] =	ssyncset.done $0x0  }
0x176: {  	s19 =	sadd.s32 $0x380, s19;
	[sflag:s13] =	ssyncadd.s32 $0xFFFFD800  }
0x177: {  	[tilespmem:s2], [sflag:$0x4] =	stream.indirect.gather [hbm4b:s4+s26], $0x80, s19, s26, $0xb8;
	v63 =	vld [tilespmem:$0x0]  }
0x178: {  	_ =	swait.ge [sflag:s6], $0x2800  }
0x179: {  	[sflag:s6] =	ssyncset.done $0x0  }
0x17a: {  	[sflag:s6] =	ssyncadd.s32 $0xFFFFD800  }
0x17b: {  	[spmem:s1] =	stream.indirect.scatter.add.f32 [tilespmem:s23], [sflag:$0x5], $0x80, s14, s26, $0xb8;
	v63 =	vld [tilespmem:$0x0]  }
0x17c: {  	_ =	swait.ge [sflag:s7], $0x2800  }
0x17d: {  	[sflag:s7] =	ssyncset.done $0x0  }
0x17e: {  	[sflag:s7] =	ssyncadd.s32 $0xFFFFD800  }
0x17f: {  	_ =	swait.ge [sflag:s8], $0x2800  }
0x180: {  	[sflag:s8] =	ssyncset.done $0x0  }
0x181: {  	[sflag:s8] =	ssyncadd.s32 $0xFFFFD800  }
0x182: {  	[spmem:s1] =	stream.indirect.scatter.add.f32 [tilespmem:s29], [sflag:$0x6], $0x80, s15, s26, $0xb8;
	v63 =	vld [tilespmem:$0x0]  }
0x183: {  	_ =	swait.ge [sflag:s9], $0x2800  }
0x184: {  	[sflag:s9] =	ssyncset.done $0x0  }
0x185: {  	[sflag:s9] =	ssyncadd.s32 $0xFFFFD800  }
0x186: {  	_ =	swait.ge [sflag:s10], $0x2800  }
0x187: {  	[sflag:s10] =	ssyncset.done $0x0  }
0x188: {  	[sflag:s10] =	ssyncadd.s32 $0xFFFFD800  }
0x189: {  	[spmem:s1] =	stream.indirect.scatter.add.f32 [tilespmem:s31], [sflag:$0x7], $0x80, s16, s26, $0xb8;
	v63 =	vld [tilespmem:$0x0]  }
0x18a: {  	_ =	swait.ge [sflag:s11], $0x2800  }
0x18b: {  	[sflag:s11] =	ssyncset.done $0x0  }
0x18c: {  	[sflag:s11] =	ssyncadd.s32 $0xFFFFD800  }
0x18d: {  	_ =	swait.ge [sflag:s12], $0x2800  }
0x18e: {  	[sflag:s12] =	ssyncset.done $0x0  }
0x18f: {  	[sflag:s12] =	ssyncadd.s32 $0xFFFFD800  }
0x190: {  	[spmem:s1] =	stream.indirect.scatter.add.f32 [tilespmem:s2], [sflag:$0x8], $0x80, s17, s26, $0xb8;
	v63 =	vld [tilespmem:$0x0]  }
0x191: {  	_ =	swait.ge [sflag:s13], $0x2800  }
0x192: {  	[sflag:s13] =	ssyncset.done $0x0  }
0x193: {  	s18 =	simm.s32 $0x0;
	s20 =	rddreg [dreg:$0x10];
	[sflag:s13] =	ssyncadd.s32 $0xFFFFD800  }
0x194: {  	[tilespmem:s18], [sflag:$0x9] =	stream.linear.gather [hbm4b:s20+s18], $0x1000, $0x38;
	v63 =	vld [tilespmem:$0x0]  }
0x195: {  	_ =	swait.ge [sflag:s24], $0x1000  }
0x196: {  	[sflag:s24] =	ssyncset.done $0x0  }
0x197: {  	s20 =	rddreg [dreg:$0x11];
	[sflag:s24] =	ssyncadd.s32 $0xFFFFF000  }
0x198: {  	[tilespmem:s25], [sflag:$0x9] =	stream.linear.gather [hbm4b:s20+s18], $0x1000, $0x38;
	v63 =	vld [tilespmem:$0x0]  }
0x199: {  	_ =	swait.ge [sflag:s24], $0x1000  }
0x19a: {  	[sflag:s24] =	ssyncset.done $0x0  }
0x19b: {  	[sflag:s24] =	ssyncadd.s32 $0xFFFFF000  }
0x19c: {  	[tilespmem:s23], [sflag:$0x1] =	stream.indirect.gather [hbm4b:s4+s26], $0x80, s18, s26, $0xb8;
	v63 =	vld [tilespmem:$0x0]  }
0x19d: {  	_ = 	snop  }
0x19e: {  	[tilespmem:s29], [sflag:$0x2] =	stream.indirect.gather [hbm4b:s4+s26], $0x80, s28, s26, $0xb8;
	v63 =	vld [tilespmem:$0x0]  }
0x19f: {  	_ = 	snop  }
0x1a0: {  	[tilespmem:s31], [sflag:$0x3] =	stream.indirect.gather [hbm4b:s4+s26], $0x80, s30, s26, $0xb8;
	v63 =	vld [tilespmem:$0x0]  }
0x1a1: {  	_ = 	snop  }
0x1a2: {  	[tilespmem:s2], [sflag:$0x4] =	stream.indirect.gather [hbm4b:s4+s26], $0x80, s0, s26, $0xb8;
	v63 =	vld [tilespmem:$0x0]  }
0x1a3: {  	_ =	swait.ge [sflag:s6], $0x2800  }
0x1a4: {  	[sflag:s6] =	ssyncset.done $0x0  }
0x1a5: {  	s20 =	simm.s32 $0x1000;
	[sflag:s6] =	ssyncadd.s32 $0xFFFFD800  }
0x1a6: {  	[spmem:s1] =	stream.indirect.scatter.add.f32 [tilespmem:s23], [sflag:$0x5], $0x80, s20, s26, $0xb8;
	v63 =	vld [tilespmem:$0x0]  }
0x1a7: {  	_ =	swait.ge [sflag:s7], $0x2800  }
0x1a8: {  	[sflag:s7] =	ssyncset.done $0x0  }
0x1a9: {  	s19 =	simm.s32 $0x200;
	[sflag:s7] =	ssyncadd.s32 $0xFFFFD800  }
0x1aa: {  	[tilespmem:s23], [sflag:$0x1] =	stream.indirect.gather [hbm4b:s4+s26], $0x80, s19, s26, $0xb8;
	v63 =	vld [tilespmem:$0x0]  }
0x1ab: {  	_ =	swait.ge [sflag:s8], $0x2800  }
0x1ac: {  	[sflag:s8] =	ssyncset.done $0x0  }
0x1ad: {  	s20 =	simm.s32 $0x1080;
	[sflag:s8] =	ssyncadd.s32 $0xFFFFD800  }
0x1ae: {  	[spmem:s1] =	stream.indirect.scatter.add.f32 [tilespmem:s29], [sflag:$0x6], $0x80, s20, s26, $0xb8;
	v63 =	vld [tilespmem:$0x0]  }
0x1af: {  	_ =	swait.ge [sflag:s9], $0x2800  }
0x1b0: {  	[sflag:s9] =	ssyncset.done $0x0  }
0x1b1: {  	s19 =	simm.s32 $0x280;
	[sflag:s9] =	ssyncadd.s32 $0xFFFFD800  }
0x1b2: {  	[tilespmem:s29], [sflag:$0x2] =	stream.indirect.gather [hbm4b:s4+s26], $0x80, s19, s26, $0xb8;
	v63 =	vld [tilespmem:$0x0]  }
0x1b3: {  	_ =	swait.ge [sflag:s10], $0x2800  }
0x1b4: {  	[sflag:s10] =	ssyncset.done $0x0  }
0x1b5: {  	s20 =	simm.s32 $0x1100;
	[sflag:s10] =	ssyncadd.s32 $0xFFFFD800  }
0x1b6: {  	[spmem:s1] =	stream.indirect.scatter.add.f32 [tilespmem:s31], [sflag:$0x7], $0x80, s20, s26, $0xb8;
	v63 =	vld [tilespmem:$0x0]  }
0x1b7: {  	_ =	swait.ge [sflag:s11], $0x2800  }
0x1b8: {  	[sflag:s11] =	ssyncset.done $0x0  }
0x1b9: {  	s19 =	simm.s32 $0x300;
	[sflag:s11] =	ssyncadd.s32 $0xFFFFD800  }
0x1ba: {  	[tilespmem:s31], [sflag:$0x3] =	stream.indirect.gather [hbm4b:s4+s26], $0x80, s19, s26, $0xb8;
	v63 =	vld [tilespmem:$0x0]  }
0x1bb: {  	_ =	swait.ge [sflag:s12], $0x2800  }
0x1bc: {  	[sflag:s12] =	ssyncset.done $0x0  }
0x1bd: {  	s20 =	simm.s32 $0x1180;
	[sflag:s12] =	ssyncadd.s32 $0xFFFFD800  }
0x1be: {  	[spmem:s1] =	stream.indirect.scatter.add.f32 [tilespmem:s2], [sflag:$0x8], $0x80, s20, s26, $0xb8;
	v63 =	vld [tilespmem:$0x0]  }
0x1bf: {  	_ =	swait.ge [sflag:s13], $0x2800  }
0x1c0: {  	[sflag:s13] =	ssyncset.done $0x0  }
0x1c1: {  	s18 =	simm.s32 $0x800;
	s19 =	simm.s32 $0x380;
	[sflag:s13] =	ssyncadd.s32 $0xFFFFD800  }
.LBB2_10:
0x1c2: {  	[tilespmem:s2], [sflag:$0x4] =	stream.indirect.gather [hbm4b:s4+s26], $0x80, s19, s26, $0xb8;
	v63 =	vld [tilespmem:$0x0]  }
0x1c3: {  	s19 =	smov.u32 s18  }
0x1c4: {  	p0 =	sne.s32 s18, $0x3000;
	s18 =	sadd.s32 $0x800, s18;
	_ =	swait.ge [sflag:s6], $0x2800  }
0x1c5: {  	s19 =	sshra.s32 s19, $0x2;
	[sflag:s6] =	ssyncset.done $0x0  }
0x1c6: {  	s20 =	sadd.s32 $0x1000, s19;
	[sflag:s6] =	ssyncadd.s32 $0xFFFFD800  }
0x1c7: {  	[spmem:s1] =	stream.indirect.scatter.add.f32 [tilespmem:s23], [sflag:$0x5], $0x80, s20, s26, $0xb8;
	v63 =	vld [tilespmem:$0x0]  }
0x1c8: {  	_ =	swait.ge [sflag:s7], $0x2800  }
0x1c9: {  	[sflag:s7] =	ssyncset.done $0x0  }
0x1ca: {  	s20 =	sadd.s32 $0x200, s19;
	[sflag:s7] =	ssyncadd.s32 $0xFFFFD800  }
0x1cb: {  	[tilespmem:s23], [sflag:$0x1] =	stream.indirect.gather [hbm4b:s4+s26], $0x80, s20, s26, $0xb8;
	v63 =	vld [tilespmem:$0x0]  }
0x1cc: {  	_ =	swait.ge [sflag:s8], $0x2800  }
0x1cd: {  	[sflag:s8] =	ssyncset.done $0x0  }
0x1ce: {  	s20 =	sadd.s32 $0x1080, s19;
	[sflag:s8] =	ssyncadd.s32 $0xFFFFD800  }
0x1cf: {  	[spmem:s1] =	stream.indirect.scatter.add.f32 [tilespmem:s29], [sflag:$0x6], $0x80, s20, s26, $0xb8;
	v63 =	vld [tilespmem:$0x0]  }
0x1d0: {  	_ =	swait.ge [sflag:s9], $0x2800  }
0x1d1: {  	[sflag:s9] =	ssyncset.done $0x0  }
0x1d2: {  	s20 =	sadd.s32 $0x280, s19;
	[sflag:s9] =	ssyncadd.s32 $0xFFFFD800  }
0x1d3: {  	[tilespmem:s29], [sflag:$0x2] =	stream.indirect.gather [hbm4b:s4+s26], $0x80, s20, s26, $0xb8;
	v63 =	vld [tilespmem:$0x0]  }
0x1d4: {  	_ =	swait.ge [sflag:s10], $0x2800  }
0x1d5: {  	[sflag:s10] =	ssyncset.done $0x0  }
0x1d6: {  	s20 =	sadd.s32 $0x1100, s19;
	[sflag:s10] =	ssyncadd.s32 $0xFFFFD800  }
0x1d7: {  	[spmem:s1] =	stream.indirect.scatter.add.f32 [tilespmem:s31], [sflag:$0x7], $0x80, s20, s26, $0xb8;
	v63 =	vld [tilespmem:$0x0]  }
0x1d8: {  	_ =	swait.ge [sflag:s11], $0x2800  }
0x1d9: {  	[sflag:s11] =	ssyncset.done $0x0  }
0x1da: {  	s20 =	sadd.s32 $0x300, s19;
	[sflag:s11] =	ssyncadd.s32 $0xFFFFD800  }
0x1db: {  	[tilespmem:s31], [sflag:$0x3] =	stream.indirect.gather [hbm4b:s4+s26], $0x80, s20, s26, $0xb8;
	v63 =	vld [tilespmem:$0x0]  }
0x1dc: {  	_ =	swait.ge [sflag:s12], $0x2800  }
0x1dd: {  	[sflag:s12] =	ssyncset.done $0x0  }
.Ltmp4:
0x1de: {  	s20 =	sadd.s32 $0x1180, s19;
	[sflag:s12] =	ssyncadd.s32 $0xFFFFD800;
	(pc) =	sbr.rel @p0 .LBB2_10-.Ltmp4, $4  }
0x1df: {  	[spmem:s1] =	stream.indirect.scatter.add.f32 [tilespmem:s2], [sflag:$0x8], $0x80, s20, s26, $0xb8;
	v63 =	vld [tilespmem:$0x0]  }
0x1e0: {  	_ =	swait.ge [sflag:s13], $0x2800  }
0x1e1: {  	[sflag:s13] =	ssyncset.done $0x0  }
0x1e2: {  	s19 =	sadd.s32 $0x380, s19;
	[sflag:s13] =	ssyncadd.s32 $0xFFFFD800  }
0x1e3: {  	[tilespmem:s2], [sflag:$0x4] =	stream.indirect.gather [hbm4b:s4+s26], $0x80, s19, s26, $0xb8;
	v63 =	vld [tilespmem:$0x0]  }
0x1e4: {  	_ =	swait.ge [sflag:s6], $0x2800  }
0x1e5: {  	[sflag:s6] =	ssyncset.done $0x0  }
0x1e6: {  	[sflag:s6] =	ssyncadd.s32 $0xFFFFD800  }
0x1e7: {  	[spmem:s1] =	stream.indirect.scatter.add.f32 [tilespmem:s23], [sflag:$0x5], $0x80, s14, s26, $0xb8;
	v63 =	vld [tilespmem:$0x0]  }
0x1e8: {  	_ =	swait.ge [sflag:s7], $0x2800  }
0x1e9: {  	[sflag:s7] =	ssyncset.done $0x0  }
0x1ea: {  	[sflag:s7] =	ssyncadd.s32 $0xFFFFD800  }
0x1eb: {  	_ =	swait.ge [sflag:s8], $0x2800  }
0x1ec: {  	[sflag:s8] =	ssyncset.done $0x0  }
0x1ed: {  	[sflag:s8] =	ssyncadd.s32 $0xFFFFD800  }
0x1ee: {  	[spmem:s1] =	stream.indirect.scatter.add.f32 [tilespmem:s29], [sflag:$0x6], $0x80, s15, s26, $0xb8;
	v63 =	vld [tilespmem:$0x0]  }
0x1ef: {  	_ =	swait.ge [sflag:s9], $0x2800  }
0x1f0: {  	[sflag:s9] =	ssyncset.done $0x0  }
0x1f1: {  	[sflag:s9] =	ssyncadd.s32 $0xFFFFD800  }
0x1f2: {  	_ =	swait.ge [sflag:s10], $0x2800  }
0x1f3: {  	[sflag:s10] =	ssyncset.done $0x0  }
0x1f4: {  	[sflag:s10] =	ssyncadd.s32 $0xFFFFD800  }
0x1f5: {  	[spmem:s1] =	stream.indirect.scatter.add.f32 [tilespmem:s31], [sflag:$0x7], $0x80, s16, s26, $0xb8;
	v63 =	vld [tilespmem:$0x0]  }
0x1f6: {  	_ =	swait.ge [sflag:s11], $0x2800  }
0x1f7: {  	[sflag:s11] =	ssyncset.done $0x0  }
0x1f8: {  	[sflag:s11] =	ssyncadd.s32 $0xFFFFD800  }
0x1f9: {  	_ =	swait.ge [sflag:s12], $0x2800  }
0x1fa: {  	[sflag:s12] =	ssyncset.done $0x0  }
0x1fb: {  	[sflag:s12] =	ssyncadd.s32 $0xFFFFD800  }
0x1fc: {  	[spmem:s1] =	stream.indirect.scatter.add.f32 [tilespmem:s2], [sflag:$0x8], $0x80, s17, s26, $0xb8;
	v63 =	vld [tilespmem:$0x0]  }
0x1fd: {  	s18 =	stileid.u32;
	_ =	swait.ge [sflag:s13], $0x2800  }
0x1fe: {  	s20 =	sshrl.u32 s5, $0x3;
	s3 =	sadd.s32 $0x1, s3;
	[sflag:s13] =	ssyncset.done $0x0  }
0x1ff: {  	s18 =	sshll.u32 s18, $0x6;
	p0 =	sne.s32 s3, s22;
	[sflag:s13] =	ssyncadd.s32 $0xFFFFD800  }
.Ltmp5:
0x200: {  	s18 =	sor.u32 $0x1C09, s18;
	[bflag:$0x0] =	sbarrier.arrive $0xFFFF;
	(pc) =	sbr.rel @p0 .LBB2_1-.Ltmp5, $4  }
0x201: {  	[hbm:s21], [sflag:s18] =	dma.local [spmem:s20], $0x2800  }
0x202: {  	_ =	swait.ge [sflag:s24], $0x2800  }
0x203: {  	[sflag:s24] =	ssyncset.done $0x0  }
0x204: {  	[sflag:s24] =	ssyncadd.s32 $0xFFFFD800  }
0x205: {  	_ =	sfence.sel $0x180000  }
0x206: {  	[bflag:$0x0] =	sbarrier.arrive $0xFFFF  }
0x207: {  	_ =	strace $0x9000004D  }
0x208: {  	s0 =	stileid.u32;
	[bflag:$0x2] =	sbarrier.arrive $0xFFFF  }
0x209: {  	p0 =	sne.s32 s0, $0x0;
	s0 =	rddreg [dreg:$0x2]  }
0x20a: {  	s0 =	sadd.s32 @!p0 $0x100000, s0  }
0x20b: {  	[sflag:s0] =	ssyncadd.tile.s32 @!p0 $0x1;
	_ =	shalt  }
.Lfunc_end2:
_tile_overlayer_lowered:
.L_overlay_start_2:
0x20c: {  	(tag) =	ssettag $0x2  }
0x20d: {  	s0 =	rddreg [dreg:$0x0];
	s2 =	stileid.u32  }
0x20e: {  	s1 =	rddreg [dreg:$0x1];
	p0 =	sne.s32 s2, $0x0  }
0x20f: {  	s3 =	rddreg [dreg:$0x2];
	[bflag:$0x3] =	sbarrier.arrive $0xFFFF;
	s2 =	simm.s32 @!p0 $0x1C09  }
0x210: {  	[timem:s3], [sflag:s2] =	dma.local @!p0 [hbm:s0], s1  }
0x211: {  	s0 =	simm.s32 @!p0 $0x9  }
0x212: {  	_ =	swait.ge @!p0 [sflag:s0], s1  }
0x213: {  	s1 =	ssub.s32 @!p0 $0x0, s1;
	[sflag:s0] =	ssyncset.done @!p0 $0x0  }
0x214: {  	[sflag:s0] =	ssyncadd.s32 @!p0 s1  }
0x215: {  	[bflag:$0x3] =	sbarrier.arrive $0xFFFF  }
0x216: {  	_ =	shalt  }

// kernel: kernel.8.cloned.1.call-start
scs
__scs_entry_jumppad:
0x0: {  	(pc) =	sbr.rel $0x88, $3  }
0x1: {  	(tag) =	ssettag $0x0;
	lr =	simm.s32 $0x1  }
0x2: {  	[smem:$0x3F97] =	sst lr;
	_ =	strace $0xD0000000  }
0x3: {  	_ = 	snop  }
0x4: {  	_ = 	snop  }
0x5: {  	_ = 	snop  }
0x6: {  	_ = 	snop  }
0x7: {  	_ = 	snop  }
__scs_overlays_trampoline_lowered:
0x8: {  	[smem:$0x3FA6] =	sst s0  }
0x9: {  	[smem:$0x3FA7] =	sst s1  }
0xa: {  	[smem:$0x3FA8] =	sst s2  }
0xb: {  	[smem:$0x3FA9] =	sst s3  }
0xc: {  	[smem:$0x3FAA] =	sst s4  }
0xd: {  	[smem:$0x3FAB] =	sst s5  }
0xe: {  	[smem:$0x3FAC] =	sst s6  }
0xf: {  	[smem:$0x3FAD] =	sst s7  }
0x10: {  	[smem:$0x3FAE] =	sst s8  }
0x11: {  	[smem:$0x3FAF] =	sst s9;
	s0 =	simm.s32 @!p0 $0x0  }
0x12: {  	s1 =	sld [smem:$0x3F95];
	s0 =	simm.s32 @p0 $0x1  }
0x13: {  	[smem:$0x3FB0] =	sst s0;
	s0 =	simm.s32 @!p1 $0x0  }
0x14: {  	s2 =	sld [smem:$0x3F94];
	s0 =	simm.s32 @p1 $0x1  }
0x15: {  	[smem:$0x3FB1] =	sst s0;
	s0 =	simm.s32 @!p2 $0x0  }
0x16: {  	s3 =	sld [smem:$0x3FDB];
	s0 =	simm.s32 @p2 $0x1  }
0x17: {  	s4 =	simm.s32 $0x1BF5;
	[smem:$0x3FB3] =	sst s0  }
0x18: {  	s0 =	sld [smem:$0x3F96];
	_ =	swait.ge [sflag:s4], $0x0  }
0x19: {  	s7 =	sld [smem:$0x3F97]  }
0x1a: {  	s8 =	sadd.s32 $0xFFFFE003, lr  }
0x1b: {  	s9 =	sadd.s32 $0xFFFFFEF7, lr;
	s5 =	simm.s32 $0xFFFFFFFF;
	p2 =	slt.u32 s8, $0xFFFFF086  }
0x1c: {  	p1 =	slt.u32 s9, $0xF7A;
	s5 =	simm.s32 @!p2 $0x0  }
0x1d: {  	s5 =	simm.s32 @p1 $0x1;
	p0 =	seq.s32 s7, s2  }
0x1e: {  	s7 =	smul.u32 @!p0 $0xF7A, s2;
	p2 =	seq.s32 @!p0 s5, $0x0  }
0x1f: {  	s9 =	smul.u32 $0xF7A, s1;
	s8 =	simm.s32 @!p0 $0x1BF5;
	p2 =	por !p2, p0  }
0x20: {  	[sflag:s8] =	ssyncset.s32 @!p0 $0xFFFFF086;
	s6 =	sadd.s32 @!p0 s3, s7;
	s7 =	simm.s32 @!p0 $0x108  }
0x21: {  	s3 =	sadd.s32 s3, s9;
	s6 =	sadd.s32 @!p0 $0x88, s6;
	s7 =	simm.s32 @p2 $0x1082  }
0x22: {  	[simem:s7], [sflag:s8] =	dma.local @!p0 [hbm:s6], $0xF7A  }
0x23: {  	s9 =	sor.u32 $0xD0000000, s2;
	s6 =	simm.s32 $0x108;
	_ =	swait.ge @!p0 [sflag:s8], $0x0  }
0x24: {  	s3 =	sadd.s32 $0x88, s3;
	s6 =	simm.s32 @!p1 $0x1082;
	[sflag:s4] =	ssyncset.s32 $0xFFFFF086  }
0x25: {  	[simem:s6], [sflag:s4] =	dma.local [hbm:s3], $0xF7A  }
0x26: {  	[smem:$0x3F97] =	sst s1;
	(tag) =	ssettag s2;
	_ =	strace s9  }
0x27: {  	s1 =	sld [smem:$0x3FA7]  }
0x28: {  	s2 =	sld [smem:$0x3FA8]  }
0x29: {  	s4 =	sld [smem:$0x3FAA]  }
0x2a: {  	p0 =	seq.s32 s5, $0x0;
	s5 =	sld [smem:$0x3FAB]  }
0x2b: {  	s6 =	sld [smem:$0x3FAC]  }
0x2c: {  	s7 =	sld [smem:$0x3FAD]  }
0x2d: {  	s3 =	simm.s32 $0x108;
	s8 =	sld [smem:$0x3FAE]  }
0x2e: {  	s3 =	simm.s32 @!p0 $0x1082;
	s9 =	sld [smem:$0x3FAF]  }
0x2f: {  	lr =	sadd.s32 s0, s3;
	s0 =	sld [smem:$0x3FA6]  }
0x30: {  	s3 =	sld [smem:$0x3FA9]  }
0x31: {  	[smem:$0x3FB2] =	sst s10  }
0x32: {  	s10 =	sld [smem:$0x3FB0];
	_ =	sdelay $0x3  }
0x33: {  	p0 =	seq.s32 s10, $0x1;
	s10 =	sld [smem:$0x3FB2];
	_ =	sdelay $0x3  }
0x34: {  	[smem:$0x3FB2] =	sst s10  }
0x35: {  	s10 =	sld [smem:$0x3FB1];
	_ =	sdelay $0x3  }
0x36: {  	p1 =	seq.s32 s10, $0x1;
	s10 =	sld [smem:$0x3FB2];
	_ =	sdelay $0x3  }
0x37: {  	[smem:$0x3FB2] =	sst s10  }
0x38: {  	s10 =	sld [smem:$0x3FB3]  }
0x39: {  	_ = 	snop;
	(pc) =	sbr.ind lr, $3  }
0x3a: {  	_ = 	snop  }
0x3b: {  	_ = 	snop  }
0x3c: {  	p2 =	seq.s32 s10, $0x1;
	s10 =	sld [smem:$0x3FB2]  }
0x3d: {  	_ =	shalt  }
0x3e: {  	_ =	shalt  }
0x3f: {  	_ =	shalt  }
0x40: {  	_ =	shalt  }
0x41: {  	_ =	shalt  }
0x42: {  	_ =	shalt  }
0x43: {  	_ =	shalt  }
0x44: {  	_ =	shalt  }
0x45: {  	_ =	shalt  }
0x46: {  	_ =	shalt  }
0x47: {  	_ =	shalt  }
0x48: {  	_ =	shalt  }
0x49: {  	_ =	shalt  }
0x4a: {  	_ =	shalt  }
0x4b: {  	_ =	shalt  }
0x4c: {  	_ =	shalt  }
0x4d: {  	_ =	shalt  }
0x4e: {  	_ =	shalt  }
0x4f: {  	_ =	shalt  }
0x50: {  	_ =	shalt  }
0x51: {  	_ =	shalt  }
0x52: {  	_ =	shalt  }
0x53: {  	_ =	shalt  }
0x54: {  	_ =	shalt  }
0x55: {  	_ =	shalt  }
0x56: {  	_ =	shalt  }
0x57: {  	_ =	shalt  }
0x58: {  	_ =	shalt  }
0x59: {  	_ =	shalt  }
0x5a: {  	_ =	shalt  }
0x5b: {  	_ =	shalt  }
0x5c: {  	_ =	shalt  }
0x5d: {  	_ =	shalt  }
0x5e: {  	_ =	shalt  }
0x5f: {  	_ =	shalt  }
0x60: {  	_ =	shalt  }
0x61: {  	_ =	shalt  }
0x62: {  	_ =	shalt  }
0x63: {  	_ =	shalt  }
0x64: {  	_ =	shalt  }
0x65: {  	_ =	shalt  }
0x66: {  	_ =	shalt  }
0x67: {  	_ =	shalt  }
0x68: {  	_ =	shalt  }
0x69: {  	_ =	shalt  }
0x6a: {  	_ =	shalt  }
0x6b: {  	_ =	shalt  }
0x6c: {  	_ =	shalt  }
0x6d: {  	_ =	shalt  }
0x6e: {  	_ =	shalt  }
0x6f: {  	_ =	shalt  }
0x70: {  	_ =	shalt  }
0x71: {  	_ =	shalt  }
0x72: {  	_ =	shalt  }
0x73: {  	_ =	shalt  }
0x74: {  	_ =	shalt  }
0x75: {  	_ =	shalt  }
0x76: {  	_ =	shalt  }
0x77: {  	_ =	shalt  }
0x78: {  	_ =	shalt  }
0x79: {  	_ =	shalt  }
0x7a: {  	_ =	shalt  }
0x7b: {  	_ =	shalt  }
0x7c: {  	_ =	shalt  }
0x7d: {  	_ =	shalt  }
0x7e: {  	_ =	shalt  }
0x7f: {  	_ =	shalt  }
0x80: {  	_ =	shalt  }
0x81: {  	_ =	shalt  }
0x82: {  	_ =	shalt  }
0x83: {  	_ =	shalt  }
0x84: {  	_ =	shalt  }
0x85: {  	_ =	shalt  }
0x86: {  	_ =	shalt  }
0x87: {  	_ =	shalt  }
.Lfunc_end0:
.L_simem_size_0:
called_computation_lowered:
.L_overlay_start_0:
0x88: {  	s2 =	sld [smem:$0x3FD9]  }
0x89: {  	s3 =	sld [smem:$0x3FFE];
	_ =	sdelay $0x1  }
0x8a: {  	s1 =	srdreg.scid  }
0x8b: {  	s0 =	sand.u32 $0x1, s1  }
0x8c: {  	s17 =	sshll.u32 s0, $0xA;
	s2 =	sadd.s32 s3, s2  }
0x8d: {  	s2 =	sadd.s32 s2, s17  }
0x8e: {  	[smem:$0x3FBE] =	sst s2  }
0x8f: {  	_ = 	snop  }
0x90: {  	s2 =	sld [smem:$0x3FD0];
	(tm) =	ssettm $0x1  }
0x91: {  	s18 =	sld [smem:$0x3FFB];
	_ =	sdelay $0x3  }
0x92: {  	_ =	strace s18  }
0x93: {  	s3 =	sld [smem:$0x3FFC];
	_ =	sdelay $0x3  }
0x94: {  	_ =	strace s3  }
0x95: {  	s3 =	sld [smem:$0x3FFD];
	_ =	sdelay $0x3  }
0x96: {  	_ =	strace s3  }
0x97: {  	_ =	strace $0x8FFFFFFF  }
0x98: {  	s19 =	sld [smem:$0x3FDB];
	_ =	sdelay $0x1  }
0x99: {  	s4 =	simm.s32 $_scs_section_size  }
0x9a: {  	s5 =	simm.s32 $_size__tile_overlayer_lowered;
	s6 =	simm.s32 $_tile_overlayer_lowered  }
0x9b: {  	s22 =	simm.s32 $0x1BFF;
	s21 =	sshll.u32 s6, $0x1;
	s3 =	sadd.s32 s4, s19  }
0x9c: {  	s7 =	simm.s32 $0x0;
	s20 =	sshll.u32 s5, $0x1;
	s5 =	sadd.s32 s21, s3  }
0x9d: {  	[timem:s7], [sflag:s22] =	dma.local [hbm:s5], s20  }
0x9e: {  	_ =	swait.ge [sflag:s22], s20  }
0x9f: {  	s4 =	ssub.s32 $0x0, s20;
	[sflag:s22] =	ssyncset.done $0x0  }
0xa0: {  	[sflag:s22] =	ssyncadd.s32 s4;
	_ =	sdelay $0x1  }
0xa1: {  	s23 =	simm.s32 $0x1B8B  }
0xa2: {  	_ =	swait.ge [sflag:s23], $0x1  }
0xa3: {  	[sflag:s23] =	ssyncset.done $0x0  }
0xa4: {  	s25 =	simm.s32 $0x1B8E;
	s24 =	sld [smem:$0x3FFE];
	[sflag:s23] =	ssyncadd.s32 $0xFFFFFFFF  }
0xa5: {  	s26 =	simm.s32 $execute0_lowered;
	[smem:$0x3FD2] =	sst s25  }
0xa6: {  	s5 =	sshll.u32 s26, $0x1;
	_ =	strace $0x80000046;
	[dreg:$0x1] =	wrdreg $0xFFFFFFFF  }
0xa7: {  	s28 =	simm.s32 $_size_execute0_lowered;
	s3 =	sadd.s32 s3, s5;
	[dreg:$0x0] =	wrdreg $0x0  }
0xa8: {  	s5 =	sshll.u32 s28, $0x1;
	[dreg:$0x2] =	wrdreg s3  }
0xa9: {  	[dreg:$0x3] =	wrdreg s5  }
0xaa: {  	[dreg:$0x4] =	wrdreg $0xC0  }
0xab: {  	_ =	task [dreg:s7], $0x5FFFF  }
0xac: {  	[dreg:$0x1] =	wrdreg $0xFFFFFFFF  }
0xad: {  	[dreg:$0x0] =	wrdreg $0x60  }
0xae: {  	[dreg:$0x2] =	wrdreg s24  }
0xaf: {  	[dreg:$0x3] =	wrdreg s2  }
0xb0: {  	[dreg:$0x4] =	wrdreg $0x43000  }
0xb1: {  	[dreg:$0x5] =	wrdreg $0x9  }
0xb2: {  	_ =	task.clear_ibuf [dreg:s7], $0x6FFFF;
	_ =	strace $0x90000046  }
0xb3: {  	s29 =	simm.s32 $0x9;
	_ =	strace $0x80000048  }
0xb4: {  	_ =	swait.ge [sflag:s29], $0x1  }
0xb5: {  	[sflag:s29] =	ssyncadd.s32 $0xFFFFFFFF  }
0xb6: {  	_ =	strace $0x90000048  }
0xb7: {  	_ =	sfence  }
0xb8: {  	s30 =	sld [smem:$0x0];
	_ =	sdelay $0x2  }
0xb9: {  	s31 =	sshll.u32 s1, $0xD;
	s1 =	sshrl.u32 s1, $0x2  }
0xba: {  	s3 =	sand.u32 $0x4000, s31;
	s1 =	sadd.s32 s1, s30  }
0xbb: {  	s0 =	sor.u32 s3, s0;
	s1 =	sshll.u32 s1, $0x11  }
0xbc: {  	s0 =	sor.u32 s1, s0  }
0xbd: {  	s0 =	sadd.s32 $0x8F2B, s0  }
0xbe: {  	[sflag:s0] =	ssyncadd.remote.s32 $0x1  }
0xbf: {  	_ =	sfence.sel $0xFFFF  }
0xc0: {  	[dreg:$0x0] =	wrdreg $0xFFFFFFFF;
	(pc) =	sbr.abs _section_cstart, $3  }
0xc1: {  	[dreg:$0x1] =	wrdreg $0xFFFFFFFF  }
0xc2: {  	_ =	task.clear_ibuf [dreg:s7], $0x2FFFF;
	_ =	strace $0x9FFFFFFF  }
0xc3: {  	(tm) =	ssettm $0x7FFFFFFF  }
tec
execute0_lowered:
.L_overlay_start_1:
0x0: {  	(tag) =	ssettag $0x1  }
0x1: {  	s4 =	rddreg [dreg:$0x0]  }
0x2: {  	s7 =	rddreg [dreg:$0x1]  }
0x3: {  	s1 =	rddreg [dreg:$0x2]  }
0x4: {  	s0 =	rddreg [dreg:$0x3]  }
0x5: {  	s2 =	simm.s32 $0x0;
	s3 =	srdreg.scid;
	s13 =	simm.s32 $0x1  }
0x6: {  	s14 =	simm.s32 $0x2;
	s17 =	simm.s32 $0x20;
	s18 =	simm.s32 $0x10  }
0x7: {  	s19 =	simm.s32 $0x0;
	[smem:$0x7FF] =	sst s2;
	s5 =	sand.u32 $0x1, s3  }
0x8: {  	_ =	strace $0x80000047;
	s3 =	sshll.u32 s5, $0xB;
	s8 =	ssub.s32 $0x2, s5  }
0x9: {  	s5 =	sshll.u32 s5, $0x7;
	s6 =	sadd.s32 s3, s4;
	s3 =	stileid.u32  }
0xa: {  	s4 =	sadd.s32 $0x12E00, s4;
	s9 =	sshrl.u32 s8, $0x1;
	s10 =	smul.u32 $0x500, s3  }
0xb: {  	s11 =	sshll.u32 s3, $0xC;
	s12 =	smul.u32 $0xA00, s3;
	s8 =	ssub.s32 s8, s9  }
0xc: {  	s15 =	sshll.u32 s3, $0x6;
	s6 =	sadd.s32 s11, s6;
	s8 =	smax.u32 s8, $0x1  }
0xd: {  	s11 =	simm.s32 $0x4080;
	s15 =	sor.u32 $0x1C03, s15;
	s30 =	sor.u32 s5, s10  }
0xe: {  	s5 =	sadd.s32 $0x2E00, s6;
	s31 =	sshrl.u32 s12, $0x2;
	s10 =	simm.s32 $0x4000  }
0xf: {  	s12 =	simm.s32 $0x50;
	s9 =	sshrl.u32 s30, $0x3;
	s6 =	sadd.s32 s31, s1  }
0x10: {  	v0 =	vimm.f32 $0.0e+00;
	s7 =	sadd.s32 s7, s9;
	s9 =	simm.s32 $0x3;
	s16 =	sshrl.u32 s6, $0x3  }
.LBB2_1:
0x11: {  	[tilespmem:s2], [sflag:$0x3] =	stream.linear.gather [hbm4b:s5+s2], $0x4000, $0x38;
	[tilespmem:$0x4580] =	vst v63  }
0x12: {  	_ =	swait.ge [sflag:s9], $0x4000  }
0x13: {  	[sflag:s9] =	ssyncset.done $0x0  }
0x14: {  	[sflag:s9] =	ssyncadd.s32 $0xFFFFC000  }
0x15: {  	[tilespmem:s10], [sflag:$0x3] =	stream.linear.gather [hbm4b:s4+s2], $0x80, $0x38;
	[tilespmem:$0x4580] =	vst v63  }
0x16: {  	_ =	swait.ge [sflag:s9], $0x80  }
0x17: {  	[sflag:s9] =	ssyncset.done $0x0  }
0x18: {  	[sflag:s9] =	ssyncadd.s32 $0xFFFFFF80  }
0x19: {  	[tilespmem:$0x4080] =	vst v0  }
0x1a: {  	[tilespmem:$0x4090] =	vst v0  }
0x1b: {  	[tilespmem:$0x40A0] =	vst v0  }
0x1c: {  	[tilespmem:$0x40B0] =	vst v0  }
0x1d: {  	[tilespmem:$0x40C0] =	vst v0  }
0x1e: {  	[tilespmem:$0x40D0] =	vst v0  }
0x1f: {  	[tilespmem:$0x40E0] =	vst v0  }
0x20: {  	[tilespmem:$0x40F0] =	vst v0  }
0x21: {  	[tilespmem:$0x4100] =	vst v0  }
0x22: {  	[tilespmem:$0x4110] =	vst v0  }
0x23: {  	[tilespmem:$0x4120] =	vst v0  }
0x24: {  	[tilespmem:$0x4130] =	vst v0  }
0x25: {  	[tilespmem:$0x4140] =	vst v0  }
0x26: {  	[tilespmem:$0x4150] =	vst v0  }
0x27: {  	[tilespmem:$0x4160] =	vst v0  }
0x28: {  	[tilespmem:$0x4170] =	vst v0  }
0x29: {  	[tilespmem:$0x4180] =	vst v0  }
0x2a: {  	[tilespmem:$0x4190] =	vst v0  }
0x2b: {  	[tilespmem:$0x41A0] =	vst v0  }
0x2c: {  	[tilespmem:$0x41B0] =	vst v0  }
0x2d: {  	[tilespmem:$0x41C0] =	vst v0  }
0x2e: {  	[tilespmem:$0x41D0] =	vst v0  }
0x2f: {  	[tilespmem:$0x41E0] =	vst v0  }
0x30: {  	[tilespmem:$0x41F0] =	vst v0  }
0x31: {  	[tilespmem:$0x4200] =	vst v0  }
0x32: {  	[tilespmem:$0x4210] =	vst v0  }
0x33: {  	[tilespmem:$0x4220] =	vst v0  }
0x34: {  	[tilespmem:$0x4230] =	vst v0  }
0x35: {  	[tilespmem:$0x4240] =	vst v0  }
0x36: {  	[tilespmem:$0x4250] =	vst v0  }
0x37: {  	[tilespmem:$0x4260] =	vst v0  }
0x38: {  	[tilespmem:$0x4270] =	vst v0  }
0x39: {  	[tilespmem:$0x4280] =	vst v0  }
0x3a: {  	[tilespmem:$0x4290] =	vst v0  }
0x3b: {  	[tilespmem:$0x42A0] =	vst v0  }
0x3c: {  	[tilespmem:$0x42B0] =	vst v0  }
0x3d: {  	[tilespmem:$0x42C0] =	vst v0  }
0x3e: {  	[tilespmem:$0x42D0] =	vst v0  }
0x3f: {  	[tilespmem:$0x42E0] =	vst v0  }
0x40: {  	[tilespmem:$0x42F0] =	vst v0  }
0x41: {  	[spmem:s6] =	stream.linear.scatter [tilespmem:s11], [sflag:$0x3], $0x280, $0x38;
	[tilespmem:$0x4580] =	vst v63  }
0x42: {  	_ =	swait.ge [sflag:s9], $0x280  }
0x43: {  	[sflag:s9] =	ssyncset.done $0x0  }
0x44: {  	[sflag:s9] =	ssyncadd.s32 $0xFFFFFD80  }
0x45: {  	s20 =	simm.s32 $0x0;
	[bflag:$0x0] =	sbarrier.arrive $0xFFFF  }
0x46: {  	[spmem:s1] =	stream.indirect.scatter.add.f32 [tilespmem:s10], [sflag:$0x1], $0x1, s20, s12, $0xb8;
	[tilespmem:$0x4580] =	vst v63  }
0x47: {  	s31 =	simm.s32 $0x80  }
0x48: {  	[spmem:s1] =	stream.indirect.scatter.add.f32 [tilespmem:s10], [sflag:$0x2], $0x1, s31, s12, $0xb8;
	[tilespmem:$0x4580] =	vst v63  }
0x49: {  	_ =	swait.ge [sflag:s13], $0x50  }
0x4a: {  	[sflag:s13] =	ssyncset.done $0x0  }
0x4b: {  	[sflag:s13] =	ssyncadd.s32 $0xFFFFFFB0  }
0x4c: {  	_ =	swait.ge [sflag:s14], $0x50  }
0x4d: {  	s21 =	simm.s32 $0x800;
	s20 =	simm.s32 $0x400;
	[sflag:s14] =	ssyncset.done $0x0  }
.LBB2_2:
0x4e: {  	s22 =	sshra.s32 s20, $0x2  }
0x4f: {  	[sflag:s14] =	ssyncadd.s32 $0xFFFFFFB0;
	s20 =	smov.u32 s21;
	s23 =	sadd.s32 $0x400, s21  }
0x50: {  	[spmem:s1] =	stream.indirect.scatter.add.f32 [tilespmem:s10], [sflag:$0x1], $0x1, s22, s12, $0xb8;
	[tilespmem:$0x4580] =	vst v63  }
0x51: {  	p0 =	sne.s32 s21, $0xFC00;
	s21 =	sadd.s32 $0x80, s22  }
0x52: {  	[spmem:s1] =	stream.indirect.scatter.add.f32 [tilespmem:s10], [sflag:$0x2], $0x1, s21, s12, $0xb8;
	[tilespmem:$0x4580] =	vst v63  }
.Ltmp0:
0x53: {  	_ =	swait.ge [sflag:s13], $0x50;
	(pc) =	sbr.rel @p0 .LBB2_2-.Ltmp0, $4  }
0x54: {  	[sflag:s13] =	ssyncset.done $0x0  }
0x55: {  	[sflag:s13] =	ssyncadd.s32 $0xFFFFFFB0  }
0x56: {  	_ =	swait.ge [sflag:s14], $0x50  }
0x57: {  	s21 =	smov.u32 s23;
	[sflag:s14] =	ssyncset.done $0x0  }
0x58: {  	s20 =	sshra.s32 s20, $0x2;
	[sflag:s14] =	ssyncadd.s32 $0xFFFFFFB0  }
0x59: {  	[spmem:s1] =	stream.indirect.scatter.add.f32 [tilespmem:s10], [sflag:$0x1], $0x1, s20, s12, $0xb8;
	[tilespmem:$0x4580] =	vst v63  }
0x5a: {  	s20 =	sadd.s32 $0x80, s20  }
0x5b: {  	[spmem:s1] =	stream.indirect.scatter.add.f32 [tilespmem:s10], [sflag:$0x2], $0x1, s20, s12, $0xb8;
	[tilespmem:$0x4580] =	vst v63  }
0x5c: {  	_ =	swait.ge [sflag:s13], $0x50  }
0x5d: {  	[sflag:s13] =	ssyncset.done $0x0  }
0x5e: {  	[sflag:s13] =	ssyncadd.s32 $0xFFFFFFB0  }
0x5f: {  	_ =	swait.ge [sflag:s14], $0x50  }
0x60: {  	s19 =	sadd.s32 $0x1, s19;
	[sflag:s14] =	ssyncset.done $0x0  }
0x61: {  	p0 =	sne.s32 s19, s8;
	[sflag:s14] =	ssyncadd.s32 $0xFFFFFFB0  }
.Ltmp1:
0x62: {  	[bflag:$0x0] =	sbarrier.arrive $0xFFFF;
	(pc) =	sbr.rel @p0 .LBB2_1-.Ltmp1, $4  }
0x63: {  	[hbm:s7@s17], [sflag:s15] =	dma.strided [spmem:s16@s18], $0x50, s13, $0x10   }
0x64: {  	_ =	swait.ge [sflag:s9], $0x50  }
0x65: {  	[sflag:s9] =	ssyncset.done $0x0  }
0x66: {  	[sflag:s9] =	ssyncadd.s32 $0xFFFFFFB0  }
0x67: {  	_ =	sfence.sel $0x180000  }
0x68: {  	[bflag:$0x0] =	sbarrier.arrive $0xFFFF  }
0x69: {  	p0 =	sne.s32 s3, $0x0;
	_ =	strace $0x90000047  }
0x6a: {  	s0 =	sadd.s32 @!p0 $0x100000, s0;
	[bflag:$0x2] =	sbarrier.arrive $0xFFFF  }
0x6b: {  	[sflag:s0] =	ssyncadd.tile.s32 @!p0 $0x1;
	_ =	shalt  }
.Lfunc_end2:
_tile_overlayer_lowered:
.L_overlay_start_2:
0x6c: {  	(tag) =	ssettag $0x2  }
0x6d: {  	s0 =	rddreg [dreg:$0x0];
	s2 =	stileid.u32  }
0x6e: {  	s1 =	rddreg [dreg:$0x1];
	p0 =	sne.s32 s2, $0x0  }
0x6f: {  	s3 =	rddreg [dreg:$0x2];
	[bflag:$0x3] =	sbarrier.arrive $0xFFFF;
	s2 =	simm.s32 @!p0 $0x1C03  }
0x70: {  	[timem:s3], [sflag:s2] =	dma.local @!p0 [hbm:s0], s1  }
0x71: {  	s0 =	simm.s32 @!p0 $0x3  }
0x72: {  	_ =	swait.ge @!p0 [sflag:s0], s1  }
0x73: {  	s1 =	ssub.s32 @!p0 $0x0, s1;
	[sflag:s0] =	ssyncset.done @!p0 $0x0  }
0x74: {  	[sflag:s0] =	ssyncadd.s32 @!p0 s1  }
0x75: {  	[bflag:$0x3] =	sbarrier.arrive $0xFFFF  }
0x76: {  	_ =	shalt  }

</sc_bundles>
